<compile_context>
chip_gen: v7x
topology: tpu7x:2x2x1
jax: 0.10.2.dev20260603
libtpu: 0.0.44.dev20260713+nightly
codegen_flags: <defaults>
</compile_context>

<pallas_src>
import functools

import jax
import jax.numpy as jnp
from jax import lax
from jax.experimental import pallas as pl
from jax.experimental.pallas import tpu as pltpu
from jax.experimental.pallas import tpu_sc as plsc

N = 10000
H = 128
NPAD = 10240
DUMP = 10200
NC = 2
NS = 16
NW = NC * NS
KE = 128
STRIPE = NPAD // NS
_EPS = 1e-5


def _mesh():
    return plsc.VectorSubcoreMesh(core_axis_name="c", subcore_axis_name="s")


NHALF = NPAD // 2
TDEG = NHALF + 128
_DSTRIPE = TDEG // NS


def _deg_sc(dstp, ch):

    @functools.partial(
        pl.kernel,
        out_type=jax.ShapeDtypeStruct((NC, TDEG, 16), jnp.float32),
        mesh=_mesh(),
        scratch_types=[
            pltpu.VMEM((ch, KE), jnp.int32),
            pltpu.VMEM((KE, 16), jnp.float32),
            pltpu.VMEM((KE, 16), jnp.float32),
            pltpu.VMEM_SHARED((TDEG, 16), jnp.float32),
        ],
    )
    def k(dstp_hbm, degp_hbm, dst_v, ones_v, zb_v, degtab):
        cid = lax.axis_index("c")
        sid = lax.axis_index("s")

        def fill(i, _):
            ones_v[i, :] = jnp.full((16,), 1.0, jnp.float32)
            zb_v[i, :] = jnp.zeros((16,), jnp.float32)
            return 0

        lax.fori_loop(0, KE, fill, 0)
        base = sid * _DSTRIPE
        off = 0
        for sz in ([KE] * (_DSTRIPE // KE) + [_DSTRIPE % KE]):
            if sz:
                pltpu.sync_copy(zb_v.at[pl.ds(0, sz)],
                                degtab.at[pl.ds(base + off, sz)])
            off += sz
        pltpu.sync_copy(dstp_hbm.at[sid], dst_v)

        offv = jnp.full((16,), cid * NHALF, jnp.int32)
        limv = jnp.full((16,), NHALF, jnp.int32)
        def adj(r, _):
            for j in range(KE // 16):
                v = dst_v[r, pl.ds(j * 16, 16)]
                t = v - offv
                ok = (t >= 0) & (t < limv)
                dst_v[r, pl.ds(j * 16, 16)] = jnp.where(ok, t, limv + (v & 127))
            return 0

        lax.fori_loop(0, ch, adj, 0)
        plsc.subcore_barrier()

        def body(g, _):
            pltpu.sync_copy(ones_v, degtab.at[dst_v.at[g]], add=True)
            return 0

        lax.fori_loop(0, ch, body, 0)
        plsc.subcore_barrier()
        pltpu.sync_copy(degtab.at[pl.ds(base, _DSTRIPE)],
                        degp_hbm.at[cid, pl.ds(base, _DSTRIPE)])

    return k(dstp)


TAGG = NHALF + 128
_ASTRIPE = TAGG // NS


@functools.lru_cache(maxsize=None)
def _agg_sc_kernel(ch):

    @functools.partial(
        pl.kernel,
        out_type=jax.ShapeDtypeStruct((NC, TAGG, H), jnp.float32),
        mesh=_mesh(),
        scratch_types=[
            pltpu.VMEM((ch, KE), jnp.int32),
            pltpu.VMEM((ch, KE), jnp.int32),
            pltpu.VMEM((KE, H), jnp.float32),
            pltpu.VMEM((KE, H), jnp.float32),
            pltpu.VMEM_SHARED((TAGG, H), jnp.float32),
            pltpu.SemaphoreType.DMA,
            pltpu.SemaphoreType.DMA,
        ],
    )
    def k(y_hbm, srcp_hbm, dstp_hbm, accp_hbm,
          src_v, dst_v, buf0, buf1, acc, sem0, sem1):
        cid = lax.axis_index("c")
        sid = lax.axis_index("s")

        def fill(i, _):
            for j in range(H // 16):
                buf0[i, pl.ds(j * 16, 16)] = jnp.zeros((16,), jnp.float32)
            return 0

        lax.fori_loop(0, KE, fill, 0)
        base = sid * _ASTRIPE
        off = 0
        for sz in ([KE] * (_ASTRIPE // KE) + [_ASTRIPE % KE]):
            if sz:
                pltpu.sync_copy(buf0.at[pl.ds(0, sz)],
                                acc.at[pl.ds(base + off, sz)])
            off += sz
        pltpu.sync_copy(srcp_hbm.at[sid], src_v)
        pltpu.sync_copy(dstp_hbm.at[sid], dst_v)

        offv = jnp.full((16,), cid * NHALF, jnp.int32)
        limv = jnp.full((16,), NHALF, jnp.int32)
        def adj(r, _):
            for j in range(KE // 16):
                v = dst_v[r, pl.ds(j * 16, 16)]
                t = v - offv
                ok = (t >= 0) & (t < limv)
                dst_v[r, pl.ds(j * 16, 16)] = jnp.where(ok, t, limv + (v & 127))
            return 0

        lax.fori_loop(0, ch, adj, 0)
        plsc.subcore_barrier()

        pltpu.async_copy(y_hbm.at[src_v.at[0]], buf0, sem0)

        def body(gg, _):
            g = gg * 2
            cp1 = pltpu.async_copy(y_hbm.at[src_v.at[g + 1]], buf1, sem1)
            pltpu.make_async_copy(y_hbm.at[src_v.at[g]], buf0, sem0).wait()
            pltpu.sync_copy(buf0, acc.at[dst_v.at[g]], add=True)

            @pl.when(g + 2 < ch)
            def _():
                pltpu.async_copy(y_hbm.at[src_v.at[g + 2]], buf0, sem0)

            cp1.wait()
            pltpu.sync_copy(buf1, acc.at[dst_v.at[g + 1]], add=True)
            return 0

        lax.fori_loop(0, ch // 2, body, 0)
        plsc.subcore_barrier()
        pltpu.sync_copy(acc.at[pl.ds(base, _ASTRIPE)],
                        accp_hbm.at[cid, pl.ds(base, _ASTRIPE)])

    return k


def _agg_sc(y, srcp, dstp, ch):
    return _agg_sc_kernel(ch)(y, srcp, dstp)


def _pool_sc(h2, pidx, cvp, curr16, pr):
    chunks = [KE] * (pr // KE) + ([pr % KE] if pr % KE else [])

    @functools.partial(
        pl.kernel,
        out_type=(jax.ShapeDtypeStruct((NW, 2, H), jnp.float32),
                  jax.ShapeDtypeStruct((1, H), jnp.float32)),
        mesh=_mesh(),
        scratch_types=[
            pltpu.VMEM((pr,), jnp.int32),
            pltpu.VMEM((pr,), jnp.float32),
            pltpu.VMEM((KE, H), jnp.float32),
            pltpu.VMEM((NPAD,), jnp.float32),
            pltpu.VMEM((2, H), jnp.float32),
            pltpu.VMEM((16,), jnp.int32),
            pltpu.VMEM((16, H), jnp.float32),
            pltpu.SemaphoreType.DMA,
        ],
        compiler_params=pltpu.CompilerParams(needs_layout_passes=False),
    )
    def k(h2_hbm, pidx_hbm, cvp_hbm, curr_hbm, pooled_hbm, xcurr_hbm,
          idx_v, cg_buf, rows_v, cv_v, out_v, cur_v, crow_v, sem):
        cid = lax.axis_index("c")
        sid = lax.axis_index("s")
        w = sid * NC + cid
        pltpu.sync_copy(pidx_hbm.at[w], idx_v)
        pltpu.sync_copy(cvp_hbm, cv_v)

        def cg_fill(kk, _):
            idx16 = idx_v[pl.ds(kk * 16, 16)]
            cg_buf[pl.ds(kk * 16, 16)] = plsc.load_gather(cv_v, [idx16])
            return 0

        lax.fori_loop(0, pr // 16, cg_fill, 0)

        acc = tuple(jnp.zeros((16,), jnp.float32) for _ in range(2 * (H // 16)))
        off = 0
        for size in chunks:
            pltpu.async_copy(h2_hbm.at[idx_v.at[pl.ds(off, size)]],
                             rows_v.at[pl.ds(0, size)], sem).wait()

            def row_body(r, a, off=off):
                rb = jnp.full((16,), off, jnp.int32) + r
                cg = plsc.load_gather(cg_buf, [rb])
                new_sc = []
                new_s1 = []
                for j in range(H // 16):
                    seg = rows_v[r, pl.ds(j * 16, 16)]
                    new_sc.append(a[j] + cg * seg)
                    new_s1.append(a[H // 16 + j] + seg)
                return tuple(new_sc) + tuple(new_s1)

            acc = lax.fori_loop(0, size, row_body, acc)
            off += size

        for j in range(H // 16):
            out_v[0, pl.ds(j * 16, 16)] = acc[j]
            out_v[1, pl.ds(j * 16, 16)] = acc[H // 16 + j]
        pltpu.sync_copy(out_v, pooled_hbm.at[w])

        @pl.when(w == 0)
        def _():
            pltpu.sync_copy(curr_hbm, cur_v)
            pltpu.async_copy(h2_hbm.at[cur_v], crow_v, sem).wait()
            pltpu.sync_copy(crow_v.at[pl.ds(0, 1)], xcurr_hbm)

    return k(h2, pidx, cvp, curr16)


def _xw_body(x_ref, w1_ref, degp_ref, y_ref, dinv_ref):
    d0 = degp_ref[0]
    d1 = degp_ref[1]
    deg = jnp.concatenate([d0[:NHALF, 0:1], d1[:NHALF, 0:1]], axis=0) + 1.0
    rid = lax.broadcasted_iota(jnp.int32, (NPAD, 1), 0)
    dinv = jnp.where(rid < N, lax.rsqrt(deg), 0.0)
    dinv_ref[...] = dinv
    y_ref[...] = jnp.dot(x_ref[...], w1_ref[...],
                         preferred_element_type=jnp.float32) * dinv


def _xw_tc(x_pad, w1, degp):
    return pl.pallas_call(
        _xw_body,
        out_shape=(jax.ShapeDtypeStruct((NPAD, H), jnp.float32),
                   jax.ShapeDtypeStruct((NPAD, 1), jnp.float32)),
    )(x_pad, w1, degp)


def _bn_relu(acc_ref, y_ref, dinv_ref):
    dinv = dinv_ref[...]
    acc = jnp.concatenate([acc_ref[0][:NHALF], acc_ref[1][:NHALF]], axis=0)
    out1 = dinv * (acc + y_ref[...])
    m = jnp.sum(out1, axis=0, keepdims=True) * (1.0 / N)
    rid = lax.broadcasted_iota(jnp.int32, (NPAD, H), 0)
    xc = jnp.where(rid < N, out1 - m, 0.0)
    v = jnp.sum(xc * xc, axis=0, keepdims=True) * (1.0 / N)
    return jnp.maximum(xc * lax.rsqrt(v + _EPS), 0.0)


def _bnmm_body(acc_ref, y_ref, dinv_ref, w2_ref, out_ref):
    h = _bn_relu(acc_ref, y_ref, dinv_ref)
    out_ref[...] = jnp.dot(h, w2_ref[...],
                           preferred_element_type=jnp.float32) * dinv_ref[...]


def _bnmm_tc(accp, y, dinv, w2):
    return pl.pallas_call(
        _bnmm_body,
        out_shape=jax.ShapeDtypeStruct((NPAD, H), jnp.float32),
    )(accp, y, dinv, w2)


def _bn_body(acc_ref, y_ref, dinv_ref, out_ref):
    out_ref[...] = _bn_relu(acc_ref, y_ref, dinv_ref)


def _bn_tc(accp, y, dinv):
    return pl.pallas_call(
        _bn_body,
        out_shape=jax.ShapeDtypeStruct((NPAD, H), jnp.float32),
    )(accp, y, dinv)


def _head_body(sc0, sc1, s10, s11, xc_ref, w1_ref, b1_ref, w2_ref, b2_ref,
               out_ref):
    core = sc0[...] + sc1[...]
    s1 = s10[...] + s11[...]
    nonc = s1 - core
    a1 = w1_ref[0:H, :]
    a2 = w1_ref[H:2 * H, :]
    a3 = w1_ref[2 * H:3 * H, :]
    t = jnp.dot(xc_ref[...], a1, preferred_element_type=jnp.float32)
    o = (t + jnp.dot(core, a2, preferred_element_type=jnp.float32)
         + jnp.dot(nonc, a3, preferred_element_type=jnp.float32)
         + b1_ref[...])
    o = jnp.maximum(o, 0.0)
    out_ref[...] = jnp.dot(o, w2_ref[...],
                           preferred_element_type=jnp.float32) + b2_ref[...]


def _head_tc(sc0, sc1, s10, s11, xcurr, lin1_W, lin1_b, lin2_W, lin2_b):
    return pl.pallas_call(
        _head_body,
        out_shape=jax.ShapeDtypeStruct((sc0.shape[0], lin2_W.shape[1]),
                                       jnp.float32),
    )(sc0, sc1, s10, s11, xcurr, lin1_W, lin1_b.reshape(1, lin1_b.shape[-1]),
      lin2_W, lin2_b.reshape(1, lin2_b.shape[-1]))


def kernel(x, edge_index, curr_node_id, partitions, core_values,
           W1, b1, W2, b2, lin1_W, lin1_b, lin2_W, lin2_b):
    e = edge_index.shape[1]
    p, ps = partitions.shape
    ppad = -ps % (2 * (NW // p) * 8)
    pr = p * (ps + ppad) // NW

    src = edge_index[0]
    dst = edge_index[1]
    chd = -(-e // (NS * KE))
    chd += chd % 2
    epd = NS * KE * chd
    srcp16 = jnp.concatenate(
        [src, jnp.zeros((epd - e,), jnp.int32)]).reshape(NS, chd, KE)
    pad_dst = N + 16 + (jnp.arange(epd - e, dtype=jnp.int32) % 128)
    dstp16 = jnp.concatenate(
        [dst, pad_dst]).reshape(NS, chd, KE)
    x_pad = jnp.pad(x, ((0, NPAD - x.shape[0]), (0, 0)))
    cv_pad = jnp.pad(core_values, (0, NPAD - core_values.shape[0]))
    curr16 = jnp.full((16,), curr_node_id, jnp.int32)
    pidx = jnp.pad(partitions, ((0, 0), (0, ppad)),
                   constant_values=DUMP).reshape(NW, pr)

    degp = _deg_sc(dstp16, chd)
    y1, dinv = _xw_tc(x_pad, W1, degp)
    acc1 = _agg_sc(y1, srcp16, dstp16, chd)
    y2 = _bnmm_tc(acc1, y1, dinv, W2)
    acc2 = _agg_sc(y2, srcp16, dstp16, chd)
    h2 = _bn_tc(acc2, y2, dinv)
    pooled, xcurr = _pool_sc(h2, pidx, cv_pad, curr16, pr)
    return _head_tc(pooled[0::2, 0], pooled[1::2, 0],
                    pooled[0::2, 1], pooled[1::2, 1],
                    xcurr, lin1_W, lin1_b, lin2_W, lin2_b)

# --- scband reference (transcript-rebuilt; emitter-appended) ---
"""Pipeline reference for scband-model-atten-38173669327416 (READ-ONLY COPY).

The authoritative reference and input builder live on the scoring server;
editing this copy changes nothing except your own understanding.
"""

import jax, jax.numpy as jnp
import numpy as np

N = 10000
E = 320000
F_IN = 128
H = 128
P = 16
PS = 625


def gcn_conv(x, src, dst, W, b, n):
    # PyG GCNConv: linear first, then sym-normalized aggregation with self-loops
    x = x @ W
    loop = jnp.arange(n)
    s = jnp.concatenate([src, loop])
    d = jnp.concatenate([dst, loop])
    deg = jnp.zeros(n, x.dtype).at[d].add(1.0)
    dinv = jnp.where(deg > 0, deg ** -0.5, 0.0)
    norm = dinv[s] * dinv[d]
    out = jnp.zeros((n, W.shape[1]), x.dtype).at[d].add(x[s] * norm[:, None])
    return out + b


def batch_norm(x, eps=1e-5):
    # BatchNorm1d(track_running_stats=False, affine=False): always batch stats, biased var
    m = jnp.mean(x, axis=0)
    v = jnp.var(x, axis=0)
    return (x - m) / jnp.sqrt(v + eps)


def setup_inputs(seed: int = 0) -> dict:
    key = jax.random.key(seed)
    ks = jax.random.split(key, 12)
    x = jax.random.normal(ks[0], (N, F_IN), jnp.float32)
    edge_index = jax.random.randint(ks[1], (2, E), 0, N, jnp.int32)
    partitions = jax.random.randint(ks[2], (P, PS), 0, N, jnp.int32)
    core_values = jax.random.uniform(ks[3], (N,), jnp.float32)
    curr_node_id = 1234
    W1 = jax.random.normal(ks[4], (F_IN, H), jnp.float32) * 0.05
    b1 = jnp.zeros((H,), jnp.float32)
    W2 = jax.random.normal(ks[5], (H, H), jnp.float32) * 0.05
    b2 = jnp.zeros((H,), jnp.float32)
    lin1_W = jax.random.normal(ks[6], (3 * H, H), jnp.float32) * 0.05
    lin1_b = jnp.zeros((H,), jnp.float32)
    lin2_W = jax.random.normal(ks[7], (H, 1), jnp.float32) * 0.05
    lin2_b = jnp.zeros((1,), jnp.float32)
    return {"x": x, "edge_index": edge_index, "curr_node_id": curr_node_id,
            "partitions": partitions, "core_values": core_values,
            "W1": W1, "b1": b1, "W2": W2, "b2": b2,
            "lin1_W": lin1_W, "lin1_b": lin1_b, "lin2_W": lin2_W, "lin2_b": lin2_b}


def reference(x, edge_index, curr_node_id, partitions, core_values,
              W1, b1, W2, b2, lin1_W, lin1_b, lin2_W, lin2_b):
    src, dst = edge_index[0], edge_index[1]
    h = gcn_conv(x, src, dst, W1, b1, N)
    h = jax.nn.relu(batch_norm(h))
    h = gcn_conv(h, src, dst, W2, b2, N)
    h = jax.nn.relu(batch_norm(h))
    # partition embedding using core values (gather + weighted segment sums)
    xg = h[partitions]                      # [P, PS, H]
    cg = core_values[partitions]            # [P, PS]
    core_emb = jnp.sum(xg * cg[..., None], axis=1)
    noncore_emb = jnp.sum(xg * (1.0 - cg)[..., None], axis=1)
    pe = jnp.concatenate([core_emb, noncore_emb], axis=1)  # [P, 2H]
    x_curr = h[curr_node_id][None, :]
    feat = jnp.concatenate([jnp.broadcast_to(x_curr, (P, H)), pe], axis=1)  # [P, 3H]
    o = jax.nn.relu(feat @ lin1_W + lin1_b)
    return o @ lin2_W + lin2_b


if False:  # reference __main__ guard neutralized (emitter)
    out = reference(**setup_inputs())
    print(out.shape)

if __name__ == "__main__":
    import jax
    _d = setup_inputs()
    print(jax.jit(kernel)(*tuple(_d.values())))

</pallas_src>

<mosaic_0001>
#map = affine_map<(d0, d1) -> (0, 0)>
#map1 = affine_map<(d0, d1) -> (0, 0, 0)>
module attributes {stable_mosaic.version = 14 : i64} {
  func.func @k(%arg0: i32, %arg1: i32, %arg2: memref<10240x128xf32, #tpu.memory_space<hbm>>, %arg3: memref<16x158x128xi32, #tpu.memory_space<hbm>>, %arg4: memref<16x158x128xi32, #tpu.memory_space<hbm>>, %arg5: memref<2x5248x128xf32, #tpu.memory_space<hbm>>, %arg6: memref<158x128xi32, #tpu.memory_space<vmem>>, %arg7: memref<158x128xi32, #tpu.memory_space<vmem>>, %arg8: memref<128x128xf32, #tpu.memory_space<vmem>>, %arg9: memref<128x128xf32, #tpu.memory_space<vmem>>, %arg10: memref<5248x128xf32, #tpu.memory_space<vmem_shared>>, %arg11: memref<!tpu.dma_semaphore, #tpu.memory_space<semaphore_mem>>, %arg12: memref<!tpu.dma_semaphore, #tpu.memory_space<semaphore_mem>>) attributes {dimension_semantics = [#tpu.dimension_semantics<core_parallel>, #tpu.dimension_semantics<subcore_parallel>], iteration_bounds = array<i64: 2, 16>, scalar_prefetch = 0 : i64, scratch_operands = 7 : i64, tpu.core_type = #tpu.core_type<sc_vector_subcore>, window_params = [{transform_indices = #map}, {transform_indices = #map1}, {transform_indices = #map1}, {transform_indices = #map1}]} {
    %scan3A = arith.constant 0 : i32
    %scan3A_0 = arith.constant 0 : i32
    %scan3A_1 = arith.constant 128 : i32
    %scan3A_2 = arith.addi %scan3A_0, %scan3A_1 : i32
    %scan3A_3 = arith.constant 1 : i32
    %scan3A_4 = scf.for %scan3A_37 = %scan3A_0 to %scan3A_2 step %scan3A_3 iter_args(%scan3A_38 = %scan3A) -> (i32)  : i32 {
      %broadcast_in_dim3A_39 = arith.constant 0.000000e+00 : f32
      %broadcast_in_dim3A_40 = vector.broadcast %broadcast_in_dim3A_39 : f32 to vector<16xf32>
      %swap3A = arith.index_cast %scan3A_37 : i32 to index
      %swap3A_41 = arith.constant 0 : index
      %swap3A_42 = tpu.vector_load %arg8[%swap3A, %swap3A_41] {strides = array<i32>} : memref<128x128xf32, #tpu.memory_space<vmem>>, vector<1x16xf32>,
      %swap3A_43 = vector.shape_cast %swap3A_42 : vector<1x16xf32> to vector<16xf32>
      %swap3A_44 = vector.shape_cast %broadcast_in_dim3A_40 : vector<16xf32> to vector<1x16xf32>
      tpu.vector_store %arg8[%swap3A, %swap3A_41], %swap3A_44 {strides = array<i32>} : memref<128x128xf32, #tpu.memory_space<vmem>>, vector<1x16xf32>,
      %broadcast_in_dim3A_45 = arith.constant 0.000000e+00 : f32
      %broadcast_in_dim3A_46 = vector.broadcast %broadcast_in_dim3A_45 : f32 to vector<16xf32>
      %swap3A_47 = arith.index_cast %scan3A_37 : i32 to index
      %swap3A_48 = arith.constant 16 : index
      %swap3A_49 = tpu.vector_load %arg8[%swap3A_47, %swap3A_48] {strides = array<i32>} : memref<128x128xf32, #tpu.memory_space<vmem>>, vector<1x16xf32>,
      %swap3A_50 = vector.shape_cast %swap3A_49 : vector<1x16xf32> to vector<16xf32>
      %swap3A_51 = vector.shape_cast %broadcast_in_dim3A_46 : vector<16xf32> to vector<1x16xf32>
      tpu.vector_store %arg8[%swap3A_47, %swap3A_48], %swap3A_51 {strides = array<i32>} : memref<128x128xf32, #tpu.memory_space<vmem>>, vector<1x16xf32>,
      %broadcast_in_dim3A_52 = arith.constant 0.000000e+00 : f32
      %broadcast_in_dim3A_53 = vector.broadcast %broadcast_in_dim3A_52 : f32 to vector<16xf32>
      %swap3A_54 = arith.index_cast %scan3A_37 : i32 to index
      %swap3A_55 = arith.constant 32 : index
      %swap3A_56 = tpu.vector_load %arg8[%swap3A_54, %swap3A_55] {strides = array<i32>} : memref<128x128xf32, #tpu.memory_space<vmem>>, vector<1x16xf32>,
      %swap3A_57 = vector.shape_cast %swap3A_56 : vector<1x16xf32> to vector<16xf32>
      %swap3A_58 = vector.shape_cast %broadcast_in_dim3A_53 : vector<16xf32> to vector<1x16xf32>
      tpu.vector_store %arg8[%swap3A_54, %swap3A_55], %swap3A_58 {strides = array<i32>} : memref<128x128xf32, #tpu.memory_space<vmem>>, vector<1x16xf32>,
      %broadcast_in_dim3A_59 = arith.constant 0.000000e+00 : f32
      %broadcast_in_dim3A_60 = vector.broadcast %broadcast_in_dim3A_59 : f32 to vector<16xf32>
      %swap3A_61 = arith.index_cast %scan3A_37 : i32 to index
      %swap3A_62 = arith.constant 48 : index
      %swap3A_63 = tpu.vector_load %arg8[%swap3A_61, %swap3A_62] {strides = array<i32>} : memref<128x128xf32, #tpu.memory_space<vmem>>, vector<1x16xf32>,
      %swap3A_64 = vector.shape_cast %swap3A_63 : vector<1x16xf32> to vector<16xf32>
      %swap3A_65 = vector.shape_cast %broadcast_in_dim3A_60 : vector<16xf32> to vector<1x16xf32>
      tpu.vector_store %arg8[%swap3A_61, %swap3A_62], %swap3A_65 {strides = array<i32>} : memref<128x128xf32, #tpu.memory_space<vmem>>, vector<1x16xf32>,
      %broadcast_in_dim3A_66 = arith.constant 0.000000e+00 : f32
      %broadcast_in_dim3A_67 = vector.broadcast %broadcast_in_dim3A_66 : f32 to vector<16xf32>
      %swap3A_68 = arith.index_cast %scan3A_37 : i32 to index
      %swap3A_69 = arith.constant 64 : index
      %swap3A_70 = tpu.vector_load %arg8[%swap3A_68, %swap3A_69] {strides = array<i32>} : memref<128x128xf32, #tpu.memory_space<vmem>>, vector<1x16xf32>,
      %swap3A_71 = vector.shape_cast %swap3A_70 : vector<1x16xf32> to vector<16xf32>
      %swap3A_72 = vector.shape_cast %broadcast_in_dim3A_67 : vector<16xf32> to vector<1x16xf32>
      tpu.vector_store %arg8[%swap3A_68, %swap3A_69], %swap3A_72 {strides = array<i32>} : memref<128x128xf32, #tpu.memory_space<vmem>>, vector<1x16xf32>,
      %broadcast_in_dim3A_73 = arith.constant 0.000000e+00 : f32
      %broadcast_in_dim3A_74 = vector.broadcast %broadcast_in_dim3A_73 : f32 to vector<16xf32>
      %swap3A_75 = arith.index_cast %scan3A_37 : i32 to index
      %swap3A_76 = arith.constant 80 : index
      %swap3A_77 = tpu.vector_load %arg8[%swap3A_75, %swap3A_76] {strides = array<i32>} : memref<128x128xf32, #tpu.memory_space<vmem>>, vector<1x16xf32>,
      %swap3A_78 = vector.shape_cast %swap3A_77 : vector<1x16xf32> to vector<16xf32>
      %swap3A_79 = vector.shape_cast %broadcast_in_dim3A_74 : vector<16xf32> to vector<1x16xf32>
      tpu.vector_store %arg8[%swap3A_75, %swap3A_76], %swap3A_79 {strides = array<i32>} : memref<128x128xf32, #tpu.memory_space<vmem>>, vector<1x16xf32>,
      %broadcast_in_dim3A_80 = arith.constant 0.000000e+00 : f32
      %broadcast_in_dim3A_81 = vector.broadcast %broadcast_in_dim3A_80 : f32 to vector<16xf32>
      %swap3A_82 = arith.index_cast %scan3A_37 : i32 to index
      %swap3A_83 = arith.constant 96 : index
      %swap3A_84 = tpu.vector_load %arg8[%swap3A_82, %swap3A_83] {strides = array<i32>} : memref<128x128xf32, #tpu.memory_space<vmem>>, vector<1x16xf32>,
      %swap3A_85 = vector.shape_cast %swap3A_84 : vector<1x16xf32> to vector<16xf32>
      %swap3A_86 = vector.shape_cast %broadcast_in_dim3A_81 : vector<16xf32> to vector<1x16xf32>
      tpu.vector_store %arg8[%swap3A_82, %swap3A_83], %swap3A_86 {strides = array<i32>} : memref<128x128xf32, #tpu.memory_space<vmem>>, vector<1x16xf32>,
      %broadcast_in_dim3A_87 = arith.constant 0.000000e+00 : f32
      %broadcast_in_dim3A_88 = vector.broadcast %broadcast_in_dim3A_87 : f32 to vector<16xf32>
      %swap3A_89 = arith.index_cast %scan3A_37 : i32 to index
      %swap3A_90 = arith.constant 112 : index
      %swap3A_91 = tpu.vector_load %arg8[%swap3A_89, %swap3A_90] {strides = array<i32>} : memref<128x128xf32, #tpu.memory_space<vmem>>, vector<1x16xf32>,
      %swap3A_92 = vector.shape_cast %swap3A_91 : vector<1x16xf32> to vector<16xf32>
      %swap3A_93 = vector.shape_cast %broadcast_in_dim3A_88 : vector<16xf32> to vector<1x16xf32>
      tpu.vector_store %arg8[%swap3A_89, %swap3A_90], %swap3A_93 {strides = array<i32>} : memref<128x128xf32, #tpu.memory_space<vmem>>, vector<1x16xf32>,
      %scan3A_94 = arith.constant 0 : i32
      scf.yield %scan3A_94 : i32
    }
    %scan3A_5 = arith.constant 128 : i32
    %mul3A = arith.constant 328 : i32
    %mul3A_6 = arith.muli %arg1, %mul3A : i32
    %add3A = arith.constant 0 : i32
    %add3A_7 = arith.addi %mul3A_6, %add3A : i32
    "tpu.region"() ({
      %run_scoped3A = tpu.sem_alloc : memref<!tpu.dma_semaphore, #tpu.memory_space<semaphore_mem>>
      %dma_start3A_37 = arith.constant 0 : i32
      %dma_start3A_38 = arith.constant 0 : i32
      %dma_start3A_39 = tpu.memref_slice %arg8[%dma_start3A_37, %dma_start3A_38] : memref<128x128xf32, #tpu.memory_space<vmem>> -> memref<128x128xf32, #tpu.memory_space<vmem>>
      %dma_start3A_40 = arith.constant 0 : i32
      %dma_start3A_41 = tpu.memref_slice %arg10[%add3A_7, %dma_start3A_40] : memref<5248x128xf32, #tpu.memory_space<vmem_shared>> -> memref<128x128xf32, #tpu.memory_space<vmem_shared>>
      %dma_start3A_42 = arith.constant 0 : i32
      %dma_start3A_43 = tpu.memref_slice %arg10[%add3A_7, %dma_start3A_42] : memref<5248x128xf32, #tpu.memory_space<vmem_shared>> -> memref<128x128xf32, #tpu.memory_space<vmem_shared>>
      %dma_start3A_44 = arith.constant 0 : i32
      %dma_start3A_45 = arith.constant 0 : i32
      %dma_start3A_46 = tpu.memref_slice %arg8[%dma_start3A_44, %dma_start3A_45] : memref<128x128xf32, #tpu.memory_space<vmem>> -> memref<128x128xf32, #tpu.memory_space<vmem>>
      tpu.enqueue_dma source(%dma_start3A_46 : memref<128x128xf32, #tpu.memory_space<vmem>>) target(%dma_start3A_43 : memref<128x128xf32, #tpu.memory_space<vmem_shared>>) target_semaphore(%run_scoped3A : memref<!tpu.dma_semaphore, #tpu.memory_space<semaphore_mem>>)
      %dma_wait3A = arith.constant 0 : i32
      %dma_wait3A_47 = arith.constant 0 : i32
      %dma_wait3A_48 = tpu.memref_slice %arg8[%dma_wait3A, %dma_wait3A_47] : memref<128x128xf32, #tpu.memory_space<vmem>> -> memref<128x128xf32, #tpu.memory_space<vmem>>
      %dma_wait3A_49 = arith.constant 0 : i32
      %dma_wait3A_50 = tpu.memref_slice %arg10[%add3A_7, %dma_wait3A_49] : memref<5248x128xf32, #tpu.memory_space<vmem_shared>> -> memref<128x128xf32, #tpu.memory_space<vmem_shared>>
      %dma_wait3A_51 = arith.constant 0 : i32
      %dma_wait3A_52 = tpu.memref_slice %arg10[%add3A_7, %dma_wait3A_51] : memref<5248x128xf32, #tpu.memory_space<vmem_shared>> -> memref<128x128xf32, #tpu.memory_space<vmem_shared>>
      %dma_wait3A_53 = arith.constant 0 : i32
      %dma_wait3A_54 = arith.constant 0 : i32
      %dma_wait3A_55 = tpu.memref_slice %arg8[%dma_wait3A_53, %dma_wait3A_54] : memref<128x128xf32, #tpu.memory_space<vmem>> -> memref<128x128xf32, #tpu.memory_space<vmem>>
      tpu.wait_dma2 semaphore(%run_scoped3A : memref<!tpu.dma_semaphore, #tpu.memory_space<semaphore_mem>>) src(%dma_wait3A_55 : memref<128x128xf32, #tpu.memory_space<vmem>>) dst(%dma_wait3A_52 : memref<128x128xf32, #tpu.memory_space<vmem_shared>>)
      tpu.yield
    }) : () -> ()
    %add3A_8 = arith.constant 128 : i32
    %add3A_9 = arith.addi %mul3A_6, %add3A_8 : i32
    "tpu.region"() ({
      %run_scoped3A = tpu.sem_alloc : memref<!tpu.dma_semaphore, #tpu.memory_space<semaphore_mem>>
      %dma_start3A_37 = arith.constant 0 : i32
      %dma_start3A_38 = arith.constant 0 : i32
      %dma_start3A_39 = tpu.memref_slice %arg8[%dma_start3A_37, %dma_start3A_38] : memref<128x128xf32, #tpu.memory_space<vmem>> -> memref<128x128xf32, #tpu.memory_space<vmem>>
      %dma_start3A_40 = arith.constant 0 : i32
      %dma_start3A_41 = tpu.memref_slice %arg10[%add3A_9, %dma_start3A_40] : memref<5248x128xf32, #tpu.memory_space<vmem_shared>> -> memref<128x128xf32, #tpu.memory_space<vmem_shared>>
      %dma_start3A_42 = arith.constant 0 : i32
      %dma_start3A_43 = tpu.memref_slice %arg10[%add3A_9, %dma_start3A_42] : memref<5248x128xf32, #tpu.memory_space<vmem_shared>> -> memref<128x128xf32, #tpu.memory_space<vmem_shared>>
      %dma_start3A_44 = arith.constant 0 : i32
      %dma_start3A_45 = arith.constant 0 : i32
      %dma_start3A_46 = tpu.memref_slice %arg8[%dma_start3A_44, %dma_start3A_45] : memref<128x128xf32, #tpu.memory_space<vmem>> -> memref<128x128xf32, #tpu.memory_space<vmem>>
      tpu.enqueue_dma source(%dma_start3A_46 : memref<128x128xf32, #tpu.memory_space<vmem>>) target(%dma_start3A_43 : memref<128x128xf32, #tpu.memory_space<vmem_shared>>) target_semaphore(%run_scoped3A : memref<!tpu.dma_semaphore, #tpu.memory_space<semaphore_mem>>)
      %dma_wait3A = arith.constant 0 : i32
      %dma_wait3A_47 = arith.constant 0 : i32
      %dma_wait3A_48 = tpu.memref_slice %arg8[%dma_wait3A, %dma_wait3A_47] : memref<128x128xf32, #tpu.memory_space<vmem>> -> memref<128x128xf32, #tpu.memory_space<vmem>>
      %dma_wait3A_49 = arith.constant 0 : i32
      %dma_wait3A_50 = tpu.memref_slice %arg10[%add3A_9, %dma_wait3A_49] : memref<5248x128xf32, #tpu.memory_space<vmem_shared>> -> memref<128x128xf32, #tpu.memory_space<vmem_shared>>
      %dma_wait3A_51 = arith.constant 0 : i32
      %dma_wait3A_52 = tpu.memref_slice %arg10[%add3A_9, %dma_wait3A_51] : memref<5248x128xf32, #tpu.memory_space<vmem_shared>> -> memref<128x128xf32, #tpu.memory_space<vmem_shared>>
      %dma_wait3A_53 = arith.constant 0 : i32
      %dma_wait3A_54 = arith.constant 0 : i32
      %dma_wait3A_55 = tpu.memref_slice %arg8[%dma_wait3A_53, %dma_wait3A_54] : memref<128x128xf32, #tpu.memory_space<vmem>> -> memref<128x128xf32, #tpu.memory_space<vmem>>
      tpu.wait_dma2 semaphore(%run_scoped3A : memref<!tpu.dma_semaphore, #tpu.memory_space<semaphore_mem>>) src(%dma_wait3A_55 : memref<128x128xf32, #tpu.memory_space<vmem>>) dst(%dma_wait3A_52 : memref<128x128xf32, #tpu.memory_space<vmem_shared>>)
      tpu.yield
    }) : () -> ()
    %add3A_10 = arith.constant 256 : i32
    %add3A_11 = arith.addi %mul3A_6, %add3A_10 : i32
    "tpu.region"() ({
      %run_scoped3A = tpu.sem_alloc : memref<!tpu.dma_semaphore, #tpu.memory_space<semaphore_mem>>
      %dma_start3A_37 = arith.constant 0 : i32
      %dma_start3A_38 = arith.constant 0 : i32
      %dma_start3A_39 = tpu.memref_slice %arg8[%dma_start3A_37, %dma_start3A_38] : memref<128x128xf32, #tpu.memory_space<vmem>> -> memref<72x128xf32, #tpu.memory_space<vmem>>
      %dma_start3A_40 = arith.constant 0 : i32
      %dma_start3A_41 = tpu.memref_slice %arg10[%add3A_11, %dma_start3A_40] : memref<5248x128xf32, #tpu.memory_space<vmem_shared>> -> memref<72x128xf32, #tpu.memory_space<vmem_shared>>
      %dma_start3A_42 = arith.constant 0 : i32
      %dma_start3A_43 = tpu.memref_slice %arg10[%add3A_11, %dma_start3A_42] : memref<5248x128xf32, #tpu.memory_space<vmem_shared>> -> memref<72x128xf32, #tpu.memory_space<vmem_shared>>
      %dma_start3A_44 = arith.constant 0 : i32
      %dma_start3A_45 = arith.constant 0 : i32
      %dma_start3A_46 = tpu.memref_slice %arg8[%dma_start3A_44, %dma_start3A_45] : memref<128x128xf32, #tpu.memory_space<vmem>> -> memref<72x128xf32, #tpu.memory_space<vmem>>
      tpu.enqueue_dma source(%dma_start3A_46 : memref<72x128xf32, #tpu.memory_space<vmem>>) target(%dma_start3A_43 : memref<72x128xf32, #tpu.memory_space<vmem_shared>>) target_semaphore(%run_scoped3A : memref<!tpu.dma_semaphore, #tpu.memory_space<semaphore_mem>>)
      %dma_wait3A = arith.constant 0 : i32
      %dma_wait3A_47 = arith.constant 0 : i32
      %dma_wait3A_48 = tpu.memref_slice %arg8[%dma_wait3A, %dma_wait3A_47] : memref<128x128xf32, #tpu.memory_space<vmem>> -> memref<72x128xf32, #tpu.memory_space<vmem>>
      %dma_wait3A_49 = arith.constant 0 : i32
      %dma_wait3A_50 = tpu.memref_slice %arg10[%add3A_11, %dma_wait3A_49] : memref<5248x128xf32, #tpu.memory_space<vmem_shared>> -> memref<72x128xf32, #tpu.memory_space<vmem_shared>>
      %dma_wait3A_51 = arith.constant 0 : i32
      %dma_wait3A_52 = tpu.memref_slice %arg10[%add3A_11, %dma_wait3A_51] : memref<5248x128xf32, #tpu.memory_space<vmem_shared>> -> memref<72x128xf32, #tpu.memory_space<vmem_shared>>
      %dma_wait3A_53 = arith.constant 0 : i32
      %dma_wait3A_54 = arith.constant 0 : i32
      %dma_wait3A_55 = tpu.memref_slice %arg8[%dma_wait3A_53, %dma_wait3A_54] : memref<128x128xf32, #tpu.memory_space<vmem>> -> memref<72x128xf32, #tpu.memory_space<vmem>>
      tpu.wait_dma2 semaphore(%run_scoped3A : memref<!tpu.dma_semaphore, #tpu.memory_space<semaphore_mem>>) src(%dma_wait3A_55 : memref<72x128xf32, #tpu.memory_space<vmem>>) dst(%dma_wait3A_52 : memref<72x128xf32, #tpu.memory_space<vmem_shared>>)
      tpu.yield
    }) : () -> ()
    "tpu.region"() ({
      %run_scoped3A = tpu.sem_alloc : memref<!tpu.dma_semaphore, #tpu.memory_space<semaphore_mem>>
      %dma_start3A_37 = arith.constant 0 : i32
      %dma_start3A_38 = arith.constant 0 : i32
      %dma_start3A_39 = tpu.memref_slice %arg3[%arg1, %dma_start3A_37, %dma_start3A_38] : memref<16x158x128xi32, #tpu.memory_space<hbm>> -> memref<1x158x128xi32, #tpu.memory_space<hbm>>
      %dma_start3A_40 = tpu.memref_squeeze %dma_start3A_39 : memref<1x158x128xi32, #tpu.memory_space<hbm>> -> memref<158x128xi32, #tpu.memory_space<hbm>>
      %dma_start3A_41 = arith.constant 0 : i32
      %dma_start3A_42 = arith.constant 0 : i32
      %dma_start3A_43 = tpu.memref_slice %arg3[%arg1, %dma_start3A_41, %dma_start3A_42] : memref<16x158x128xi32, #tpu.memory_space<hbm>> -> memref<1x158x128xi32, #tpu.memory_space<hbm>>
      %dma_start3A_44 = tpu.memref_squeeze %dma_start3A_43 : memref<1x158x128xi32, #tpu.memory_space<hbm>> -> memref<158x128xi32, #tpu.memory_space<hbm>>
      tpu.enqueue_dma source(%dma_start3A_44 : memref<158x128xi32, #tpu.memory_space<hbm>>) target(%arg6 : memref<158x128xi32, #tpu.memory_space<vmem>>) target_semaphore(%run_scoped3A : memref<!tpu.dma_semaphore, #tpu.memory_space<semaphore_mem>>)
      %dma_wait3A = arith.constant 0 : i32
      %dma_wait3A_45 = arith.constant 0 : i32
      %dma_wait3A_46 = tpu.memref_slice %arg3[%arg1, %dma_wait3A, %dma_wait3A_45] : memref<16x158x128xi32, #tpu.memory_space<hbm>> -> memref<1x158x128xi32, #tpu.memory_space<hbm>>
      %dma_wait3A_47 = tpu.memref_squeeze %dma_wait3A_46 : memref<1x158x128xi32, #tpu.memory_space<hbm>> -> memref<158x128xi32, #tpu.memory_space<hbm>>
      %dma_wait3A_48 = arith.constant 0 : i32
      %dma_wait3A_49 = arith.constant 0 : i32
      %dma_wait3A_50 = tpu.memref_slice %arg3[%arg1, %dma_wait3A_48, %dma_wait3A_49] : memref<16x158x128xi32, #tpu.memory_space<hbm>> -> memref<1x158x128xi32, #tpu.memory_space<hbm>>
      %dma_wait3A_51 = tpu.memref_squeeze %dma_wait3A_50 : memref<1x158x128xi32, #tpu.memory_space<hbm>> -> memref<158x128xi32, #tpu.memory_space<hbm>>
      tpu.wait_dma2 semaphore(%run_scoped3A : memref<!tpu.dma_semaphore, #tpu.memory_space<semaphore_mem>>) src(%dma_wait3A_51 : memref<158x128xi32, #tpu.memory_space<hbm>>) dst(%arg6 : memref<158x128xi32, #tpu.memory_space<vmem>>)
      tpu.yield
    }) : () -> ()
    "tpu.region"() ({
      %run_scoped3A = tpu.sem_alloc : memref<!tpu.dma_semaphore, #tpu.memory_space<semaphore_mem>>
      %dma_start3A_37 = arith.constant 0 : i32
      %dma_start3A_38 = arith.constant 0 : i32
      %dma_start3A_39 = tpu.memref_slice %arg4[%arg1, %dma_start3A_37, %dma_start3A_38] : memref<16x158x128xi32, #tpu.memory_space<hbm>> -> memref<1x158x128xi32, #tpu.memory_space<hbm>>
      %dma_start3A_40 = tpu.memref_squeeze %dma_start3A_39 : memref<1x158x128xi32, #tpu.memory_space<hbm>> -> memref<158x128xi32, #tpu.memory_space<hbm>>
      %dma_start3A_41 = arith.constant 0 : i32
      %dma_start3A_42 = arith.constant 0 : i32
      %dma_start3A_43 = tpu.memref_slice %arg4[%arg1, %dma_start3A_41, %dma_start3A_42] : memref<16x158x128xi32, #tpu.memory_space<hbm>> -> memref<1x158x128xi32, #tpu.memory_space<hbm>>
      %dma_start3A_44 = tpu.memref_squeeze %dma_start3A_43 : memref<1x158x128xi32, #tpu.memory_space<hbm>> -> memref<158x128xi32, #tpu.memory_space<hbm>>
      tpu.enqueue_dma source(%dma_start3A_44 : memref<158x128xi32, #tpu.memory_space<hbm>>) target(%arg7 : memref<158x128xi32, #tpu.memory_space<vmem>>) target_semaphore(%run_scoped3A : memref<!tpu.dma_semaphore, #tpu.memory_space<semaphore_mem>>)
      %dma_wait3A = arith.constant 0 : i32
      %dma_wait3A_45 = arith.constant 0 : i32
      %dma_wait3A_46 = tpu.memref_slice %arg4[%arg1, %dma_wait3A, %dma_wait3A_45] : memref<16x158x128xi32, #tpu.memory_space<hbm>> -> memref<1x158x128xi32, #tpu.memory_space<hbm>>
      %dma_wait3A_47 = tpu.memref_squeeze %dma_wait3A_46 : memref<1x158x128xi32, #tpu.memory_space<hbm>> -> memref<158x128xi32, #tpu.memory_space<hbm>>
      %dma_wait3A_48 = arith.constant 0 : i32
      %dma_wait3A_49 = arith.constant 0 : i32
      %dma_wait3A_50 = tpu.memref_slice %arg4[%arg1, %dma_wait3A_48, %dma_wait3A_49] : memref<16x158x128xi32, #tpu.memory_space<hbm>> -> memref<1x158x128xi32, #tpu.memory_space<hbm>>
      %dma_wait3A_51 = tpu.memref_squeeze %dma_wait3A_50 : memref<1x158x128xi32, #tpu.memory_space<hbm>> -> memref<158x128xi32, #tpu.memory_space<hbm>>
      tpu.wait_dma2 semaphore(%run_scoped3A : memref<!tpu.dma_semaphore, #tpu.memory_space<semaphore_mem>>) src(%dma_wait3A_51 : memref<158x128xi32, #tpu.memory_space<hbm>>) dst(%arg7 : memref<158x128xi32, #tpu.memory_space<vmem>>)
      tpu.yield
    }) : () -> ()
    %mul3A_12 = arith.constant 5120 : i32
    %mul3A_13 = arith.muli %arg0, %mul3A_12 : i32
    %broadcast_in_dim3A = vector.broadcast %mul3A_13 : i32 to vector<16xi32>
    %broadcast_in_dim3A_14 = arith.constant 5120 : i32
    %broadcast_in_dim3A_15 = vector.broadcast %broadcast_in_dim3A_14 : i32 to vector<16xi32>
    %scan3A_16 = arith.constant 0 : i32
    %scan3A_17 = arith.constant 0 : i32
    %scan3A_18 = arith.constant 158 : i32
    %scan3A_19 = arith.addi %scan3A_17, %scan3A_18 : i32
    %scan3A_20 = arith.constant 1 : i32
    %scan3A_21 = scf.for %scan3A_37 = %scan3A_17 to %scan3A_19 step %scan3A_20 iter_args(%scan3A_38 = %scan3A_16) -> (i32)  : i32 {
      %get3A = arith.index_cast %scan3A_37 : i32 to index
      %get3A_39 = arith.constant 0 : index
      %get3A_40 = tpu.vector_load %arg7[%get3A, %get3A_39] {strides = array<i32>} : memref<158x128xi32, #tpu.memory_space<vmem>>, vector<1x16xi32>,
      %get3A_41 = vector.shape_cast %get3A_40 : vector<1x16xi32> to vector<16xi32>
      %sub3A = arith.subi %get3A_41, %broadcast_in_dim3A : vector<16xi32>
      %ge3A = arith.constant 0 : i32
      %ge3A_42 = vector.broadcast %ge3A : i32 to vector<16xi32>
      %ge3A_43 = arith.cmpi sge, %sub3A, %ge3A_42 : vector<16xi32>
      %lt3A = arith.cmpi slt, %sub3A, %broadcast_in_dim3A_15 : vector<16xi32>
      %and3A = arith.andi %ge3A_43, %lt3A : vector<16xi1>
      %and3A_44 = arith.constant 127 : i32
      %and3A_45 = vector.broadcast %and3A_44 : i32 to vector<16xi32>
      %and3A_46 = arith.andi %get3A_41, %and3A_45 : vector<16xi32>
      %add3A_47 = arith.addi %broadcast_in_dim3A_15, %and3A_46 : vector<16xi32>
      %select_n3A = arith.select %and3A, %sub3A, %add3A_47 : vector<16xi1>, vector<16xi32>
      %swap3A = arith.index_cast %scan3A_37 : i32 to index
      %swap3A_48 = arith.constant 0 : index
      %swap3A_49 = tpu.vector_load %arg7[%swap3A, %swap3A_48] {strides = array<i32>} : memref<158x128xi32, #tpu.memory_space<vmem>>, vector<1x16xi32>,
      %swap3A_50 = vector.shape_cast %swap3A_49 : vector<1x16xi32> to vector<16xi32>
      %swap3A_51 = vector.shape_cast %select_n3A : vector<16xi32> to vector<1x16xi32>
      tpu.vector_store %arg7[%swap3A, %swap3A_48], %swap3A_51 {strides = array<i32>} : memref<158x128xi32, #tpu.memory_space<vmem>>, vector<1x16xi32>,
      %get3A_52 = arith.index_cast %scan3A_37 : i32 to index
      %get3A_53 = arith.constant 16 : index
      %get3A_54 = tpu.vector_load %arg7[%get3A_52, %get3A_53] {strides = array<i32>} : memref<158x128xi32, #tpu.memory_space<vmem>>, vector<1x16xi32>,
      %get3A_55 = vector.shape_cast %get3A_54 : vector<1x16xi32> to vector<16xi32>
      %sub3A_56 = arith.subi %get3A_55, %broadcast_in_dim3A : vector<16xi32>
      %ge3A_57 = arith.constant 0 : i32
      %ge3A_58 = vector.broadcast %ge3A_57 : i32 to vector<16xi32>
      %ge3A_59 = arith.cmpi sge, %sub3A_56, %ge3A_58 : vector<16xi32>
      %lt3A_60 = arith.cmpi slt, %sub3A_56, %broadcast_in_dim3A_15 : vector<16xi32>
      %and3A_61 = arith.andi %ge3A_59, %lt3A_60 : vector<16xi1>
      %and3A_62 = arith.constant 127 : i32
      %and3A_63 = vector.broadcast %and3A_62 : i32 to vector<16xi32>
      %and3A_64 = arith.andi %get3A_55, %and3A_63 : vector<16xi32>
      %add3A_65 = arith.addi %broadcast_in_dim3A_15, %and3A_64 : vector<16xi32>
      %select_n3A_66 = arith.select %and3A_61, %sub3A_56, %add3A_65 : vector<16xi1>, vector<16xi32>
      %swap3A_67 = arith.index_cast %scan3A_37 : i32 to index
      %swap3A_68 = arith.constant 16 : index
      %swap3A_69 = tpu.vector_load %arg7[%swap3A_67, %swap3A_68] {strides = array<i32>} : memref<158x128xi32, #tpu.memory_space<vmem>>, vector<1x16xi32>,
      %swap3A_70 = vector.shape_cast %swap3A_69 : vector<1x16xi32> to vector<16xi32>
      %swap3A_71 = vector.shape_cast %select_n3A_66 : vector<16xi32> to vector<1x16xi32>
      tpu.vector_store %arg7[%swap3A_67, %swap3A_68], %swap3A_71 {strides = array<i32>} : memref<158x128xi32, #tpu.memory_space<vmem>>, vector<1x16xi32>,
      %get3A_72 = arith.index_cast %scan3A_37 : i32 to index
      %get3A_73 = arith.constant 32 : index
      %get3A_74 = tpu.vector_load %arg7[%get3A_72, %get3A_73] {strides = array<i32>} : memref<158x128xi32, #tpu.memory_space<vmem>>, vector<1x16xi32>,
      %get3A_75 = vector.shape_cast %get3A_74 : vector<1x16xi32> to vector<16xi32>
      %sub3A_76 = arith.subi %get3A_75, %broadcast_in_dim3A : vector<16xi32>
      %ge3A_77 = arith.constant 0 : i32
      %ge3A_78 = vector.broadcast %ge3A_77 : i32 to vector<16xi32>
      %ge3A_79 = arith.cmpi sge, %sub3A_76, %ge3A_78 : vector<16xi32>
      %lt3A_80 = arith.cmpi slt, %sub3A_76, %broadcast_in_dim3A_15 : vector<16xi32>
      %and3A_81 = arith.andi %ge3A_79, %lt3A_80 : vector<16xi1>
      %and3A_82 = arith.constant 127 : i32
      %and3A_83 = vector.broadcast %and3A_82 : i32 to vector<16xi32>
      %and3A_84 = arith.andi %get3A_75, %and3A_83 : vector<16xi32>
      %add3A_85 = arith.addi %broadcast_in_dim3A_15, %and3A_84 : vector<16xi32>
      %select_n3A_86 = arith.select %and3A_81, %sub3A_76, %add3A_85 : vector<16xi1>, vector<16xi32>
      %swap3A_87 = arith.index_cast %scan3A_37 : i32 to index
      %swap3A_88 = arith.constant 32 : index
      %swap3A_89 = tpu.vector_load %arg7[%swap3A_87, %swap3A_88] {strides = array<i32>} : memref<158x128xi32, #tpu.memory_space<vmem>>, vector<1x16xi32>,
      %swap3A_90 = vector.shape_cast %swap3A_89 : vector<1x16xi32> to vector<16xi32>
      %swap3A_91 = vector.shape_cast %select_n3A_86 : vector<16xi32> to vector<1x16xi32>
      tpu.vector_store %arg7[%swap3A_87, %swap3A_88], %swap3A_91 {strides = array<i32>} : memref<158x128xi32, #tpu.memory_space<vmem>>, vector<1x16xi32>,
      %get3A_92 = arith.index_cast %scan3A_37 : i32 to index
      %get3A_93 = arith.constant 48 : index
      %get3A_94 = tpu.vector_load %arg7[%get3A_92, %get3A_93] {strides = array<i32>} : memref<158x128xi32, #tpu.memory_space<vmem>>, vector<1x16xi32>,
      %get3A_95 = vector.shape_cast %get3A_94 : vector<1x16xi32> to vector<16xi32>
      %sub3A_96 = arith.subi %get3A_95, %broadcast_in_dim3A : vector<16xi32>
      %ge3A_97 = arith.constant 0 : i32
      %ge3A_98 = vector.broadcast %ge3A_97 : i32 to vector<16xi32>
      %ge3A_99 = arith.cmpi sge, %sub3A_96, %ge3A_98 : vector<16xi32>
      %lt3A_100 = arith.cmpi slt, %sub3A_96, %broadcast_in_dim3A_15 : vector<16xi32>
      %and3A_101 = arith.andi %ge3A_99, %lt3A_100 : vector<16xi1>
      %and3A_102 = arith.constant 127 : i32
      %and3A_103 = vector.broadcast %and3A_102 : i32 to vector<16xi32>
      %and3A_104 = arith.andi %get3A_95, %and3A_103 : vector<16xi32>
      %add3A_105 = arith.addi %broadcast_in_dim3A_15, %and3A_104 : vector<16xi32>
      %select_n3A_106 = arith.select %and3A_101, %sub3A_96, %add3A_105 : vector<16xi1>, vector<16xi32>
      %swap3A_107 = arith.index_cast %scan3A_37 : i32 to index
      %swap3A_108 = arith.constant 48 : index
      %swap3A_109 = tpu.vector_load %arg7[%swap3A_107, %swap3A_108] {strides = array<i32>} : memref<158x128xi32, #tpu.memory_space<vmem>>, vector<1x16xi32>,
      %swap3A_110 = vector.shape_cast %swap3A_109 : vector<1x16xi32> to vector<16xi32>
      %swap3A_111 = vector.shape_cast %select_n3A_106 : vector<16xi32> to vector<1x16xi32>
      tpu.vector_store %arg7[%swap3A_107, %swap3A_108], %swap3A_111 {strides = array<i32>} : memref<158x128xi32, #tpu.memory_space<vmem>>, vector<1x16xi32>,
      %get3A_112 = arith.index_cast %scan3A_37 : i32 to index
      %get3A_113 = arith.constant 64 : index
      %get3A_114 = tpu.vector_load %arg7[%get3A_112, %get3A_113] {strides = array<i32>} : memref<158x128xi32, #tpu.memory_space<vmem>>, vector<1x16xi32>,
      %get3A_115 = vector.shape_cast %get3A_114 : vector<1x16xi32> to vector<16xi32>
      %sub3A_116 = arith.subi %get3A_115, %broadcast_in_dim3A : vector<16xi32>
      %ge3A_117 = arith.constant 0 : i32
      %ge3A_118 = vector.broadcast %ge3A_117 : i32 to vector<16xi32>
      %ge3A_119 = arith.cmpi sge, %sub3A_116, %ge3A_118 : vector<16xi32>
      %lt3A_120 = arith.cmpi slt, %sub3A_116, %broadcast_in_dim3A_15 : vector<16xi32>
      %and3A_121 = arith.andi %ge3A_119, %lt3A_120 : vector<16xi1>
      %and3A_122 = arith.constant 127 : i32
      %and3A_123 = vector.broadcast %and3A_122 : i32 to vector<16xi32>
      %and3A_124 = arith.andi %get3A_115, %and3A_123 : vector<16xi32>
      %add3A_125 = arith.addi %broadcast_in_dim3A_15, %and3A_124 : vector<16xi32>
      %select_n3A_126 = arith.select %and3A_121, %sub3A_116, %add3A_125 : vector<16xi1>, vector<16xi32>
      %swap3A_127 = arith.index_cast %scan3A_37 : i32 to index
      %swap3A_128 = arith.constant 64 : index
      %swap3A_129 = tpu.vector_load %arg7[%swap3A_127, %swap3A_128] {strides = array<i32>} : memref<158x128xi32, #tpu.memory_space<vmem>>, vector<1x16xi32>,
      %swap3A_130 = vector.shape_cast %swap3A_129 : vector<1x16xi32> to vector<16xi32>
      %swap3A_131 = vector.shape_cast %select_n3A_126 : vector<16xi32> to vector<1x16xi32>
      tpu.vector_store %arg7[%swap3A_127, %swap3A_128], %swap3A_131 {strides = array<i32>} : memref<158x128xi32, #tpu.memory_space<vmem>>, vector<1x16xi32>,
      %get3A_132 = arith.index_cast %scan3A_37 : i32 to index
      %get3A_133 = arith.constant 80 : index
      %get3A_134 = tpu.vector_load %arg7[%get3A_132, %get3A_133] {strides = array<i32>} : memref<158x128xi32, #tpu.memory_space<vmem>>, vector<1x16xi32>,
      %get3A_135 = vector.shape_cast %get3A_134 : vector<1x16xi32> to vector<16xi32>
      %sub3A_136 = arith.subi %get3A_135, %broadcast_in_dim3A : vector<16xi32>
      %ge3A_137 = arith.constant 0 : i32
      %ge3A_138 = vector.broadcast %ge3A_137 : i32 to vector<16xi32>
      %ge3A_139 = arith.cmpi sge, %sub3A_136, %ge3A_138 : vector<16xi32>
      %lt3A_140 = arith.cmpi slt, %sub3A_136, %broadcast_in_dim3A_15 : vector<16xi32>
      %and3A_141 = arith.andi %ge3A_139, %lt3A_140 : vector<16xi1>
      %and3A_142 = arith.constant 127 : i32
      %and3A_143 = vector.broadcast %and3A_142 : i32 to vector<16xi32>
      %and3A_144 = arith.andi %get3A_135, %and3A_143 : vector<16xi32>
      %add3A_145 = arith.addi %broadcast_in_dim3A_15, %and3A_144 : vector<16xi32>
      %select_n3A_146 = arith.select %and3A_141, %sub3A_136, %add3A_145 : vector<16xi1>, vector<16xi32>
      %swap3A_147 = arith.index_cast %scan3A_37 : i32 to index
      %swap3A_148 = arith.constant 80 : index
      %swap3A_149 = tpu.vector_load %arg7[%swap3A_147, %swap3A_148] {strides = array<i32>} : memref<158x128xi32, #tpu.memory_space<vmem>>, vector<1x16xi32>,
      %swap3A_150 = vector.shape_cast %swap3A_149 : vector<1x16xi32> to vector<16xi32>
      %swap3A_151 = vector.shape_cast %select_n3A_146 : vector<16xi32> to vector<1x16xi32>
      tpu.vector_store %arg7[%swap3A_147, %swap3A_148], %swap3A_151 {strides = array<i32>} : memref<158x128xi32, #tpu.memory_space<vmem>>, vector<1x16xi32>,
      %get3A_152 = arith.index_cast %scan3A_37 : i32 to index
      %get3A_153 = arith.constant 96 : index
      %get3A_154 = tpu.vector_load %arg7[%get3A_152, %get3A_153] {strides = array<i32>} : memref<158x128xi32, #tpu.memory_space<vmem>>, vector<1x16xi32>,
      %get3A_155 = vector.shape_cast %get3A_154 : vector<1x16xi32> to vector<16xi32>
      %sub3A_156 = arith.subi %get3A_155, %broadcast_in_dim3A : vector<16xi32>
      %ge3A_157 = arith.constant 0 : i32
      %ge3A_158 = vector.broadcast %ge3A_157 : i32 to vector<16xi32>
      %ge3A_159 = arith.cmpi sge, %sub3A_156, %ge3A_158 : vector<16xi32>
      %lt3A_160 = arith.cmpi slt, %sub3A_156, %broadcast_in_dim3A_15 : vector<16xi32>
      %and3A_161 = arith.andi %ge3A_159, %lt3A_160 : vector<16xi1>
      %and3A_162 = arith.constant 127 : i32
      %and3A_163 = vector.broadcast %and3A_162 : i32 to vector<16xi32>
      %and3A_164 = arith.andi %get3A_155, %and3A_163 : vector<16xi32>
      %add3A_165 = arith.addi %broadcast_in_dim3A_15, %and3A_164 : vector<16xi32>
      %select_n3A_166 = arith.select %and3A_161, %sub3A_156, %add3A_165 : vector<16xi1>, vector<16xi32>
      %swap3A_167 = arith.index_cast %scan3A_37 : i32 to index
      %swap3A_168 = arith.constant 96 : index
      %swap3A_169 = tpu.vector_load %arg7[%swap3A_167, %swap3A_168] {strides = array<i32>} : memref<158x128xi32, #tpu.memory_space<vmem>>, vector<1x16xi32>,
      %swap3A_170 = vector.shape_cast %swap3A_169 : vector<1x16xi32> to vector<16xi32>
      %swap3A_171 = vector.shape_cast %select_n3A_166 : vector<16xi32> to vector<1x16xi32>
      tpu.vector_store %arg7[%swap3A_167, %swap3A_168], %swap3A_171 {strides = array<i32>} : memref<158x128xi32, #tpu.memory_space<vmem>>, vector<1x16xi32>,
      %get3A_172 = arith.index_cast %scan3A_37 : i32 to index
      %get3A_173 = arith.constant 112 : index
      %get3A_174 = tpu.vector_load %arg7[%get3A_172, %get3A_173] {strides = array<i32>} : memref<158x128xi32, #tpu.memory_space<vmem>>, vector<1x16xi32>,
      %get3A_175 = vector.shape_cast %get3A_174 : vector<1x16xi32> to vector<16xi32>
      %sub3A_176 = arith.subi %get3A_175, %broadcast_in_dim3A : vector<16xi32>
      %ge3A_177 = arith.constant 0 : i32
      %ge3A_178 = vector.broadcast %ge3A_177 : i32 to vector<16xi32>
      %ge3A_179 = arith.cmpi sge, %sub3A_176, %ge3A_178 : vector<16xi32>
      %lt3A_180 = arith.cmpi slt, %sub3A_176, %broadcast_in_dim3A_15 : vector<16xi32>
      %and3A_181 = arith.andi %ge3A_179, %lt3A_180 : vector<16xi1>
      %and3A_182 = arith.constant 127 : i32
      %and3A_183 = vector.broadcast %and3A_182 : i32 to vector<16xi32>
      %and3A_184 = arith.andi %get3A_175, %and3A_183 : vector<16xi32>
      %add3A_185 = arith.addi %broadcast_in_dim3A_15, %and3A_184 : vector<16xi32>
      %select_n3A_186 = arith.select %and3A_181, %sub3A_176, %add3A_185 : vector<16xi1>, vector<16xi32>
      %swap3A_187 = arith.index_cast %scan3A_37 : i32 to index
      %swap3A_188 = arith.constant 112 : index
      %swap3A_189 = tpu.vector_load %arg7[%swap3A_187, %swap3A_188] {strides = array<i32>} : memref<158x128xi32, #tpu.memory_space<vmem>>, vector<1x16xi32>,
      %swap3A_190 = vector.shape_cast %swap3A_189 : vector<1x16xi32> to vector<16xi32>
      %swap3A_191 = vector.shape_cast %select_n3A_186 : vector<16xi32> to vector<1x16xi32>
      tpu.vector_store %arg7[%swap3A_187, %swap3A_188], %swap3A_191 {strides = array<i32>} : memref<158x128xi32, #tpu.memory_space<vmem>>, vector<1x16xi32>,
      %scan3A_192 = arith.constant 0 : i32
      scf.yield %scan3A_192 : i32
    }
    %scan3A_22 = arith.constant 158 : i32
    %barrier3A = arith.constant 0 : index
    tpu.barrier barrier_id(%barrier3A)
    %dma_start3A = arith.constant 0 : i32
    %dma_start3A_23 = arith.constant 0 : i32
    %dma_start3A_24 = tpu.memref_slice %arg6[%dma_start3A, %dma_start3A_23] : memref<158x128xi32, #tpu.memory_space<vmem>> -> memref<1x128xi32, #tpu.memory_space<vmem>>
    %dma_start3A_25 = tpu.memref_squeeze %dma_start3A_24 : memref<1x128xi32, #tpu.memory_space<vmem>> -> memref<128xi32, #tpu.memory_space<vmem>>
    %dma_start3A_26 = arith.constant 0 : i32
    %dma_start3A_27 = arith.constant 0 : i32
    %dma_start3A_28 = tpu.memref_slice %arg2[%dma_start3A_26, %dma_start3A_27] : memref<10240x128xf32, #tpu.memory_space<hbm>> -> memref<10240x128xf32, #tpu.memory_space<hbm>>
    tpu.enqueue_indirect_dma source(%dma_start3A_28 : memref<10240x128xf32, #tpu.memory_space<hbm>>) target(%arg8 : memref<128x128xf32, #tpu.memory_space<vmem>>) offsets(%dma_start3A_25 : memref<128xi32, #tpu.memory_space<vmem>>) semaphore(%arg11 : memref<!tpu.dma_semaphore, #tpu.memory_space<semaphore_mem>>)
    %scan3A_29 = arith.constant 0 : i32
    %scan3A_30 = arith.constant 0 : i32
    %scan3A_31 = arith.constant 79 : i32
    %scan3A_32 = arith.addi %scan3A_30, %scan3A_31 : i32
    %scan3A_33 = arith.constant 1 : i32
    %scan3A_34 = scf.for %scan3A_37 = %scan3A_30 to %scan3A_32 step %scan3A_33 iter_args(%scan3A_38 = %scan3A_29) -> (i32)  : i32 {
      %mul3A_39 = arith.constant 2 : i32
      %mul3A_40 = arith.muli %scan3A_37, %mul3A_39 : i32
      %add3A_41 = arith.constant 1 : i32
      %add3A_42 = arith.addi %mul3A_40, %add3A_41 : i32
      %dma_start3A_43 = arith.constant 0 : i32
      %dma_start3A_44 = tpu.memref_slice %arg6[%add3A_42, %dma_start3A_43] : memref<158x128xi32, #tpu.memory_space<vmem>> -> memref<1x128xi32, #tpu.memory_space<vmem>>
      %dma_start3A_45 = tpu.memref_squeeze %dma_start3A_44 : memref<1x128xi32, #tpu.memory_space<vmem>> -> memref<128xi32, #tpu.memory_space<vmem>>
      %dma_start3A_46 = arith.constant 0 : i32
      %dma_start3A_47 = arith.constant 0 : i32
      %dma_start3A_48 = tpu.memref_slice %arg2[%dma_start3A_46, %dma_start3A_47] : memref<10240x128xf32, #tpu.memory_space<hbm>> -> memref<10240x128xf32, #tpu.memory_space<hbm>>
      tpu.enqueue_indirect_dma source(%dma_start3A_48 : memref<10240x128xf32, #tpu.memory_space<hbm>>) target(%arg9 : memref<128x128xf32, #tpu.memory_space<vmem>>) offsets(%dma_start3A_45 : memref<128xi32, #tpu.memory_space<vmem>>) semaphore(%arg12 : memref<!tpu.dma_semaphore, #tpu.memory_space<semaphore_mem>>)
      %dma_wait3A = arith.constant 0 : i32
      %dma_wait3A_49 = tpu.memref_slice %arg6[%mul3A_40, %dma_wait3A] : memref<158x128xi32, #tpu.memory_space<vmem>> -> memref<1x128xi32, #tpu.memory_space<vmem>>
      %dma_wait3A_50 = tpu.memref_squeeze %dma_wait3A_49 : memref<1x128xi32, #tpu.memory_space<vmem>> -> memref<128xi32, #tpu.memory_space<vmem>>
      %dma_wait3A_51 = arith.constant 0 : i32
      %dma_wait3A_52 = arith.constant 0 : i32
      %dma_wait3A_53 = tpu.memref_slice %arg2[%dma_wait3A_51, %dma_wait3A_52] : memref<10240x128xf32, #tpu.memory_space<hbm>> -> memref<10240x128xf32, #tpu.memory_space<hbm>>
      tpu.wait_indirect_dma semaphore(%arg11 : memref<!tpu.dma_semaphore, #tpu.memory_space<semaphore_mem>>) src(%dma_wait3A_53 : memref<10240x128xf32, #tpu.memory_space<hbm>>) dst(%arg8 : memref<128x128xf32, #tpu.memory_space<vmem>>)
      "tpu.region"() ({
        %run_scoped3A = tpu.sem_alloc : memref<!tpu.dma_semaphore, #tpu.memory_space<semaphore_mem>>
        %dma_start3A_67 = arith.constant 0 : i32
        %dma_start3A_68 = tpu.memref_slice %arg7[%mul3A_40, %dma_start3A_67] : memref<158x128xi32, #tpu.memory_space<vmem>> -> memref<1x128xi32, #tpu.memory_space<vmem>>
        %dma_start3A_69 = tpu.memref_squeeze %dma_start3A_68 : memref<1x128xi32, #tpu.memory_space<vmem>> -> memref<128xi32, #tpu.memory_space<vmem>>
        %dma_start3A_70 = arith.constant 0 : i32
        %dma_start3A_71 = arith.constant 0 : i32
        %dma_start3A_72 = tpu.memref_slice %arg10[%dma_start3A_70, %dma_start3A_71] : memref<5248x128xf32, #tpu.memory_space<vmem_shared>> -> memref<5248x128xf32, #tpu.memory_space<vmem_shared>>
        tpu.enqueue_indirect_dma source(%arg8 : memref<128x128xf32, #tpu.memory_space<vmem>>) target(%dma_start3A_72 : memref<5248x128xf32, #tpu.memory_space<vmem_shared>>) offsets(%dma_start3A_69 : memref<128xi32, #tpu.memory_space<vmem>>) semaphore(%run_scoped3A : memref<!tpu.dma_semaphore, #tpu.memory_space<semaphore_mem>>) {add = true}
        %dma_wait3A_73 = arith.constant 0 : i32
        %dma_wait3A_74 = tpu.memref_slice %arg7[%mul3A_40, %dma_wait3A_73] : memref<158x128xi32, #tpu.memory_space<vmem>> -> memref<1x128xi32, #tpu.memory_space<vmem>>
        %dma_wait3A_75 = tpu.memref_squeeze %dma_wait3A_74 : memref<1x128xi32, #tpu.memory_space<vmem>> -> memref<128xi32, #tpu.memory_space<vmem>>
        %dma_wait3A_76 = arith.constant 0 : i32
        %dma_wait3A_77 = arith.constant 0 : i32
        %dma_wait3A_78 = tpu.memref_slice %arg10[%dma_wait3A_76, %dma_wait3A_77] : memref<5248x128xf32, #tpu.memory_space<vmem_shared>> -> memref<5248x128xf32, #tpu.memory_space<vmem_shared>>
        tpu.wait_indirect_dma semaphore(%run_scoped3A : memref<!tpu.dma_semaphore, #tpu.memory_space<semaphore_mem>>) src(%arg8 : memref<128x128xf32, #tpu.memory_space<vmem>>) dst(%dma_wait3A_78 : memref<5248x128xf32, #tpu.memory_space<vmem_shared>>)
        tpu.yield
      }) : () -> ()
      %add3A_54 = arith.constant 2 : i32
      %add3A_55 = arith.addi %mul3A_40, %add3A_54 : i32
      %lt3A = arith.constant 158 : i32
      %lt3A_56 = arith.cmpi slt, %add3A_55, %lt3A : i32
      %convert_element_type3A = arith.extui %lt3A_56 : i1 to i32
      %cond3A = arith.constant 0 : i32
      %cond3A_57 = arith.cmpi ne, %convert_element_type3A, %cond3A : i32
      scf.if %cond3A_57 {
        %add3A_67 = arith.constant 2 : i32
        %add3A_68 = arith.addi %mul3A_40, %add3A_67 : i32
        %dma_start3A_69 = arith.constant 0 : i32
        %dma_start3A_70 = tpu.memref_slice %arg6[%add3A_68, %dma_start3A_69] : memref<158x128xi32, #tpu.memory_space<vmem>> -> memref<1x128xi32, #tpu.memory_space<vmem>>
        %dma_start3A_71 = tpu.memref_squeeze %dma_start3A_70 : memref<1x128xi32, #tpu.memory_space<vmem>> -> memref<128xi32, #tpu.memory_space<vmem>>
        %dma_start3A_72 = arith.constant 0 : i32
        %dma_start3A_73 = arith.constant 0 : i32
        %dma_start3A_74 = tpu.memref_slice %arg2[%dma_start3A_72, %dma_start3A_73] : memref<10240x128xf32, #tpu.memory_space<hbm>> -> memref<10240x128xf32, #tpu.memory_space<hbm>>
        tpu.enqueue_indirect_dma source(%dma_start3A_74 : memref<10240x128xf32, #tpu.memory_space<hbm>>) target(%arg8 : memref<128x128xf32, #tpu.memory_space<vmem>>) offsets(%dma_start3A_71 : memref<128xi32, #tpu.memory_space<vmem>>) semaphore(%arg11 : memref<!tpu.dma_semaphore, #tpu.memory_space<semaphore_mem>>)
      } else {
      }
      %dma_wait3A_58 = arith.constant 0 : i32
      %dma_wait3A_59 = tpu.memref_slice %arg6[%add3A_42, %dma_wait3A_58] : memref<158x128xi32, #tpu.memory_space<vmem>> -> memref<1x128xi32, #tpu.memory_space<vmem>>
      %dma_wait3A_60 = tpu.memref_squeeze %dma_wait3A_59 : memref<1x128xi32, #tpu.memory_space<vmem>> -> memref<128xi32, #tpu.memory_space<vmem>>
      %dma_wait3A_61 = arith.constant 0 : i32
      %dma_wait3A_62 = arith.constant 0 : i32
      %dma_wait3A_63 = tpu.memref_slice %arg2[%dma_wait3A_61, %dma_wait3A_62] : memref<10240x128xf32, #tpu.memory_space<hbm>> -> memref<10240x128xf32, #tpu.memory_space<hbm>>
      tpu.wait_indirect_dma semaphore(%arg12 : memref<!tpu.dma_semaphore, #tpu.memory_space<semaphore_mem>>) src(%dma_wait3A_63 : memref<10240x128xf32, #tpu.memory_space<hbm>>) dst(%arg9 : memref<128x128xf32, #tpu.memory_space<vmem>>)
      %add3A_64 = arith.constant 1 : i32
      %add3A_65 = arith.addi %mul3A_40, %add3A_64 : i32
      "tpu.region"() ({
        %run_scoped3A = tpu.sem_alloc : memref<!tpu.dma_semaphore, #tpu.memory_space<semaphore_mem>>
        %dma_start3A_67 = arith.constant 0 : i32
        %dma_start3A_68 = tpu.memref_slice %arg7[%add3A_65, %dma_start3A_67] : memref<158x128xi32, #tpu.memory_space<vmem>> -> memref<1x128xi32, #tpu.memory_space<vmem>>
        %dma_start3A_69 = tpu.memref_squeeze %dma_start3A_68 : memref<1x128xi32, #tpu.memory_space<vmem>> -> memref<128xi32, #tpu.memory_space<vmem>>
        %dma_start3A_70 = arith.constant 0 : i32
        %dma_start3A_71 = arith.constant 0 : i32
        %dma_start3A_72 = tpu.memref_slice %arg10[%dma_start3A_70, %dma_start3A_71] : memref<5248x128xf32, #tpu.memory_space<vmem_shared>> -> memref<5248x128xf32, #tpu.memory_space<vmem_shared>>
        tpu.enqueue_indirect_dma source(%arg9 : memref<128x128xf32, #tpu.memory_space<vmem>>) target(%dma_start3A_72 : memref<5248x128xf32, #tpu.memory_space<vmem_shared>>) offsets(%dma_start3A_69 : memref<128xi32, #tpu.memory_space<vmem>>) semaphore(%run_scoped3A : memref<!tpu.dma_semaphore, #tpu.memory_space<semaphore_mem>>) {add = true}
        %dma_wait3A_73 = arith.constant 0 : i32
        %dma_wait3A_74 = tpu.memref_slice %arg7[%add3A_65, %dma_wait3A_73] : memref<158x128xi32, #tpu.memory_space<vmem>> -> memref<1x128xi32, #tpu.memory_space<vmem>>
        %dma_wait3A_75 = tpu.memref_squeeze %dma_wait3A_74 : memref<1x128xi32, #tpu.memory_space<vmem>> -> memref<128xi32, #tpu.memory_space<vmem>>
        %dma_wait3A_76 = arith.constant 0 : i32
        %dma_wait3A_77 = arith.constant 0 : i32
        %dma_wait3A_78 = tpu.memref_slice %arg10[%dma_wait3A_76, %dma_wait3A_77] : memref<5248x128xf32, #tpu.memory_space<vmem_shared>> -> memref<5248x128xf32, #tpu.memory_space<vmem_shared>>
        tpu.wait_indirect_dma semaphore(%run_scoped3A : memref<!tpu.dma_semaphore, #tpu.memory_space<semaphore_mem>>) src(%arg9 : memref<128x128xf32, #tpu.memory_space<vmem>>) dst(%dma_wait3A_78 : memref<5248x128xf32, #tpu.memory_space<vmem_shared>>)
        tpu.yield
      }) : () -> ()
      %scan3A_66 = arith.constant 0 : i32
      scf.yield %scan3A_66 : i32
    }
    %scan3A_35 = arith.constant 79 : i32
    %barrier3A_36 = arith.constant 0 : index
    tpu.barrier barrier_id(%barrier3A_36)
    "tpu.region"() ({
      %run_scoped3A = tpu.sem_alloc : memref<!tpu.dma_semaphore, #tpu.memory_space<semaphore_mem>>
      %dma_start3A_37 = arith.constant 0 : i32
      %dma_start3A_38 = tpu.memref_slice %arg5[%arg0, %mul3A_6, %dma_start3A_37] : memref<2x5248x128xf32, #tpu.memory_space<hbm>> -> memref<1x328x128xf32, #tpu.memory_space<hbm>>
      %dma_start3A_39 = tpu.memref_squeeze %dma_start3A_38 : memref<1x328x128xf32, #tpu.memory_space<hbm>> -> memref<328x128xf32, #tpu.memory_space<hbm>>
      %dma_start3A_40 = arith.constant 0 : i32
      %dma_start3A_41 = tpu.memref_slice %arg10[%mul3A_6, %dma_start3A_40] : memref<5248x128xf32, #tpu.memory_space<vmem_shared>> -> memref<328x128xf32, #tpu.memory_space<vmem_shared>>
      tpu.enqueue_dma source(%dma_start3A_41 : memref<328x128xf32, #tpu.memory_space<vmem_shared>>) target(%dma_start3A_39 : memref<328x128xf32, #tpu.memory_space<hbm>>) target_semaphore(%run_scoped3A : memref<!tpu.dma_semaphore, #tpu.memory_space<semaphore_mem>>)
      %dma_wait3A = arith.constant 0 : i32
      %dma_wait3A_42 = tpu.memref_slice %arg5[%arg0, %mul3A_6, %dma_wait3A] : memref<2x5248x128xf32, #tpu.memory_space<hbm>> -> memref<1x328x128xf32, #tpu.memory_space<hbm>>
      %dma_wait3A_43 = tpu.memref_squeeze %dma_wait3A_42 : memref<1x328x128xf32, #tpu.memory_space<hbm>> -> memref<328x128xf32, #tpu.memory_space<hbm>>
      %dma_wait3A_44 = arith.constant 0 : i32
      %dma_wait3A_45 = tpu.memref_slice %arg10[%mul3A_6, %dma_wait3A_44] : memref<5248x128xf32, #tpu.memory_space<vmem_shared>> -> memref<328x128xf32, #tpu.memory_space<vmem_shared>>
      tpu.wait_dma2 semaphore(%run_scoped3A : memref<!tpu.dma_semaphore, #tpu.memory_space<semaphore_mem>>) src(%dma_wait3A_45 : memref<328x128xf32, #tpu.memory_space<vmem_shared>>) dst(%dma_wait3A_43 : memref<328x128xf32, #tpu.memory_space<hbm>>)
      tpu.yield
    }) : () -> ()
    return
  }
}

#map = affine_map<(d0, d1) -> (0, 0)>
#map1 = affine_map<(d0, d1) -> (0)>
#map2 = affine_map<(d0, d1) -> (0, 0, 0)>
module attributes {stable_mosaic.version = 14 : i64} {
  func.func @k(%arg0: i32, %arg1: i32, %arg2: memref<10240x128xf32, #tpu.memory_space<hbm>>, %arg3: memref<32x320xi32, #tpu.memory_space<hbm>>, %arg4: memref<10240xf32, #tpu.memory_space<hbm>>, %arg5: memref<16xi32, #tpu.memory_space<hbm>>, %arg6: memref<32x2x128xf32, #tpu.memory_space<hbm>>, %arg7: memref<1x128xf32, #tpu.memory_space<hbm>>, %arg8: memref<320xi32, #tpu.memory_space<vmem>>, %arg9: memref<320xf32, #tpu.memory_space<vmem>>, %arg10: memref<128x128xf32, #tpu.memory_space<vmem>>, %arg11: memref<10240xf32, #tpu.memory_space<vmem>>, %arg12: memref<2x128xf32, #tpu.memory_space<vmem>>, %arg13: memref<16xi32, #tpu.memory_space<vmem>>, %arg14: memref<16x128xf32, #tpu.memory_space<vmem>>, %arg15: memref<!tpu.dma_semaphore, #tpu.memory_space<semaphore_mem>>) attributes {dimension_semantics = [#tpu.dimension_semantics<core_parallel>, #tpu.dimension_semantics<subcore_parallel>], iteration_bounds = array<i64: 2, 16>, scalar_prefetch = 0 : i64, scratch_operands = 8 : i64, tpu.core_type = #tpu.core_type<sc_vector_subcore>, window_params = [{transform_indices = #map}, {transform_indices = #map}, {transform_indices = #map1}, {transform_indices = #map1}, {transform_indices = #map2}, {transform_indices = #map}]} {
    %mul3A = arith.constant 2 : i32
    %mul3A_0 = arith.muli %arg1, %mul3A : i32
    %add3A = arith.addi %mul3A_0, %arg0 : i32
    "tpu.region"() ({
      %run_scoped3A = tpu.sem_alloc : memref<!tpu.dma_semaphore, #tpu.memory_space<semaphore_mem>>
      %dma_start3A_167 = arith.constant 0 : i32
      %dma_start3A_168 = tpu.memref_slice %arg3[%add3A, %dma_start3A_167] : memref<32x320xi32, #tpu.memory_space<hbm>> -> memref<1x320xi32, #tpu.memory_space<hbm>>
      %dma_start3A_169 = tpu.memref_squeeze %dma_start3A_168 : memref<1x320xi32, #tpu.memory_space<hbm>> -> memref<320xi32, #tpu.memory_space<hbm>>
      %dma_start3A_170 = arith.constant 0 : i32
      %dma_start3A_171 = tpu.memref_slice %arg3[%add3A, %dma_start3A_170] : memref<32x320xi32, #tpu.memory_space<hbm>> -> memref<1x320xi32, #tpu.memory_space<hbm>>
      %dma_start3A_172 = tpu.memref_squeeze %dma_start3A_171 : memref<1x320xi32, #tpu.memory_space<hbm>> -> memref<320xi32, #tpu.memory_space<hbm>>
      tpu.enqueue_dma source(%dma_start3A_172 : memref<320xi32, #tpu.memory_space<hbm>>) target(%arg8 : memref<320xi32, #tpu.memory_space<vmem>>) target_semaphore(%run_scoped3A : memref<!tpu.dma_semaphore, #tpu.memory_space<semaphore_mem>>)
      %dma_wait3A_173 = arith.constant 0 : i32
      %dma_wait3A_174 = tpu.memref_slice %arg3[%add3A, %dma_wait3A_173] : memref<32x320xi32, #tpu.memory_space<hbm>> -> memref<1x320xi32, #tpu.memory_space<hbm>>
      %dma_wait3A_175 = tpu.memref_squeeze %dma_wait3A_174 : memref<1x320xi32, #tpu.memory_space<hbm>> -> memref<320xi32, #tpu.memory_space<hbm>>
      %dma_wait3A_176 = arith.constant 0 : i32
      %dma_wait3A_177 = tpu.memref_slice %arg3[%add3A, %dma_wait3A_176] : memref<32x320xi32, #tpu.memory_space<hbm>> -> memref<1x320xi32, #tpu.memory_space<hbm>>
      %dma_wait3A_178 = tpu.memref_squeeze %dma_wait3A_177 : memref<1x320xi32, #tpu.memory_space<hbm>> -> memref<320xi32, #tpu.memory_space<hbm>>
      tpu.wait_dma2 semaphore(%run_scoped3A : memref<!tpu.dma_semaphore, #tpu.memory_space<semaphore_mem>>) src(%dma_wait3A_178 : memref<320xi32, #tpu.memory_space<hbm>>) dst(%arg8 : memref<320xi32, #tpu.memory_space<vmem>>)
      tpu.yield
    }) : () -> ()
    "tpu.region"() ({
      %run_scoped3A = tpu.sem_alloc : memref<!tpu.dma_semaphore, #tpu.memory_space<semaphore_mem>>
      tpu.enqueue_dma source(%arg4 : memref<10240xf32, #tpu.memory_space<hbm>>) target(%arg11 : memref<10240xf32, #tpu.memory_space<vmem>>) target_semaphore(%run_scoped3A : memref<!tpu.dma_semaphore, #tpu.memory_space<semaphore_mem>>)
      tpu.wait_dma2 semaphore(%run_scoped3A : memref<!tpu.dma_semaphore, #tpu.memory_space<semaphore_mem>>) src(%arg4 : memref<10240xf32, #tpu.memory_space<hbm>>) dst(%arg11 : memref<10240xf32, #tpu.memory_space<vmem>>)
      tpu.yield
    }) : () -> ()
    %scan3A = arith.constant 0 : i32
    %scan3A_1 = arith.constant 0 : i32
    %scan3A_2 = arith.constant 20 : i32
    %scan3A_3 = arith.addi %scan3A_1, %scan3A_2 : i32
    %scan3A_4 = arith.constant 1 : i32
    %scan3A_5 = scf.for %scan3A_167 = %scan3A_1 to %scan3A_3 step %scan3A_4 iter_args(%scan3A_168 = %scan3A) -> (i32)  : i32 {
      %mul3A_169 = arith.constant 16 : i32
      %mul3A_170 = arith.muli %scan3A_167, %mul3A_169 : i32
      %get3A = arith.index_cast %mul3A_170 : i32 to index
      %get3A_171 = tpu.vector_load %arg8[%get3A] {strides = array<i32>} : memref<320xi32, #tpu.memory_space<vmem>>, vector<16xi32>,
      %gather3A = tpu.vector_load_idx %arg11[%get3A_171] : memref<10240xf32, #tpu.memory_space<vmem>>[vector<16xi32>], vector<16xf32>,
      %mul3A_172 = arith.constant 16 : i32
      %mul3A_173 = arith.muli %scan3A_167, %mul3A_172 : i32
      %swap3A_174 = arith.index_cast %mul3A_173 : i32 to index
      %swap3A_175 = tpu.vector_load %arg9[%swap3A_174] {strides = array<i32>} : memref<320xf32, #tpu.memory_space<vmem>>, vector<16xf32>,
      tpu.vector_store %arg9[%swap3A_174], %gather3A {strides = array<i32>} : memref<320xf32, #tpu.memory_space<vmem>>, vector<16xf32>,
      %scan3A_176 = arith.constant 0 : i32
      scf.yield %scan3A_176 : i32
    }
    %scan3A_6 = arith.constant 20 : i32
    %broadcast_in_dim3A = arith.constant 0.000000e+00 : f32
    %broadcast_in_dim3A_7 = vector.broadcast %broadcast_in_dim3A : f32 to vector<16xf32>
    %broadcast_in_dim3A_8 = arith.constant 0.000000e+00 : f32
    %broadcast_in_dim3A_9 = vector.broadcast %broadcast_in_dim3A_8 : f32 to vector<16xf32>
    %broadcast_in_dim3A_10 = arith.constant 0.000000e+00 : f32
    %broadcast_in_dim3A_11 = vector.broadcast %broadcast_in_dim3A_10 : f32 to vector<16xf32>
    %broadcast_in_dim3A_12 = arith.constant 0.000000e+00 : f32
    %broadcast_in_dim3A_13 = vector.broadcast %broadcast_in_dim3A_12 : f32 to vector<16xf32>
    %broadcast_in_dim3A_14 = arith.constant 0.000000e+00 : f32
    %broadcast_in_dim3A_15 = vector.broadcast %broadcast_in_dim3A_14 : f32 to vector<16xf32>
    %broadcast_in_dim3A_16 = arith.constant 0.000000e+00 : f32
    %broadcast_in_dim3A_17 = vector.broadcast %broadcast_in_dim3A_16 : f32 to vector<16xf32>
    %broadcast_in_dim3A_18 = arith.constant 0.000000e+00 : f32
    %broadcast_in_dim3A_19 = vector.broadcast %broadcast_in_dim3A_18 : f32 to vector<16xf32>
    %broadcast_in_dim3A_20 = arith.constant 0.000000e+00 : f32
    %broadcast_in_dim3A_21 = vector.broadcast %broadcast_in_dim3A_20 : f32 to vector<16xf32>
    %broadcast_in_dim3A_22 = arith.constant 0.000000e+00 : f32
    %broadcast_in_dim3A_23 = vector.broadcast %broadcast_in_dim3A_22 : f32 to vector<16xf32>
    %broadcast_in_dim3A_24 = arith.constant 0.000000e+00 : f32
    %broadcast_in_dim3A_25 = vector.broadcast %broadcast_in_dim3A_24 : f32 to vector<16xf32>
    %broadcast_in_dim3A_26 = arith.constant 0.000000e+00 : f32
    %broadcast_in_dim3A_27 = vector.broadcast %broadcast_in_dim3A_26 : f32 to vector<16xf32>
    %broadcast_in_dim3A_28 = arith.constant 0.000000e+00 : f32
    %broadcast_in_dim3A_29 = vector.broadcast %broadcast_in_dim3A_28 : f32 to vector<16xf32>
    %broadcast_in_dim3A_30 = arith.constant 0.000000e+00 : f32
    %broadcast_in_dim3A_31 = vector.broadcast %broadcast_in_dim3A_30 : f32 to vector<16xf32>
    %broadcast_in_dim3A_32 = arith.constant 0.000000e+00 : f32
    %broadcast_in_dim3A_33 = vector.broadcast %broadcast_in_dim3A_32 : f32 to vector<16xf32>
    %broadcast_in_dim3A_34 = arith.constant 0.000000e+00 : f32
    %broadcast_in_dim3A_35 = vector.broadcast %broadcast_in_dim3A_34 : f32 to vector<16xf32>
    %broadcast_in_dim3A_36 = arith.constant 0.000000e+00 : f32
    %broadcast_in_dim3A_37 = vector.broadcast %broadcast_in_dim3A_36 : f32 to vector<16xf32>
    %dma_start3A = arith.constant 0 : i32
    %dma_start3A_38 = arith.constant 0 : i32
    %dma_start3A_39 = tpu.memref_slice %arg10[%dma_start3A, %dma_start3A_38] : memref<128x128xf32, #tpu.memory_space<vmem>> -> memref<128x128xf32, #tpu.memory_space<vmem>>
    %dma_start3A_40 = arith.constant 0 : i32
    %dma_start3A_41 = tpu.memref_slice %arg8[%dma_start3A_40] : memref<320xi32, #tpu.memory_space<vmem>> -> memref<128xi32, #tpu.memory_space<vmem>>
    %dma_start3A_42 = arith.constant 0 : i32
    %dma_start3A_43 = arith.constant 0 : i32
    %dma_start3A_44 = tpu.memref_slice %arg2[%dma_start3A_42, %dma_start3A_43] : memref<10240x128xf32, #tpu.memory_space<hbm>> -> memref<10240x128xf32, #tpu.memory_space<hbm>>
    tpu.enqueue_indirect_dma source(%dma_start3A_44 : memref<10240x128xf32, #tpu.memory_space<hbm>>) target(%dma_start3A_39 : memref<128x128xf32, #tpu.memory_space<vmem>>) offsets(%dma_start3A_41 : memref<128xi32, #tpu.memory_space<vmem>>) semaphore(%arg15 : memref<!tpu.dma_semaphore, #tpu.memory_space<semaphore_mem>>)
    %dma_wait3A = arith.constant 0 : i32
    %dma_wait3A_45 = arith.constant 0 : i32
    %dma_wait3A_46 = tpu.memref_slice %arg10[%dma_wait3A, %dma_wait3A_45] : memref<128x128xf32, #tpu.memory_space<vmem>> -> memref<128x128xf32, #tpu.memory_space<vmem>>
    %dma_wait3A_47 = arith.constant 0 : i32
    %dma_wait3A_48 = tpu.memref_slice %arg8[%dma_wait3A_47] : memref<320xi32, #tpu.memory_space<vmem>> -> memref<128xi32, #tpu.memory_space<vmem>>
    %dma_wait3A_49 = arith.constant 0 : i32
    %dma_wait3A_50 = arith.constant 0 : i32
    %dma_wait3A_51 = tpu.memref_slice %arg2[%dma_wait3A_49, %dma_wait3A_50] : memref<10240x128xf32, #tpu.memory_space<hbm>> -> memref<10240x128xf32, #tpu.memory_space<hbm>>
    tpu.wait_indirect_dma semaphore(%arg15 : memref<!tpu.dma_semaphore, #tpu.memory_space<semaphore_mem>>) src(%dma_wait3A_51 : memref<10240x128xf32, #tpu.memory_space<hbm>>) dst(%dma_wait3A_46 : memref<128x128xf32, #tpu.memory_space<vmem>>)
    %scan3A_52 = arith.constant 0 : i32
    %scan3A_53 = arith.constant 128 : i32
    %scan3A_54 = arith.addi %scan3A_52, %scan3A_53 : i32
    %scan3A_55 = arith.constant 1 : i32
    %scan3A_56:16 = scf.for %scan3A_167 = %scan3A_52 to %scan3A_54 step %scan3A_55 iter_args(%scan3A_168 = %broadcast_in_dim3A_7, %scan3A_169 = %broadcast_in_dim3A_9, %scan3A_170 = %broadcast_in_dim3A_11, %scan3A_171 = %broadcast_in_dim3A_13, %scan3A_172 = %broadcast_in_dim3A_15, %scan3A_173 = %broadcast_in_dim3A_17, %scan3A_174 = %broadcast_in_dim3A_19, %scan3A_175 = %broadcast_in_dim3A_21, %scan3A_176 = %broadcast_in_dim3A_23, %scan3A_177 = %broadcast_in_dim3A_25, %scan3A_178 = %broadcast_in_dim3A_27, %scan3A_179 = %broadcast_in_dim3A_29, %scan3A_180 = %broadcast_in_dim3A_31, %scan3A_181 = %broadcast_in_dim3A_33, %scan3A_182 = %broadcast_in_dim3A_35, %scan3A_183 = %broadcast_in_dim3A_37) -> (vector<16xf32>, vector<16xf32>, vector<16xf32>, vector<16xf32>, vector<16xf32>, vector<16xf32>, vector<16xf32>, vector<16xf32>, vector<16xf32>, vector<16xf32>, vector<16xf32>, vector<16xf32>, vector<16xf32>, vector<16xf32>, vector<16xf32>, vector<16xf32>)  : i32 {
      %broadcast_in_dim3A_184 = arith.constant 0 : i32
      %broadcast_in_dim3A_185 = vector.broadcast %broadcast_in_dim3A_184 : i32 to vector<16xi32>
      %add3A_186 = vector.broadcast %scan3A_167 : i32 to vector<16xi32>
      %add3A_187 = arith.addi %broadcast_in_dim3A_185, %add3A_186 : vector<16xi32>
      %gather3A = tpu.vector_load_idx %arg9[%add3A_187] : memref<320xf32, #tpu.memory_space<vmem>>[vector<16xi32>], vector<16xf32>,
      %get3A = arith.index_cast %scan3A_167 : i32 to index
      %get3A_188 = arith.constant 0 : index
      %get3A_189 = tpu.vector_load %arg10[%get3A, %get3A_188] {strides = array<i32>} : memref<128x128xf32, #tpu.memory_space<vmem>>, vector<16xf32>,
      %mul3A_190 = arith.mulf %gather3A, %get3A_189 : vector<16xf32>
      %add3A_191 = arith.addf %scan3A_168, %mul3A_190 : vector<16xf32>
      %add3A_192 = arith.addf %scan3A_176, %get3A_189 : vector<16xf32>
      %get3A_193 = arith.index_cast %scan3A_167 : i32 to index
      %get3A_194 = arith.constant 16 : index
      %get3A_195 = tpu.vector_load %arg10[%get3A_193, %get3A_194] {strides = array<i32>} : memref<128x128xf32, #tpu.memory_space<vmem>>, vector<16xf32>,
      %mul3A_196 = arith.mulf %gather3A, %get3A_195 : vector<16xf32>
      %add3A_197 = arith.addf %scan3A_169, %mul3A_196 : vector<16xf32>
      %add3A_198 = arith.addf %scan3A_177, %get3A_195 : vector<16xf32>
      %get3A_199 = arith.index_cast %scan3A_167 : i32 to index
      %get3A_200 = arith.constant 32 : index
      %get3A_201 = tpu.vector_load %arg10[%get3A_199, %get3A_200] {strides = array<i32>} : memref<128x128xf32, #tpu.memory_space<vmem>>, vector<16xf32>,
      %mul3A_202 = arith.mulf %gather3A, %get3A_201 : vector<16xf32>
      %add3A_203 = arith.addf %scan3A_170, %mul3A_202 : vector<16xf32>
      %add3A_204 = arith.addf %scan3A_178, %get3A_201 : vector<16xf32>
      %get3A_205 = arith.index_cast %scan3A_167 : i32 to index
      %get3A_206 = arith.constant 48 : index
      %get3A_207 = tpu.vector_load %arg10[%get3A_205, %get3A_206] {strides = array<i32>} : memref<128x128xf32, #tpu.memory_space<vmem>>, vector<16xf32>,
      %mul3A_208 = arith.mulf %gather3A, %get3A_207 : vector<16xf32>
      %add3A_209 = arith.addf %scan3A_171, %mul3A_208 : vector<16xf32>
      %add3A_210 = arith.addf %scan3A_179, %get3A_207 : vector<16xf32>
      %get3A_211 = arith.index_cast %scan3A_167 : i32 to index
      %get3A_212 = arith.constant 64 : index
      %get3A_213 = tpu.vector_load %arg10[%get3A_211, %get3A_212] {strides = array<i32>} : memref<128x128xf32, #tpu.memory_space<vmem>>, vector<16xf32>,
      %mul3A_214 = arith.mulf %gather3A, %get3A_213 : vector<16xf32>
      %add3A_215 = arith.addf %scan3A_172, %mul3A_214 : vector<16xf32>
      %add3A_216 = arith.addf %scan3A_180, %get3A_213 : vector<16xf32>
      %get3A_217 = arith.index_cast %scan3A_167 : i32 to index
      %get3A_218 = arith.constant 80 : index
      %get3A_219 = tpu.vector_load %arg10[%get3A_217, %get3A_218] {strides = array<i32>} : memref<128x128xf32, #tpu.memory_space<vmem>>, vector<16xf32>,
      %mul3A_220 = arith.mulf %gather3A, %get3A_219 : vector<16xf32>
      %add3A_221 = arith.addf %scan3A_173, %mul3A_220 : vector<16xf32>
      %add3A_222 = arith.addf %scan3A_181, %get3A_219 : vector<16xf32>
      %get3A_223 = arith.index_cast %scan3A_167 : i32 to index
      %get3A_224 = arith.constant 96 : index
      %get3A_225 = tpu.vector_load %arg10[%get3A_223, %get3A_224] {strides = array<i32>} : memref<128x128xf32, #tpu.memory_space<vmem>>, vector<16xf32>,
      %mul3A_226 = arith.mulf %gather3A, %get3A_225 : vector<16xf32>
      %add3A_227 = arith.addf %scan3A_174, %mul3A_226 : vector<16xf32>
      %add3A_228 = arith.addf %scan3A_182, %get3A_225 : vector<16xf32>
      %get3A_229 = arith.index_cast %scan3A_167 : i32 to index
      %get3A_230 = arith.constant 112 : index
      %get3A_231 = tpu.vector_load %arg10[%get3A_229, %get3A_230] {strides = array<i32>} : memref<128x128xf32, #tpu.memory_space<vmem>>, vector<16xf32>,
      %mul3A_232 = arith.mulf %gather3A, %get3A_231 : vector<16xf32>
      %add3A_233 = arith.addf %scan3A_175, %mul3A_232 : vector<16xf32>
      %add3A_234 = arith.addf %scan3A_183, %get3A_231 : vector<16xf32>
      scf.yield %add3A_191, %add3A_197, %add3A_203, %add3A_209, %add3A_215, %add3A_221, %add3A_227, %add3A_233, %add3A_192, %add3A_198, %add3A_204, %add3A_210, %add3A_216, %add3A_222, %add3A_228, %add3A_234 : vector<16xf32>, vector<16xf32>, vector<16xf32>, vector<16xf32>, vector<16xf32>, vector<16xf32>, vector<16xf32>, vector<16xf32>, vector<16xf32>, vector<16xf32>, vector<16xf32>, vector<16xf32>, vector<16xf32>, vector<16xf32>, vector<16xf32>, vector<16xf32>
    }
    %scan3A_57 = arith.constant 128 : i32
    %dma_start3A_58 = arith.constant 0 : i32
    %dma_start3A_59 = arith.constant 0 : i32
    %dma_start3A_60 = tpu.memref_slice %arg10[%dma_start3A_58, %dma_start3A_59] : memref<128x128xf32, #tpu.memory_space<vmem>> -> memref<128x128xf32, #tpu.memory_space<vmem>>
    %dma_start3A_61 = arith.constant 128 : i32
    %dma_start3A_62 = tpu.memref_slice %arg8[%dma_start3A_61] : memref<320xi32, #tpu.memory_space<vmem>> -> memref<128xi32, #tpu.memory_space<vmem>>
    %dma_start3A_63 = arith.constant 0 : i32
    %dma_start3A_64 = arith.constant 0 : i32
    %dma_start3A_65 = tpu.memref_slice %arg2[%dma_start3A_63, %dma_start3A_64] : memref<10240x128xf32, #tpu.memory_space<hbm>> -> memref<10240x128xf32, #tpu.memory_space<hbm>>
    tpu.enqueue_indirect_dma source(%dma_start3A_65 : memref<10240x128xf32, #tpu.memory_space<hbm>>) target(%dma_start3A_60 : memref<128x128xf32, #tpu.memory_space<vmem>>) offsets(%dma_start3A_62 : memref<128xi32, #tpu.memory_space<vmem>>) semaphore(%arg15 : memref<!tpu.dma_semaphore, #tpu.memory_space<semaphore_mem>>)
    %dma_wait3A_66 = arith.constant 0 : i32
    %dma_wait3A_67 = arith.constant 0 : i32
    %dma_wait3A_68 = tpu.memref_slice %arg10[%dma_wait3A_66, %dma_wait3A_67] : memref<128x128xf32, #tpu.memory_space<vmem>> -> memref<128x128xf32, #tpu.memory_space<vmem>>
    %dma_wait3A_69 = arith.constant 128 : i32
    %dma_wait3A_70 = tpu.memref_slice %arg8[%dma_wait3A_69] : memref<320xi32, #tpu.memory_space<vmem>> -> memref<128xi32, #tpu.memory_space<vmem>>
    %dma_wait3A_71 = arith.constant 0 : i32
    %dma_wait3A_72 = arith.constant 0 : i32
    %dma_wait3A_73 = tpu.memref_slice %arg2[%dma_wait3A_71, %dma_wait3A_72] : memref<10240x128xf32, #tpu.memory_space<hbm>> -> memref<10240x128xf32, #tpu.memory_space<hbm>>
    tpu.wait_indirect_dma semaphore(%arg15 : memref<!tpu.dma_semaphore, #tpu.memory_space<semaphore_mem>>) src(%dma_wait3A_73 : memref<10240x128xf32, #tpu.memory_space<hbm>>) dst(%dma_wait3A_68 : memref<128x128xf32, #tpu.memory_space<vmem>>)
    %scan3A_74 = arith.constant 0 : i32
    %scan3A_75 = arith.constant 128 : i32
    %scan3A_76 = arith.addi %scan3A_74, %scan3A_75 : i32
    %scan3A_77 = arith.constant 1 : i32
    %scan3A_78:16 = scf.for %scan3A_167 = %scan3A_74 to %scan3A_76 step %scan3A_77 iter_args(%scan3A_168 = %scan3A_56#0, %scan3A_169 = %scan3A_56#1, %scan3A_170 = %scan3A_56#2, %scan3A_171 = %scan3A_56#3, %scan3A_172 = %scan3A_56#4, %scan3A_173 = %scan3A_56#5, %scan3A_174 = %scan3A_56#6, %scan3A_175 = %scan3A_56#7, %scan3A_176 = %scan3A_56#8, %scan3A_177 = %scan3A_56#9, %scan3A_178 = %scan3A_56#10, %scan3A_179 = %scan3A_56#11, %scan3A_180 = %scan3A_56#12, %scan3A_181 = %scan3A_56#13, %scan3A_182 = %scan3A_56#14, %scan3A_183 = %scan3A_56#15) -> (vector<16xf32>, vector<16xf32>, vector<16xf32>, vector<16xf32>, vector<16xf32>, vector<16xf32>, vector<16xf32>, vector<16xf32>, vector<16xf32>, vector<16xf32>, vector<16xf32>, vector<16xf32>, vector<16xf32>, vector<16xf32>, vector<16xf32>, vector<16xf32>)  : i32 {
      %broadcast_in_dim3A_184 = arith.constant 128 : i32
      %broadcast_in_dim3A_185 = vector.broadcast %broadcast_in_dim3A_184 : i32 to vector<16xi32>
      %add3A_186 = vector.broadcast %scan3A_167 : i32 to vector<16xi32>
      %add3A_187 = arith.addi %broadcast_in_dim3A_185, %add3A_186 : vector<16xi32>
      %gather3A = tpu.vector_load_idx %arg9[%add3A_187] : memref<320xf32, #tpu.memory_space<vmem>>[vector<16xi32>], vector<16xf32>,
      %get3A = arith.index_cast %scan3A_167 : i32 to index
      %get3A_188 = arith.constant 0 : index
      %get3A_189 = tpu.vector_load %arg10[%get3A, %get3A_188] {strides = array<i32>} : memref<128x128xf32, #tpu.memory_space<vmem>>, vector<16xf32>,
      %mul3A_190 = arith.mulf %gather3A, %get3A_189 : vector<16xf32>
      %add3A_191 = arith.addf %scan3A_168, %mul3A_190 : vector<16xf32>
      %add3A_192 = arith.addf %scan3A_176, %get3A_189 : vector<16xf32>
      %get3A_193 = arith.index_cast %scan3A_167 : i32 to index
      %get3A_194 = arith.constant 16 : index
      %get3A_195 = tpu.vector_load %arg10[%get3A_193, %get3A_194] {strides = array<i32>} : memref<128x128xf32, #tpu.memory_space<vmem>>, vector<16xf32>,
      %mul3A_196 = arith.mulf %gather3A, %get3A_195 : vector<16xf32>
      %add3A_197 = arith.addf %scan3A_169, %mul3A_196 : vector<16xf32>
      %add3A_198 = arith.addf %scan3A_177, %get3A_195 : vector<16xf32>
      %get3A_199 = arith.index_cast %scan3A_167 : i32 to index
      %get3A_200 = arith.constant 32 : index
      %get3A_201 = tpu.vector_load %arg10[%get3A_199, %get3A_200] {strides = array<i32>} : memref<128x128xf32, #tpu.memory_space<vmem>>, vector<16xf32>,
      %mul3A_202 = arith.mulf %gather3A, %get3A_201 : vector<16xf32>
      %add3A_203 = arith.addf %scan3A_170, %mul3A_202 : vector<16xf32>
      %add3A_204 = arith.addf %scan3A_178, %get3A_201 : vector<16xf32>
      %get3A_205 = arith.index_cast %scan3A_167 : i32 to index
      %get3A_206 = arith.constant 48 : index
      %get3A_207 = tpu.vector_load %arg10[%get3A_205, %get3A_206] {strides = array<i32>} : memref<128x128xf32, #tpu.memory_space<vmem>>, vector<16xf32>,
      %mul3A_208 = arith.mulf %gather3A, %get3A_207 : vector<16xf32>
      %add3A_209 = arith.addf %scan3A_171, %mul3A_208 : vector<16xf32>
      %add3A_210 = arith.addf %scan3A_179, %get3A_207 : vector<16xf32>
      %get3A_211 = arith.index_cast %scan3A_167 : i32 to index
      %get3A_212 = arith.constant 64 : index
      %get3A_213 = tpu.vector_load %arg10[%get3A_211, %get3A_212] {strides = array<i32>} : memref<128x128xf32, #tpu.memory_space<vmem>>, vector<16xf32>,
      %mul3A_214 = arith.mulf %gather3A, %get3A_213 : vector<16xf32>
      %add3A_215 = arith.addf %scan3A_172, %mul3A_214 : vector<16xf32>
      %add3A_216 = arith.addf %scan3A_180, %get3A_213 : vector<16xf32>
      %get3A_217 = arith.index_cast %scan3A_167 : i32 to index
      %get3A_218 = arith.constant 80 : index
      %get3A_219 = tpu.vector_load %arg10[%get3A_217, %get3A_218] {strides = array<i32>} : memref<128x128xf32, #tpu.memory_space<vmem>>, vector<16xf32>,
      %mul3A_220 = arith.mulf %gather3A, %get3A_219 : vector<16xf32>
      %add3A_221 = arith.addf %scan3A_173, %mul3A_220 : vector<16xf32>
      %add3A_222 = arith.addf %scan3A_181, %get3A_219 : vector<16xf32>
      %get3A_223 = arith.index_cast %scan3A_167 : i32 to index
      %get3A_224 = arith.constant 96 : index
      %get3A_225 = tpu.vector_load %arg10[%get3A_223, %get3A_224] {strides = array<i32>} : memref<128x128xf32, #tpu.memory_space<vmem>>, vector<16xf32>,
      %mul3A_226 = arith.mulf %gather3A, %get3A_225 : vector<16xf32>
      %add3A_227 = arith.addf %scan3A_174, %mul3A_226 : vector<16xf32>
      %add3A_228 = arith.addf %scan3A_182, %get3A_225 : vector<16xf32>
      %get3A_229 = arith.index_cast %scan3A_167 : i32 to index
      %get3A_230 = arith.constant 112 : index
      %get3A_231 = tpu.vector_load %arg10[%get3A_229, %get3A_230] {strides = array<i32>} : memref<128x128xf32, #tpu.memory_space<vmem>>, vector<16xf32>,
      %mul3A_232 = arith.mulf %gather3A, %get3A_231 : vector<16xf32>
      %add3A_233 = arith.addf %scan3A_175, %mul3A_232 : vector<16xf32>
      %add3A_234 = arith.addf %scan3A_183, %get3A_231 : vector<16xf32>
      scf.yield %add3A_191, %add3A_197, %add3A_203, %add3A_209, %add3A_215, %add3A_221, %add3A_227, %add3A_233, %add3A_192, %add3A_198, %add3A_204, %add3A_210, %add3A_216, %add3A_222, %add3A_228, %add3A_234 : vector<16xf32>, vector<16xf32>, vector<16xf32>, vector<16xf32>, vector<16xf32>, vector<16xf32>, vector<16xf32>, vector<16xf32>, vector<16xf32>, vector<16xf32>, vector<16xf32>, vector<16xf32>, vector<16xf32>, vector<16xf32>, vector<16xf32>, vector<16xf32>
    }
    %scan3A_79 = arith.constant 128 : i32
    %dma_start3A_80 = arith.constant 0 : i32
    %dma_start3A_81 = arith.constant 0 : i32
    %dma_start3A_82 = tpu.memref_slice %arg10[%dma_start3A_80, %dma_start3A_81] : memref<128x128xf32, #tpu.memory_space<vmem>> -> memref<64x128xf32, #tpu.memory_space<vmem>>
    %dma_start3A_83 = arith.constant 256 : i32
    %dma_start3A_84 = tpu.memref_slice %arg8[%dma_start3A_83] : memref<320xi32, #tpu.memory_space<vmem>> -> memref<64xi32, #tpu.memory_space<vmem>>
    %dma_start3A_85 = arith.constant 0 : i32
    %dma_start3A_86 = arith.constant 0 : i32
    %dma_start3A_87 = tpu.memref_slice %arg2[%dma_start3A_85, %dma_start3A_86] : memref<10240x128xf32, #tpu.memory_space<hbm>> -> memref<10240x128xf32, #tpu.memory_space<hbm>>
    tpu.enqueue_indirect_dma source(%dma_start3A_87 : memref<10240x128xf32, #tpu.memory_space<hbm>>) target(%dma_start3A_82 : memref<64x128xf32, #tpu.memory_space<vmem>>) offsets(%dma_start3A_84 : memref<64xi32, #tpu.memory_space<vmem>>) semaphore(%arg15 : memref<!tpu.dma_semaphore, #tpu.memory_space<semaphore_mem>>)
    %dma_wait3A_88 = arith.constant 0 : i32
    %dma_wait3A_89 = arith.constant 0 : i32
    %dma_wait3A_90 = tpu.memref_slice %arg10[%dma_wait3A_88, %dma_wait3A_89] : memref<128x128xf32, #tpu.memory_space<vmem>> -> memref<64x128xf32, #tpu.memory_space<vmem>>
    %dma_wait3A_91 = arith.constant 256 : i32
    %dma_wait3A_92 = tpu.memref_slice %arg8[%dma_wait3A_91] : memref<320xi32, #tpu.memory_space<vmem>> -> memref<64xi32, #tpu.memory_space<vmem>>
    %dma_wait3A_93 = arith.constant 0 : i32
    %dma_wait3A_94 = arith.constant 0 : i32
    %dma_wait3A_95 = tpu.memref_slice %arg2[%dma_wait3A_93, %dma_wait3A_94] : memref<10240x128xf32, #tpu.memory_space<hbm>> -> memref<10240x128xf32, #tpu.memory_space<hbm>>
    tpu.wait_indirect_dma semaphore(%arg15 : memref<!tpu.dma_semaphore, #tpu.memory_space<semaphore_mem>>) src(%dma_wait3A_95 : memref<10240x128xf32, #tpu.memory_space<hbm>>) dst(%dma_wait3A_90 : memref<64x128xf32, #tpu.memory_space<vmem>>)
    %scan3A_96 = arith.constant 0 : i32
    %scan3A_97 = arith.constant 64 : i32
    %scan3A_98 = arith.addi %scan3A_96, %scan3A_97 : i32
    %scan3A_99 = arith.constant 1 : i32
    %scan3A_100:16 = scf.for %scan3A_167 = %scan3A_96 to %scan3A_98 step %scan3A_99 iter_args(%scan3A_168 = %scan3A_78#0, %scan3A_169 = %scan3A_78#1, %scan3A_170 = %scan3A_78#2, %scan3A_171 = %scan3A_78#3, %scan3A_172 = %scan3A_78#4, %scan3A_173 = %scan3A_78#5, %scan3A_174 = %scan3A_78#6, %scan3A_175 = %scan3A_78#7, %scan3A_176 = %scan3A_78#8, %scan3A_177 = %scan3A_78#9, %scan3A_178 = %scan3A_78#10, %scan3A_179 = %scan3A_78#11, %scan3A_180 = %scan3A_78#12, %scan3A_181 = %scan3A_78#13, %scan3A_182 = %scan3A_78#14, %scan3A_183 = %scan3A_78#15) -> (vector<16xf32>, vector<16xf32>, vector<16xf32>, vector<16xf32>, vector<16xf32>, vector<16xf32>, vector<16xf32>, vector<16xf32>, vector<16xf32>, vector<16xf32>, vector<16xf32>, vector<16xf32>, vector<16xf32>, vector<16xf32>, vector<16xf32>, vector<16xf32>)  : i32 {
      %broadcast_in_dim3A_184 = arith.constant 256 : i32
      %broadcast_in_dim3A_185 = vector.broadcast %broadcast_in_dim3A_184 : i32 to vector<16xi32>
      %add3A_186 = vector.broadcast %scan3A_167 : i32 to vector<16xi32>
      %add3A_187 = arith.addi %broadcast_in_dim3A_185, %add3A_186 : vector<16xi32>
      %gather3A = tpu.vector_load_idx %arg9[%add3A_187] : memref<320xf32, #tpu.memory_space<vmem>>[vector<16xi32>], vector<16xf32>,
      %get3A = arith.index_cast %scan3A_167 : i32 to index
      %get3A_188 = arith.constant 0 : index
      %get3A_189 = tpu.vector_load %arg10[%get3A, %get3A_188] {strides = array<i32>} : memref<128x128xf32, #tpu.memory_space<vmem>>, vector<16xf32>,
      %mul3A_190 = arith.mulf %gather3A, %get3A_189 : vector<16xf32>
      %add3A_191 = arith.addf %scan3A_168, %mul3A_190 : vector<16xf32>
      %add3A_192 = arith.addf %scan3A_176, %get3A_189 : vector<16xf32>
      %get3A_193 = arith.index_cast %scan3A_167 : i32 to index
      %get3A_194 = arith.constant 16 : index
      %get3A_195 = tpu.vector_load %arg10[%get3A_193, %get3A_194] {strides = array<i32>} : memref<128x128xf32, #tpu.memory_space<vmem>>, vector<16xf32>,
      %mul3A_196 = arith.mulf %gather3A, %get3A_195 : vector<16xf32>
      %add3A_197 = arith.addf %scan3A_169, %mul3A_196 : vector<16xf32>
      %add3A_198 = arith.addf %scan3A_177, %get3A_195 : vector<16xf32>
      %get3A_199 = arith.index_cast %scan3A_167 : i32 to index
      %get3A_200 = arith.constant 32 : index
      %get3A_201 = tpu.vector_load %arg10[%get3A_199, %get3A_200] {strides = array<i32>} : memref<128x128xf32, #tpu.memory_space<vmem>>, vector<16xf32>,
      %mul3A_202 = arith.mulf %gather3A, %get3A_201 : vector<16xf32>
      %add3A_203 = arith.addf %scan3A_170, %mul3A_202 : vector<16xf32>
      %add3A_204 = arith.addf %scan3A_178, %get3A_201 : vector<16xf32>
      %get3A_205 = arith.index_cast %scan3A_167 : i32 to index
      %get3A_206 = arith.constant 48 : index
      %get3A_207 = tpu.vector_load %arg10[%get3A_205, %get3A_206] {strides = array<i32>} : memref<128x128xf32, #tpu.memory_space<vmem>>, vector<16xf32>,
      %mul3A_208 = arith.mulf %gather3A, %get3A_207 : vector<16xf32>
      %add3A_209 = arith.addf %scan3A_171, %mul3A_208 : vector<16xf32>
      %add3A_210 = arith.addf %scan3A_179, %get3A_207 : vector<16xf32>
      %get3A_211 = arith.index_cast %scan3A_167 : i32 to index
      %get3A_212 = arith.constant 64 : index
      %get3A_213 = tpu.vector_load %arg10[%get3A_211, %get3A_212] {strides = array<i32>} : memref<128x128xf32, #tpu.memory_space<vmem>>, vector<16xf32>,
      %mul3A_214 = arith.mulf %gather3A, %get3A_213 : vector<16xf32>
      %add3A_215 = arith.addf %scan3A_172, %mul3A_214 : vector<16xf32>
      %add3A_216 = arith.addf %scan3A_180, %get3A_213 : vector<16xf32>
      %get3A_217 = arith.index_cast %scan3A_167 : i32 to index
      %get3A_218 = arith.constant 80 : index
      %get3A_219 = tpu.vector_load %arg10[%get3A_217, %get3A_218] {strides = array<i32>} : memref<128x128xf32, #tpu.memory_space<vmem>>, vector<16xf32>,
      %mul3A_220 = arith.mulf %gather3A, %get3A_219 : vector<16xf32>
      %add3A_221 = arith.addf %scan3A_173, %mul3A_220 : vector<16xf32>
      %add3A_222 = arith.addf %scan3A_181, %get3A_219 : vector<16xf32>
      %get3A_223 = arith.index_cast %scan3A_167 : i32 to index
      %get3A_224 = arith.constant 96 : index
      %get3A_225 = tpu.vector_load %arg10[%get3A_223, %get3A_224] {strides = array<i32>} : memref<128x128xf32, #tpu.memory_space<vmem>>, vector<16xf32>,
      %mul3A_226 = arith.mulf %gather3A, %get3A_225 : vector<16xf32>
      %add3A_227 = arith.addf %scan3A_174, %mul3A_226 : vector<16xf32>
      %add3A_228 = arith.addf %scan3A_182, %get3A_225 : vector<16xf32>
      %get3A_229 = arith.index_cast %scan3A_167 : i32 to index
      %get3A_230 = arith.constant 112 : index
      %get3A_231 = tpu.vector_load %arg10[%get3A_229, %get3A_230] {strides = array<i32>} : memref<128x128xf32, #tpu.memory_space<vmem>>, vector<16xf32>,
      %mul3A_232 = arith.mulf %gather3A, %get3A_231 : vector<16xf32>
      %add3A_233 = arith.addf %scan3A_175, %mul3A_232 : vector<16xf32>
      %add3A_234 = arith.addf %scan3A_183, %get3A_231 : vector<16xf32>
      scf.yield %add3A_191, %add3A_197, %add3A_203, %add3A_209, %add3A_215, %add3A_221, %add3A_227, %add3A_233, %add3A_192, %add3A_198, %add3A_204, %add3A_210, %add3A_216, %add3A_222, %add3A_228, %add3A_234 : vector<16xf32>, vector<16xf32>, vector<16xf32>, vector<16xf32>, vector<16xf32>, vector<16xf32>, vector<16xf32>, vector<16xf32>, vector<16xf32>, vector<16xf32>, vector<16xf32>, vector<16xf32>, vector<16xf32>, vector<16xf32>, vector<16xf32>, vector<16xf32>
    }
    %scan3A_101 = arith.constant 64 : i32
    %swap3A = arith.constant 0 : i32
    %swap3A_102 = arith.index_cast %swap3A : i32 to index
    %swap3A_103 = arith.constant 0 : index
    %swap3A_104 = tpu.vector_load %arg12[%swap3A_102, %swap3A_103] {strides = array<i32>} : memref<2x128xf32, #tpu.memory_space<vmem>>, vector<16xf32>,
    tpu.vector_store %arg12[%swap3A_102, %swap3A_103], %scan3A_100#0 {strides = array<i32>} : memref<2x128xf32, #tpu.memory_space<vmem>>, vector<16xf32>,
    %swap3A_105 = arith.constant 1 : i32
    %swap3A_106 = arith.index_cast %swap3A_105 : i32 to index
    %swap3A_107 = arith.constant 0 : index
    %swap3A_108 = tpu.vector_load %arg12[%swap3A_106, %swap3A_107] {strides = array<i32>} : memref<2x128xf32, #tpu.memory_space<vmem>>, vector<16xf32>,
    tpu.vector_store %arg12[%swap3A_106, %swap3A_107], %scan3A_100#8 {strides = array<i32>} : memref<2x128xf32, #tpu.memory_space<vmem>>, vector<16xf32>,
    %swap3A_109 = arith.constant 0 : i32
    %swap3A_110 = arith.index_cast %swap3A_109 : i32 to index
    %swap3A_111 = arith.constant 16 : index
    %swap3A_112 = tpu.vector_load %arg12[%swap3A_110, %swap3A_111] {strides = array<i32>} : memref<2x128xf32, #tpu.memory_space<vmem>>, vector<16xf32>,
    tpu.vector_store %arg12[%swap3A_110, %swap3A_111], %scan3A_100#1 {strides = array<i32>} : memref<2x128xf32, #tpu.memory_space<vmem>>, vector<16xf32>,
    %swap3A_113 = arith.constant 1 : i32
    %swap3A_114 = arith.index_cast %swap3A_113 : i32 to index
    %swap3A_115 = arith.constant 16 : index
    %swap3A_116 = tpu.vector_load %arg12[%swap3A_114, %swap3A_115] {strides = array<i32>} : memref<2x128xf32, #tpu.memory_space<vmem>>, vector<16xf32>,
    tpu.vector_store %arg12[%swap3A_114, %swap3A_115], %scan3A_100#9 {strides = array<i32>} : memref<2x128xf32, #tpu.memory_space<vmem>>, vector<16xf32>,
    %swap3A_117 = arith.constant 0 : i32
    %swap3A_118 = arith.index_cast %swap3A_117 : i32 to index
    %swap3A_119 = arith.constant 32 : index
    %swap3A_120 = tpu.vector_load %arg12[%swap3A_118, %swap3A_119] {strides = array<i32>} : memref<2x128xf32, #tpu.memory_space<vmem>>, vector<16xf32>,
    tpu.vector_store %arg12[%swap3A_118, %swap3A_119], %scan3A_100#2 {strides = array<i32>} : memref<2x128xf32, #tpu.memory_space<vmem>>, vector<16xf32>,
    %swap3A_121 = arith.constant 1 : i32
    %swap3A_122 = arith.index_cast %swap3A_121 : i32 to index
    %swap3A_123 = arith.constant 32 : index
    %swap3A_124 = tpu.vector_load %arg12[%swap3A_122, %swap3A_123] {strides = array<i32>} : memref<2x128xf32, #tpu.memory_space<vmem>>, vector<16xf32>,
    tpu.vector_store %arg12[%swap3A_122, %swap3A_123], %scan3A_100#10 {strides = array<i32>} : memref<2x128xf32, #tpu.memory_space<vmem>>, vector<16xf32>,
    %swap3A_125 = arith.constant 0 : i32
    %swap3A_126 = arith.index_cast %swap3A_125 : i32 to index
    %swap3A_127 = arith.constant 48 : index
    %swap3A_128 = tpu.vector_load %arg12[%swap3A_126, %swap3A_127] {strides = array<i32>} : memref<2x128xf32, #tpu.memory_space<vmem>>, vector<16xf32>,
    tpu.vector_store %arg12[%swap3A_126, %swap3A_127], %scan3A_100#3 {strides = array<i32>} : memref<2x128xf32, #tpu.memory_space<vmem>>, vector<16xf32>,
    %swap3A_129 = arith.constant 1 : i32
    %swap3A_130 = arith.index_cast %swap3A_129 : i32 to index
    %swap3A_131 = arith.constant 48 : index
    %swap3A_132 = tpu.vector_load %arg12[%swap3A_130, %swap3A_131] {strides = array<i32>} : memref<2x128xf32, #tpu.memory_space<vmem>>, vector<16xf32>,
    tpu.vector_store %arg12[%swap3A_130, %swap3A_131], %scan3A_100#11 {strides = array<i32>} : memref<2x128xf32, #tpu.memory_space<vmem>>, vector<16xf32>,
    %swap3A_133 = arith.constant 0 : i32
    %swap3A_134 = arith.index_cast %swap3A_133 : i32 to index
    %swap3A_135 = arith.constant 64 : index
    %swap3A_136 = tpu.vector_load %arg12[%swap3A_134, %swap3A_135] {strides = array<i32>} : memref<2x128xf32, #tpu.memory_space<vmem>>, vector<16xf32>,
    tpu.vector_store %arg12[%swap3A_134, %swap3A_135], %scan3A_100#4 {strides = array<i32>} : memref<2x128xf32, #tpu.memory_space<vmem>>, vector<16xf32>,
    %swap3A_137 = arith.constant 1 : i32
    %swap3A_138 = arith.index_cast %swap3A_137 : i32 to index
    %swap3A_139 = arith.constant 64 : index
    %swap3A_140 = tpu.vector_load %arg12[%swap3A_138, %swap3A_139] {strides = array<i32>} : memref<2x128xf32, #tpu.memory_space<vmem>>, vector<16xf32>,
    tpu.vector_store %arg12[%swap3A_138, %swap3A_139], %scan3A_100#12 {strides = array<i32>} : memref<2x128xf32, #tpu.memory_space<vmem>>, vector<16xf32>,
    %swap3A_141 = arith.constant 0 : i32
    %swap3A_142 = arith.index_cast %swap3A_141 : i32 to index
    %swap3A_143 = arith.constant 80 : index
    %swap3A_144 = tpu.vector_load %arg12[%swap3A_142, %swap3A_143] {strides = array<i32>} : memref<2x128xf32, #tpu.memory_space<vmem>>, vector<16xf32>,
    tpu.vector_store %arg12[%swap3A_142, %swap3A_143], %scan3A_100#5 {strides = array<i32>} : memref<2x128xf32, #tpu.memory_space<vmem>>, vector<16xf32>,
    %swap3A_145 = arith.constant 1 : i32
    %swap3A_146 = arith.index_cast %swap3A_145 : i32 to index
    %swap3A_147 = arith.constant 80 : index
    %swap3A_148 = tpu.vector_load %arg12[%swap3A_146, %swap3A_147] {strides = array<i32>} : memref<2x128xf32, #tpu.memory_space<vmem>>, vector<16xf32>,
    tpu.vector_store %arg12[%swap3A_146, %swap3A_147], %scan3A_100#13 {strides = array<i32>} : memref<2x128xf32, #tpu.memory_space<vmem>>, vector<16xf32>,
    %swap3A_149 = arith.constant 0 : i32
    %swap3A_150 = arith.index_cast %swap3A_149 : i32 to index
    %swap3A_151 = arith.constant 96 : index
    %swap3A_152 = tpu.vector_load %arg12[%swap3A_150, %swap3A_151] {strides = array<i32>} : memref<2x128xf32, #tpu.memory_space<vmem>>, vector<16xf32>,
    tpu.vector_store %arg12[%swap3A_150, %swap3A_151], %scan3A_100#6 {strides = array<i32>} : memref<2x128xf32, #tpu.memory_space<vmem>>, vector<16xf32>,
    %swap3A_153 = arith.constant 1 : i32
    %swap3A_154 = arith.index_cast %swap3A_153 : i32 to index
    %swap3A_155 = arith.constant 96 : index
    %swap3A_156 = tpu.vector_load %arg12[%swap3A_154, %swap3A_155] {strides = array<i32>} : memref<2x128xf32, #tpu.memory_space<vmem>>, vector<16xf32>,
    tpu.vector_store %arg12[%swap3A_154, %swap3A_155], %scan3A_100#14 {strides = array<i32>} : memref<2x128xf32, #tpu.memory_space<vmem>>, vector<16xf32>,
    %swap3A_157 = arith.constant 0 : i32
    %swap3A_158 = arith.index_cast %swap3A_157 : i32 to index
    %swap3A_159 = arith.constant 112 : index
    %swap3A_160 = tpu.vector_load %arg12[%swap3A_158, %swap3A_159] {strides = array<i32>} : memref<2x128xf32, #tpu.memory_space<vmem>>, vector<16xf32>,
    tpu.vector_store %arg12[%swap3A_158, %swap3A_159], %scan3A_100#7 {strides = array<i32>} : memref<2x128xf32, #tpu.memory_space<vmem>>, vector<16xf32>,
    %swap3A_161 = arith.constant 1 : i32
    %swap3A_162 = arith.index_cast %swap3A_161 : i32 to index
    %swap3A_163 = arith.constant 112 : index
    %swap3A_164 = tpu.vector_load %arg12[%swap3A_162, %swap3A_163] {strides = array<i32>} : memref<2x128xf32, #tpu.memory_space<vmem>>, vector<16xf32>,
    tpu.vector_store %arg12[%swap3A_162, %swap3A_163], %scan3A_100#15 {strides = array<i32>} : memref<2x128xf32, #tpu.memory_space<vmem>>, vector<16xf32>,
    "tpu.region"() ({
      %run_scoped3A = tpu.sem_alloc : memref<!tpu.dma_semaphore, #tpu.memory_space<semaphore_mem>>
      %dma_start3A_167 = arith.constant 0 : i32
      %dma_start3A_168 = arith.constant 0 : i32
      %dma_start3A_169 = tpu.memref_slice %arg6[%add3A, %dma_start3A_167, %dma_start3A_168] : memref<32x2x128xf32, #tpu.memory_space<hbm>> -> memref<1x2x128xf32, #tpu.memory_space<hbm>>
      %dma_start3A_170 = tpu.memref_squeeze %dma_start3A_169 : memref<1x2x128xf32, #tpu.memory_space<hbm>> -> memref<2x128xf32, #tpu.memory_space<hbm>>
      %dma_start3A_171 = arith.constant 0 : i32
      %dma_start3A_172 = arith.constant 0 : i32
      %dma_start3A_173 = tpu.memref_slice %arg6[%add3A, %dma_start3A_171, %dma_start3A_172] : memref<32x2x128xf32, #tpu.memory_space<hbm>> -> memref<1x2x128xf32, #tpu.memory_space<hbm>>
      %dma_start3A_174 = tpu.memref_squeeze %dma_start3A_173 : memref<1x2x128xf32, #tpu.memory_space<hbm>> -> memref<2x128xf32, #tpu.memory_space<hbm>>
      tpu.enqueue_dma source(%arg12 : memref<2x128xf32, #tpu.memory_space<vmem>>) target(%dma_start3A_174 : memref<2x128xf32, #tpu.memory_space<hbm>>) target_semaphore(%run_scoped3A : memref<!tpu.dma_semaphore, #tpu.memory_space<semaphore_mem>>)
      %dma_wait3A_175 = arith.constant 0 : i32
      %dma_wait3A_176 = arith.constant 0 : i32
      %dma_wait3A_177 = tpu.memref_slice %arg6[%add3A, %dma_wait3A_175, %dma_wait3A_176] : memref<32x2x128xf32, #tpu.memory_space<hbm>> -> memref<1x2x128xf32, #tpu.memory_space<hbm>>
      %dma_wait3A_178 = tpu.memref_squeeze %dma_wait3A_177 : memref<1x2x128xf32, #tpu.memory_space<hbm>> -> memref<2x128xf32, #tpu.memory_space<hbm>>
      %dma_wait3A_179 = arith.constant 0 : i32
      %dma_wait3A_180 = arith.constant 0 : i32
      %dma_wait3A_181 = tpu.memref_slice %arg6[%add3A, %dma_wait3A_179, %dma_wait3A_180] : memref<32x2x128xf32, #tpu.memory_space<hbm>> -> memref<1x2x128xf32, #tpu.memory_space<hbm>>
      %dma_wait3A_182 = tpu.memref_squeeze %dma_wait3A_181 : memref<1x2x128xf32, #tpu.memory_space<hbm>> -> memref<2x128xf32, #tpu.memory_space<hbm>>
      tpu.wait_dma2 semaphore(%run_scoped3A : memref<!tpu.dma_semaphore, #tpu.memory_space<semaphore_mem>>) src(%arg12 : memref<2x128xf32, #tpu.memory_space<vmem>>) dst(%dma_wait3A_182 : memref<2x128xf32, #tpu.memory_space<hbm>>)
      tpu.yield
    }) : () -> ()
    %eq3A = arith.constant 0 : i32
    %eq3A_165 = arith.cmpi eq, %add3A, %eq3A : i32
    %convert_element_type3A = arith.extui %eq3A_165 : i1 to i32
    %cond3A = arith.constant 0 : i32
    %cond3A_166 = arith.cmpi ne, %convert_element_type3A, %cond3A : i32
    scf.if %cond3A_166 {
      "tpu.region"() ({
        %run_scoped3A = tpu.sem_alloc : memref<!tpu.dma_semaphore, #tpu.memory_space<semaphore_mem>>
        tpu.enqueue_dma source(%arg5 : memref<16xi32, #tpu.memory_space<hbm>>) target(%arg13 : memref<16xi32, #tpu.memory_space<vmem>>) target_semaphore(%run_scoped3A : memref<!tpu.dma_semaphore, #tpu.memory_space<semaphore_mem>>)
        tpu.wait_dma2 semaphore(%run_scoped3A : memref<!tpu.dma_semaphore, #tpu.memory_space<semaphore_mem>>) src(%arg5 : memref<16xi32, #tpu.memory_space<hbm>>) dst(%arg13 : memref<16xi32, #tpu.memory_space<vmem>>)
        tpu.yield
      }) : () -> ()
      %dma_start3A_167 = arith.constant 0 : i32
      %dma_start3A_168 = arith.constant 0 : i32
      %dma_start3A_169 = tpu.memref_slice %arg2[%dma_start3A_167, %dma_start3A_168] : memref<10240x128xf32, #tpu.memory_space<hbm>> -> memref<10240x128xf32, #tpu.memory_space<hbm>>
      tpu.enqueue_indirect_dma source(%dma_start3A_169 : memref<10240x128xf32, #tpu.memory_space<hbm>>) target(%arg14 : memref<16x128xf32, #tpu.memory_space<vmem>>) offsets(%arg13 : memref<16xi32, #tpu.memory_space<vmem>>) semaphore(%arg15 : memref<!tpu.dma_semaphore, #tpu.memory_space<semaphore_mem>>)
      %dma_wait3A_170 = arith.constant 0 : i32
      %dma_wait3A_171 = arith.constant 0 : i32
      %dma_wait3A_172 = tpu.memref_slice %arg2[%dma_wait3A_170, %dma_wait3A_171] : memref<10240x128xf32, #tpu.memory_space<hbm>> -> memref<10240x128xf32, #tpu.memory_space<hbm>>
      tpu.wait_indirect_dma semaphore(%arg15 : memref<!tpu.dma_semaphore, #tpu.memory_space<semaphore_mem>>) src(%dma_wait3A_172 : memref<10240x128xf32, #tpu.memory_space<hbm>>) dst(%arg14 : memref<16x128xf32, #tpu.memory_space<vmem>>)
      "tpu.region"() ({
        %run_scoped3A = tpu.sem_alloc : memref<!tpu.dma_semaphore, #tpu.memory_space<semaphore_mem>>
        %dma_start3A_173 = arith.constant 0 : i32
        %dma_start3A_174 = arith.constant 0 : i32
        %dma_start3A_175 = tpu.memref_slice %arg14[%dma_start3A_173, %dma_start3A_174] : memref<16x128xf32, #tpu.memory_space<vmem>> -> memref<1x128xf32, #tpu.memory_space<vmem>>
        %dma_start3A_176 = arith.constant 0 : i32
        %dma_start3A_177 = arith.constant 0 : i32
        %dma_start3A_178 = tpu.memref_slice %arg14[%dma_start3A_176, %dma_start3A_177] : memref<16x128xf32, #tpu.memory_space<vmem>> -> memref<1x128xf32, #tpu.memory_space<vmem>>
        tpu.enqueue_dma source(%dma_start3A_178 : memref<1x128xf32, #tpu.memory_space<vmem>>) target(%arg7 : memref<1x128xf32, #tpu.memory_space<hbm>>) target_semaphore(%run_scoped3A : memref<!tpu.dma_semaphore, #tpu.memory_space<semaphore_mem>>)
        %dma_wait3A_179 = arith.constant 0 : i32
        %dma_wait3A_180 = arith.constant 0 : i32
        %dma_wait3A_181 = tpu.memref_slice %arg14[%dma_wait3A_179, %dma_wait3A_180] : memref<16x128xf32, #tpu.memory_space<vmem>> -> memref<1x128xf32, #tpu.memory_space<vmem>>
        %dma_wait3A_182 = arith.constant 0 : i32
        %dma_wait3A_183 = arith.constant 0 : i32
        %dma_wait3A_184 = tpu.memref_slice %arg14[%dma_wait3A_182, %dma_wait3A_183] : memref<16x128xf32, #tpu.memory_space<vmem>> -> memref<1x128xf32, #tpu.memory_space<vmem>>
        tpu.wait_dma2 semaphore(%run_scoped3A : memref<!tpu.dma_semaphore, #tpu.memory_space<semaphore_mem>>) src(%dma_wait3A_184 : memref<1x128xf32, #tpu.memory_space<vmem>>) dst(%arg7 : memref<1x128xf32, #tpu.memory_space<hbm>>)
        tpu.yield
      }) : () -> ()
    } else {
    }
    return
  }
}

#map = affine_map<(d0, d1) -> (0, 0, 0)>
module attributes {stable_mosaic.version = 14 : i64} {
  func.func @k(%arg0: i32, %arg1: i32, %arg2: memref<16x158x128xi32, #tpu.memory_space<hbm>>, %arg3: memref<2x5248x16xf32, #tpu.memory_space<hbm>>, %arg4: memref<158x128xi32, #tpu.memory_space<vmem>>, %arg5: memref<128x16xf32, #tpu.memory_space<vmem>>, %arg6: memref<128x16xf32, #tpu.memory_space<vmem>>, %arg7: memref<5248x16xf32, #tpu.memory_space<vmem_shared>>) attributes {dimension_semantics = [#tpu.dimension_semantics<core_parallel>, #tpu.dimension_semantics<subcore_parallel>], iteration_bounds = array<i64: 2, 16>, scalar_prefetch = 0 : i64, scratch_operands = 4 : i64, tpu.core_type = #tpu.core_type<sc_vector_subcore>, window_params = [{transform_indices = #map}, {transform_indices = #map}]} {
    %scan3A = arith.constant 0 : i32
    %scan3A_0 = arith.constant 0 : i32
    %scan3A_1 = arith.constant 128 : i32
    %scan3A_2 = arith.addi %scan3A_0, %scan3A_1 : i32
    %scan3A_3 = arith.constant 1 : i32
    %scan3A_4 = scf.for %scan3A_31 = %scan3A_0 to %scan3A_2 step %scan3A_3 iter_args(%scan3A_32 = %scan3A) -> (i32)  : i32 {
      %broadcast_in_dim3A_33 = arith.constant 1.000000e+00 : f32
      %broadcast_in_dim3A_34 = vector.broadcast %broadcast_in_dim3A_33 : f32 to vector<16xf32>
      %swap3A = arith.index_cast %scan3A_31 : i32 to index
      %swap3A_35 = arith.constant 0 : index
      %swap3A_36 = tpu.vector_load %arg5[%swap3A, %swap3A_35] {strides = array<i32>} : memref<128x16xf32, #tpu.memory_space<vmem>>, vector<1x16xf32>,
      %swap3A_37 = vector.shape_cast %swap3A_36 : vector<1x16xf32> to vector<16xf32>
      %swap3A_38 = vector.shape_cast %broadcast_in_dim3A_34 : vector<16xf32> to vector<1x16xf32>
      tpu.vector_store %arg5[%swap3A, %swap3A_35], %swap3A_38 {strides = array<i32>} : memref<128x16xf32, #tpu.memory_space<vmem>>, vector<1x16xf32>,
      %broadcast_in_dim3A_39 = arith.constant 0.000000e+00 : f32
      %broadcast_in_dim3A_40 = vector.broadcast %broadcast_in_dim3A_39 : f32 to vector<16xf32>
      %swap3A_41 = arith.index_cast %scan3A_31 : i32 to index
      %swap3A_42 = arith.constant 0 : index
      %swap3A_43 = tpu.vector_load %arg6[%swap3A_41, %swap3A_42] {strides = array<i32>} : memref<128x16xf32, #tpu.memory_space<vmem>>, vector<1x16xf32>,
      %swap3A_44 = vector.shape_cast %swap3A_43 : vector<1x16xf32> to vector<16xf32>
      %swap3A_45 = vector.shape_cast %broadcast_in_dim3A_40 : vector<16xf32> to vector<1x16xf32>
      tpu.vector_store %arg6[%swap3A_41, %swap3A_42], %swap3A_45 {strides = array<i32>} : memref<128x16xf32, #tpu.memory_space<vmem>>, vector<1x16xf32>,
      %scan3A_46 = arith.constant 0 : i32
      scf.yield %scan3A_46 : i32
    }
    %scan3A_5 = arith.constant 128 : i32
    %mul3A = arith.constant 328 : i32
    %mul3A_6 = arith.muli %arg1, %mul3A : i32
    %add3A = arith.constant 0 : i32
    %add3A_7 = arith.addi %mul3A_6, %add3A : i32
    "tpu.region"() ({
      %run_scoped3A = tpu.sem_alloc : memref<!tpu.dma_semaphore, #tpu.memory_space<semaphore_mem>>
      %dma_start3A = arith.constant 0 : i32
      %dma_start3A_31 = arith.constant 0 : i32
      %dma_start3A_32 = tpu.memref_slice %arg6[%dma_start3A, %dma_start3A_31] : memref<128x16xf32, #tpu.memory_space<vmem>> -> memref<128x16xf32, #tpu.memory_space<vmem>>
      %dma_start3A_33 = arith.constant 0 : i32
      %dma_start3A_34 = tpu.memref_slice %arg7[%add3A_7, %dma_start3A_33] : memref<5248x16xf32, #tpu.memory_space<vmem_shared>> -> memref<128x16xf32, #tpu.memory_space<vmem_shared>>
      %dma_start3A_35 = arith.constant 0 : i32
      %dma_start3A_36 = tpu.memref_slice %arg7[%add3A_7, %dma_start3A_35] : memref<5248x16xf32, #tpu.memory_space<vmem_shared>> -> memref<128x16xf32, #tpu.memory_space<vmem_shared>>
      %dma_start3A_37 = arith.constant 0 : i32
      %dma_start3A_38 = arith.constant 0 : i32
      %dma_start3A_39 = tpu.memref_slice %arg6[%dma_start3A_37, %dma_start3A_38] : memref<128x16xf32, #tpu.memory_space<vmem>> -> memref<128x16xf32, #tpu.memory_space<vmem>>
      tpu.enqueue_dma source(%dma_start3A_39 : memref<128x16xf32, #tpu.memory_space<vmem>>) target(%dma_start3A_36 : memref<128x16xf32, #tpu.memory_space<vmem_shared>>) target_semaphore(%run_scoped3A : memref<!tpu.dma_semaphore, #tpu.memory_space<semaphore_mem>>)
      %dma_wait3A = arith.constant 0 : i32
      %dma_wait3A_40 = arith.constant 0 : i32
      %dma_wait3A_41 = tpu.memref_slice %arg6[%dma_wait3A, %dma_wait3A_40] : memref<128x16xf32, #tpu.memory_space<vmem>> -> memref<128x16xf32, #tpu.memory_space<vmem>>
      %dma_wait3A_42 = arith.constant 0 : i32
      %dma_wait3A_43 = tpu.memref_slice %arg7[%add3A_7, %dma_wait3A_42] : memref<5248x16xf32, #tpu.memory_space<vmem_shared>> -> memref<128x16xf32, #tpu.memory_space<vmem_shared>>
      %dma_wait3A_44 = arith.constant 0 : i32
      %dma_wait3A_45 = tpu.memref_slice %arg7[%add3A_7, %dma_wait3A_44] : memref<5248x16xf32, #tpu.memory_space<vmem_shared>> -> memref<128x16xf32, #tpu.memory_space<vmem_shared>>
      %dma_wait3A_46 = arith.constant 0 : i32
      %dma_wait3A_47 = arith.constant 0 : i32
      %dma_wait3A_48 = tpu.memref_slice %arg6[%dma_wait3A_46, %dma_wait3A_47] : memref<128x16xf32, #tpu.memory_space<vmem>> -> memref<128x16xf32, #tpu.memory_space<vmem>>
      tpu.wait_dma2 semaphore(%run_scoped3A : memref<!tpu.dma_semaphore, #tpu.memory_space<semaphore_mem>>) src(%dma_wait3A_48 : memref<128x16xf32, #tpu.memory_space<vmem>>) dst(%dma_wait3A_45 : memref<128x16xf32, #tpu.memory_space<vmem_shared>>)
      tpu.yield
    }) : () -> ()
    %add3A_8 = arith.constant 128 : i32
    %add3A_9 = arith.addi %mul3A_6, %add3A_8 : i32
    "tpu.region"() ({
      %run_scoped3A = tpu.sem_alloc : memref<!tpu.dma_semaphore, #tpu.memory_space<semaphore_mem>>
      %dma_start3A = arith.constant 0 : i32
      %dma_start3A_31 = arith.constant 0 : i32
      %dma_start3A_32 = tpu.memref_slice %arg6[%dma_start3A, %dma_start3A_31] : memref<128x16xf32, #tpu.memory_space<vmem>> -> memref<128x16xf32, #tpu.memory_space<vmem>>
      %dma_start3A_33 = arith.constant 0 : i32
      %dma_start3A_34 = tpu.memref_slice %arg7[%add3A_9, %dma_start3A_33] : memref<5248x16xf32, #tpu.memory_space<vmem_shared>> -> memref<128x16xf32, #tpu.memory_space<vmem_shared>>
      %dma_start3A_35 = arith.constant 0 : i32
      %dma_start3A_36 = tpu.memref_slice %arg7[%add3A_9, %dma_start3A_35] : memref<5248x16xf32, #tpu.memory_space<vmem_shared>> -> memref<128x16xf32, #tpu.memory_space<vmem_shared>>
      %dma_start3A_37 = arith.constant 0 : i32
      %dma_start3A_38 = arith.constant 0 : i32
      %dma_start3A_39 = tpu.memref_slice %arg6[%dma_start3A_37, %dma_start3A_38] : memref<128x16xf32, #tpu.memory_space<vmem>> -> memref<128x16xf32, #tpu.memory_space<vmem>>
      tpu.enqueue_dma source(%dma_start3A_39 : memref<128x16xf32, #tpu.memory_space<vmem>>) target(%dma_start3A_36 : memref<128x16xf32, #tpu.memory_space<vmem_shared>>) target_semaphore(%run_scoped3A : memref<!tpu.dma_semaphore, #tpu.memory_space<semaphore_mem>>)
      %dma_wait3A = arith.constant 0 : i32
      %dma_wait3A_40 = arith.constant 0 : i32
      %dma_wait3A_41 = tpu.memref_slice %arg6[%dma_wait3A, %dma_wait3A_40] : memref<128x16xf32, #tpu.memory_space<vmem>> -> memref<128x16xf32, #tpu.memory_space<vmem>>
      %dma_wait3A_42 = arith.constant 0 : i32
      %dma_wait3A_43 = tpu.memref_slice %arg7[%add3A_9, %dma_wait3A_42] : memref<5248x16xf32, #tpu.memory_space<vmem_shared>> -> memref<128x16xf32, #tpu.memory_space<vmem_shared>>
      %dma_wait3A_44 = arith.constant 0 : i32
      %dma_wait3A_45 = tpu.memref_slice %arg7[%add3A_9, %dma_wait3A_44] : memref<5248x16xf32, #tpu.memory_space<vmem_shared>> -> memref<128x16xf32, #tpu.memory_space<vmem_shared>>
      %dma_wait3A_46 = arith.constant 0 : i32
      %dma_wait3A_47 = arith.constant 0 : i32
      %dma_wait3A_48 = tpu.memref_slice %arg6[%dma_wait3A_46, %dma_wait3A_47] : memref<128x16xf32, #tpu.memory_space<vmem>> -> memref<128x16xf32, #tpu.memory_space<vmem>>
      tpu.wait_dma2 semaphore(%run_scoped3A : memref<!tpu.dma_semaphore, #tpu.memory_space<semaphore_mem>>) src(%dma_wait3A_48 : memref<128x16xf32, #tpu.memory_space<vmem>>) dst(%dma_wait3A_45 : memref<128x16xf32, #tpu.memory_space<vmem_shared>>)
      tpu.yield
    }) : () -> ()
    %add3A_10 = arith.constant 256 : i32
    %add3A_11 = arith.addi %mul3A_6, %add3A_10 : i32
    "tpu.region"() ({
      %run_scoped3A = tpu.sem_alloc : memref<!tpu.dma_semaphore, #tpu.memory_space<semaphore_mem>>
      %dma_start3A = arith.constant 0 : i32
      %dma_start3A_31 = arith.constant 0 : i32
      %dma_start3A_32 = tpu.memref_slice %arg6[%dma_start3A, %dma_start3A_31] : memref<128x16xf32, #tpu.memory_space<vmem>> -> memref<72x16xf32, #tpu.memory_space<vmem>>
      %dma_start3A_33 = arith.constant 0 : i32
      %dma_start3A_34 = tpu.memref_slice %arg7[%add3A_11, %dma_start3A_33] : memref<5248x16xf32, #tpu.memory_space<vmem_shared>> -> memref<72x16xf32, #tpu.memory_space<vmem_shared>>
      %dma_start3A_35 = arith.constant 0 : i32
      %dma_start3A_36 = tpu.memref_slice %arg7[%add3A_11, %dma_start3A_35] : memref<5248x16xf32, #tpu.memory_space<vmem_shared>> -> memref<72x16xf32, #tpu.memory_space<vmem_shared>>
      %dma_start3A_37 = arith.constant 0 : i32
      %dma_start3A_38 = arith.constant 0 : i32
      %dma_start3A_39 = tpu.memref_slice %arg6[%dma_start3A_37, %dma_start3A_38] : memref<128x16xf32, #tpu.memory_space<vmem>> -> memref<72x16xf32, #tpu.memory_space<vmem>>
      tpu.enqueue_dma source(%dma_start3A_39 : memref<72x16xf32, #tpu.memory_space<vmem>>) target(%dma_start3A_36 : memref<72x16xf32, #tpu.memory_space<vmem_shared>>) target_semaphore(%run_scoped3A : memref<!tpu.dma_semaphore, #tpu.memory_space<semaphore_mem>>)
      %dma_wait3A = arith.constant 0 : i32
      %dma_wait3A_40 = arith.constant 0 : i32
      %dma_wait3A_41 = tpu.memref_slice %arg6[%dma_wait3A, %dma_wait3A_40] : memref<128x16xf32, #tpu.memory_space<vmem>> -> memref<72x16xf32, #tpu.memory_space<vmem>>
      %dma_wait3A_42 = arith.constant 0 : i32
      %dma_wait3A_43 = tpu.memref_slice %arg7[%add3A_11, %dma_wait3A_42] : memref<5248x16xf32, #tpu.memory_space<vmem_shared>> -> memref<72x16xf32, #tpu.memory_space<vmem_shared>>
      %dma_wait3A_44 = arith.constant 0 : i32
      %dma_wait3A_45 = tpu.memref_slice %arg7[%add3A_11, %dma_wait3A_44] : memref<5248x16xf32, #tpu.memory_space<vmem_shared>> -> memref<72x16xf32, #tpu.memory_space<vmem_shared>>
      %dma_wait3A_46 = arith.constant 0 : i32
      %dma_wait3A_47 = arith.constant 0 : i32
      %dma_wait3A_48 = tpu.memref_slice %arg6[%dma_wait3A_46, %dma_wait3A_47] : memref<128x16xf32, #tpu.memory_space<vmem>> -> memref<72x16xf32, #tpu.memory_space<vmem>>
      tpu.wait_dma2 semaphore(%run_scoped3A : memref<!tpu.dma_semaphore, #tpu.memory_space<semaphore_mem>>) src(%dma_wait3A_48 : memref<72x16xf32, #tpu.memory_space<vmem>>) dst(%dma_wait3A_45 : memref<72x16xf32, #tpu.memory_space<vmem_shared>>)
      tpu.yield
    }) : () -> ()
    "tpu.region"() ({
      %run_scoped3A = tpu.sem_alloc : memref<!tpu.dma_semaphore, #tpu.memory_space<semaphore_mem>>
      %dma_start3A = arith.constant 0 : i32
      %dma_start3A_31 = arith.constant 0 : i32
      %dma_start3A_32 = tpu.memref_slice %arg2[%arg1, %dma_start3A, %dma_start3A_31] : memref<16x158x128xi32, #tpu.memory_space<hbm>> -> memref<1x158x128xi32, #tpu.memory_space<hbm>>
      %dma_start3A_33 = tpu.memref_squeeze %dma_start3A_32 : memref<1x158x128xi32, #tpu.memory_space<hbm>> -> memref<158x128xi32, #tpu.memory_space<hbm>>
      %dma_start3A_34 = arith.constant 0 : i32
      %dma_start3A_35 = arith.constant 0 : i32
      %dma_start3A_36 = tpu.memref_slice %arg2[%arg1, %dma_start3A_34, %dma_start3A_35] : memref<16x158x128xi32, #tpu.memory_space<hbm>> -> memref<1x158x128xi32, #tpu.memory_space<hbm>>
      %dma_start3A_37 = tpu.memref_squeeze %dma_start3A_36 : memref<1x158x128xi32, #tpu.memory_space<hbm>> -> memref<158x128xi32, #tpu.memory_space<hbm>>
      tpu.enqueue_dma source(%dma_start3A_37 : memref<158x128xi32, #tpu.memory_space<hbm>>) target(%arg4 : memref<158x128xi32, #tpu.memory_space<vmem>>) target_semaphore(%run_scoped3A : memref<!tpu.dma_semaphore, #tpu.memory_space<semaphore_mem>>)
      %dma_wait3A = arith.constant 0 : i32
      %dma_wait3A_38 = arith.constant 0 : i32
      %dma_wait3A_39 = tpu.memref_slice %arg2[%arg1, %dma_wait3A, %dma_wait3A_38] : memref<16x158x128xi32, #tpu.memory_space<hbm>> -> memref<1x158x128xi32, #tpu.memory_space<hbm>>
      %dma_wait3A_40 = tpu.memref_squeeze %dma_wait3A_39 : memref<1x158x128xi32, #tpu.memory_space<hbm>> -> memref<158x128xi32, #tpu.memory_space<hbm>>
      %dma_wait3A_41 = arith.constant 0 : i32
      %dma_wait3A_42 = arith.constant 0 : i32
      %dma_wait3A_43 = tpu.memref_slice %arg2[%arg1, %dma_wait3A_41, %dma_wait3A_42] : memref<16x158x128xi32, #tpu.memory_space<hbm>> -> memref<1x158x128xi32, #tpu.memory_space<hbm>>
      %dma_wait3A_44 = tpu.memref_squeeze %dma_wait3A_43 : memref<1x158x128xi32, #tpu.memory_space<hbm>> -> memref<158x128xi32, #tpu.memory_space<hbm>>
      tpu.wait_dma2 semaphore(%run_scoped3A : memref<!tpu.dma_semaphore, #tpu.memory_space<semaphore_mem>>) src(%dma_wait3A_44 : memref<158x128xi32, #tpu.memory_space<hbm>>) dst(%arg4 : memref<158x128xi32, #tpu.memory_space<vmem>>)
      tpu.yield
    }) : () -> ()
    %mul3A_12 = arith.constant 5120 : i32
    %mul3A_13 = arith.muli %arg0, %mul3A_12 : i32
    %broadcast_in_dim3A = vector.broadcast %mul3A_13 : i32 to vector<16xi32>
    %broadcast_in_dim3A_14 = arith.constant 5120 : i32
    %broadcast_in_dim3A_15 = vector.broadcast %broadcast_in_dim3A_14 : i32 to vector<16xi32>
    %scan3A_16 = arith.constant 0 : i32
    %scan3A_17 = arith.constant 0 : i32
    %scan3A_18 = arith.constant 158 : i32
    %scan3A_19 = arith.addi %scan3A_17, %scan3A_18 : i32
    %scan3A_20 = arith.constant 1 : i32
    %scan3A_21 = scf.for %scan3A_31 = %scan3A_17 to %scan3A_19 step %scan3A_20 iter_args(%scan3A_32 = %scan3A_16) -> (i32)  : i32 {
      %get3A = arith.index_cast %scan3A_31 : i32 to index
      %get3A_33 = arith.constant 0 : index
      %get3A_34 = tpu.vector_load %arg4[%get3A, %get3A_33] {strides = array<i32>} : memref<158x128xi32, #tpu.memory_space<vmem>>, vector<1x16xi32>,
      %get3A_35 = vector.shape_cast %get3A_34 : vector<1x16xi32> to vector<16xi32>
      %sub3A = arith.subi %get3A_35, %broadcast_in_dim3A : vector<16xi32>
      %ge3A = arith.constant 0 : i32
      %ge3A_36 = vector.broadcast %ge3A : i32 to vector<16xi32>
      %ge3A_37 = arith.cmpi sge, %sub3A, %ge3A_36 : vector<16xi32>
      %lt3A = arith.cmpi slt, %sub3A, %broadcast_in_dim3A_15 : vector<16xi32>
      %and3A = arith.andi %ge3A_37, %lt3A : vector<16xi1>
      %and3A_38 = arith.constant 127 : i32
      %and3A_39 = vector.broadcast %and3A_38 : i32 to vector<16xi32>
      %and3A_40 = arith.andi %get3A_35, %and3A_39 : vector<16xi32>
      %add3A_41 = arith.addi %broadcast_in_dim3A_15, %and3A_40 : vector<16xi32>
      %select_n3A = arith.select %and3A, %sub3A, %add3A_41 : vector<16xi1>, vector<16xi32>
      %swap3A = arith.index_cast %scan3A_31 : i32 to index
      %swap3A_42 = arith.constant 0 : index
      %swap3A_43 = tpu.vector_load %arg4[%swap3A, %swap3A_42] {strides = array<i32>} : memref<158x128xi32, #tpu.memory_space<vmem>>, vector<1x16xi32>,
      %swap3A_44 = vector.shape_cast %swap3A_43 : vector<1x16xi32> to vector<16xi32>
      %swap3A_45 = vector.shape_cast %select_n3A : vector<16xi32> to vector<1x16xi32>
      tpu.vector_store %arg4[%swap3A, %swap3A_42], %swap3A_45 {strides = array<i32>} : memref<158x128xi32, #tpu.memory_space<vmem>>, vector<1x16xi32>,
      %get3A_46 = arith.index_cast %scan3A_31 : i32 to index
      %get3A_47 = arith.constant 16 : index
      %get3A_48 = tpu.vector_load %arg4[%get3A_46, %get3A_47] {strides = array<i32>} : memref<158x128xi32, #tpu.memory_space<vmem>>, vector<1x16xi32>,
      %get3A_49 = vector.shape_cast %get3A_48 : vector<1x16xi32> to vector<16xi32>
      %sub3A_50 = arith.subi %get3A_49, %broadcast_in_dim3A : vector<16xi32>
      %ge3A_51 = arith.constant 0 : i32
      %ge3A_52 = vector.broadcast %ge3A_51 : i32 to vector<16xi32>
      %ge3A_53 = arith.cmpi sge, %sub3A_50, %ge3A_52 : vector<16xi32>
      %lt3A_54 = arith.cmpi slt, %sub3A_50, %broadcast_in_dim3A_15 : vector<16xi32>
      %and3A_55 = arith.andi %ge3A_53, %lt3A_54 : vector<16xi1>
      %and3A_56 = arith.constant 127 : i32
      %and3A_57 = vector.broadcast %and3A_56 : i32 to vector<16xi32>
      %and3A_58 = arith.andi %get3A_49, %and3A_57 : vector<16xi32>
      %add3A_59 = arith.addi %broadcast_in_dim3A_15, %and3A_58 : vector<16xi32>
      %select_n3A_60 = arith.select %and3A_55, %sub3A_50, %add3A_59 : vector<16xi1>, vector<16xi32>
      %swap3A_61 = arith.index_cast %scan3A_31 : i32 to index
      %swap3A_62 = arith.constant 16 : index
      %swap3A_63 = tpu.vector_load %arg4[%swap3A_61, %swap3A_62] {strides = array<i32>} : memref<158x128xi32, #tpu.memory_space<vmem>>, vector<1x16xi32>,
      %swap3A_64 = vector.shape_cast %swap3A_63 : vector<1x16xi32> to vector<16xi32>
      %swap3A_65 = vector.shape_cast %select_n3A_60 : vector<16xi32> to vector<1x16xi32>
      tpu.vector_store %arg4[%swap3A_61, %swap3A_62], %swap3A_65 {strides = array<i32>} : memref<158x128xi32, #tpu.memory_space<vmem>>, vector<1x16xi32>,
      %get3A_66 = arith.index_cast %scan3A_31 : i32 to index
      %get3A_67 = arith.constant 32 : index
      %get3A_68 = tpu.vector_load %arg4[%get3A_66, %get3A_67] {strides = array<i32>} : memref<158x128xi32, #tpu.memory_space<vmem>>, vector<1x16xi32>,
      %get3A_69 = vector.shape_cast %get3A_68 : vector<1x16xi32> to vector<16xi32>
      %sub3A_70 = arith.subi %get3A_69, %broadcast_in_dim3A : vector<16xi32>
      %ge3A_71 = arith.constant 0 : i32
      %ge3A_72 = vector.broadcast %ge3A_71 : i32 to vector<16xi32>
      %ge3A_73 = arith.cmpi sge, %sub3A_70, %ge3A_72 : vector<16xi32>
      %lt3A_74 = arith.cmpi slt, %sub3A_70, %broadcast_in_dim3A_15 : vector<16xi32>
      %and3A_75 = arith.andi %ge3A_73, %lt3A_74 : vector<16xi1>
      %and3A_76 = arith.constant 127 : i32
      %and3A_77 = vector.broadcast %and3A_76 : i32 to vector<16xi32>
      %and3A_78 = arith.andi %get3A_69, %and3A_77 : vector<16xi32>
      %add3A_79 = arith.addi %broadcast_in_dim3A_15, %and3A_78 : vector<16xi32>
      %select_n3A_80 = arith.select %and3A_75, %sub3A_70, %add3A_79 : vector<16xi1>, vector<16xi32>
      %swap3A_81 = arith.index_cast %scan3A_31 : i32 to index
      %swap3A_82 = arith.constant 32 : index
      %swap3A_83 = tpu.vector_load %arg4[%swap3A_81, %swap3A_82] {strides = array<i32>} : memref<158x128xi32, #tpu.memory_space<vmem>>, vector<1x16xi32>,
      %swap3A_84 = vector.shape_cast %swap3A_83 : vector<1x16xi32> to vector<16xi32>
      %swap3A_85 = vector.shape_cast %select_n3A_80 : vector<16xi32> to vector<1x16xi32>
      tpu.vector_store %arg4[%swap3A_81, %swap3A_82], %swap3A_85 {strides = array<i32>} : memref<158x128xi32, #tpu.memory_space<vmem>>, vector<1x16xi32>,
      %get3A_86 = arith.index_cast %scan3A_31 : i32 to index
      %get3A_87 = arith.constant 48 : index
      %get3A_88 = tpu.vector_load %arg4[%get3A_86, %get3A_87] {strides = array<i32>} : memref<158x128xi32, #tpu.memory_space<vmem>>, vector<1x16xi32>,
      %get3A_89 = vector.shape_cast %get3A_88 : vector<1x16xi32> to vector<16xi32>
      %sub3A_90 = arith.subi %get3A_89, %broadcast_in_dim3A : vector<16xi32>
      %ge3A_91 = arith.constant 0 : i32
      %ge3A_92 = vector.broadcast %ge3A_91 : i32 to vector<16xi32>
      %ge3A_93 = arith.cmpi sge, %sub3A_90, %ge3A_92 : vector<16xi32>
      %lt3A_94 = arith.cmpi slt, %sub3A_90, %broadcast_in_dim3A_15 : vector<16xi32>
      %and3A_95 = arith.andi %ge3A_93, %lt3A_94 : vector<16xi1>
      %and3A_96 = arith.constant 127 : i32
      %and3A_97 = vector.broadcast %and3A_96 : i32 to vector<16xi32>
      %and3A_98 = arith.andi %get3A_89, %and3A_97 : vector<16xi32>
      %add3A_99 = arith.addi %broadcast_in_dim3A_15, %and3A_98 : vector<16xi32>
      %select_n3A_100 = arith.select %and3A_95, %sub3A_90, %add3A_99 : vector<16xi1>, vector<16xi32>
      %swap3A_101 = arith.index_cast %scan3A_31 : i32 to index
      %swap3A_102 = arith.constant 48 : index
      %swap3A_103 = tpu.vector_load %arg4[%swap3A_101, %swap3A_102] {strides = array<i32>} : memref<158x128xi32, #tpu.memory_space<vmem>>, vector<1x16xi32>,
      %swap3A_104 = vector.shape_cast %swap3A_103 : vector<1x16xi32> to vector<16xi32>
      %swap3A_105 = vector.shape_cast %select_n3A_100 : vector<16xi32> to vector<1x16xi32>
      tpu.vector_store %arg4[%swap3A_101, %swap3A_102], %swap3A_105 {strides = array<i32>} : memref<158x128xi32, #tpu.memory_space<vmem>>, vector<1x16xi32>,
      %get3A_106 = arith.index_cast %scan3A_31 : i32 to index
      %get3A_107 = arith.constant 64 : index
      %get3A_108 = tpu.vector_load %arg4[%get3A_106, %get3A_107] {strides = array<i32>} : memref<158x128xi32, #tpu.memory_space<vmem>>, vector<1x16xi32>,
      %get3A_109 = vector.shape_cast %get3A_108 : vector<1x16xi32> to vector<16xi32>
      %sub3A_110 = arith.subi %get3A_109, %broadcast_in_dim3A : vector<16xi32>
      %ge3A_111 = arith.constant 0 : i32
      %ge3A_112 = vector.broadcast %ge3A_111 : i32 to vector<16xi32>
      %ge3A_113 = arith.cmpi sge, %sub3A_110, %ge3A_112 : vector<16xi32>
      %lt3A_114 = arith.cmpi slt, %sub3A_110, %broadcast_in_dim3A_15 : vector<16xi32>
      %and3A_115 = arith.andi %ge3A_113, %lt3A_114 : vector<16xi1>
      %and3A_116 = arith.constant 127 : i32
      %and3A_117 = vector.broadcast %and3A_116 : i32 to vector<16xi32>
      %and3A_118 = arith.andi %get3A_109, %and3A_117 : vector<16xi32>
      %add3A_119 = arith.addi %broadcast_in_dim3A_15, %and3A_118 : vector<16xi32>
      %select_n3A_120 = arith.select %and3A_115, %sub3A_110, %add3A_119 : vector<16xi1>, vector<16xi32>
      %swap3A_121 = arith.index_cast %scan3A_31 : i32 to index
      %swap3A_122 = arith.constant 64 : index
      %swap3A_123 = tpu.vector_load %arg4[%swap3A_121, %swap3A_122] {strides = array<i32>} : memref<158x128xi32, #tpu.memory_space<vmem>>, vector<1x16xi32>,
      %swap3A_124 = vector.shape_cast %swap3A_123 : vector<1x16xi32> to vector<16xi32>
      %swap3A_125 = vector.shape_cast %select_n3A_120 : vector<16xi32> to vector<1x16xi32>
      tpu.vector_store %arg4[%swap3A_121, %swap3A_122], %swap3A_125 {strides = array<i32>} : memref<158x128xi32, #tpu.memory_space<vmem>>, vector<1x16xi32>,
      %get3A_126 = arith.index_cast %scan3A_31 : i32 to index
      %get3A_127 = arith.constant 80 : index
      %get3A_128 = tpu.vector_load %arg4[%get3A_126, %get3A_127] {strides = array<i32>} : memref<158x128xi32, #tpu.memory_space<vmem>>, vector<1x16xi32>,
      %get3A_129 = vector.shape_cast %get3A_128 : vector<1x16xi32> to vector<16xi32>
      %sub3A_130 = arith.subi %get3A_129, %broadcast_in_dim3A : vector<16xi32>
      %ge3A_131 = arith.constant 0 : i32
      %ge3A_132 = vector.broadcast %ge3A_131 : i32 to vector<16xi32>
      %ge3A_133 = arith.cmpi sge, %sub3A_130, %ge3A_132 : vector<16xi32>
      %lt3A_134 = arith.cmpi slt, %sub3A_130, %broadcast_in_dim3A_15 : vector<16xi32>
      %and3A_135 = arith.andi %ge3A_133, %lt3A_134 : vector<16xi1>
      %and3A_136 = arith.constant 127 : i32
      %and3A_137 = vector.broadcast %and3A_136 : i32 to vector<16xi32>
      %and3A_138 = arith.andi %get3A_129, %and3A_137 : vector<16xi32>
      %add3A_139 = arith.addi %broadcast_in_dim3A_15, %and3A_138 : vector<16xi32>
      %select_n3A_140 = arith.select %and3A_135, %sub3A_130, %add3A_139 : vector<16xi1>, vector<16xi32>
      %swap3A_141 = arith.index_cast %scan3A_31 : i32 to index
      %swap3A_142 = arith.constant 80 : index
      %swap3A_143 = tpu.vector_load %arg4[%swap3A_141, %swap3A_142] {strides = array<i32>} : memref<158x128xi32, #tpu.memory_space<vmem>>, vector<1x16xi32>,
      %swap3A_144 = vector.shape_cast %swap3A_143 : vector<1x16xi32> to vector<16xi32>
      %swap3A_145 = vector.shape_cast %select_n3A_140 : vector<16xi32> to vector<1x16xi32>
      tpu.vector_store %arg4[%swap3A_141, %swap3A_142], %swap3A_145 {strides = array<i32>} : memref<158x128xi32, #tpu.memory_space<vmem>>, vector<1x16xi32>,
      %get3A_146 = arith.index_cast %scan3A_31 : i32 to index
      %get3A_147 = arith.constant 96 : index
      %get3A_148 = tpu.vector_load %arg4[%get3A_146, %get3A_147] {strides = array<i32>} : memref<158x128xi32, #tpu.memory_space<vmem>>, vector<1x16xi32>,
      %get3A_149 = vector.shape_cast %get3A_148 : vector<1x16xi32> to vector<16xi32>
      %sub3A_150 = arith.subi %get3A_149, %broadcast_in_dim3A : vector<16xi32>
      %ge3A_151 = arith.constant 0 : i32
      %ge3A_152 = vector.broadcast %ge3A_151 : i32 to vector<16xi32>
      %ge3A_153 = arith.cmpi sge, %sub3A_150, %ge3A_152 : vector<16xi32>
      %lt3A_154 = arith.cmpi slt, %sub3A_150, %broadcast_in_dim3A_15 : vector<16xi32>
      %and3A_155 = arith.andi %ge3A_153, %lt3A_154 : vector<16xi1>
      %and3A_156 = arith.constant 127 : i32
      %and3A_157 = vector.broadcast %and3A_156 : i32 to vector<16xi32>
      %and3A_158 = arith.andi %get3A_149, %and3A_157 : vector<16xi32>
      %add3A_159 = arith.addi %broadcast_in_dim3A_15, %and3A_158 : vector<16xi32>
      %select_n3A_160 = arith.select %and3A_155, %sub3A_150, %add3A_159 : vector<16xi1>, vector<16xi32>
      %swap3A_161 = arith.index_cast %scan3A_31 : i32 to index
      %swap3A_162 = arith.constant 96 : index
      %swap3A_163 = tpu.vector_load %arg4[%swap3A_161, %swap3A_162] {strides = array<i32>} : memref<158x128xi32, #tpu.memory_space<vmem>>, vector<1x16xi32>,
      %swap3A_164 = vector.shape_cast %swap3A_163 : vector<1x16xi32> to vector<16xi32>
      %swap3A_165 = vector.shape_cast %select_n3A_160 : vector<16xi32> to vector<1x16xi32>
      tpu.vector_store %arg4[%swap3A_161, %swap3A_162], %swap3A_165 {strides = array<i32>} : memref<158x128xi32, #tpu.memory_space<vmem>>, vector<1x16xi32>,
      %get3A_166 = arith.index_cast %scan3A_31 : i32 to index
      %get3A_167 = arith.constant 112 : index
      %get3A_168 = tpu.vector_load %arg4[%get3A_166, %get3A_167] {strides = array<i32>} : memref<158x128xi32, #tpu.memory_space<vmem>>, vector<1x16xi32>,
      %get3A_169 = vector.shape_cast %get3A_168 : vector<1x16xi32> to vector<16xi32>
      %sub3A_170 = arith.subi %get3A_169, %broadcast_in_dim3A : vector<16xi32>
      %ge3A_171 = arith.constant 0 : i32
      %ge3A_172 = vector.broadcast %ge3A_171 : i32 to vector<16xi32>
      %ge3A_173 = arith.cmpi sge, %sub3A_170, %ge3A_172 : vector<16xi32>
      %lt3A_174 = arith.cmpi slt, %sub3A_170, %broadcast_in_dim3A_15 : vector<16xi32>
      %and3A_175 = arith.andi %ge3A_173, %lt3A_174 : vector<16xi1>
      %and3A_176 = arith.constant 127 : i32
      %and3A_177 = vector.broadcast %and3A_176 : i32 to vector<16xi32>
      %and3A_178 = arith.andi %get3A_169, %and3A_177 : vector<16xi32>
      %add3A_179 = arith.addi %broadcast_in_dim3A_15, %and3A_178 : vector<16xi32>
      %select_n3A_180 = arith.select %and3A_175, %sub3A_170, %add3A_179 : vector<16xi1>, vector<16xi32>
      %swap3A_181 = arith.index_cast %scan3A_31 : i32 to index
      %swap3A_182 = arith.constant 112 : index
      %swap3A_183 = tpu.vector_load %arg4[%swap3A_181, %swap3A_182] {strides = array<i32>} : memref<158x128xi32, #tpu.memory_space<vmem>>, vector<1x16xi32>,
      %swap3A_184 = vector.shape_cast %swap3A_183 : vector<1x16xi32> to vector<16xi32>
      %swap3A_185 = vector.shape_cast %select_n3A_180 : vector<16xi32> to vector<1x16xi32>
      tpu.vector_store %arg4[%swap3A_181, %swap3A_182], %swap3A_185 {strides = array<i32>} : memref<158x128xi32, #tpu.memory_space<vmem>>, vector<1x16xi32>,
      %scan3A_186 = arith.constant 0 : i32
      scf.yield %scan3A_186 : i32
    }
    %scan3A_22 = arith.constant 158 : i32
    %barrier3A = arith.constant 0 : index
    tpu.barrier barrier_id(%barrier3A)
    %scan3A_23 = arith.constant 0 : i32
    %scan3A_24 = arith.constant 0 : i32
    %scan3A_25 = arith.constant 158 : i32
    %scan3A_26 = arith.addi %scan3A_24, %scan3A_25 : i32
    %scan3A_27 = arith.constant 1 : i32
    %scan3A_28 = scf.for %scan3A_31 = %scan3A_24 to %scan3A_26 step %scan3A_27 iter_args(%scan3A_32 = %scan3A_23) -> (i32)  : i32 {
      "tpu.region"() ({
        %run_scoped3A = tpu.sem_alloc : memref<!tpu.dma_semaphore, #tpu.memory_space<semaphore_mem>>
        %dma_start3A = arith.constant 0 : i32
        %dma_start3A_34 = tpu.memref_slice %arg4[%scan3A_31, %dma_start3A] : memref<158x128xi32, #tpu.memory_space<vmem>> -> memref<1x128xi32, #tpu.memory_space<vmem>>
        %dma_start3A_35 = tpu.memref_squeeze %dma_start3A_34 : memref<1x128xi32, #tpu.memory_space<vmem>> -> memref<128xi32, #tpu.memory_space<vmem>>
        %dma_start3A_36 = arith.constant 0 : i32
        %dma_start3A_37 = arith.constant 0 : i32
        %dma_start3A_38 = tpu.memref_slice %arg7[%dma_start3A_36, %dma_start3A_37] : memref<5248x16xf32, #tpu.memory_space<vmem_shared>> -> memref<5248x16xf32, #tpu.memory_space<vmem_shared>>
        tpu.enqueue_indirect_dma source(%arg5 : memref<128x16xf32, #tpu.memory_space<vmem>>) target(%dma_start3A_38 : memref<5248x16xf32, #tpu.memory_space<vmem_shared>>) offsets(%dma_start3A_35 : memref<128xi32, #tpu.memory_space<vmem>>) semaphore(%run_scoped3A : memref<!tpu.dma_semaphore, #tpu.memory_space<semaphore_mem>>) {add = true}
        %dma_wait3A = arith.constant 0 : i32
        %dma_wait3A_39 = tpu.memref_slice %arg4[%scan3A_31, %dma_wait3A] : memref<158x128xi32, #tpu.memory_space<vmem>> -> memref<1x128xi32, #tpu.memory_space<vmem>>
        %dma_wait3A_40 = tpu.memref_squeeze %dma_wait3A_39 : memref<1x128xi32, #tpu.memory_space<vmem>> -> memref<128xi32, #tpu.memory_space<vmem>>
        %dma_wait3A_41 = arith.constant 0 : i32
        %dma_wait3A_42 = arith.constant 0 : i32
        %dma_wait3A_43 = tpu.memref_slice %arg7[%dma_wait3A_41, %dma_wait3A_42] : memref<5248x16xf32, #tpu.memory_space<vmem_shared>> -> memref<5248x16xf32, #tpu.memory_space<vmem_shared>>
        tpu.wait_indirect_dma semaphore(%run_scoped3A : memref<!tpu.dma_semaphore, #tpu.memory_space<semaphore_mem>>) src(%arg5 : memref<128x16xf32, #tpu.memory_space<vmem>>) dst(%dma_wait3A_43 : memref<5248x16xf32, #tpu.memory_space<vmem_shared>>)
        tpu.yield
      }) : () -> ()
      %scan3A_33 = arith.constant 0 : i32
      scf.yield %scan3A_33 : i32
    }
    %scan3A_29 = arith.constant 158 : i32
    %barrier3A_30 = arith.constant 0 : index
    tpu.barrier barrier_id(%barrier3A_30)
    "tpu.region"() ({
      %run_scoped3A = tpu.sem_alloc : memref<!tpu.dma_semaphore, #tpu.memory_space<semaphore_mem>>
      %dma_start3A = arith.constant 0 : i32
      %dma_start3A_31 = tpu.memref_slice %arg3[%arg0, %mul3A_6, %dma_start3A] : memref<2x5248x16xf32, #tpu.memory_space<hbm>> -> memref<1x328x16xf32, #tpu.memory_space<hbm>>
      %dma_start3A_32 = tpu.memref_squeeze %dma_start3A_31 : memref<1x328x16xf32, #tpu.memory_space<hbm>> -> memref<328x16xf32, #tpu.memory_space<hbm>>
      %dma_start3A_33 = arith.constant 0 : i32
      %dma_start3A_34 = tpu.memref_slice %arg7[%mul3A_6, %dma_start3A_33] : memref<5248x16xf32, #tpu.memory_space<vmem_shared>> -> memref<328x16xf32, #tpu.memory_space<vmem_shared>>
      tpu.enqueue_dma source(%dma_start3A_34 : memref<328x16xf32, #tpu.memory_space<vmem_shared>>) target(%dma_start3A_32 : memref<328x16xf32, #tpu.memory_space<hbm>>) target_semaphore(%run_scoped3A : memref<!tpu.dma_semaphore, #tpu.memory_space<semaphore_mem>>)
      %dma_wait3A = arith.constant 0 : i32
      %dma_wait3A_35 = tpu.memref_slice %arg3[%arg0, %mul3A_6, %dma_wait3A] : memref<2x5248x16xf32, #tpu.memory_space<hbm>> -> memref<1x328x16xf32, #tpu.memory_space<hbm>>
      %dma_wait3A_36 = tpu.memref_squeeze %dma_wait3A_35 : memref<1x328x16xf32, #tpu.memory_space<hbm>> -> memref<328x16xf32, #tpu.memory_space<hbm>>
      %dma_wait3A_37 = arith.constant 0 : i32
      %dma_wait3A_38 = tpu.memref_slice %arg7[%mul3A_6, %dma_wait3A_37] : memref<5248x16xf32, #tpu.memory_space<vmem_shared>> -> memref<328x16xf32, #tpu.memory_space<vmem_shared>>
      tpu.wait_dma2 semaphore(%run_scoped3A : memref<!tpu.dma_semaphore, #tpu.memory_space<semaphore_mem>>) src(%dma_wait3A_38 : memref<328x16xf32, #tpu.memory_space<vmem_shared>>) dst(%dma_wait3A_36 : memref<328x16xf32, #tpu.memory_space<hbm>>)
      tpu.yield
    }) : () -> ()
    return
  }
}

#map = affine_map<(d0, d1) -> (0, 0)>
#map1 = affine_map<(d0, d1) -> (0, 0, 0)>
module attributes {stable_mosaic.version = 14 : i64} {
  func.func @k(%arg0: i32, %arg1: i32, %arg2: memref<10240x128xf32, #tpu.memory_space<hbm>>, %arg3: memref<16x158x128xi32, #tpu.memory_space<hbm>>, %arg4: memref<16x158x128xi32, #tpu.memory_space<hbm>>, %arg5: memref<2x5248x128xf32, #tpu.memory_space<hbm>>, %arg6: memref<158x128xi32, #tpu.memory_space<vmem>>, %arg7: memref<158x128xi32, #tpu.memory_space<vmem>>, %arg8: memref<128x128xf32, #tpu.memory_space<vmem>>, %arg9: memref<128x128xf32, #tpu.memory_space<vmem>>, %arg10: memref<5248x128xf32, #tpu.memory_space<vmem_shared>>, %arg11: memref<!tpu.dma_semaphore, #tpu.memory_space<semaphore_mem>>, %arg12: memref<!tpu.dma_semaphore, #tpu.memory_space<semaphore_mem>>) attributes {dimension_semantics = [#tpu.dimension_semantics<core_parallel>, #tpu.dimension_semantics<subcore_parallel>], iteration_bounds = array<i64: 2, 16>, scalar_prefetch = 0 : i64, scratch_operands = 7 : i64, tpu.core_type = #tpu.core_type<sc_vector_subcore>, window_params = [{transform_indices = #map}, {transform_indices = #map1}, {transform_indices = #map1}, {transform_indices = #map1}]} {
    %scan3A = arith.constant 0 : i32
    %scan3A_0 = arith.constant 0 : i32
    %scan3A_1 = arith.constant 128 : i32
    %scan3A_2 = arith.addi %scan3A_0, %scan3A_1 : i32
    %scan3A_3 = arith.constant 1 : i32
    %scan3A_4 = scf.for %scan3A_37 = %scan3A_0 to %scan3A_2 step %scan3A_3 iter_args(%scan3A_38 = %scan3A) -> (i32)  : i32 {
      %broadcast_in_dim3A_39 = arith.constant 0.000000e+00 : f32
      %broadcast_in_dim3A_40 = vector.broadcast %broadcast_in_dim3A_39 : f32 to vector<16xf32>
      %swap3A = arith.index_cast %scan3A_37 : i32 to index
      %swap3A_41 = arith.constant 0 : index
      %swap3A_42 = tpu.vector_load %arg8[%swap3A, %swap3A_41] {strides = array<i32>} : memref<128x128xf32, #tpu.memory_space<vmem>>, vector<1x16xf32>,
      %swap3A_43 = vector.shape_cast %swap3A_42 : vector<1x16xf32> to vector<16xf32>
      %swap3A_44 = vector.shape_cast %broadcast_in_dim3A_40 : vector<16xf32> to vector<1x16xf32>
      tpu.vector_store %arg8[%swap3A, %swap3A_41], %swap3A_44 {strides = array<i32>} : memref<128x128xf32, #tpu.memory_space<vmem>>, vector<1x16xf32>,
      %broadcast_in_dim3A_45 = arith.constant 0.000000e+00 : f32
      %broadcast_in_dim3A_46 = vector.broadcast %broadcast_in_dim3A_45 : f32 to vector<16xf32>
      %swap3A_47 = arith.index_cast %scan3A_37 : i32 to index
      %swap3A_48 = arith.constant 16 : index
      %swap3A_49 = tpu.vector_load %arg8[%swap3A_47, %swap3A_48] {strides = array<i32>} : memref<128x128xf32, #tpu.memory_space<vmem>>, vector<1x16xf32>,
      %swap3A_50 = vector.shape_cast %swap3A_49 : vector<1x16xf32> to vector<16xf32>
      %swap3A_51 = vector.shape_cast %broadcast_in_dim3A_46 : vector<16xf32> to vector<1x16xf32>
      tpu.vector_store %arg8[%swap3A_47, %swap3A_48], %swap3A_51 {strides = array<i32>} : memref<128x128xf32, #tpu.memory_space<vmem>>, vector<1x16xf32>,
      %broadcast_in_dim3A_52 = arith.constant 0.000000e+00 : f32
      %broadcast_in_dim3A_53 = vector.broadcast %broadcast_in_dim3A_52 : f32 to vector<16xf32>
      %swap3A_54 = arith.index_cast %scan3A_37 : i32 to index
      %swap3A_55 = arith.constant 32 : index
      %swap3A_56 = tpu.vector_load %arg8[%swap3A_54, %swap3A_55] {strides = array<i32>} : memref<128x128xf32, #tpu.memory_space<vmem>>, vector<1x16xf32>,
      %swap3A_57 = vector.shape_cast %swap3A_56 : vector<1x16xf32> to vector<16xf32>
      %swap3A_58 = vector.shape_cast %broadcast_in_dim3A_53 : vector<16xf32> to vector<1x16xf32>
      tpu.vector_store %arg8[%swap3A_54, %swap3A_55], %swap3A_58 {strides = array<i32>} : memref<128x128xf32, #tpu.memory_space<vmem>>, vector<1x16xf32>,
      %broadcast_in_dim3A_59 = arith.constant 0.000000e+00 : f32
      %broadcast_in_dim3A_60 = vector.broadcast %broadcast_in_dim3A_59 : f32 to vector<16xf32>
      %swap3A_61 = arith.index_cast %scan3A_37 : i32 to index
      %swap3A_62 = arith.constant 48 : index
      %swap3A_63 = tpu.vector_load %arg8[%swap3A_61, %swap3A_62] {strides = array<i32>} : memref<128x128xf32, #tpu.memory_space<vmem>>, vector<1x16xf32>,
      %swap3A_64 = vector.shape_cast %swap3A_63 : vector<1x16xf32> to vector<16xf32>
      %swap3A_65 = vector.shape_cast %broadcast_in_dim3A_60 : vector<16xf32> to vector<1x16xf32>
      tpu.vector_store %arg8[%swap3A_61, %swap3A_62], %swap3A_65 {strides = array<i32>} : memref<128x128xf32, #tpu.memory_space<vmem>>, vector<1x16xf32>,
      %broadcast_in_dim3A_66 = arith.constant 0.000000e+00 : f32
      %broadcast_in_dim3A_67 = vector.broadcast %broadcast_in_dim3A_66 : f32 to vector<16xf32>
      %swap3A_68 = arith.index_cast %scan3A_37 : i32 to index
      %swap3A_69 = arith.constant 64 : index
      %swap3A_70 = tpu.vector_load %arg8[%swap3A_68, %swap3A_69] {strides = array<i32>} : memref<128x128xf32, #tpu.memory_space<vmem>>, vector<1x16xf32>,
      %swap3A_71 = vector.shape_cast %swap3A_70 : vector<1x16xf32> to vector<16xf32>
      %swap3A_72 = vector.shape_cast %broadcast_in_dim3A_67 : vector<16xf32> to vector<1x16xf32>
      tpu.vector_store %arg8[%swap3A_68, %swap3A_69], %swap3A_72 {strides = array<i32>} : memref<128x128xf32, #tpu.memory_space<vmem>>, vector<1x16xf32>,
      %broadcast_in_dim3A_73 = arith.constant 0.000000e+00 : f32
      %broadcast_in_dim3A_74 = vector.broadcast %broadcast_in_dim3A_73 : f32 to vector<16xf32>
      %swap3A_75 = arith.index_cast %scan3A_37 : i32 to index
      %swap3A_76 = arith.constant 80 : index
      %swap3A_77 = tpu.vector_load %arg8[%swap3A_75, %swap3A_76] {strides = array<i32>} : memref<128x128xf32, #tpu.memory_space<vmem>>, vector<1x16xf32>,
      %swap3A_78 = vector.shape_cast %swap3A_77 : vector<1x16xf32> to vector<16xf32>
      %swap3A_79 = vector.shape_cast %broadcast_in_dim3A_74 : vector<16xf32> to vector<1x16xf32>
      tpu.vector_store %arg8[%swap3A_75, %swap3A_76], %swap3A_79 {strides = array<i32>} : memref<128x128xf32, #tpu.memory_space<vmem>>, vector<1x16xf32>,
      %broadcast_in_dim3A_80 = arith.constant 0.000000e+00 : f32
      %broadcast_in_dim3A_81 = vector.broadcast %broadcast_in_dim3A_80 : f32 to vector<16xf32>
      %swap3A_82 = arith.index_cast %scan3A_37 : i32 to index
      %swap3A_83 = arith.constant 96 : index
      %swap3A_84 = tpu.vector_load %arg8[%swap3A_82, %swap3A_83] {strides = array<i32>} : memref<128x128xf32, #tpu.memory_space<vmem>>, vector<1x16xf32>,
      %swap3A_85 = vector.shape_cast %swap3A_84 : vector<1x16xf32> to vector<16xf32>
      %swap3A_86 = vector.shape_cast %broadcast_in_dim3A_81 : vector<16xf32> to vector<1x16xf32>
      tpu.vector_store %arg8[%swap3A_82, %swap3A_83], %swap3A_86 {strides = array<i32>} : memref<128x128xf32, #tpu.memory_space<vmem>>, vector<1x16xf32>,
      %broadcast_in_dim3A_87 = arith.constant 0.000000e+00 : f32
      %broadcast_in_dim3A_88 = vector.broadcast %broadcast_in_dim3A_87 : f32 to vector<16xf32>
      %swap3A_89 = arith.index_cast %scan3A_37 : i32 to index
      %swap3A_90 = arith.constant 112 : index
      %swap3A_91 = tpu.vector_load %arg8[%swap3A_89, %swap3A_90] {strides = array<i32>} : memref<128x128xf32, #tpu.memory_space<vmem>>, vector<1x16xf32>,
      %swap3A_92 = vector.shape_cast %swap3A_91 : vector<1x16xf32> to vector<16xf32>
      %swap3A_93 = vector.shape_cast %broadcast_in_dim3A_88 : vector<16xf32> to vector<1x16xf32>
      tpu.vector_store %arg8[%swap3A_89, %swap3A_90], %swap3A_93 {strides = array<i32>} : memref<128x128xf32, #tpu.memory_space<vmem>>, vector<1x16xf32>,
      %scan3A_94 = arith.constant 0 : i32
      scf.yield %scan3A_94 : i32
    }
    %scan3A_5 = arith.constant 128 : i32
    %mul3A = arith.constant 328 : i32
    %mul3A_6 = arith.muli %arg1, %mul3A : i32
    %add3A = arith.constant 0 : i32
    %add3A_7 = arith.addi %mul3A_6, %add3A : i32
    "tpu.region"() ({
      %run_scoped3A = tpu.sem_alloc : memref<!tpu.dma_semaphore, #tpu.memory_space<semaphore_mem>>
      %dma_start3A_37 = arith.constant 0 : i32
      %dma_start3A_38 = arith.constant 0 : i32
      %dma_start3A_39 = tpu.memref_slice %arg8[%dma_start3A_37, %dma_start3A_38] : memref<128x128xf32, #tpu.memory_space<vmem>> -> memref<128x128xf32, #tpu.memory_space<vmem>>
      %dma_start3A_40 = arith.constant 0 : i32
      %dma_start3A_41 = tpu.memref_slice %arg10[%add3A_7, %dma_start3A_40] : memref<5248x128xf32, #tpu.memory_space<vmem_shared>> -> memref<128x128xf32, #tpu.memory_space<vmem_shared>>
      %dma_start3A_42 = arith.constant 0 : i32
      %dma_start3A_43 = tpu.memref_slice %arg10[%add3A_7, %dma_start3A_42] : memref<5248x128xf32, #tpu.memory_space<vmem_shared>> -> memref<128x128xf32, #tpu.memory_space<vmem_shared>>
      %dma_start3A_44 = arith.constant 0 : i32
      %dma_start3A_45 = arith.constant 0 : i32
      %dma_start3A_46 = tpu.memref_slice %arg8[%dma_start3A_44, %dma_start3A_45] : memref<128x128xf32, #tpu.memory_space<vmem>> -> memref<128x128xf32, #tpu.memory_space<vmem>>
      tpu.enqueue_dma source(%dma_start3A_46 : memref<128x128xf32, #tpu.memory_space<vmem>>) target(%dma_start3A_43 : memref<128x128xf32, #tpu.memory_space<vmem_shared>>) target_semaphore(%run_scoped3A : memref<!tpu.dma_semaphore, #tpu.memory_space<semaphore_mem>>)
      %dma_wait3A = arith.constant 0 : i32
      %dma_wait3A_47 = arith.constant 0 : i32
      %dma_wait3A_48 = tpu.memref_slice %arg8[%dma_wait3A, %dma_wait3A_47] : memref<128x128xf32, #tpu.memory_space<vmem>> -> memref<128x128xf32, #tpu.memory_space<vmem>>
      %dma_wait3A_49 = arith.constant 0 : i32
      %dma_wait3A_50 = tpu.memref_slice %arg10[%add3A_7, %dma_wait3A_49] : memref<5248x128xf32, #tpu.memory_space<vmem_shared>> -> memref<128x128xf32, #tpu.memory_space<vmem_shared>>
      %dma_wait3A_51 = arith.constant 0 : i32
      %dma_wait3A_52 = tpu.memref_slice %arg10[%add3A_7, %dma_wait3A_51] : memref<5248x128xf32, #tpu.memory_space<vmem_shared>> -> memref<128x128xf32, #tpu.memory_space<vmem_shared>>
      %dma_wait3A_53 = arith.constant 0 : i32
      %dma_wait3A_54 = arith.constant 0 : i32
      %dma_wait3A_55 = tpu.memref_slice %arg8[%dma_wait3A_53, %dma_wait3A_54] : memref<128x128xf32, #tpu.memory_space<vmem>> -> memref<128x128xf32, #tpu.memory_space<vmem>>
      tpu.wait_dma2 semaphore(%run_scoped3A : memref<!tpu.dma_semaphore, #tpu.memory_space<semaphore_mem>>) src(%dma_wait3A_55 : memref<128x128xf32, #tpu.memory_space<vmem>>) dst(%dma_wait3A_52 : memref<128x128xf32, #tpu.memory_space<vmem_shared>>)
      tpu.yield
    }) : () -> ()
    %add3A_8 = arith.constant 128 : i32
    %add3A_9 = arith.addi %mul3A_6, %add3A_8 : i32
    "tpu.region"() ({
      %run_scoped3A = tpu.sem_alloc : memref<!tpu.dma_semaphore, #tpu.memory_space<semaphore_mem>>
      %dma_start3A_37 = arith.constant 0 : i32
      %dma_start3A_38 = arith.constant 0 : i32
      %dma_start3A_39 = tpu.memref_slice %arg8[%dma_start3A_37, %dma_start3A_38] : memref<128x128xf32, #tpu.memory_space<vmem>> -> memref<128x128xf32, #tpu.memory_space<vmem>>
      %dma_start3A_40 = arith.constant 0 : i32
      %dma_start3A_41 = tpu.memref_slice %arg10[%add3A_9, %dma_start3A_40] : memref<5248x128xf32, #tpu.memory_space<vmem_shared>> -> memref<128x128xf32, #tpu.memory_space<vmem_shared>>
      %dma_start3A_42 = arith.constant 0 : i32
      %dma_start3A_43 = tpu.memref_slice %arg10[%add3A_9, %dma_start3A_42] : memref<5248x128xf32, #tpu.memory_space<vmem_shared>> -> memref<128x128xf32, #tpu.memory_space<vmem_shared>>
      %dma_start3A_44 = arith.constant 0 : i32
      %dma_start3A_45 = arith.constant 0 : i32
      %dma_start3A_46 = tpu.memref_slice %arg8[%dma_start3A_44, %dma_start3A_45] : memref<128x128xf32, #tpu.memory_space<vmem>> -> memref<128x128xf32, #tpu.memory_space<vmem>>
      tpu.enqueue_dma source(%dma_start3A_46 : memref<128x128xf32, #tpu.memory_space<vmem>>) target(%dma_start3A_43 : memref<128x128xf32, #tpu.memory_space<vmem_shared>>) target_semaphore(%run_scoped3A : memref<!tpu.dma_semaphore, #tpu.memory_space<semaphore_mem>>)
      %dma_wait3A = arith.constant 0 : i32
      %dma_wait3A_47 = arith.constant 0 : i32
      %dma_wait3A_48 = tpu.memref_slice %arg8[%dma_wait3A, %dma_wait3A_47] : memref<128x128xf32, #tpu.memory_space<vmem>> -> memref<128x128xf32, #tpu.memory_space<vmem>>
      %dma_wait3A_49 = arith.constant 0 : i32
      %dma_wait3A_50 = tpu.memref_slice %arg10[%add3A_9, %dma_wait3A_49] : memref<5248x128xf32, #tpu.memory_space<vmem_shared>> -> memref<128x128xf32, #tpu.memory_space<vmem_shared>>
      %dma_wait3A_51 = arith.constant 0 : i32
      %dma_wait3A_52 = tpu.memref_slice %arg10[%add3A_9, %dma_wait3A_51] : memref<5248x128xf32, #tpu.memory_space<vmem_shared>> -> memref<128x128xf32, #tpu.memory_space<vmem_shared>>
      %dma_wait3A_53 = arith.constant 0 : i32
      %dma_wait3A_54 = arith.constant 0 : i32
      %dma_wait3A_55 = tpu.memref_slice %arg8[%dma_wait3A_53, %dma_wait3A_54] : memref<128x128xf32, #tpu.memory_space<vmem>> -> memref<128x128xf32, #tpu.memory_space<vmem>>
      tpu.wait_dma2 semaphore(%run_scoped3A : memref<!tpu.dma_semaphore, #tpu.memory_space<semaphore_mem>>) src(%dma_wait3A_55 : memref<128x128xf32, #tpu.memory_space<vmem>>) dst(%dma_wait3A_52 : memref<128x128xf32, #tpu.memory_space<vmem_shared>>)
      tpu.yield
    }) : () -> ()
    %add3A_10 = arith.constant 256 : i32
    %add3A_11 = arith.addi %mul3A_6, %add3A_10 : i32
    "tpu.region"() ({
      %run_scoped3A = tpu.sem_alloc : memref<!tpu.dma_semaphore, #tpu.memory_space<semaphore_mem>>
      %dma_start3A_37 = arith.constant 0 : i32
      %dma_start3A_38 = arith.constant 0 : i32
      %dma_start3A_39 = tpu.memref_slice %arg8[%dma_start3A_37, %dma_start3A_38] : memref<128x128xf32, #tpu.memory_space<vmem>> -> memref<72x128xf32, #tpu.memory_space<vmem>>
      %dma_start3A_40 = arith.constant 0 : i32
      %dma_start3A_41 = tpu.memref_slice %arg10[%add3A_11, %dma_start3A_40] : memref<5248x128xf32, #tpu.memory_space<vmem_shared>> -> memref<72x128xf32, #tpu.memory_space<vmem_shared>>
      %dma_start3A_42 = arith.constant 0 : i32
      %dma_start3A_43 = tpu.memref_slice %arg10[%add3A_11, %dma_start3A_42] : memref<5248x128xf32, #tpu.memory_space<vmem_shared>> -> memref<72x128xf32, #tpu.memory_space<vmem_shared>>
      %dma_start3A_44 = arith.constant 0 : i32
      %dma_start3A_45 = arith.constant 0 : i32
      %dma_start3A_46 = tpu.memref_slice %arg8[%dma_start3A_44, %dma_start3A_45] : memref<128x128xf32, #tpu.memory_space<vmem>> -> memref<72x128xf32, #tpu.memory_space<vmem>>
      tpu.enqueue_dma source(%dma_start3A_46 : memref<72x128xf32, #tpu.memory_space<vmem>>) target(%dma_start3A_43 : memref<72x128xf32, #tpu.memory_space<vmem_shared>>) target_semaphore(%run_scoped3A : memref<!tpu.dma_semaphore, #tpu.memory_space<semaphore_mem>>)
      %dma_wait3A = arith.constant 0 : i32
      %dma_wait3A_47 = arith.constant 0 : i32
      %dma_wait3A_48 = tpu.memref_slice %arg8[%dma_wait3A, %dma_wait3A_47] : memref<128x128xf32, #tpu.memory_space<vmem>> -> memref<72x128xf32, #tpu.memory_space<vmem>>
      %dma_wait3A_49 = arith.constant 0 : i32
      %dma_wait3A_50 = tpu.memref_slice %arg10[%add3A_11, %dma_wait3A_49] : memref<5248x128xf32, #tpu.memory_space<vmem_shared>> -> memref<72x128xf32, #tpu.memory_space<vmem_shared>>
      %dma_wait3A_51 = arith.constant 0 : i32
      %dma_wait3A_52 = tpu.memref_slice %arg10[%add3A_11, %dma_wait3A_51] : memref<5248x128xf32, #tpu.memory_space<vmem_shared>> -> memref<72x128xf32, #tpu.memory_space<vmem_shared>>
      %dma_wait3A_53 = arith.constant 0 : i32
      %dma_wait3A_54 = arith.constant 0 : i32
      %dma_wait3A_55 = tpu.memref_slice %arg8[%dma_wait3A_53, %dma_wait3A_54] : memref<128x128xf32, #tpu.memory_space<vmem>> -> memref<72x128xf32, #tpu.memory_space<vmem>>
      tpu.wait_dma2 semaphore(%run_scoped3A : memref<!tpu.dma_semaphore, #tpu.memory_space<semaphore_mem>>) src(%dma_wait3A_55 : memref<72x128xf32, #tpu.memory_space<vmem>>) dst(%dma_wait3A_52 : memref<72x128xf32, #tpu.memory_space<vmem_shared>>)
      tpu.yield
    }) : () -> ()
    "tpu.region"() ({
      %run_scoped3A = tpu.sem_alloc : memref<!tpu.dma_semaphore, #tpu.memory_space<semaphore_mem>>
      %dma_start3A_37 = arith.constant 0 : i32
      %dma_start3A_38 = arith.constant 0 : i32
      %dma_start3A_39 = tpu.memref_slice %arg3[%arg1, %dma_start3A_37, %dma_start3A_38] : memref<16x158x128xi32, #tpu.memory_space<hbm>> -> memref<1x158x128xi32, #tpu.memory_space<hbm>>
      %dma_start3A_40 = tpu.memref_squeeze %dma_start3A_39 : memref<1x158x128xi32, #tpu.memory_space<hbm>> -> memref<158x128xi32, #tpu.memory_space<hbm>>
      %dma_start3A_41 = arith.constant 0 : i32
      %dma_start3A_42 = arith.constant 0 : i32
      %dma_start3A_43 = tpu.memref_slice %arg3[%arg1, %dma_start3A_41, %dma_start3A_42] : memref<16x158x128xi32, #tpu.memory_space<hbm>> -> memref<1x158x128xi32, #tpu.memory_space<hbm>>
      %dma_start3A_44 = tpu.memref_squeeze %dma_start3A_43 : memref<1x158x128xi32, #tpu.memory_space<hbm>> -> memref<158x128xi32, #tpu.memory_space<hbm>>
      tpu.enqueue_dma source(%dma_start3A_44 : memref<158x128xi32, #tpu.memory_space<hbm>>) target(%arg6 : memref<158x128xi32, #tpu.memory_space<vmem>>) target_semaphore(%run_scoped3A : memref<!tpu.dma_semaphore, #tpu.memory_space<semaphore_mem>>)
      %dma_wait3A = arith.constant 0 : i32
      %dma_wait3A_45 = arith.constant 0 : i32
      %dma_wait3A_46 = tpu.memref_slice %arg3[%arg1, %dma_wait3A, %dma_wait3A_45] : memref<16x158x128xi32, #tpu.memory_space<hbm>> -> memref<1x158x128xi32, #tpu.memory_space<hbm>>
      %dma_wait3A_47 = tpu.memref_squeeze %dma_wait3A_46 : memref<1x158x128xi32, #tpu.memory_space<hbm>> -> memref<158x128xi32, #tpu.memory_space<hbm>>
      %dma_wait3A_48 = arith.constant 0 : i32
      %dma_wait3A_49 = arith.constant 0 : i32
      %dma_wait3A_50 = tpu.memref_slice %arg3[%arg1, %dma_wait3A_48, %dma_wait3A_49] : memref<16x158x128xi32, #tpu.memory_space<hbm>> -> memref<1x158x128xi32, #tpu.memory_space<hbm>>
      %dma_wait3A_51 = tpu.memref_squeeze %dma_wait3A_50 : memref<1x158x128xi32, #tpu.memory_space<hbm>> -> memref<158x128xi32, #tpu.memory_space<hbm>>
      tpu.wait_dma2 semaphore(%run_scoped3A : memref<!tpu.dma_semaphore, #tpu.memory_space<semaphore_mem>>) src(%dma_wait3A_51 : memref<158x128xi32, #tpu.memory_space<hbm>>) dst(%arg6 : memref<158x128xi32, #tpu.memory_space<vmem>>)
      tpu.yield
    }) : () -> ()
    "tpu.region"() ({
      %run_scoped3A = tpu.sem_alloc : memref<!tpu.dma_semaphore, #tpu.memory_space<semaphore_mem>>
      %dma_start3A_37 = arith.constant 0 : i32
      %dma_start3A_38 = arith.constant 0 : i32
      %dma_start3A_39 = tpu.memref_slice %arg4[%arg1, %dma_start3A_37, %dma_start3A_38] : memref<16x158x128xi32, #tpu.memory_space<hbm>> -> memref<1x158x128xi32, #tpu.memory_space<hbm>>
      %dma_start3A_40 = tpu.memref_squeeze %dma_start3A_39 : memref<1x158x128xi32, #tpu.memory_space<hbm>> -> memref<158x128xi32, #tpu.memory_space<hbm>>
      %dma_start3A_41 = arith.constant 0 : i32
      %dma_start3A_42 = arith.constant 0 : i32
      %dma_start3A_43 = tpu.memref_slice %arg4[%arg1, %dma_start3A_41, %dma_start3A_42] : memref<16x158x128xi32, #tpu.memory_space<hbm>> -> memref<1x158x128xi32, #tpu.memory_space<hbm>>
      %dma_start3A_44 = tpu.memref_squeeze %dma_start3A_43 : memref<1x158x128xi32, #tpu.memory_space<hbm>> -> memref<158x128xi32, #tpu.memory_space<hbm>>
      tpu.enqueue_dma source(%dma_start3A_44 : memref<158x128xi32, #tpu.memory_space<hbm>>) target(%arg7 : memref<158x128xi32, #tpu.memory_space<vmem>>) target_semaphore(%run_scoped3A : memref<!tpu.dma_semaphore, #tpu.memory_space<semaphore_mem>>)
      %dma_wait3A = arith.constant 0 : i32
      %dma_wait3A_45 = arith.constant 0 : i32
      %dma_wait3A_46 = tpu.memref_slice %arg4[%arg1, %dma_wait3A, %dma_wait3A_45] : memref<16x158x128xi32, #tpu.memory_space<hbm>> -> memref<1x158x128xi32, #tpu.memory_space<hbm>>
      %dma_wait3A_47 = tpu.memref_squeeze %dma_wait3A_46 : memref<1x158x128xi32, #tpu.memory_space<hbm>> -> memref<158x128xi32, #tpu.memory_space<hbm>>
      %dma_wait3A_48 = arith.constant 0 : i32
      %dma_wait3A_49 = arith.constant 0 : i32
      %dma_wait3A_50 = tpu.memref_slice %arg4[%arg1, %dma_wait3A_48, %dma_wait3A_49] : memref<16x158x128xi32, #tpu.memory_space<hbm>> -> memref<1x158x128xi32, #tpu.memory_space<hbm>>
      %dma_wait3A_51 = tpu.memref_squeeze %dma_wait3A_50 : memref<1x158x128xi32, #tpu.memory_space<hbm>> -> memref<158x128xi32, #tpu.memory_space<hbm>>
      tpu.wait_dma2 semaphore(%run_scoped3A : memref<!tpu.dma_semaphore, #tpu.memory_space<semaphore_mem>>) src(%dma_wait3A_51 : memref<158x128xi32, #tpu.memory_space<hbm>>) dst(%arg7 : memref<158x128xi32, #tpu.memory_space<vmem>>)
      tpu.yield
    }) : () -> ()
    %mul3A_12 = arith.constant 5120 : i32
    %mul3A_13 = arith.muli %arg0, %mul3A_12 : i32
    %broadcast_in_dim3A = vector.broadcast %mul3A_13 : i32 to vector<16xi32>
    %broadcast_in_dim3A_14 = arith.constant 5120 : i32
    %broadcast_in_dim3A_15 = vector.broadcast %broadcast_in_dim3A_14 : i32 to vector<16xi32>
    %scan3A_16 = arith.constant 0 : i32
    %scan3A_17 = arith.constant 0 : i32
    %scan3A_18 = arith.constant 158 : i32
    %scan3A_19 = arith.addi %scan3A_17, %scan3A_18 : i32
    %scan3A_20 = arith.constant 1 : i32
    %scan3A_21 = scf.for %scan3A_37 = %scan3A_17 to %scan3A_19 step %scan3A_20 iter_args(%scan3A_38 = %scan3A_16) -> (i32)  : i32 {
      %get3A = arith.index_cast %scan3A_37 : i32 to index
      %get3A_39 = arith.constant 0 : index
      %get3A_40 = tpu.vector_load %arg7[%get3A, %get3A_39] {strides = array<i32>} : memref<158x128xi32, #tpu.memory_space<vmem>>, vector<1x16xi32>,
      %get3A_41 = vector.shape_cast %get3A_40 : vector<1x16xi32> to vector<16xi32>
      %sub3A = arith.subi %get3A_41, %broadcast_in_dim3A : vector<16xi32>
      %ge3A = arith.constant 0 : i32
      %ge3A_42 = vector.broadcast %ge3A : i32 to vector<16xi32>
      %ge3A_43 = arith.cmpi sge, %sub3A, %ge3A_42 : vector<16xi32>
      %lt3A = arith.cmpi slt, %sub3A, %broadcast_in_dim3A_15 : vector<16xi32>
      %and3A = arith.andi %ge3A_43, %lt3A : vector<16xi1>
      %and3A_44 = arith.constant 127 : i32
      %and3A_45 = vector.broadcast %and3A_44 : i32 to vector<16xi32>
      %and3A_46 = arith.andi %get3A_41, %and3A_45 : vector<16xi32>
      %add3A_47 = arith.addi %broadcast_in_dim3A_15, %and3A_46 : vector<16xi32>
      %select_n3A = arith.select %and3A, %sub3A, %add3A_47 : vector<16xi1>, vector<16xi32>
      %swap3A = arith.index_cast %scan3A_37 : i32 to index
      %swap3A_48 = arith.constant 0 : index
      %swap3A_49 = tpu.vector_load %arg7[%swap3A, %swap3A_48] {strides = array<i32>} : memref<158x128xi32, #tpu.memory_space<vmem>>, vector<1x16xi32>,
      %swap3A_50 = vector.shape_cast %swap3A_49 : vector<1x16xi32> to vector<16xi32>
      %swap3A_51 = vector.shape_cast %select_n3A : vector<16xi32> to vector<1x16xi32>
      tpu.vector_store %arg7[%swap3A, %swap3A_48], %swap3A_51 {strides = array<i32>} : memref<158x128xi32, #tpu.memory_space<vmem>>, vector<1x16xi32>,
      %get3A_52 = arith.index_cast %scan3A_37 : i32 to index
      %get3A_53 = arith.constant 16 : index
      %get3A_54 = tpu.vector_load %arg7[%get3A_52, %get3A_53] {strides = array<i32>} : memref<158x128xi32, #tpu.memory_space<vmem>>, vector<1x16xi32>,
      %get3A_55 = vector.shape_cast %get3A_54 : vector<1x16xi32> to vector<16xi32>
      %sub3A_56 = arith.subi %get3A_55, %broadcast_in_dim3A : vector<16xi32>
      %ge3A_57 = arith.constant 0 : i32
      %ge3A_58 = vector.broadcast %ge3A_57 : i32 to vector<16xi32>
      %ge3A_59 = arith.cmpi sge, %sub3A_56, %ge3A_58 : vector<16xi32>
      %lt3A_60 = arith.cmpi slt, %sub3A_56, %broadcast_in_dim3A_15 : vector<16xi32>
      %and3A_61 = arith.andi %ge3A_59, %lt3A_60 : vector<16xi1>
      %and3A_62 = arith.constant 127 : i32
      %and3A_63 = vector.broadcast %and3A_62 : i32 to vector<16xi32>
      %and3A_64 = arith.andi %get3A_55, %and3A_63 : vector<16xi32>
      %add3A_65 = arith.addi %broadcast_in_dim3A_15, %and3A_64 : vector<16xi32>
      %select_n3A_66 = arith.select %and3A_61, %sub3A_56, %add3A_65 : vector<16xi1>, vector<16xi32>
      %swap3A_67 = arith.index_cast %scan3A_37 : i32 to index
      %swap3A_68 = arith.constant 16 : index
      %swap3A_69 = tpu.vector_load %arg7[%swap3A_67, %swap3A_68] {strides = array<i32>} : memref<158x128xi32, #tpu.memory_space<vmem>>, vector<1x16xi32>,
      %swap3A_70 = vector.shape_cast %swap3A_69 : vector<1x16xi32> to vector<16xi32>
      %swap3A_71 = vector.shape_cast %select_n3A_66 : vector<16xi32> to vector<1x16xi32>
      tpu.vector_store %arg7[%swap3A_67, %swap3A_68], %swap3A_71 {strides = array<i32>} : memref<158x128xi32, #tpu.memory_space<vmem>>, vector<1x16xi32>,
      %get3A_72 = arith.index_cast %scan3A_37 : i32 to index
      %get3A_73 = arith.constant 32 : index
      %get3A_74 = tpu.vector_load %arg7[%get3A_72, %get3A_73] {strides = array<i32>} : memref<158x128xi32, #tpu.memory_space<vmem>>, vector<1x16xi32>,
      %get3A_75 = vector.shape_cast %get3A_74 : vector<1x16xi32> to vector<16xi32>
      %sub3A_76 = arith.subi %get3A_75, %broadcast_in_dim3A : vector<16xi32>
      %ge3A_77 = arith.constant 0 : i32
      %ge3A_78 = vector.broadcast %ge3A_77 : i32 to vector<16xi32>
      %ge3A_79 = arith.cmpi sge, %sub3A_76, %ge3A_78 : vector<16xi32>
      %lt3A_80 = arith.cmpi slt, %sub3A_76, %broadcast_in_dim3A_15 : vector<16xi32>
      %and3A_81 = arith.andi %ge3A_79, %lt3A_80 : vector<16xi1>
      %and3A_82 = arith.constant 127 : i32
      %and3A_83 = vector.broadcast %and3A_82 : i32 to vector<16xi32>
      %and3A_84 = arith.andi %get3A_75, %and3A_83 : vector<16xi32>
      %add3A_85 = arith.addi %broadcast_in_dim3A_15, %and3A_84 : vector<16xi32>
      %select_n3A_86 = arith.select %and3A_81, %sub3A_76, %add3A_85 : vector<16xi1>, vector<16xi32>
      %swap3A_87 = arith.index_cast %scan3A_37 : i32 to index
      %swap3A_88 = arith.constant 32 : index
      %swap3A_89 = tpu.vector_load %arg7[%swap3A_87, %swap3A_88] {strides = array<i32>} : memref<158x128xi32, #tpu.memory_space<vmem>>, vector<1x16xi32>,
      %swap3A_90 = vector.shape_cast %swap3A_89 : vector<1x16xi32> to vector<16xi32>
      %swap3A_91 = vector.shape_cast %select_n3A_86 : vector<16xi32> to vector<1x16xi32>
      tpu.vector_store %arg7[%swap3A_87, %swap3A_88], %swap3A_91 {strides = array<i32>} : memref<158x128xi32, #tpu.memory_space<vmem>>, vector<1x16xi32>,
      %get3A_92 = arith.index_cast %scan3A_37 : i32 to index
      %get3A_93 = arith.constant 48 : index
      %get3A_94 = tpu.vector_load %arg7[%get3A_92, %get3A_93] {strides = array<i32>} : memref<158x128xi32, #tpu.memory_space<vmem>>, vector<1x16xi32>,
      %get3A_95 = vector.shape_cast %get3A_94 : vector<1x16xi32> to vector<16xi32>
      %sub3A_96 = arith.subi %get3A_95, %broadcast_in_dim3A : vector<16xi32>
      %ge3A_97 = arith.constant 0 : i32
      %ge3A_98 = vector.broadcast %ge3A_97 : i32 to vector<16xi32>
      %ge3A_99 = arith.cmpi sge, %sub3A_96, %ge3A_98 : vector<16xi32>
      %lt3A_100 = arith.cmpi slt, %sub3A_96, %broadcast_in_dim3A_15 : vector<16xi32>
      %and3A_101 = arith.andi %ge3A_99, %lt3A_100 : vector<16xi1>
      %and3A_102 = arith.constant 127 : i32
      %and3A_103 = vector.broadcast %and3A_102 : i32 to vector<16xi32>
      %and3A_104 = arith.andi %get3A_95, %and3A_103 : vector<16xi32>
      %add3A_105 = arith.addi %broadcast_in_dim3A_15, %and3A_104 : vector<16xi32>
      %select_n3A_106 = arith.select %and3A_101, %sub3A_96, %add3A_105 : vector<16xi1>, vector<16xi32>
      %swap3A_107 = arith.index_cast %scan3A_37 : i32 to index
      %swap3A_108 = arith.constant 48 : index
      %swap3A_109 = tpu.vector_load %arg7[%swap3A_107, %swap3A_108] {strides = array<i32>} : memref<158x128xi32, #tpu.memory_space<vmem>>, vector<1x16xi32>,
      %swap3A_110 = vector.shape_cast %swap3A_109 : vector<1x16xi32> to vector<16xi32>
      %swap3A_111 = vector.shape_cast %select_n3A_106 : vector<16xi32> to vector<1x16xi32>
      tpu.vector_store %arg7[%swap3A_107, %swap3A_108], %swap3A_111 {strides = array<i32>} : memref<158x128xi32, #tpu.memory_space<vmem>>, vector<1x16xi32>,
      %get3A_112 = arith.index_cast %scan3A_37 : i32 to index
      %get3A_113 = arith.constant 64 : index
      %get3A_114 = tpu.vector_load %arg7[%get3A_112, %get3A_113] {strides = array<i32>} : memref<158x128xi32, #tpu.memory_space<vmem>>, vector<1x16xi32>,
      %get3A_115 = vector.shape_cast %get3A_114 : vector<1x16xi32> to vector<16xi32>
      %sub3A_116 = arith.subi %get3A_115, %broadcast_in_dim3A : vector<16xi32>
      %ge3A_117 = arith.constant 0 : i32
      %ge3A_118 = vector.broadcast %ge3A_117 : i32 to vector<16xi32>
      %ge3A_119 = arith.cmpi sge, %sub3A_116, %ge3A_118 : vector<16xi32>
      %lt3A_120 = arith.cmpi slt, %sub3A_116, %broadcast_in_dim3A_15 : vector<16xi32>
      %and3A_121 = arith.andi %ge3A_119, %lt3A_120 : vector<16xi1>
      %and3A_122 = arith.constant 127 : i32
      %and3A_123 = vector.broadcast %and3A_122 : i32 to vector<16xi32>
      %and3A_124 = arith.andi %get3A_115, %and3A_123 : vector<16xi32>
      %add3A_125 = arith.addi %broadcast_in_dim3A_15, %and3A_124 : vector<16xi32>
      %select_n3A_126 = arith.select %and3A_121, %sub3A_116, %add3A_125 : vector<16xi1>, vector<16xi32>
      %swap3A_127 = arith.index_cast %scan3A_37 : i32 to index
      %swap3A_128 = arith.constant 64 : index
      %swap3A_129 = tpu.vector_load %arg7[%swap3A_127, %swap3A_128] {strides = array<i32>} : memref<158x128xi32, #tpu.memory_space<vmem>>, vector<1x16xi32>,
      %swap3A_130 = vector.shape_cast %swap3A_129 : vector<1x16xi32> to vector<16xi32>
      %swap3A_131 = vector.shape_cast %select_n3A_126 : vector<16xi32> to vector<1x16xi32>
      tpu.vector_store %arg7[%swap3A_127, %swap3A_128], %swap3A_131 {strides = array<i32>} : memref<158x128xi32, #tpu.memory_space<vmem>>, vector<1x16xi32>,
      %get3A_132 = arith.index_cast %scan3A_37 : i32 to index
      %get3A_133 = arith.constant 80 : index
      %get3A_134 = tpu.vector_load %arg7[%get3A_132, %get3A_133] {strides = array<i32>} : memref<158x128xi32, #tpu.memory_space<vmem>>, vector<1x16xi32>,
      %get3A_135 = vector.shape_cast %get3A_134 : vector<1x16xi32> to vector<16xi32>
      %sub3A_136 = arith.subi %get3A_135, %broadcast_in_dim3A : vector<16xi32>
      %ge3A_137 = arith.constant 0 : i32
      %ge3A_138 = vector.broadcast %ge3A_137 : i32 to vector<16xi32>
      %ge3A_139 = arith.cmpi sge, %sub3A_136, %ge3A_138 : vector<16xi32>
      %lt3A_140 = arith.cmpi slt, %sub3A_136, %broadcast_in_dim3A_15 : vector<16xi32>
      %and3A_141 = arith.andi %ge3A_139, %lt3A_140 : vector<16xi1>
      %and3A_142 = arith.constant 127 : i32
      %and3A_143 = vector.broadcast %and3A_142 : i32 to vector<16xi32>
      %and3A_144 = arith.andi %get3A_135, %and3A_143 : vector<16xi32>
      %add3A_145 = arith.addi %broadcast_in_dim3A_15, %and3A_144 : vector<16xi32>
      %select_n3A_146 = arith.select %and3A_141, %sub3A_136, %add3A_145 : vector<16xi1>, vector<16xi32>
      %swap3A_147 = arith.index_cast %scan3A_37 : i32 to index
      %swap3A_148 = arith.constant 80 : index
      %swap3A_149 = tpu.vector_load %arg7[%swap3A_147, %swap3A_148] {strides = array<i32>} : memref<158x128xi32, #tpu.memory_space<vmem>>, vector<1x16xi32>,
      %swap3A_150 = vector.shape_cast %swap3A_149 : vector<1x16xi32> to vector<16xi32>
      %swap3A_151 = vector.shape_cast %select_n3A_146 : vector<16xi32> to vector<1x16xi32>
      tpu.vector_store %arg7[%swap3A_147, %swap3A_148], %swap3A_151 {strides = array<i32>} : memref<158x128xi32, #tpu.memory_space<vmem>>, vector<1x16xi32>,
      %get3A_152 = arith.index_cast %scan3A_37 : i32 to index
      %get3A_153 = arith.constant 96 : index
      %get3A_154 = tpu.vector_load %arg7[%get3A_152, %get3A_153] {strides = array<i32>} : memref<158x128xi32, #tpu.memory_space<vmem>>, vector<1x16xi32>,
      %get3A_155 = vector.shape_cast %get3A_154 : vector<1x16xi32> to vector<16xi32>
      %sub3A_156 = arith.subi %get3A_155, %broadcast_in_dim3A : vector<16xi32>
      %ge3A_157 = arith.constant 0 : i32
      %ge3A_158 = vector.broadcast %ge3A_157 : i32 to vector<16xi32>
      %ge3A_159 = arith.cmpi sge, %sub3A_156, %ge3A_158 : vector<16xi32>
      %lt3A_160 = arith.cmpi slt, %sub3A_156, %broadcast_in_dim3A_15 : vector<16xi32>
      %and3A_161 = arith.andi %ge3A_159, %lt3A_160 : vector<16xi1>
      %and3A_162 = arith.constant 127 : i32
      %and3A_163 = vector.broadcast %and3A_162 : i32 to vector<16xi32>
      %and3A_164 = arith.andi %get3A_155, %and3A_163 : vector<16xi32>
      %add3A_165 = arith.addi %broadcast_in_dim3A_15, %and3A_164 : vector<16xi32>
      %select_n3A_166 = arith.select %and3A_161, %sub3A_156, %add3A_165 : vector<16xi1>, vector<16xi32>
      %swap3A_167 = arith.index_cast %scan3A_37 : i32 to index
      %swap3A_168 = arith.constant 96 : index
      %swap3A_169 = tpu.vector_load %arg7[%swap3A_167, %swap3A_168] {strides = array<i32>} : memref<158x128xi32, #tpu.memory_space<vmem>>, vector<1x16xi32>,
      %swap3A_170 = vector.shape_cast %swap3A_169 : vector<1x16xi32> to vector<16xi32>
      %swap3A_171 = vector.shape_cast %select_n3A_166 : vector<16xi32> to vector<1x16xi32>
      tpu.vector_store %arg7[%swap3A_167, %swap3A_168], %swap3A_171 {strides = array<i32>} : memref<158x128xi32, #tpu.memory_space<vmem>>, vector<1x16xi32>,
      %get3A_172 = arith.index_cast %scan3A_37 : i32 to index
      %get3A_173 = arith.constant 112 : index
      %get3A_174 = tpu.vector_load %arg7[%get3A_172, %get3A_173] {strides = array<i32>} : memref<158x128xi32, #tpu.memory_space<vmem>>, vector<1x16xi32>,
      %get3A_175 = vector.shape_cast %get3A_174 : vector<1x16xi32> to vector<16xi32>
      %sub3A_176 = arith.subi %get3A_175, %broadcast_in_dim3A : vector<16xi32>
      %ge3A_177 = arith.constant 0 : i32
      %ge3A_178 = vector.broadcast %ge3A_177 : i32 to vector<16xi32>
      %ge3A_179 = arith.cmpi sge, %sub3A_176, %ge3A_178 : vector<16xi32>
      %lt3A_180 = arith.cmpi slt, %sub3A_176, %broadcast_in_dim3A_15 : vector<16xi32>
      %and3A_181 = arith.andi %ge3A_179, %lt3A_180 : vector<16xi1>
      %and3A_182 = arith.constant 127 : i32
      %and3A_183 = vector.broadcast %and3A_182 : i32 to vector<16xi32>
      %and3A_184 = arith.andi %get3A_175, %and3A_183 : vector<16xi32>
      %add3A_185 = arith.addi %broadcast_in_dim3A_15, %and3A_184 : vector<16xi32>
      %select_n3A_186 = arith.select %and3A_181, %sub3A_176, %add3A_185 : vector<16xi1>, vector<16xi32>
      %swap3A_187 = arith.index_cast %scan3A_37 : i32 to index
      %swap3A_188 = arith.constant 112 : index
      %swap3A_189 = tpu.vector_load %arg7[%swap3A_187, %swap3A_188] {strides = array<i32>} : memref<158x128xi32, #tpu.memory_space<vmem>>, vector<1x16xi32>,
      %swap3A_190 = vector.shape_cast %swap3A_189 : vector<1x16xi32> to vector<16xi32>
      %swap3A_191 = vector.shape_cast %select_n3A_186 : vector<16xi32> to vector<1x16xi32>
      tpu.vector_store %arg7[%swap3A_187, %swap3A_188], %swap3A_191 {strides = array<i32>} : memref<158x128xi32, #tpu.memory_space<vmem>>, vector<1x16xi32>,
      %scan3A_192 = arith.constant 0 : i32
      scf.yield %scan3A_192 : i32
    }
    %scan3A_22 = arith.constant 158 : i32
    %barrier3A = arith.constant 0 : index
    tpu.barrier barrier_id(%barrier3A)
    %dma_start3A = arith.constant 0 : i32
    %dma_start3A_23 = arith.constant 0 : i32
    %dma_start3A_24 = tpu.memref_slice %arg6[%dma_start3A, %dma_start3A_23] : memref<158x128xi32, #tpu.memory_space<vmem>> -> memref<1x128xi32, #tpu.memory_space<vmem>>
    %dma_start3A_25 = tpu.memref_squeeze %dma_start3A_24 : memref<1x128xi32, #tpu.memory_space<vmem>> -> memref<128xi32, #tpu.memory_space<vmem>>
    %dma_start3A_26 = arith.constant 0 : i32
    %dma_start3A_27 = arith.constant 0 : i32
    %dma_start3A_28 = tpu.memref_slice %arg2[%dma_start3A_26, %dma_start3A_27] : memref<10240x128xf32, #tpu.memory_space<hbm>> -> memref<10240x128xf32, #tpu.memory_space<hbm>>
    tpu.enqueue_indirect_dma source(%dma_start3A_28 : memref<10240x128xf32, #tpu.memory_space<hbm>>) target(%arg8 : memref<128x128xf32, #tpu.memory_space<vmem>>) offsets(%dma_start3A_25 : memref<128xi32, #tpu.memory_space<vmem>>) semaphore(%arg11 : memref<!tpu.dma_semaphore, #tpu.memory_space<semaphore_mem>>)
    %scan3A_29 = arith.constant 0 : i32
    %scan3A_30 = arith.constant 0 : i32
    %scan3A_31 = arith.constant 79 : i32
    %scan3A_32 = arith.addi %scan3A_30, %scan3A_31 : i32
    %scan3A_33 = arith.constant 1 : i32
    %scan3A_34 = scf.for %scan3A_37 = %scan3A_30 to %scan3A_32 step %scan3A_33 iter_args(%scan3A_38 = %scan3A_29) -> (i32)  : i32 {
      %mul3A_39 = arith.constant 2 : i32
      %mul3A_40 = arith.muli %scan3A_37, %mul3A_39 : i32
      %add3A_41 = arith.constant 1 : i32
      %add3A_42 = arith.addi %mul3A_40, %add3A_41 : i32
      %dma_start3A_43 = arith.constant 0 : i32
      %dma_start3A_44 = tpu.memref_slice %arg6[%add3A_42, %dma_start3A_43] : memref<158x128xi32, #tpu.memory_space<vmem>> -> memref<1x128xi32, #tpu.memory_space<vmem>>
      %dma_start3A_45 = tpu.memref_squeeze %dma_start3A_44 : memref<1x128xi32, #tpu.memory_space<vmem>> -> memref<128xi32, #tpu.memory_space<vmem>>
      %dma_start3A_46 = arith.constant 0 : i32
      %dma_start3A_47 = arith.constant 0 : i32
      %dma_start3A_48 = tpu.memref_slice %arg2[%dma_start3A_46, %dma_start3A_47] : memref<10240x128xf32, #tpu.memory_space<hbm>> -> memref<10240x128xf32, #tpu.memory_space<hbm>>
      tpu.enqueue_indirect_dma source(%dma_start3A_48 : memref<10240x128xf32, #tpu.memory_space<hbm>>) target(%arg9 : memref<128x128xf32, #tpu.memory_space<vmem>>) offsets(%dma_start3A_45 : memref<128xi32, #tpu.memory_space<vmem>>) semaphore(%arg12 : memref<!tpu.dma_semaphore, #tpu.memory_space<semaphore_mem>>)
      %dma_wait3A = arith.constant 0 : i32
      %dma_wait3A_49 = tpu.memref_slice %arg6[%mul3A_40, %dma_wait3A] : memref<158x128xi32, #tpu.memory_space<vmem>> -> memref<1x128xi32, #tpu.memory_space<vmem>>
      %dma_wait3A_50 = tpu.memref_squeeze %dma_wait3A_49 : memref<1x128xi32, #tpu.memory_space<vmem>> -> memref<128xi32, #tpu.memory_space<vmem>>
      %dma_wait3A_51 = arith.constant 0 : i32
      %dma_wait3A_52 = arith.constant 0 : i32
      %dma_wait3A_53 = tpu.memref_slice %arg2[%dma_wait3A_51, %dma_wait3A_52] : memref<10240x128xf32, #tpu.memory_space<hbm>> -> memref<10240x128xf32, #tpu.memory_space<hbm>>
      tpu.wait_indirect_dma semaphore(%arg11 : memref<!tpu.dma_semaphore, #tpu.memory_space<semaphore_mem>>) src(%dma_wait3A_53 : memref<10240x128xf32, #tpu.memory_space<hbm>>) dst(%arg8 : memref<128x128xf32, #tpu.memory_space<vmem>>)
      "tpu.region"() ({
        %run_scoped3A = tpu.sem_alloc : memref<!tpu.dma_semaphore, #tpu.memory_space<semaphore_mem>>
        %dma_start3A_67 = arith.constant 0 : i32
        %dma_start3A_68 = tpu.memref_slice %arg7[%mul3A_40, %dma_start3A_67] : memref<158x128xi32, #tpu.memory_space<vmem>> -> memref<1x128xi32, #tpu.memory_space<vmem>>
        %dma_start3A_69 = tpu.memref_squeeze %dma_start3A_68 : memref<1x128xi32, #tpu.memory_space<vmem>> -> memref<128xi32, #tpu.memory_space<vmem>>
        %dma_start3A_70 = arith.constant 0 : i32
        %dma_start3A_71 = arith.constant 0 : i32
        %dma_start3A_72 = tpu.memref_slice %arg10[%dma_start3A_70, %dma_start3A_71] : memref<5248x128xf32, #tpu.memory_space<vmem_shared>> -> memref<5248x128xf32, #tpu.memory_space<vmem_shared>>
        tpu.enqueue_indirect_dma source(%arg8 : memref<128x128xf32, #tpu.memory_space<vmem>>) target(%dma_start3A_72 : memref<5248x128xf32, #tpu.memory_space<vmem_shared>>) offsets(%dma_start3A_69 : memref<128xi32, #tpu.memory_space<vmem>>) semaphore(%run_scoped3A : memref<!tpu.dma_semaphore, #tpu.memory_space<semaphore_mem>>) {add = true}
        %dma_wait3A_73 = arith.constant 0 : i32
        %dma_wait3A_74 = tpu.memref_slice %arg7[%mul3A_40, %dma_wait3A_73] : memref<158x128xi32, #tpu.memory_space<vmem>> -> memref<1x128xi32, #tpu.memory_space<vmem>>
        %dma_wait3A_75 = tpu.memref_squeeze %dma_wait3A_74 : memref<1x128xi32, #tpu.memory_space<vmem>> -> memref<128xi32, #tpu.memory_space<vmem>>
        %dma_wait3A_76 = arith.constant 0 : i32
        %dma_wait3A_77 = arith.constant 0 : i32
        %dma_wait3A_78 = tpu.memref_slice %arg10[%dma_wait3A_76, %dma_wait3A_77] : memref<5248x128xf32, #tpu.memory_space<vmem_shared>> -> memref<5248x128xf32, #tpu.memory_space<vmem_shared>>
        tpu.wait_indirect_dma semaphore(%run_scoped3A : memref<!tpu.dma_semaphore, #tpu.memory_space<semaphore_mem>>) src(%arg8 : memref<128x128xf32, #tpu.memory_space<vmem>>) dst(%dma_wait3A_78 : memref<5248x128xf32, #tpu.memory_space<vmem_shared>>)
        tpu.yield
      }) : () -> ()
      %add3A_54 = arith.constant 2 : i32
      %add3A_55 = arith.addi %mul3A_40, %add3A_54 : i32
      %lt3A = arith.constant 158 : i32
      %lt3A_56 = arith.cmpi slt, %add3A_55, %lt3A : i32
      %convert_element_type3A = arith.extui %lt3A_56 : i1 to i32
      %cond3A = arith.constant 0 : i32
      %cond3A_57 = arith.cmpi ne, %convert_element_type3A, %cond3A : i32
      scf.if %cond3A_57 {
        %add3A_67 = arith.constant 2 : i32
        %add3A_68 = arith.addi %mul3A_40, %add3A_67 : i32
        %dma_start3A_69 = arith.constant 0 : i32
        %dma_start3A_70 = tpu.memref_slice %arg6[%add3A_68, %dma_start3A_69] : memref<158x128xi32, #tpu.memory_space<vmem>> -> memref<1x128xi32, #tpu.memory_space<vmem>>
        %dma_start3A_71 = tpu.memref_squeeze %dma_start3A_70 : memref<1x128xi32, #tpu.memory_space<vmem>> -> memref<128xi32, #tpu.memory_space<vmem>>
        %dma_start3A_72 = arith.constant 0 : i32
        %dma_start3A_73 = arith.constant 0 : i32
        %dma_start3A_74 = tpu.memref_slice %arg2[%dma_start3A_72, %dma_start3A_73] : memref<10240x128xf32, #tpu.memory_space<hbm>> -> memref<10240x128xf32, #tpu.memory_space<hbm>>
        tpu.enqueue_indirect_dma source(%dma_start3A_74 : memref<10240x128xf32, #tpu.memory_space<hbm>>) target(%arg8 : memref<128x128xf32, #tpu.memory_space<vmem>>) offsets(%dma_start3A_71 : memref<128xi32, #tpu.memory_space<vmem>>) semaphore(%arg11 : memref<!tpu.dma_semaphore, #tpu.memory_space<semaphore_mem>>)
      } else {
      }
      %dma_wait3A_58 = arith.constant 0 : i32
      %dma_wait3A_59 = tpu.memref_slice %arg6[%add3A_42, %dma_wait3A_58] : memref<158x128xi32, #tpu.memory_space<vmem>> -> memref<1x128xi32, #tpu.memory_space<vmem>>
      %dma_wait3A_60 = tpu.memref_squeeze %dma_wait3A_59 : memref<1x128xi32, #tpu.memory_space<vmem>> -> memref<128xi32, #tpu.memory_space<vmem>>
      %dma_wait3A_61 = arith.constant 0 : i32
      %dma_wait3A_62 = arith.constant 0 : i32
      %dma_wait3A_63 = tpu.memref_slice %arg2[%dma_wait3A_61, %dma_wait3A_62] : memref<10240x128xf32, #tpu.memory_space<hbm>> -> memref<10240x128xf32, #tpu.memory_space<hbm>>
      tpu.wait_indirect_dma semaphore(%arg12 : memref<!tpu.dma_semaphore, #tpu.memory_space<semaphore_mem>>) src(%dma_wait3A_63 : memref<10240x128xf32, #tpu.memory_space<hbm>>) dst(%arg9 : memref<128x128xf32, #tpu.memory_space<vmem>>)
      %add3A_64 = arith.constant 1 : i32
      %add3A_65 = arith.addi %mul3A_40, %add3A_64 : i32
      "tpu.region"() ({
        %run_scoped3A = tpu.sem_alloc : memref<!tpu.dma_semaphore, #tpu.memory_space<semaphore_mem>>
        %dma_start3A_67 = arith.constant 0 : i32
        %dma_start3A_68 = tpu.memref_slice %arg7[%add3A_65, %dma_start3A_67] : memref<158x128xi32, #tpu.memory_space<vmem>> -> memref<1x128xi32, #tpu.memory_space<vmem>>
        %dma_start3A_69 = tpu.memref_squeeze %dma_start3A_68 : memref<1x128xi32, #tpu.memory_space<vmem>> -> memref<128xi32, #tpu.memory_space<vmem>>
        %dma_start3A_70 = arith.constant 0 : i32
        %dma_start3A_71 = arith.constant 0 : i32
        %dma_start3A_72 = tpu.memref_slice %arg10[%dma_start3A_70, %dma_start3A_71] : memref<5248x128xf32, #tpu.memory_space<vmem_shared>> -> memref<5248x128xf32, #tpu.memory_space<vmem_shared>>
        tpu.enqueue_indirect_dma source(%arg9 : memref<128x128xf32, #tpu.memory_space<vmem>>) target(%dma_start3A_72 : memref<5248x128xf32, #tpu.memory_space<vmem_shared>>) offsets(%dma_start3A_69 : memref<128xi32, #tpu.memory_space<vmem>>) semaphore(%run_scoped3A : memref<!tpu.dma_semaphore, #tpu.memory_space<semaphore_mem>>) {add = true}
        %dma_wait3A_73 = arith.constant 0 : i32
        %dma_wait3A_74 = tpu.memref_slice %arg7[%add3A_65, %dma_wait3A_73] : memref<158x128xi32, #tpu.memory_space<vmem>> -> memref<1x128xi32, #tpu.memory_space<vmem>>
        %dma_wait3A_75 = tpu.memref_squeeze %dma_wait3A_74 : memref<1x128xi32, #tpu.memory_space<vmem>> -> memref<128xi32, #tpu.memory_space<vmem>>
        %dma_wait3A_76 = arith.constant 0 : i32
        %dma_wait3A_77 = arith.constant 0 : i32
        %dma_wait3A_78 = tpu.memref_slice %arg10[%dma_wait3A_76, %dma_wait3A_77] : memref<5248x128xf32, #tpu.memory_space<vmem_shared>> -> memref<5248x128xf32, #tpu.memory_space<vmem_shared>>
        tpu.wait_indirect_dma semaphore(%run_scoped3A : memref<!tpu.dma_semaphore, #tpu.memory_space<semaphore_mem>>) src(%arg9 : memref<128x128xf32, #tpu.memory_space<vmem>>) dst(%dma_wait3A_78 : memref<5248x128xf32, #tpu.memory_space<vmem_shared>>)
        tpu.yield
      }) : () -> ()
      %scan3A_66 = arith.constant 0 : i32
      scf.yield %scan3A_66 : i32
    }
    %scan3A_35 = arith.constant 79 : i32
    %barrier3A_36 = arith.constant 0 : index
    tpu.barrier barrier_id(%barrier3A_36)
    "tpu.region"() ({
      %run_scoped3A = tpu.sem_alloc : memref<!tpu.dma_semaphore, #tpu.memory_space<semaphore_mem>>
      %dma_start3A_37 = arith.constant 0 : i32
      %dma_start3A_38 = tpu.memref_slice %arg5[%arg0, %mul3A_6, %dma_start3A_37] : memref<2x5248x128xf32, #tpu.memory_space<hbm>> -> memref<1x328x128xf32, #tpu.memory_space<hbm>>
      %dma_start3A_39 = tpu.memref_squeeze %dma_start3A_38 : memref<1x328x128xf32, #tpu.memory_space<hbm>> -> memref<328x128xf32, #tpu.memory_space<hbm>>
      %dma_start3A_40 = arith.constant 0 : i32
      %dma_start3A_41 = tpu.memref_slice %arg10[%mul3A_6, %dma_start3A_40] : memref<5248x128xf32, #tpu.memory_space<vmem_shared>> -> memref<328x128xf32, #tpu.memory_space<vmem_shared>>
      tpu.enqueue_dma source(%dma_start3A_41 : memref<328x128xf32, #tpu.memory_space<vmem_shared>>) target(%dma_start3A_39 : memref<328x128xf32, #tpu.memory_space<hbm>>) target_semaphore(%run_scoped3A : memref<!tpu.dma_semaphore, #tpu.memory_space<semaphore_mem>>)
      %dma_wait3A = arith.constant 0 : i32
      %dma_wait3A_42 = tpu.memref_slice %arg5[%arg0, %mul3A_6, %dma_wait3A] : memref<2x5248x128xf32, #tpu.memory_space<hbm>> -> memref<1x328x128xf32, #tpu.memory_space<hbm>>
      %dma_wait3A_43 = tpu.memref_squeeze %dma_wait3A_42 : memref<1x328x128xf32, #tpu.memory_space<hbm>> -> memref<328x128xf32, #tpu.memory_space<hbm>>
      %dma_wait3A_44 = arith.constant 0 : i32
      %dma_wait3A_45 = tpu.memref_slice %arg10[%mul3A_6, %dma_wait3A_44] : memref<5248x128xf32, #tpu.memory_space<vmem_shared>> -> memref<328x128xf32, #tpu.memory_space<vmem_shared>>
      tpu.wait_dma2 semaphore(%run_scoped3A : memref<!tpu.dma_semaphore, #tpu.memory_space<semaphore_mem>>) src(%dma_wait3A_45 : memref<328x128xf32, #tpu.memory_space<vmem_shared>>) dst(%dma_wait3A_43 : memref<328x128xf32, #tpu.memory_space<hbm>>)
      tpu.yield
    }) : () -> ()
    return
  }
}

module attributes {stable_mosaic.version = 14 : i64} {
  func.func @_bnmm_body(%arg0: memref<2x5248x128xf32, #tpu.memory_space<vmem>>, %arg1: memref<10240x128xf32, #tpu.memory_space<vmem>>, %arg2: memref<10240x1xf32, #tpu.memory_space<vmem>>, %arg3: memref<128x128xf32, #tpu.memory_space<vmem>>, %arg4: memref<10240x128xf32, #tpu.memory_space<vmem>>) attributes {dimension_semantics = [], scalar_prefetch = 0 : i64, scratch_operands = 0 : i64, tpu.core_type = #tpu.core_type<tc>} {
    %get3A = arith.constant 0 : index
    %get3A_0 = arith.constant 0 : index
    %get3A_1 = vector.load %arg2[%get3A, %get3A_0] : memref<10240x1xf32, #tpu.memory_space<vmem>>, vector<10240x1xf32>
    %get3A_2 = arith.constant 0 : index
    %get3A_3 = arith.constant 0 : index
    %get3A_4 = arith.constant 0 : index
    %get3A_5 = vector.load %arg0[%get3A_2, %get3A_3, %get3A_4] : memref<2x5248x128xf32, #tpu.memory_space<vmem>>, vector<1x5248x128xf32>
    %get3A_6 = vector.shape_cast %get3A_5 : vector<1x5248x128xf32> to vector<5248x128xf32>
    %slice3A = vector.extract_strided_slice %get3A_6 {offsets = [0, 0], sizes = [5120, 128], strides = [1, 1]} : vector<5248x128xf32> to vector<5120x128xf32>
    %get3A_7 = arith.constant 1 : index
    %get3A_8 = arith.constant 0 : index
    %get3A_9 = arith.constant 0 : index
    %get3A_10 = vector.load %arg0[%get3A_7, %get3A_8, %get3A_9] : memref<2x5248x128xf32, #tpu.memory_space<vmem>>, vector<1x5248x128xf32>
    %get3A_11 = vector.shape_cast %get3A_10 : vector<1x5248x128xf32> to vector<5248x128xf32>
    %slice3A_12 = vector.extract_strided_slice %get3A_11 {offsets = [0, 0], sizes = [5120, 128], strides = [1, 1]} : vector<5248x128xf32> to vector<5120x128xf32>
    %concatenate3A = tpu.concatenate %slice3A, %slice3A_12 in 0 : vector<5120x128xf32>, vector<5120x128xf32> -> vector<10240x128xf32>
    %get3A_13 = arith.constant 0 : index
    %get3A_14 = arith.constant 0 : index
    %get3A_15 = vector.load %arg1[%get3A_13, %get3A_14] : memref<10240x128xf32, #tpu.memory_space<vmem>>, vector<10240x128xf32>
    %add3A = arith.addf %concatenate3A, %get3A_15 : vector<10240x128xf32>
    %mul3A = vector.broadcast %get3A_1 : vector<10240x1xf32> to vector<10240x128xf32>
    %mul3A_16 = arith.mulf %mul3A, %add3A : vector<10240x128xf32>
    %reduce_sum3A = arith.constant dense<0.000000e+00> : vector<128xf32>
    %reduce_sum3A_17 = vector.multi_reduction <add>, %mul3A_16, %reduce_sum3A [0] : vector<10240x128xf32> to vector<128xf32>
    %broadcast_in_dim3A = vector.shape_cast %reduce_sum3A_17 : vector<128xf32> to vector<1x128xf32>
    %mul3A_18 = arith.constant 9.99999974E-5 : f32
    %mul3A_19 = vector.broadcast %mul3A_18 : f32 to vector<1x128xf32>
    %mul3A_20 = arith.mulf %broadcast_in_dim3A, %mul3A_19 : vector<1x128xf32>
    %iota3A = tpu.iota {dimensions = array<i32: 0>} : vector<10240x128xi32>
    %lt3A = arith.constant 10000 : i32
    %lt3A_21 = vector.broadcast %lt3A : i32 to vector<10240x128xi32>
    %lt3A_22 = arith.cmpi slt, %iota3A, %lt3A_21 : vector<10240x128xi32>
    %sub3A = vector.broadcast %mul3A_20 : vector<1x128xf32> to vector<10240x128xf32>
    %sub3A_23 = arith.subf %mul3A_16, %sub3A : vector<10240x128xf32>
    %jit3A = arith.constant 0.000000e+00 : f32
    %broadcast_in_dim3A_24 = vector.broadcast %jit3A : f32 to vector<10240x128xf32>
    %select_n3A = arith.select %lt3A_22, %sub3A_23, %broadcast_in_dim3A_24 : vector<10240x128xi1>, vector<10240x128xf32>
    %mul3A_25 = arith.mulf %select_n3A, %select_n3A : vector<10240x128xf32>
    %reduce_sum3A_26 = arith.constant dense<0.000000e+00> : vector<128xf32>
    %reduce_sum3A_27 = vector.multi_reduction <add>, %mul3A_25, %reduce_sum3A_26 [0] : vector<10240x128xf32> to vector<128xf32>
    %broadcast_in_dim3A_28 = vector.shape_cast %reduce_sum3A_27 : vector<128xf32> to vector<1x128xf32>
    %mul3A_29 = arith.constant 9.99999974E-5 : f32
    %mul3A_30 = vector.broadcast %mul3A_29 : f32 to vector<1x128xf32>
    %mul3A_31 = arith.mulf %broadcast_in_dim3A_28, %mul3A_30 : vector<1x128xf32>
    %add3A_32 = arith.constant 9.99999974E-6 : f32
    %add3A_33 = vector.broadcast %add3A_32 : f32 to vector<1x128xf32>
    %add3A_34 = arith.addf %mul3A_31, %add3A_33 : vector<1x128xf32>
    %rsqrt3A = math.rsqrt %add3A_34 : vector<1x128xf32>
    %mul3A_35 = vector.broadcast %rsqrt3A : vector<1x128xf32> to vector<10240x128xf32>
    %mul3A_36 = arith.mulf %select_n3A, %mul3A_35 : vector<10240x128xf32>
    %max3A = arith.constant 0.000000e+00 : f32
    %max3A_37 = vector.broadcast %max3A : f32 to vector<10240x128xf32>
    %max3A_38 = arith.maximumf %mul3A_36, %max3A_37 : vector<10240x128xf32>
    %get3A_39 = arith.constant 0 : index
    %get3A_40 = arith.constant 0 : index
    %get3A_41 = vector.load %arg3[%get3A_39, %get3A_40] : memref<128x128xf32, #tpu.memory_space<vmem>>, vector<128x128xf32>
    %dot_general3A = arith.constant dense<0.000000e+00> : vector<10240x128xf32>
    %dot_general3A_42 = tpu.matmul %max3A_38, %get3A_41, %dot_general3A {dimension_numbers = #tpu.dot_dimension_numbers<[1], [0], [0], [1], [0, 0, 1, 1], [], []>, transpose_lhs_hint = false} : vector<10240x128xf32>, vector<128x128xf32>, vector<10240x128xf32> -> vector<10240x128xf32>
    %get3A_43 = arith.constant 0 : index
    %get3A_44 = arith.constant 0 : index
    %get3A_45 = vector.load %arg2[%get3A_43, %get3A_44] : memref<10240x1xf32, #tpu.memory_space<vmem>>, vector<10240x1xf32>
    %mul3A_46 = vector.broadcast %get3A_45 : vector<10240x1xf32> to vector<10240x128xf32>
    %mul3A_47 = arith.mulf %dot_general3A_42, %mul3A_46 : vector<10240x128xf32>
    %swap3A = arith.constant 0 : index
    %swap3A_48 = arith.constant 0 : index
    %swap3A_49 = vector.load %arg4[%swap3A, %swap3A_48] : memref<10240x128xf32, #tpu.memory_space<vmem>>, vector<10240x128xf32>
    tpu.vector_store %arg4[%swap3A, %swap3A_48], %mul3A_47 {strides = array<i32>} : memref<10240x128xf32, #tpu.memory_space<vmem>>, vector<10240x128xf32>,
    return
  }
}

module attributes {stable_mosaic.version = 14 : i64} {
  func.func @_xw_body(%arg0: memref<10240x128xf32, #tpu.memory_space<vmem>>, %arg1: memref<128x128xf32, #tpu.memory_space<vmem>>, %arg2: memref<2x5248x16xf32, #tpu.memory_space<vmem>>, %arg3: memref<10240x128xf32, #tpu.memory_space<vmem>>, %arg4: memref<10240x1xf32, #tpu.memory_space<vmem>>) attributes {dimension_semantics = [], scalar_prefetch = 0 : i64, scratch_operands = 0 : i64, tpu.core_type = #tpu.core_type<tc>} {
    %get3A = arith.constant 0 : index
    %get3A_0 = arith.constant 0 : index
    %get3A_1 = arith.constant 0 : index
    %get3A_2 = vector.load %arg2[%get3A, %get3A_0, %get3A_1] : memref<2x5248x16xf32, #tpu.memory_space<vmem>>, vector<1x5248x16xf32>
    %get3A_3 = vector.shape_cast %get3A_2 : vector<1x5248x16xf32> to vector<5248x16xf32>
    %get3A_4 = arith.constant 1 : index
    %get3A_5 = arith.constant 0 : index
    %get3A_6 = arith.constant 0 : index
    %get3A_7 = vector.load %arg2[%get3A_4, %get3A_5, %get3A_6] : memref<2x5248x16xf32, #tpu.memory_space<vmem>>, vector<1x5248x16xf32>
    %get3A_8 = vector.shape_cast %get3A_7 : vector<1x5248x16xf32> to vector<5248x16xf32>
    %slice3A = vector.extract_strided_slice %get3A_3 {offsets = [0, 0], sizes = [5120, 1], strides = [1, 1]} : vector<5248x16xf32> to vector<5120x1xf32>
    %slice3A_9 = vector.extract_strided_slice %get3A_8 {offsets = [0, 0], sizes = [5120, 1], strides = [1, 1]} : vector<5248x16xf32> to vector<5120x1xf32>
    %concatenate3A = tpu.concatenate %slice3A, %slice3A_9 in 0 : vector<5120x1xf32>, vector<5120x1xf32> -> vector<10240x1xf32>
    %add3A = arith.constant 1.000000e+00 : f32
    %add3A_10 = vector.broadcast %add3A : f32 to vector<10240x1xf32>
    %add3A_11 = arith.addf %concatenate3A, %add3A_10 : vector<10240x1xf32>
    %iota3A = tpu.iota {dimensions = array<i32: 0>} : vector<10240x1xi32>
    %lt3A = arith.constant 10000 : i32
    %lt3A_12 = vector.broadcast %lt3A : i32 to vector<10240x1xi32>
    %lt3A_13 = arith.cmpi slt, %iota3A, %lt3A_12 : vector<10240x1xi32>
    %rsqrt3A = math.rsqrt %add3A_11 : vector<10240x1xf32>
    %jit3A = arith.constant 0.000000e+00 : f32
    %broadcast_in_dim3A = vector.broadcast %jit3A : f32 to vector<10240x1xf32>
    %select_n3A = arith.select %lt3A_13, %rsqrt3A, %broadcast_in_dim3A : vector<10240x1xi1>, vector<10240x1xf32>
    %swap3A = arith.constant 0 : index
    %swap3A_14 = arith.constant 0 : index
    %swap3A_15 = vector.load %arg4[%swap3A, %swap3A_14] : memref<10240x1xf32, #tpu.memory_space<vmem>>, vector<10240x1xf32>
    tpu.vector_store %arg4[%swap3A, %swap3A_14], %select_n3A {strides = array<i32>} : memref<10240x1xf32, #tpu.memory_space<vmem>>, vector<10240x1xf32>,
    %get3A_16 = arith.constant 0 : index
    %get3A_17 = arith.constant 0 : index
    %get3A_18 = vector.load %arg0[%get3A_16, %get3A_17] : memref<10240x128xf32, #tpu.memory_space<vmem>>, vector<10240x128xf32>
    %get3A_19 = arith.constant 0 : index
    %get3A_20 = arith.constant 0 : index
    %get3A_21 = vector.load %arg1[%get3A_19, %get3A_20] : memref<128x128xf32, #tpu.memory_space<vmem>>, vector<128x128xf32>
    %dot_general3A = arith.constant dense<0.000000e+00> : vector<10240x128xf32>
    %dot_general3A_22 = tpu.matmul %get3A_18, %get3A_21, %dot_general3A {dimension_numbers = #tpu.dot_dimension_numbers<[1], [0], [0], [1], [0, 0, 1, 1], [], []>, transpose_lhs_hint = false} : vector<10240x128xf32>, vector<128x128xf32>, vector<10240x128xf32> -> vector<10240x128xf32>
    %mul3A = vector.broadcast %select_n3A : vector<10240x1xf32> to vector<10240x128xf32>
    %mul3A_23 = arith.mulf %dot_general3A_22, %mul3A : vector<10240x128xf32>
    %swap3A_24 = arith.constant 0 : index
    %swap3A_25 = arith.constant 0 : index
    %swap3A_26 = vector.load %arg3[%swap3A_24, %swap3A_25] : memref<10240x128xf32, #tpu.memory_space<vmem>>, vector<10240x128xf32>
    tpu.vector_store %arg3[%swap3A_24, %swap3A_25], %mul3A_23 {strides = array<i32>} : memref<10240x128xf32, #tpu.memory_space<vmem>>, vector<10240x128xf32>,
    return
  }
}

module attributes {stable_mosaic.version = 14 : i64} {
  func.func @_bn_body(%arg0: memref<2x5248x128xf32, #tpu.memory_space<vmem>>, %arg1: memref<10240x128xf32, #tpu.memory_space<vmem>>, %arg2: memref<10240x1xf32, #tpu.memory_space<vmem>>, %arg3: memref<10240x128xf32, #tpu.memory_space<vmem>>) attributes {dimension_semantics = [], scalar_prefetch = 0 : i64, scratch_operands = 0 : i64, tpu.core_type = #tpu.core_type<tc>} {
    %get3A = arith.constant 0 : index
    %get3A_0 = arith.constant 0 : index
    %get3A_1 = vector.load %arg2[%get3A, %get3A_0] : memref<10240x1xf32, #tpu.memory_space<vmem>>, vector<10240x1xf32>
    %get3A_2 = arith.constant 0 : index
    %get3A_3 = arith.constant 0 : index
    %get3A_4 = arith.constant 0 : index
    %get3A_5 = vector.load %arg0[%get3A_2, %get3A_3, %get3A_4] : memref<2x5248x128xf32, #tpu.memory_space<vmem>>, vector<1x5248x128xf32>
    %get3A_6 = vector.shape_cast %get3A_5 : vector<1x5248x128xf32> to vector<5248x128xf32>
    %slice3A = vector.extract_strided_slice %get3A_6 {offsets = [0, 0], sizes = [5120, 128], strides = [1, 1]} : vector<5248x128xf32> to vector<5120x128xf32>
    %get3A_7 = arith.constant 1 : index
    %get3A_8 = arith.constant 0 : index
    %get3A_9 = arith.constant 0 : index
    %get3A_10 = vector.load %arg0[%get3A_7, %get3A_8, %get3A_9] : memref<2x5248x128xf32, #tpu.memory_space<vmem>>, vector<1x5248x128xf32>
    %get3A_11 = vector.shape_cast %get3A_10 : vector<1x5248x128xf32> to vector<5248x128xf32>
    %slice3A_12 = vector.extract_strided_slice %get3A_11 {offsets = [0, 0], sizes = [5120, 128], strides = [1, 1]} : vector<5248x128xf32> to vector<5120x128xf32>
    %concatenate3A = tpu.concatenate %slice3A, %slice3A_12 in 0 : vector<5120x128xf32>, vector<5120x128xf32> -> vector<10240x128xf32>
    %get3A_13 = arith.constant 0 : index
    %get3A_14 = arith.constant 0 : index
    %get3A_15 = vector.load %arg1[%get3A_13, %get3A_14] : memref<10240x128xf32, #tpu.memory_space<vmem>>, vector<10240x128xf32>
    %add3A = arith.addf %concatenate3A, %get3A_15 : vector<10240x128xf32>
    %mul3A = vector.broadcast %get3A_1 : vector<10240x1xf32> to vector<10240x128xf32>
    %mul3A_16 = arith.mulf %mul3A, %add3A : vector<10240x128xf32>
    %reduce_sum3A = arith.constant dense<0.000000e+00> : vector<128xf32>
    %reduce_sum3A_17 = vector.multi_reduction <add>, %mul3A_16, %reduce_sum3A [0] : vector<10240x128xf32> to vector<128xf32>
    %broadcast_in_dim3A = vector.shape_cast %reduce_sum3A_17 : vector<128xf32> to vector<1x128xf32>
    %mul3A_18 = arith.constant 9.99999974E-5 : f32
    %mul3A_19 = vector.broadcast %mul3A_18 : f32 to vector<1x128xf32>
    %mul3A_20 = arith.mulf %broadcast_in_dim3A, %mul3A_19 : vector<1x128xf32>
    %iota3A = tpu.iota {dimensions = array<i32: 0>} : vector<10240x128xi32>
    %lt3A = arith.constant 10000 : i32
    %lt3A_21 = vector.broadcast %lt3A : i32 to vector<10240x128xi32>
    %lt3A_22 = arith.cmpi slt, %iota3A, %lt3A_21 : vector<10240x128xi32>
    %sub3A = vector.broadcast %mul3A_20 : vector<1x128xf32> to vector<10240x128xf32>
    %sub3A_23 = arith.subf %mul3A_16, %sub3A : vector<10240x128xf32>
    %jit3A = arith.constant 0.000000e+00 : f32
    %broadcast_in_dim3A_24 = vector.broadcast %jit3A : f32 to vector<10240x128xf32>
    %select_n3A = arith.select %lt3A_22, %sub3A_23, %broadcast_in_dim3A_24 : vector<10240x128xi1>, vector<10240x128xf32>
    %mul3A_25 = arith.mulf %select_n3A, %select_n3A : vector<10240x128xf32>
    %reduce_sum3A_26 = arith.constant dense<0.000000e+00> : vector<128xf32>
    %reduce_sum3A_27 = vector.multi_reduction <add>, %mul3A_25, %reduce_sum3A_26 [0] : vector<10240x128xf32> to vector<128xf32>
    %broadcast_in_dim3A_28 = vector.shape_cast %reduce_sum3A_27 : vector<128xf32> to vector<1x128xf32>
    %mul3A_29 = arith.constant 9.99999974E-5 : f32
    %mul3A_30 = vector.broadcast %mul3A_29 : f32 to vector<1x128xf32>
    %mul3A_31 = arith.mulf %broadcast_in_dim3A_28, %mul3A_30 : vector<1x128xf32>
    %add3A_32 = arith.constant 9.99999974E-6 : f32
    %add3A_33 = vector.broadcast %add3A_32 : f32 to vector<1x128xf32>
    %add3A_34 = arith.addf %mul3A_31, %add3A_33 : vector<1x128xf32>
    %rsqrt3A = math.rsqrt %add3A_34 : vector<1x128xf32>
    %mul3A_35 = vector.broadcast %rsqrt3A : vector<1x128xf32> to vector<10240x128xf32>
    %mul3A_36 = arith.mulf %select_n3A, %mul3A_35 : vector<10240x128xf32>
    %max3A = arith.constant 0.000000e+00 : f32
    %max3A_37 = vector.broadcast %max3A : f32 to vector<10240x128xf32>
    %max3A_38 = arith.maximumf %mul3A_36, %max3A_37 : vector<10240x128xf32>
    %swap3A = arith.constant 0 : index
    %swap3A_39 = arith.constant 0 : index
    %swap3A_40 = vector.load %arg3[%swap3A, %swap3A_39] : memref<10240x128xf32, #tpu.memory_space<vmem>>, vector<10240x128xf32>
    tpu.vector_store %arg3[%swap3A, %swap3A_39], %max3A_38 {strides = array<i32>} : memref<10240x128xf32, #tpu.memory_space<vmem>>, vector<10240x128xf32>,
    return
  }
}

module attributes {stable_mosaic.version = 14 : i64} {
  func.func @_head_body(%arg0: memref<16x128xf32, #tpu.memory_space<vmem>>, %arg1: memref<16x128xf32, #tpu.memory_space<vmem>>, %arg2: memref<16x128xf32, #tpu.memory_space<vmem>>, %arg3: memref<16x128xf32, #tpu.memory_space<vmem>>, %arg4: memref<1x128xf32, #tpu.memory_space<vmem>>, %arg5: memref<384x128xf32, #tpu.memory_space<vmem>>, %arg6: memref<1x128xf32, #tpu.memory_space<vmem>>, %arg7: memref<128x1xf32, #tpu.memory_space<vmem>>, %arg8: memref<1x1xf32, #tpu.memory_space<vmem>>, %arg9: memref<16x1xf32, #tpu.memory_space<vmem>>) attributes {dimension_semantics = [], scalar_prefetch = 0 : i64, scratch_operands = 0 : i64, tpu.core_type = #tpu.core_type<tc>} {
    %get3A = arith.constant 0 : index
    %get3A_0 = arith.constant 0 : index
    %get3A_1 = vector.load %arg0[%get3A, %get3A_0] : memref<16x128xf32, #tpu.memory_space<vmem>>, vector<16x128xf32>
    %get3A_2 = arith.constant 0 : index
    %get3A_3 = arith.constant 0 : index
    %get3A_4 = vector.load %arg1[%get3A_2, %get3A_3] : memref<16x128xf32, #tpu.memory_space<vmem>>, vector<16x128xf32>
    %add3A = arith.addf %get3A_1, %get3A_4 : vector<16x128xf32>
    %get3A_5 = arith.constant 0 : index
    %get3A_6 = arith.constant 0 : index
    %get3A_7 = vector.load %arg2[%get3A_5, %get3A_6] : memref<16x128xf32, #tpu.memory_space<vmem>>, vector<16x128xf32>
    %get3A_8 = arith.constant 0 : index
    %get3A_9 = arith.constant 0 : index
    %get3A_10 = vector.load %arg3[%get3A_8, %get3A_9] : memref<16x128xf32, #tpu.memory_space<vmem>>, vector<16x128xf32>
    %add3A_11 = arith.addf %get3A_7, %get3A_10 : vector<16x128xf32>
    %sub3A = arith.subf %add3A_11, %add3A : vector<16x128xf32>
    %get3A_12 = arith.constant 0 : index
    %get3A_13 = arith.constant 0 : index
    %get3A_14 = vector.load %arg5[%get3A_12, %get3A_13] : memref<384x128xf32, #tpu.memory_space<vmem>>, vector<128x128xf32>
    %get3A_15 = arith.constant 128 : index
    %get3A_16 = arith.constant 0 : index
    %get3A_17 = vector.load %arg5[%get3A_15, %get3A_16] : memref<384x128xf32, #tpu.memory_space<vmem>>, vector<128x128xf32>
    %get3A_18 = arith.constant 256 : index
    %get3A_19 = arith.constant 0 : index
    %get3A_20 = vector.load %arg5[%get3A_18, %get3A_19] : memref<384x128xf32, #tpu.memory_space<vmem>>, vector<128x128xf32>
    %get3A_21 = arith.constant 0 : index
    %get3A_22 = arith.constant 0 : index
    %get3A_23 = vector.load %arg4[%get3A_21, %get3A_22] : memref<1x128xf32, #tpu.memory_space<vmem>>, vector<1x128xf32>
    %dot_general3A = arith.constant dense<0.000000e+00> : vector<1x128xf32>
    %dot_general3A_24 = tpu.matmul %get3A_23, %get3A_14, %dot_general3A {dimension_numbers = #tpu.dot_dimension_numbers<[1], [0], [0], [1], [0, 0, 1, 1], [], []>, transpose_lhs_hint = false} : vector<1x128xf32>, vector<128x128xf32>, vector<1x128xf32> -> vector<1x128xf32>
    %dot_general3A_25 = arith.constant dense<0.000000e+00> : vector<16x128xf32>
    %dot_general3A_26 = tpu.matmul %add3A, %get3A_17, %dot_general3A_25 {dimension_numbers = #tpu.dot_dimension_numbers<[1], [0], [0], [1], [0, 0, 1, 1], [], []>, transpose_lhs_hint = false} : vector<16x128xf32>, vector<128x128xf32>, vector<16x128xf32> -> vector<16x128xf32>
    %add3A_27 = vector.broadcast %dot_general3A_24 : vector<1x128xf32> to vector<16x128xf32>
    %add3A_28 = arith.addf %add3A_27, %dot_general3A_26 : vector<16x128xf32>
    %dot_general3A_29 = arith.constant dense<0.000000e+00> : vector<16x128xf32>
    %dot_general3A_30 = tpu.matmul %sub3A, %get3A_20, %dot_general3A_29 {dimension_numbers = #tpu.dot_dimension_numbers<[1], [0], [0], [1], [0, 0, 1, 1], [], []>, transpose_lhs_hint = false} : vector<16x128xf32>, vector<128x128xf32>, vector<16x128xf32> -> vector<16x128xf32>
    %add3A_31 = arith.addf %add3A_28, %dot_general3A_30 : vector<16x128xf32>
    %get3A_32 = arith.constant 0 : index
    %get3A_33 = arith.constant 0 : index
    %get3A_34 = vector.load %arg6[%get3A_32, %get3A_33] : memref<1x128xf32, #tpu.memory_space<vmem>>, vector<1x128xf32>
    %add3A_35 = vector.broadcast %get3A_34 : vector<1x128xf32> to vector<16x128xf32>
    %add3A_36 = arith.addf %add3A_31, %add3A_35 : vector<16x128xf32>
    %max3A = arith.constant 0.000000e+00 : f32
    %max3A_37 = vector.broadcast %max3A : f32 to vector<16x128xf32>
    %max3A_38 = arith.maximumf %add3A_36, %max3A_37 : vector<16x128xf32>
    %get3A_39 = arith.constant 0 : index
    %get3A_40 = arith.constant 0 : index
    %get3A_41 = vector.load %arg7[%get3A_39, %get3A_40] : memref<128x1xf32, #tpu.memory_space<vmem>>, vector<128x1xf32>
    %dot_general3A_42 = arith.constant dense<0.000000e+00> : vector<16x1xf32>
    %dot_general3A_43 = tpu.matmul %max3A_38, %get3A_41, %dot_general3A_42 {dimension_numbers = #tpu.dot_dimension_numbers<[1], [0], [0], [1], [0, 0, 1, 1], [], []>, transpose_lhs_hint = false} : vector<16x128xf32>, vector<128x1xf32>, vector<16x1xf32> -> vector<16x1xf32>
    %get3A_44 = arith.constant 0 : index
    %get3A_45 = arith.constant 0 : index
    %get3A_46 = vector.load %arg8[%get3A_44, %get3A_45] : memref<1x1xf32, #tpu.memory_space<vmem>>, vector<1x1xf32>
    %add3A_47 = vector.broadcast %get3A_46 : vector<1x1xf32> to vector<16x1xf32>
    %add3A_48 = arith.addf %dot_general3A_43, %add3A_47 : vector<16x1xf32>
    %swap3A = arith.constant 0 : index
    %swap3A_49 = arith.constant 0 : index
    %swap3A_50 = vector.load %arg9[%swap3A, %swap3A_49] : memref<16x1xf32, #tpu.memory_space<vmem>>, vector<16x1xf32>
    tpu.vector_store %arg9[%swap3A, %swap3A_49], %add3A_48 {strides = array<i32>} : memref<16x1xf32, #tpu.memory_space<vmem>>, vector<16x1xf32>,
    return
  }
}

</mosaic_0001>

<sc_bundles>
// kernel: kernel.10.cloned.1.call-start
scs
__scs_entry_jumppad:
0x0: {  	(pc) =	sbr.rel $0x88, $3  }
0x1: {  	(tag) =	ssettag $0x0;
	lr =	simm.s32 $0x1  }
0x2: {  	[smem:$0x3F96] =	sst lr;
	_ =	strace $0xD0000000  }
0x3: {  	_ = 	snop  }
0x4: {  	_ = 	snop  }
0x5: {  	_ = 	snop  }
0x6: {  	_ = 	snop  }
0x7: {  	_ = 	snop  }
__scs_overlays_trampoline_lowered:
0x8: {  	[smem:$0x3FA5] =	sst s0  }
0x9: {  	[smem:$0x3FA6] =	sst s1  }
0xa: {  	[smem:$0x3FA7] =	sst s2  }
0xb: {  	[smem:$0x3FA8] =	sst s3  }
0xc: {  	[smem:$0x3FA9] =	sst s4  }
0xd: {  	[smem:$0x3FAA] =	sst s5  }
0xe: {  	[smem:$0x3FAB] =	sst s6  }
0xf: {  	[smem:$0x3FAC] =	sst s7  }
0x10: {  	[smem:$0x3FAD] =	sst s8  }
0x11: {  	[smem:$0x3FAE] =	sst s9;
	s0 =	simm.s32 @!p0 $0x0  }
0x12: {  	s1 =	sld [smem:$0x3F94];
	s0 =	simm.s32 @p0 $0x1  }
0x13: {  	[smem:$0x3FAF] =	sst s0;
	s0 =	simm.s32 @!p1 $0x0  }
0x14: {  	s2 =	sld [smem:$0x3F93];
	s0 =	simm.s32 @p1 $0x1  }
0x15: {  	[smem:$0x3FB0] =	sst s0;
	s0 =	simm.s32 @!p2 $0x0  }
0x16: {  	s3 =	sld [smem:$0x3FDB];
	s0 =	simm.s32 @p2 $0x1  }
0x17: {  	s4 =	simm.s32 $0x1BF5;
	[smem:$0x3FB2] =	sst s0  }
0x18: {  	s0 =	sld [smem:$0x3F95];
	_ =	swait.ge [sflag:s4], $0x0  }
0x19: {  	s7 =	sld [smem:$0x3F96]  }
0x1a: {  	s8 =	sadd.s32 $0xFFFFE003, lr  }
0x1b: {  	s9 =	sadd.s32 $0xFFFFFEF7, lr;
	s5 =	simm.s32 $0xFFFFFFFF;
	p2 =	slt.u32 s8, $0xFFFFF086  }
0x1c: {  	p1 =	slt.u32 s9, $0xF7A;
	s5 =	simm.s32 @!p2 $0x0  }
0x1d: {  	s5 =	simm.s32 @p1 $0x1;
	p0 =	seq.s32 s7, s2  }
0x1e: {  	s7 =	smul.u32 @!p0 $0xF7A, s2;
	p2 =	seq.s32 @!p0 s5, $0x0  }
0x1f: {  	s9 =	smul.u32 $0xF7A, s1;
	s8 =	simm.s32 @!p0 $0x1BF5;
	p2 =	por !p2, p0  }
0x20: {  	[sflag:s8] =	ssyncset.s32 @!p0 $0xFFFFF086;
	s6 =	sadd.s32 @!p0 s3, s7;
	s7 =	simm.s32 @!p0 $0x108  }
0x21: {  	s3 =	sadd.s32 s3, s9;
	s6 =	sadd.s32 @!p0 $0x88, s6;
	s7 =	simm.s32 @p2 $0x1082  }
0x22: {  	[simem:s7], [sflag:s8] =	dma.local @!p0 [hbm:s6], $0xF7A  }
0x23: {  	s9 =	sor.u32 $0xD0000000, s2;
	s6 =	simm.s32 $0x108;
	_ =	swait.ge @!p0 [sflag:s8], $0x0  }
0x24: {  	s3 =	sadd.s32 $0x88, s3;
	s6 =	simm.s32 @!p1 $0x1082;
	[sflag:s4] =	ssyncset.s32 $0xFFFFF086  }
0x25: {  	[simem:s6], [sflag:s4] =	dma.local [hbm:s3], $0xF7A  }
0x26: {  	[smem:$0x3F96] =	sst s1;
	(tag) =	ssettag s2;
	_ =	strace s9  }
0x27: {  	s1 =	sld [smem:$0x3FA6]  }
0x28: {  	s2 =	sld [smem:$0x3FA7]  }
0x29: {  	s4 =	sld [smem:$0x3FA9]  }
0x2a: {  	p0 =	seq.s32 s5, $0x0;
	s5 =	sld [smem:$0x3FAA]  }
0x2b: {  	s6 =	sld [smem:$0x3FAB]  }
0x2c: {  	s7 =	sld [smem:$0x3FAC]  }
0x2d: {  	s3 =	simm.s32 $0x108;
	s8 =	sld [smem:$0x3FAD]  }
0x2e: {  	s3 =	simm.s32 @!p0 $0x1082;
	s9 =	sld [smem:$0x3FAE]  }
0x2f: {  	lr =	sadd.s32 s0, s3;
	s0 =	sld [smem:$0x3FA5]  }
0x30: {  	s3 =	sld [smem:$0x3FA8]  }
0x31: {  	[smem:$0x3FB1] =	sst s10  }
0x32: {  	s10 =	sld [smem:$0x3FAF];
	_ =	sdelay $0x3  }
0x33: {  	p0 =	seq.s32 s10, $0x1;
	s10 =	sld [smem:$0x3FB1];
	_ =	sdelay $0x3  }
0x34: {  	[smem:$0x3FB1] =	sst s10  }
0x35: {  	s10 =	sld [smem:$0x3FB0];
	_ =	sdelay $0x3  }
0x36: {  	p1 =	seq.s32 s10, $0x1;
	s10 =	sld [smem:$0x3FB1];
	_ =	sdelay $0x3  }
0x37: {  	[smem:$0x3FB1] =	sst s10  }
0x38: {  	s10 =	sld [smem:$0x3FB2]  }
0x39: {  	_ = 	snop;
	(pc) =	sbr.ind lr, $3  }
0x3a: {  	_ = 	snop  }
0x3b: {  	_ = 	snop  }
0x3c: {  	p2 =	seq.s32 s10, $0x1;
	s10 =	sld [smem:$0x3FB1]  }
0x3d: {  	_ =	shalt  }
0x3e: {  	_ =	shalt  }
0x3f: {  	_ =	shalt  }
0x40: {  	_ =	shalt  }
0x41: {  	_ =	shalt  }
0x42: {  	_ =	shalt  }
0x43: {  	_ =	shalt  }
0x44: {  	_ =	shalt  }
0x45: {  	_ =	shalt  }
0x46: {  	_ =	shalt  }
0x47: {  	_ =	shalt  }
0x48: {  	_ =	shalt  }
0x49: {  	_ =	shalt  }
0x4a: {  	_ =	shalt  }
0x4b: {  	_ =	shalt  }
0x4c: {  	_ =	shalt  }
0x4d: {  	_ =	shalt  }
0x4e: {  	_ =	shalt  }
0x4f: {  	_ =	shalt  }
0x50: {  	_ =	shalt  }
0x51: {  	_ =	shalt  }
0x52: {  	_ =	shalt  }
0x53: {  	_ =	shalt  }
0x54: {  	_ =	shalt  }
0x55: {  	_ =	shalt  }
0x56: {  	_ =	shalt  }
0x57: {  	_ =	shalt  }
0x58: {  	_ =	shalt  }
0x59: {  	_ =	shalt  }
0x5a: {  	_ =	shalt  }
0x5b: {  	_ =	shalt  }
0x5c: {  	_ =	shalt  }
0x5d: {  	_ =	shalt  }
0x5e: {  	_ =	shalt  }
0x5f: {  	_ =	shalt  }
0x60: {  	_ =	shalt  }
0x61: {  	_ =	shalt  }
0x62: {  	_ =	shalt  }
0x63: {  	_ =	shalt  }
0x64: {  	_ =	shalt  }
0x65: {  	_ =	shalt  }
0x66: {  	_ =	shalt  }
0x67: {  	_ =	shalt  }
0x68: {  	_ =	shalt  }
0x69: {  	_ =	shalt  }
0x6a: {  	_ =	shalt  }
0x6b: {  	_ =	shalt  }
0x6c: {  	_ =	shalt  }
0x6d: {  	_ =	shalt  }
0x6e: {  	_ =	shalt  }
0x6f: {  	_ =	shalt  }
0x70: {  	_ =	shalt  }
0x71: {  	_ =	shalt  }
0x72: {  	_ =	shalt  }
0x73: {  	_ =	shalt  }
0x74: {  	_ =	shalt  }
0x75: {  	_ =	shalt  }
0x76: {  	_ =	shalt  }
0x77: {  	_ =	shalt  }
0x78: {  	_ =	shalt  }
0x79: {  	_ =	shalt  }
0x7a: {  	_ =	shalt  }
0x7b: {  	_ =	shalt  }
0x7c: {  	_ =	shalt  }
0x7d: {  	_ =	shalt  }
0x7e: {  	_ =	shalt  }
0x7f: {  	_ =	shalt  }
0x80: {  	_ =	shalt  }
0x81: {  	_ =	shalt  }
0x82: {  	_ =	shalt  }
0x83: {  	_ =	shalt  }
0x84: {  	_ =	shalt  }
0x85: {  	_ =	shalt  }
0x86: {  	_ =	shalt  }
0x87: {  	_ =	shalt  }
.Lfunc_end0:
.L_simem_size_0:
called_computation_lowered:
.L_overlay_start_0:
0x88: {  	s2 =	sld [smem:$0x3FD9]  }
0x89: {  	s3 =	sld [smem:$0x3FFE];
	_ =	sdelay $0x1  }
0x8a: {  	s1 =	srdreg.scid  }
0x8b: {  	s0 =	sand.u32 $0x1, s1  }
0x8c: {  	s16 =	sshll.u32 s0, $0xA;
	s2 =	sadd.s32 s3, s2  }
0x8d: {  	s2 =	sadd.s32 s2, s16  }
0x8e: {  	[smem:$0x3FBD] =	sst s2  }
0x8f: {  	_ = 	snop  }
0x90: {  	(tm) =	ssettm $0x1  }
0x91: {  	s17 =	sld [smem:$0x3FFB];
	_ =	sdelay $0x3  }
0x92: {  	_ =	strace s17  }
0x93: {  	s2 =	sld [smem:$0x3FFC];
	_ =	sdelay $0x3  }
0x94: {  	_ =	strace s2  }
0x95: {  	s2 =	sld [smem:$0x3FFD];
	_ =	sdelay $0x3  }
0x96: {  	_ =	strace s2  }
0x97: {  	_ =	strace $0x8FFFFFFF  }
0x98: {  	s18 =	sld [smem:$0x3FDB];
	_ =	sdelay $0x1  }
0x99: {  	s19 =	simm.s32 $_scs_section_size  }
0x9a: {  	s4 =	simm.s32 $_size__tile_overlayer_lowered;
	s5 =	simm.s32 $_tile_overlayer_lowered  }
0x9b: {  	s22 =	simm.s32 $0x1BFF;
	s21 =	sshll.u32 s5, $0x1;
	s2 =	sadd.s32 s19, s18  }
0x9c: {  	s6 =	simm.s32 $0x0;
	s20 =	sshll.u32 s4, $0x1;
	s4 =	sadd.s32 s21, s2  }
0x9d: {  	[timem:s6], [sflag:s22] =	dma.local [hbm:s4], s20  }
0x9e: {  	_ =	swait.ge [sflag:s22], s20  }
0x9f: {  	s3 =	ssub.s32 $0x0, s20;
	[sflag:s22] =	ssyncset.done $0x0  }
0xa0: {  	[sflag:s22] =	ssyncadd.s32 s3;
	_ =	sdelay $0x1  }
0xa1: {  	s23 =	simm.s32 $0x1B8B  }
0xa2: {  	_ =	swait.ge [sflag:s23], $0x1  }
0xa3: {  	[sflag:s23] =	ssyncset.done $0x0  }
0xa4: {  	s25 =	simm.s32 $0x1B8E;
	s24 =	sld [smem:$0x3FFE];
	[sflag:s23] =	ssyncadd.s32 $0xFFFFFFFF  }
0xa5: {  	s26 =	simm.s32 $execute0_lowered;
	[smem:$0x3FD2] =	sst s25  }
0xa6: {  	s4 =	sshll.u32 s26, $0x1;
	_ =	strace $0x80000046;
	[dreg:$0x1] =	wrdreg $0xFFFFFFFF  }
0xa7: {  	s28 =	simm.s32 $_size_execute0_lowered;
	s2 =	sadd.s32 s2, s4;
	[dreg:$0x0] =	wrdreg $0x0  }
0xa8: {  	s4 =	sshll.u32 s28, $0x1;
	[dreg:$0x2] =	wrdreg s2  }
0xa9: {  	[dreg:$0x3] =	wrdreg s4  }
0xaa: {  	[dreg:$0x4] =	wrdreg $0xC0  }
0xab: {  	_ =	task [dreg:s6], $0x5FFFF  }
0xac: {  	[dreg:$0x1] =	wrdreg $0xFFFFFFFF  }
0xad: {  	[dreg:$0x0] =	wrdreg $0x60  }
0xae: {  	[dreg:$0x2] =	wrdreg s24  }
0xaf: {  	[dreg:$0x3] =	wrdreg $0xD0000  }
0xb0: {  	[dreg:$0x4] =	wrdreg $0x9  }
0xb1: {  	_ =	task.clear_ibuf [dreg:s6], $0x5FFFF;
	_ =	strace $0x90000046  }
0xb2: {  	s29 =	simm.s32 $0x9;
	_ =	strace $0x80000048  }
0xb3: {  	_ =	swait.ge [sflag:s29], $0x1  }
0xb4: {  	[sflag:s29] =	ssyncadd.s32 $0xFFFFFFFF  }
0xb5: {  	_ =	strace $0x90000048  }
0xb6: {  	_ =	sfence  }
0xb7: {  	s30 =	sld [smem:$0x0];
	_ =	sdelay $0x2  }
0xb8: {  	s31 =	sshll.u32 s1, $0xD;
	s1 =	sshrl.u32 s1, $0x2  }
0xb9: {  	s3 =	sand.u32 $0x4000, s31;
	s1 =	sadd.s32 s1, s30  }
0xba: {  	s0 =	sor.u32 s3, s0;
	s1 =	sshll.u32 s1, $0x11  }
0xbb: {  	s0 =	sor.u32 s1, s0  }
0xbc: {  	s0 =	sadd.s32 $0x8F2B, s0  }
0xbd: {  	[sflag:s0] =	ssyncadd.remote.s32 $0x1  }
0xbe: {  	_ =	sfence.sel $0xFFFF  }
0xbf: {  	[dreg:$0x0] =	wrdreg $0xFFFFFFFF;
	(pc) =	sbr.abs _section_cstart, $3  }
0xc0: {  	[dreg:$0x1] =	wrdreg $0xFFFFFFFF  }
0xc1: {  	_ =	task.clear_ibuf [dreg:s6], $0x2FFFF;
	_ =	strace $0x9FFFFFFF  }
0xc2: {  	(tm) =	ssettm $0x7FFFFFFF  }
0xc3: {  	_ =	shalt  }
tec
execute0_lowered:
.L_overlay_start_1:
0x0: {  	(tag) =	ssettag $0x1  }
0x1: {  	s0 =	stileid.u32  }
0x2: {  	s1 =	srdreg.scid;
	s5 =	rddreg [dreg:$0x0]  }
0x3: {  	s2 =	rddreg [dreg:$0x1];
	s4 =	smul.u32 $0xA00, s0  }
0x4: {  	s3 =	simm.s32 $0x0;
	s12 =	simm.s32 $0x80;
	s7 =	smul.u32 $0xA400, s0  }
0x5: {  	s8 =	sand.u32 $0x1, s1;
	s1 =	rddreg [dreg:$0x2];
	s9 =	smul.u32 $0x29000, s0  }
0x6: {  	[smem:$0x7FF] =	sst s3;
	s14 =	sshll.u32 s0, $0x6;
	s6 =	smul.u32 $0xA4000, s8  }
0x7: {  	_ =	strace $0x80000047;
	s29 =	ssub.s32 $0x2, s8;
	s13 =	smul.u32 $0x1400, s8  }
0x8: {  	s14 =	sor.u32 $0x1C01, s14;
	s10 =	sadd.s32 s4, s5;
	s30 =	sshrl.u32 s9, $0x2  }
0x9: {  	s11 =	sshrl.u32 s29, $0x1;
	s28 =	sadd.s32 s7, s6;
	s4 =	sadd.s32 s30, s2  }
0xa: {  	s11 =	ssub.s32 s29, s11;
	s7 =	sadd.s32 $0x3C00, s10;
	s10 =	simm.s32 $0x9000  }
0xb: {  	v0 =	vmov s13;
	s13 =	simm.s32 $0x5000;
	s31 =	sshrl.u32 s28, $0x3;
	s6 =	sadd.s32 $0x8000, s4  }
0xc: {  	s15 =	sshrl.u32 s4, $0x3;
	s9 =	sadd.s32 s31, s5;
	s5 =	sadd.s32 $0x4000, s4  }
0xd: {  	v1 =	vimm.f32 $1.000000000e+00;
	v2 =	vimm.f32 $0.0e+00;
	s8 =	sadd.s32 $0xDC00, s9;
	s9 =	smax.u32 s11, $0x1;
	s11 =	simm.s32 $0x1  }
.LBB2_1:
0xe: {  	s16 =	simm.s32 $0x200;
	s17 =	simm.s32 $0x0  }
.LBB2_2:
0xf: {  	p0 =	sne.s32 s16, $0xFE00;
	[tilespmem:s17+$0x5000] =	vst v1;
	s18 =	smov.u32 s16;
	s16 =	sadd.s32 $0x200, s16  }
.Ltmp0:
0x10: {  	[tilespmem:s17+$0x9000] =	vst v2;
	(pc) =	sbr.rel @p0 .LBB2_2-.Ltmp0, $2  }
0x11: {  	_ =	sdelay $0x2  }
0x12: {  	s17 =	sshra.s32 s18, $0x2  }
0x13: {  	[tilespmem:s17+$0x5000] =	vst v1  }
0x14: {  	[tilespmem:s17+$0x9000] =	vst v2  }
0x15: {  	[spmem:s4] =	stream.linear.scatter [tilespmem:s10], [sflag:$0x1], $0x4000, $0x38;
	[tilespmem:$0xE480] =	vst v63  }
0x16: {  	_ =	swait.ge [sflag:s11], $0x4000  }
0x17: {  	[sflag:s11] =	ssyncset.done $0x0  }
0x18: {  	[sflag:s11] =	ssyncadd.s32 $0xFFFFC000  }
0x19: {  	[spmem:s5] =	stream.linear.scatter [tilespmem:s10], [sflag:$0x1], $0x4000, $0x38;
	[tilespmem:$0xE480] =	vst v63  }
0x1a: {  	_ =	swait.ge [sflag:s11], $0x4000  }
0x1b: {  	[sflag:s11] =	ssyncset.done $0x0  }
0x1c: {  	[sflag:s11] =	ssyncadd.s32 $0xFFFFC000  }
0x1d: {  	[spmem:s6] =	stream.linear.scatter [tilespmem:s10], [sflag:$0x1], $0x2400, $0x38;
	[tilespmem:$0xE480] =	vst v63  }
0x1e: {  	_ =	swait.ge [sflag:s11], $0x2400  }
0x1f: {  	[sflag:s11] =	ssyncset.done $0x0  }
0x20: {  	s16 =	simm.s32 $0x0;
	[sflag:s11] =	ssyncadd.s32 $0xFFFFDC00  }
0x21: {  	[tilespmem:s16], [sflag:$0x1] =	stream.linear.gather [hbm4b:s7+s16], $0x4F00, $0x38;
	[tilespmem:$0xE480] =	vst v63  }
0x22: {  	_ =	swait.ge [sflag:s11], $0x4F00  }
0x23: {  	[sflag:s11] =	ssyncset.done $0x0  }
0x24: {  	s16 =	simm.s32 $0x0;
	[sflag:s11] =	ssyncadd.s32 $0xFFFFB100  }
0x25: {  	v3 =	vld [tilespmem:s16+$0x0]  }
0x26: {  	v4 =	vld [tilespmem:s16+$0x10];
	_ =	sdelay $0x2  }
0x27: {  	v5 =	vld [tilespmem:s16+$0x20]  }
0x28: {  	v10 =	vld [tilespmem:s16+$0x30]  }
0x29: {  	v6 =	vsub.s32 v3, v0;
	v3 =	vand.u32 $0x7F, v3;
	v8 =	vsub.s32 v4, v0  }
0x2a: {  	v7 =	vld [tilespmem:s16+$0x40];
	v4 =	vand.u32 $0x7F, v4;
	vm0 =	vlt.u32 v6, $0x1400;
	v3 =	vor.u32 $0x1400, v3  }
0x2b: {  	v6 =	vsel vm0, v6, v3;
	vm0 =	vlt.u32 v8, $0x1400;
	v3 =	vor.u32 $0x1400, v4  }
0x2c: {  	v4 =	vsel vm0, v8, v3;
	v8 =	vsub.s32 v5, v0;
	v3 =	vand.u32 $0x7F, v5;
	v5 =	vld [tilespmem:s16+$0x50]  }
0x2d: {  	v9 =	vsub.s32 v10, v0;
	vm0 =	vlt.u32 v8, $0x1400;
	v11 =	vor.u32 $0x1400, v3;
	v3 =	vld [tilespmem:s16+$0x60]  }
0x2e: {  	s17 =	simm.s32 $0x200;
	v10 =	vand.u32 $0x7F, v10;
	v8 =	vsel vm0, v8, v11;
	vm0 =	vlt.u32 v9, $0x1400  }
.LBB2_4:
0x2f: {  	p0 =	sne.s32 s17, $0x13A00;
	v10 =	vor.u32 $0x1400, v10;
	v11 =	vsub.s32 v7, v0;
	v7 =	vand.u32 $0x7F, v7;
	v12 =	vld [tilespmem:s16+$0x70]  }
0x30: {  	s18 =	sshra.s32 s17, $0x2;
	[tilespmem:s16+$0x0] =	vst v6;
	v6 =	vsel vm0, v9, v10;
	vm0 =	vlt.u32 v11, $0x1400;
	v7 =	vor.u32 $0x1400, v7  }
0x31: {  	v9 =	vld [tilespmem:s18+$0x0];
	[tilespmem:s16+$0x10] =	vst v4;
	v4 =	vsel vm0, v11, v7;
	v7 =	vsub.s32 v5, v0;
	v5 =	vand.u32 $0x7F, v5  }
0x32: {  	[tilespmem:s16+$0x20] =	vst v8;
	vm0 =	vlt.u32 v7, $0x1400;
	v5 =	vor.u32 $0x1400, v5;
	v8 =	vsub.s32 v3, v0  }
0x33: {  	v3 =	vand.u32 $0x7F, v3;
	v10 =	vld [tilespmem:s18+$0x10];
	[tilespmem:s16+$0x30] =	vst v6;
	v5 =	vsel vm0, v7, v5;
	vm0 =	vlt.u32 v8, $0x1400  }
0x34: {  	v3 =	vor.u32 $0x1400, v3;
	[tilespmem:s16+$0x40] =	vst v4;
	v4 =	vsub.s32 v12, v0;
	v6 =	vand.u32 $0x7F, v12  }
0x35: {  	v3 =	vsel vm0, v8, v3;
	v11 =	vld [tilespmem:s18+$0x20];
	[tilespmem:s16+$0x50] =	vst v5;
	vm0 =	vlt.u32 v4, $0x1400;
	v5 =	vor.u32 $0x1400, v6  }
0x36: {  	v6 =	vsub.s32 v9, v0;
	v12 =	vld [tilespmem:s18+$0x30];
	[tilespmem:s16+$0x60] =	vst v3;
	v3 =	vsel vm0, v4, v5  }
0x37: {  	v4 =	vand.u32 $0x7F, v9;
	vm0 =	vlt.u32 v6, $0x1400;
	[tilespmem:s16+$0x70] =	vst v3;
	s16 =	smov.u32 s18  }
.Ltmp1:
0x38: {  	v3 =	vor.u32 $0x1400, v4;
	v4 =	vsub.s32 v10, v0;
	v5 =	vand.u32 $0x7F, v10;
	v7 =	vld [tilespmem:s16+$0x40];
	(pc) =	sbr.rel @p0 .LBB2_4-.Ltmp1, $4  }
0x39: {  	v6 =	vsel vm0, v6, v3;
	vm0 =	vlt.u32 v4, $0x1400;
	v3 =	vor.u32 $0x1400, v5  }
0x3a: {  	v4 =	vsel vm0, v4, v3;
	v8 =	vsub.s32 v11, v0;
	v3 =	vand.u32 $0x7F, v11;
	v5 =	vld [tilespmem:s16+$0x50]  }
0x3b: {  	vm0 =	vlt.u32 v8, $0x1400;
	v10 =	vor.u32 $0x1400, v3;
	v9 =	vsub.s32 v12, v0;
	v3 =	vld [tilespmem:s16+$0x60]  }
0x3c: {  	s17 =	sadd.s32 $0x200, s17;
	v8 =	vsel vm0, v8, v10;
	vm0 =	vlt.u32 v9, $0x1400;
	v10 =	vand.u32 $0x7F, v12  }
0x3d: {  	v10 =	vor.u32 $0x1400, v10;
	v11 =	vsub.s32 v7, v0;
	v55 =	vand.u32 $0x7F, v7;
	v12 =	vld [tilespmem:s16+$0x70]  }
0x3e: {  	[tilespmem:s16+$0x0] =	vst v6;
	v56 =	vsel vm0, v9, v10;
	vm12 =	vlt.u32 v11, $0x1400;
	v7 =	vor.u32 $0x1400, v55  }
0x3f: {  	[tilespmem:s16+$0x10] =	vst v4;
	v57 =	vsel vm12, v11, v7;
	v58 =	vsub.s32 v5, v0;
	v59 =	vand.u32 $0x7F, v5  }
0x40: {  	[tilespmem:s16+$0x20] =	vst v8;
	vm13 =	vlt.u32 v58, $0x1400;
	v5 =	vor.u32 $0x1400, v59;
	v60 =	vsub.s32 v3, v0  }
0x41: {  	[tilespmem:s16+$0x30] =	vst v56;
	v3 =	vand.u32 $0x7F, v3;
	v5 =	vsel vm13, v58, v5;
	vm14 =	vlt.u32 v60, $0x1400  }
0x42: {  	[tilespmem:s16+$0x40] =	vst v57;
	v3 =	vor.u32 $0x1400, v3;
	v61 =	vsub.s32 v12, v0;
	v62 =	vand.u32 $0x7F, v12  }
0x43: {  	[tilespmem:s16+$0x50] =	vst v5;
	v3 =	vsel vm14, v60, v3;
	vm15 =	vlt.u32 v61, $0x1400;
	v63 =	vor.u32 $0x1400, v62  }
0x44: {  	[tilespmem:s16+$0x60] =	vst v3;
	v3 =	vsel vm15, v61, v63  }
0x45: {  	[tilespmem:s16+$0x70] =	vst v3  }
0x46: {  	s31 =	simm.s32 $0x0;
	[bflag:$0x0] =	sbarrier.arrive $0xFFFF  }
0x47: {  	[spmem:s2] =	stream.indirect.scatter.add.f32 [tilespmem:s13], [sflag:$0x1], $0x10, s31, s12, $0xb8;
	[tilespmem:$0xE480] =	vst v63  }
0x48: {  	_ =	swait.ge [sflag:s11], $0x800  }
0x49: {  	s16 =	simm.s32 $0x200;
	[sflag:s11] =	ssyncset.done $0x0  }
.LBB2_6:
0x4a: {  	s17 =	sshra.s32 s16, $0x2;
	[sflag:s11] =	ssyncadd.s32 $0xFFFFF800;
	p0 =	sne.s32 s16, $0x13A00  }
0x4b: {  	[spmem:s2] =	stream.indirect.scatter.add.f32 [tilespmem:s13], [sflag:$0x1], $0x10, s17, s12, $0xb8;
	[tilespmem:$0xE480] =	vst v63  }
.Ltmp2:
0x4c: {  	_ = 	snop;
	(pc) =	sbr.rel @p0 .LBB2_6-.Ltmp2, $4  }
0x4d: {  	_ = 	snop  }
0x4e: {  	s16 =	sadd.s32 $0x200, s16  }
0x4f: {  	_ =	swait.ge [sflag:s11], $0x800  }
0x50: {  	[sflag:s11] =	ssyncset.done $0x0  }
0x51: {  	s3 =	sadd.s32 $0x1, s3  }
0x52: {  	[sflag:s11] =	ssyncadd.s32 $0xFFFFF800;
	p0 =	sne.s32 s3, s9  }
.Ltmp3:
0x53: {  	[bflag:$0x0] =	sbarrier.arrive $0xFFFF;
	(pc) =	sbr.rel @p0 .LBB2_1-.Ltmp3, $4  }
0x54: {  	[hbm:s8], [sflag:s14] =	dma.local [spmem:s15], $0x1480  }
0x55: {  	_ =	swait.ge [sflag:s11], $0x1480  }
0x56: {  	[sflag:s11] =	ssyncset.done $0x0  }
0x57: {  	[sflag:s11] =	ssyncadd.s32 $0xFFFFEB80  }
0x58: {  	_ =	sfence.sel $0x180000  }
0x59: {  	[bflag:$0x0] =	sbarrier.arrive $0xFFFF  }
0x5a: {  	p0 =	sne.s32 s0, $0x0;
	_ =	strace $0x90000047  }
0x5b: {  	s0 =	sadd.s32 @!p0 $0x100000, s1;
	[bflag:$0x2] =	sbarrier.arrive $0xFFFF  }
0x5c: {  	[sflag:s0] =	ssyncadd.tile.s32 @!p0 $0x1;
	_ =	shalt  }
.Lfunc_end2:
_tile_overlayer_lowered:
.L_overlay_start_2:
0x5d: {  	(tag) =	ssettag $0x2  }
0x5e: {  	s0 =	rddreg [dreg:$0x0];
	s2 =	stileid.u32  }
0x5f: {  	s1 =	rddreg [dreg:$0x1];
	p0 =	sne.s32 s2, $0x0  }
0x60: {  	s3 =	rddreg [dreg:$0x2];
	[bflag:$0x3] =	sbarrier.arrive $0xFFFF;
	s2 =	simm.s32 @!p0 $0x1C01  }
0x61: {  	[timem:s3], [sflag:s2] =	dma.local @!p0 [hbm:s0], s1  }
0x62: {  	s0 =	simm.s32 @!p0 $0x1  }
0x63: {  	_ =	swait.ge @!p0 [sflag:s0], s1  }
0x64: {  	s1 =	ssub.s32 @!p0 $0x0, s1;
	[sflag:s0] =	ssyncset.done @!p0 $0x0  }
0x65: {  	[sflag:s0] =	ssyncadd.s32 @!p0 s1  }
0x66: {  	[bflag:$0x3] =	sbarrier.arrive $0xFFFF  }
0x67: {  	_ =	shalt  }

// kernel: kernel.13.cloned.1.call-start
scs
__scs_entry_jumppad:
0x0: {  	(pc) =	sbr.rel $0x88, $3  }
0x1: {  	(tag) =	ssettag $0x0;
	lr =	simm.s32 $0x1  }
0x2: {  	[smem:$0x3F96] =	sst lr;
	_ =	strace $0xD0000000  }
0x3: {  	_ = 	snop  }
0x4: {  	_ = 	snop  }
0x5: {  	_ = 	snop  }
0x6: {  	_ = 	snop  }
0x7: {  	_ = 	snop  }
__scs_overlays_trampoline_lowered:
0x8: {  	[smem:$0x3FA5] =	sst s0  }
0x9: {  	[smem:$0x3FA6] =	sst s1  }
0xa: {  	[smem:$0x3FA7] =	sst s2  }
0xb: {  	[smem:$0x3FA8] =	sst s3  }
0xc: {  	[smem:$0x3FA9] =	sst s4  }
0xd: {  	[smem:$0x3FAA] =	sst s5  }
0xe: {  	[smem:$0x3FAB] =	sst s6  }
0xf: {  	[smem:$0x3FAC] =	sst s7  }
0x10: {  	[smem:$0x3FAD] =	sst s8  }
0x11: {  	[smem:$0x3FAE] =	sst s9;
	s0 =	simm.s32 @!p0 $0x0  }
0x12: {  	s1 =	sld [smem:$0x3F94];
	s0 =	simm.s32 @p0 $0x1  }
0x13: {  	[smem:$0x3FAF] =	sst s0;
	s0 =	simm.s32 @!p1 $0x0  }
0x14: {  	s2 =	sld [smem:$0x3F93];
	s0 =	simm.s32 @p1 $0x1  }
0x15: {  	[smem:$0x3FB0] =	sst s0;
	s0 =	simm.s32 @!p2 $0x0  }
0x16: {  	s3 =	sld [smem:$0x3FDB];
	s0 =	simm.s32 @p2 $0x1  }
0x17: {  	s4 =	simm.s32 $0x1BF5;
	[smem:$0x3FB2] =	sst s0  }
0x18: {  	s0 =	sld [smem:$0x3F95];
	_ =	swait.ge [sflag:s4], $0x0  }
0x19: {  	s7 =	sld [smem:$0x3F96]  }
0x1a: {  	s8 =	sadd.s32 $0xFFFFE003, lr  }
0x1b: {  	s9 =	sadd.s32 $0xFFFFFEF7, lr;
	s5 =	simm.s32 $0xFFFFFFFF;
	p2 =	slt.u32 s8, $0xFFFFF086  }
0x1c: {  	p1 =	slt.u32 s9, $0xF7A;
	s5 =	simm.s32 @!p2 $0x0  }
0x1d: {  	s5 =	simm.s32 @p1 $0x1;
	p0 =	seq.s32 s7, s2  }
0x1e: {  	s7 =	smul.u32 @!p0 $0xF7A, s2;
	p2 =	seq.s32 @!p0 s5, $0x0  }
0x1f: {  	s9 =	smul.u32 $0xF7A, s1;
	s8 =	simm.s32 @!p0 $0x1BF5;
	p2 =	por !p2, p0  }
0x20: {  	[sflag:s8] =	ssyncset.s32 @!p0 $0xFFFFF086;
	s6 =	sadd.s32 @!p0 s3, s7;
	s7 =	simm.s32 @!p0 $0x108  }
0x21: {  	s3 =	sadd.s32 s3, s9;
	s6 =	sadd.s32 @!p0 $0x88, s6;
	s7 =	simm.s32 @p2 $0x1082  }
0x22: {  	[simem:s7], [sflag:s8] =	dma.local @!p0 [hbm:s6], $0xF7A  }
0x23: {  	s9 =	sor.u32 $0xD0000000, s2;
	s6 =	simm.s32 $0x108;
	_ =	swait.ge @!p0 [sflag:s8], $0x0  }
0x24: {  	s3 =	sadd.s32 $0x88, s3;
	s6 =	simm.s32 @!p1 $0x1082;
	[sflag:s4] =	ssyncset.s32 $0xFFFFF086  }
0x25: {  	[simem:s6], [sflag:s4] =	dma.local [hbm:s3], $0xF7A  }
0x26: {  	[smem:$0x3F96] =	sst s1;
	(tag) =	ssettag s2;
	_ =	strace s9  }
0x27: {  	s1 =	sld [smem:$0x3FA6]  }
0x28: {  	s2 =	sld [smem:$0x3FA7]  }
0x29: {  	s4 =	sld [smem:$0x3FA9]  }
0x2a: {  	p0 =	seq.s32 s5, $0x0;
	s5 =	sld [smem:$0x3FAA]  }
0x2b: {  	s6 =	sld [smem:$0x3FAB]  }
0x2c: {  	s7 =	sld [smem:$0x3FAC]  }
0x2d: {  	s3 =	simm.s32 $0x108;
	s8 =	sld [smem:$0x3FAD]  }
0x2e: {  	s3 =	simm.s32 @!p0 $0x1082;
	s9 =	sld [smem:$0x3FAE]  }
0x2f: {  	lr =	sadd.s32 s0, s3;
	s0 =	sld [smem:$0x3FA5]  }
0x30: {  	s3 =	sld [smem:$0x3FA8]  }
0x31: {  	[smem:$0x3FB1] =	sst s10  }
0x32: {  	s10 =	sld [smem:$0x3FAF];
	_ =	sdelay $0x3  }
0x33: {  	p0 =	seq.s32 s10, $0x1;
	s10 =	sld [smem:$0x3FB1];
	_ =	sdelay $0x3  }
0x34: {  	[smem:$0x3FB1] =	sst s10  }
0x35: {  	s10 =	sld [smem:$0x3FB0];
	_ =	sdelay $0x3  }
0x36: {  	p1 =	seq.s32 s10, $0x1;
	s10 =	sld [smem:$0x3FB1];
	_ =	sdelay $0x3  }
0x37: {  	[smem:$0x3FB1] =	sst s10  }
0x38: {  	s10 =	sld [smem:$0x3FB2]  }
0x39: {  	_ = 	snop;
	(pc) =	sbr.ind lr, $3  }
0x3a: {  	_ = 	snop  }
0x3b: {  	_ = 	snop  }
0x3c: {  	p2 =	seq.s32 s10, $0x1;
	s10 =	sld [smem:$0x3FB1]  }
0x3d: {  	_ =	shalt  }
0x3e: {  	_ =	shalt  }
0x3f: {  	_ =	shalt  }
0x40: {  	_ =	shalt  }
0x41: {  	_ =	shalt  }
0x42: {  	_ =	shalt  }
0x43: {  	_ =	shalt  }
0x44: {  	_ =	shalt  }
0x45: {  	_ =	shalt  }
0x46: {  	_ =	shalt  }
0x47: {  	_ =	shalt  }
0x48: {  	_ =	shalt  }
0x49: {  	_ =	shalt  }
0x4a: {  	_ =	shalt  }
0x4b: {  	_ =	shalt  }
0x4c: {  	_ =	shalt  }
0x4d: {  	_ =	shalt  }
0x4e: {  	_ =	shalt  }
0x4f: {  	_ =	shalt  }
0x50: {  	_ =	shalt  }
0x51: {  	_ =	shalt  }
0x52: {  	_ =	shalt  }
0x53: {  	_ =	shalt  }
0x54: {  	_ =	shalt  }
0x55: {  	_ =	shalt  }
0x56: {  	_ =	shalt  }
0x57: {  	_ =	shalt  }
0x58: {  	_ =	shalt  }
0x59: {  	_ =	shalt  }
0x5a: {  	_ =	shalt  }
0x5b: {  	_ =	shalt  }
0x5c: {  	_ =	shalt  }
0x5d: {  	_ =	shalt  }
0x5e: {  	_ =	shalt  }
0x5f: {  	_ =	shalt  }
0x60: {  	_ =	shalt  }
0x61: {  	_ =	shalt  }
0x62: {  	_ =	shalt  }
0x63: {  	_ =	shalt  }
0x64: {  	_ =	shalt  }
0x65: {  	_ =	shalt  }
0x66: {  	_ =	shalt  }
0x67: {  	_ =	shalt  }
0x68: {  	_ =	shalt  }
0x69: {  	_ =	shalt  }
0x6a: {  	_ =	shalt  }
0x6b: {  	_ =	shalt  }
0x6c: {  	_ =	shalt  }
0x6d: {  	_ =	shalt  }
0x6e: {  	_ =	shalt  }
0x6f: {  	_ =	shalt  }
0x70: {  	_ =	shalt  }
0x71: {  	_ =	shalt  }
0x72: {  	_ =	shalt  }
0x73: {  	_ =	shalt  }
0x74: {  	_ =	shalt  }
0x75: {  	_ =	shalt  }
0x76: {  	_ =	shalt  }
0x77: {  	_ =	shalt  }
0x78: {  	_ =	shalt  }
0x79: {  	_ =	shalt  }
0x7a: {  	_ =	shalt  }
0x7b: {  	_ =	shalt  }
0x7c: {  	_ =	shalt  }
0x7d: {  	_ =	shalt  }
0x7e: {  	_ =	shalt  }
0x7f: {  	_ =	shalt  }
0x80: {  	_ =	shalt  }
0x81: {  	_ =	shalt  }
0x82: {  	_ =	shalt  }
0x83: {  	_ =	shalt  }
0x84: {  	_ =	shalt  }
0x85: {  	_ =	shalt  }
0x86: {  	_ =	shalt  }
0x87: {  	_ =	shalt  }
.Lfunc_end0:
.L_simem_size_0:
called_computation.1_lowered:
.L_overlay_start_0:
0x88: {  	s2 =	sld [smem:$0x3FD9]  }
0x89: {  	s3 =	sld [smem:$0x3FFE];
	_ =	sdelay $0x1  }
0x8a: {  	s1 =	srdreg.scid  }
0x8b: {  	s0 =	sand.u32 $0x1, s1  }
0x8c: {  	s16 =	sshll.u32 s0, $0xA;
	s2 =	sadd.s32 s3, s2  }
0x8d: {  	s2 =	sadd.s32 s2, s16  }
0x8e: {  	[smem:$0x3FBD] =	sst s2  }
0x8f: {  	_ = 	snop  }
0x90: {  	(tm) =	ssettm $0x1  }
0x91: {  	s17 =	sld [smem:$0x3FFB];
	_ =	sdelay $0x3  }
0x92: {  	_ =	strace s17  }
0x93: {  	s2 =	sld [smem:$0x3FFC];
	_ =	sdelay $0x3  }
0x94: {  	_ =	strace s2  }
0x95: {  	s2 =	sld [smem:$0x3FFD];
	_ =	sdelay $0x3  }
0x96: {  	_ =	strace s2  }
0x97: {  	_ =	strace $0x8FFFFFFF  }
0x98: {  	s18 =	sld [smem:$0x3FDB];
	_ =	sdelay $0x1  }
0x99: {  	s19 =	simm.s32 $_scs_section_size  }
0x9a: {  	s4 =	simm.s32 $_size__tile_overlayer_lowered;
	s5 =	simm.s32 $_tile_overlayer_lowered  }
0x9b: {  	s22 =	simm.s32 $0x1BFF;
	s21 =	sshll.u32 s5, $0x1;
	s2 =	sadd.s32 s19, s18  }
0x9c: {  	s6 =	simm.s32 $0x0;
	s20 =	sshll.u32 s4, $0x1;
	s4 =	sadd.s32 s21, s2  }
0x9d: {  	[timem:s6], [sflag:s22] =	dma.local [hbm:s4], s20  }
0x9e: {  	_ =	swait.ge [sflag:s22], s20  }
0x9f: {  	s3 =	ssub.s32 $0x0, s20;
	[sflag:s22] =	ssyncset.done $0x0  }
0xa0: {  	[sflag:s22] =	ssyncadd.s32 s3;
	_ =	sdelay $0x1  }
0xa1: {  	s23 =	simm.s32 $0x1B8B  }
0xa2: {  	_ =	swait.ge [sflag:s23], $0x1  }
0xa3: {  	[sflag:s23] =	ssyncset.done $0x0  }
0xa4: {  	s25 =	simm.s32 $0x1B8E;
	s24 =	sld [smem:$0x3FFE];
	[sflag:s23] =	ssyncadd.s32 $0xFFFFFFFF  }
0xa5: {  	s26 =	simm.s32 $execute0_lowered;
	[smem:$0x3FD2] =	sst s25  }
0xa6: {  	s4 =	sshll.u32 s26, $0x1;
	_ =	strace $0x80000049;
	[dreg:$0x1] =	wrdreg $0xFFFFFFFF  }
0xa7: {  	s28 =	simm.s32 $_size_execute0_lowered;
	s2 =	sadd.s32 s2, s4;
	[dreg:$0x0] =	wrdreg $0x0  }
0xa8: {  	s4 =	sshll.u32 s28, $0x1;
	[dreg:$0x2] =	wrdreg s2  }
0xa9: {  	[dreg:$0x3] =	wrdreg s4  }
0xaa: {  	[dreg:$0x4] =	wrdreg $0xC0  }
0xab: {  	_ =	task [dreg:s6], $0x5FFFF  }
0xac: {  	[dreg:$0x1] =	wrdreg $0xFFFFFFFF  }
0xad: {  	[dreg:$0x0] =	wrdreg $0x60  }
0xae: {  	[dreg:$0x2] =	wrdreg s24  }
0xaf: {  	[dreg:$0x3] =	wrdreg $0x120000  }
0xb0: {  	[dreg:$0x4] =	wrdreg $0x9  }
0xb1: {  	_ =	task.clear_ibuf [dreg:s6], $0x5FFFF;
	_ =	strace $0x90000049  }
0xb2: {  	s29 =	simm.s32 $0x9;
	_ =	strace $0x8000004B  }
0xb3: {  	_ =	swait.ge [sflag:s29], $0x1  }
0xb4: {  	[sflag:s29] =	ssyncadd.s32 $0xFFFFFFFF  }
0xb5: {  	_ =	strace $0x9000004B  }
0xb6: {  	_ =	sfence  }
0xb7: {  	s30 =	sld [smem:$0x0];
	_ =	sdelay $0x2  }
0xb8: {  	s31 =	sshll.u32 s1, $0xD;
	s1 =	sshrl.u32 s1, $0x2  }
0xb9: {  	s3 =	sand.u32 $0x4000, s31;
	s1 =	sadd.s32 s1, s30  }
0xba: {  	s0 =	sor.u32 s3, s0;
	s1 =	sshll.u32 s1, $0x11  }
0xbb: {  	s0 =	sor.u32 s1, s0  }
0xbc: {  	s0 =	sadd.s32 $0x8F2B, s0  }
0xbd: {  	[sflag:s0] =	ssyncadd.remote.s32 $0x1  }
0xbe: {  	_ =	sfence.sel $0xFFFF  }
0xbf: {  	[dreg:$0x0] =	wrdreg $0xFFFFFFFF;
	(pc) =	sbr.abs _section_cstart, $3  }
0xc0: {  	[dreg:$0x1] =	wrdreg $0xFFFFFFFF  }
0xc1: {  	_ =	task.clear_ibuf [dreg:s6], $0x2FFFF;
	_ =	strace $0x9FFFFFFF  }
0xc2: {  	(tm) =	ssettm $0x7FFFFFFF  }
0xc3: {  	_ =	shalt  }
tec
execute0_lowered:
.L_overlay_start_1:
0x0: {  	(tag) =	ssettag $0x1  }
0x1: {  	s5 =	rddreg [dreg:$0x0];
	s0 =	stileid.u32  }
0x2: {  	s1 =	srdreg.scid;
	s2 =	rddreg [dreg:$0x1]  }
0x3: {  	s3 =	simm.s32 $0x0;
	s14 =	simm.s32 $0x5000;
	s15 =	simm.s32 $0x80  }
0x4: {  	s16 =	simm.s32 $0xE000;
	s17 =	simm.s32 $0x1;
	s18 =	simm.s32 $0x2  }
0x5: {  	s20 =	simm.s32 $0x9E00;
	s21 =	simm.s32 $0x9E80;
	s6 =	smul.u32 $0xA00, s0  }
0x6: {  	s10 =	sand.u32 $0x1, s1;
	s1 =	rddreg [dreg:$0x2];
	s8 =	smul.u32 $0xA400, s0  }
0x7: {  	[smem:$0x7FF] =	sst s3;
	s9 =	smul.u32 $0x29000, s0;
	s4 =	sadd.s32 $0xDC00, s5  }
0x8: {  	s7 =	smul.u32 $0xA4000, s10;
	_ =	strace $0x8000004A;
	s29 =	ssub.s32 $0x2, s10  }
0x9: {  	s19 =	smul.u32 $0x1400, s10;
	s11 =	sadd.s32 s6, s5;
	s31 =	sshrl.u32 s29, $0x1  }
0xa: {  	s30 =	sshrl.u32 s9, $0x2;
	s28 =	sadd.s32 s8, s7;
	s13 =	ssub.s32 s29, s31  }
0xb: {  	s8 =	sadd.s32 $0x36C00, s11;
	s9 =	sadd.s32 $0x3C00, s11;
	s6 =	sshrl.u32 s28, $0x3  }
0xc: {  	v0 =	vmov s19;
	s19 =	simm.s32 $0x4E80;
	s12 =	sadd.s32 s6, s5;
	s5 =	sadd.s32 s30, s2  }
0xd: {  	s11 =	smax.u32 s13, $0x1;
	s13 =	simm.s32 $0x3;
	s6 =	sadd.s32 $0x4000, s5  }
0xe: {  	v1 =	vimm.f32 $0.0e+00;
	s7 =	sadd.s32 $0x8000, s5;
	s10 =	sadd.s32 $0x40C00, s12;
	s12 =	simm.s32 $0xA000  }
.LBB2_1:
0xf: {  	s22 =	simm.s32 $0x0;
	s23 =	simm.s32 $0x200  }
.LBB2_2:
0x10: {  	p0 =	sne.s32 s23, $0xFE00;
	[tilespmem:s22+$0xA070] =	vst v1  }
0x11: {  	[tilespmem:s22+$0xA000] =	vst v1  }
0x12: {  	[tilespmem:s22+$0xA010] =	vst v1  }
.Ltmp0:
0x13: {  	[tilespmem:s22+$0xA020] =	vst v1;
	(pc) =	sbr.rel @p0 .LBB2_2-.Ltmp0, $4  }
0x14: {  	[tilespmem:s22+$0xA030] =	vst v1  }
0x15: {  	[tilespmem:s22+$0xA040] =	vst v1  }
0x16: {  	[tilespmem:s22+$0xA050] =	vst v1  }
0x17: {  	[tilespmem:s22+$0xA060] =	vst v1;
	s22 =	sshra.s32 s23, $0x2;
	s23 =	sadd.s32 $0x200, s23  }
0x18: {  	[tilespmem:s22+$0xA070] =	vst v1  }
0x19: {  	[tilespmem:s22+$0xA000] =	vst v1  }
0x1a: {  	[tilespmem:s22+$0xA010] =	vst v1  }
0x1b: {  	[tilespmem:s22+$0xA020] =	vst v1  }
0x1c: {  	[tilespmem:s22+$0xA030] =	vst v1  }
0x1d: {  	[tilespmem:s22+$0xA040] =	vst v1  }
0x1e: {  	[tilespmem:s22+$0xA050] =	vst v1  }
0x1f: {  	[tilespmem:s22+$0xA060] =	vst v1  }
0x20: {  	[spmem:s5] =	stream.linear.scatter [tilespmem:s12], [sflag:$0x3], $0x4000, $0x38;
	[tilespmem:$0x1C400] =	vst v63  }
0x21: {  	_ =	swait.ge [sflag:s13], $0x4000  }
0x22: {  	[sflag:s13] =	ssyncset.done $0x0  }
0x23: {  	[sflag:s13] =	ssyncadd.s32 $0xFFFFC000  }
0x24: {  	[spmem:s6] =	stream.linear.scatter [tilespmem:s12], [sflag:$0x3], $0x4000, $0x38;
	[tilespmem:$0x1C400] =	vst v63  }
0x25: {  	_ =	swait.ge [sflag:s13], $0x4000  }
0x26: {  	[sflag:s13] =	ssyncset.done $0x0  }
0x27: {  	[sflag:s13] =	ssyncadd.s32 $0xFFFFC000  }
0x28: {  	[spmem:s7] =	stream.linear.scatter [tilespmem:s12], [sflag:$0x3], $0x2400, $0x38;
	[tilespmem:$0x1C400] =	vst v63  }
0x29: {  	_ =	swait.ge [sflag:s13], $0x2400  }
0x2a: {  	[sflag:s13] =	ssyncset.done $0x0  }
0x2b: {  	s31 =	simm.s32 $0x0;
	[sflag:s13] =	ssyncadd.s32 $0xFFFFDC00  }
0x2c: {  	[tilespmem:s31], [sflag:$0x3] =	stream.linear.gather [hbm4b:s8+s31], $0x4F00, $0x38;
	[tilespmem:$0x1C400] =	vst v63  }
0x2d: {  	_ =	swait.ge [sflag:s13], $0x4F00  }
0x2e: {  	[sflag:s13] =	ssyncset.done $0x0  }
0x2f: {  	[sflag:s13] =	ssyncadd.s32 $0xFFFFB100  }
0x30: {  	[tilespmem:s14], [sflag:$0x3] =	stream.linear.gather [hbm4b:s9+s31], $0x4F00, $0x38;
	[tilespmem:$0x1C400] =	vst v63  }
0x31: {  	_ =	swait.ge [sflag:s13], $0x4F00  }
0x32: {  	[sflag:s13] =	ssyncset.done $0x0  }
0x33: {  	s22 =	simm.s32 $0x0;
	[sflag:s13] =	ssyncadd.s32 $0xFFFFB100  }
0x34: {  	v2 =	vld [tilespmem:s22+$0x5000]  }
0x35: {  	v3 =	vld [tilespmem:s22+$0x5010];
	_ =	sdelay $0x2  }
0x36: {  	v4 =	vld [tilespmem:s22+$0x5020]  }
0x37: {  	v9 =	vld [tilespmem:s22+$0x5030]  }
0x38: {  	v5 =	vsub.s32 v2, v0;
	v2 =	vand.u32 $0x7F, v2;
	v7 =	vsub.s32 v3, v0  }
0x39: {  	v6 =	vld [tilespmem:s22+$0x5040];
	v3 =	vand.u32 $0x7F, v3;
	vm0 =	vlt.u32 v5, $0x1400;
	v2 =	vor.u32 $0x1400, v2  }
0x3a: {  	v5 =	vsel vm0, v5, v2;
	vm0 =	vlt.u32 v7, $0x1400;
	v2 =	vor.u32 $0x1400, v3  }
0x3b: {  	v3 =	vsel vm0, v7, v2;
	v7 =	vsub.s32 v4, v0;
	v2 =	vand.u32 $0x7F, v4;
	v4 =	vld [tilespmem:s22+$0x5050]  }
0x3c: {  	v8 =	vsub.s32 v9, v0;
	vm0 =	vlt.u32 v7, $0x1400;
	v10 =	vor.u32 $0x1400, v2;
	v2 =	vld [tilespmem:s22+$0x5060]  }
0x3d: {  	s23 =	simm.s32 $0x200;
	v9 =	vand.u32 $0x7F, v9;
	v7 =	vsel vm0, v7, v10;
	vm0 =	vlt.u32 v8, $0x1400  }
.LBB2_4:
0x3e: {  	p0 =	sne.s32 s23, $0x13A00;
	v9 =	vor.u32 $0x1400, v9;
	v10 =	vsub.s32 v6, v0;
	v6 =	vand.u32 $0x7F, v6;
	v11 =	vld [tilespmem:s22+$0x5070]  }
0x3f: {  	s24 =	sshra.s32 s23, $0x2;
	[tilespmem:s22+$0x5000] =	vst v5;
	v5 =	vsel vm0, v8, v9;
	vm0 =	vlt.u32 v10, $0x1400;
	v6 =	vor.u32 $0x1400, v6  }
0x40: {  	v8 =	vld [tilespmem:s24+$0x5000];
	[tilespmem:s22+$0x5010] =	vst v3;
	v3 =	vsel vm0, v10, v6;
	v6 =	vsub.s32 v4, v0;
	v4 =	vand.u32 $0x7F, v4  }
0x41: {  	[tilespmem:s22+$0x5020] =	vst v7;
	vm0 =	vlt.u32 v6, $0x1400;
	v4 =	vor.u32 $0x1400, v4;
	v7 =	vsub.s32 v2, v0  }
0x42: {  	v2 =	vand.u32 $0x7F, v2;
	v9 =	vld [tilespmem:s24+$0x5010];
	[tilespmem:s22+$0x5030] =	vst v5;
	v4 =	vsel vm0, v6, v4;
	vm0 =	vlt.u32 v7, $0x1400  }
0x43: {  	v2 =	vor.u32 $0x1400, v2;
	[tilespmem:s22+$0x5040] =	vst v3;
	v3 =	vsub.s32 v11, v0;
	v5 =	vand.u32 $0x7F, v11  }
0x44: {  	v2 =	vsel vm0, v7, v2;
	v10 =	vld [tilespmem:s24+$0x5020];
	[tilespmem:s22+$0x5050] =	vst v4;
	vm0 =	vlt.u32 v3, $0x1400;
	v4 =	vor.u32 $0x1400, v5  }
0x45: {  	v5 =	vsub.s32 v8, v0;
	v11 =	vld [tilespmem:s24+$0x5030];
	[tilespmem:s22+$0x5060] =	vst v2;
	v2 =	vsel vm0, v3, v4  }
0x46: {  	v3 =	vand.u32 $0x7F, v8;
	vm0 =	vlt.u32 v5, $0x1400;
	[tilespmem:s22+$0x5070] =	vst v2;
	s22 =	smov.u32 s24  }
.Ltmp1:
0x47: {  	v2 =	vor.u32 $0x1400, v3;
	v3 =	vsub.s32 v9, v0;
	v4 =	vand.u32 $0x7F, v9;
	v6 =	vld [tilespmem:s22+$0x5040];
	(pc) =	sbr.rel @p0 .LBB2_4-.Ltmp1, $4  }
0x48: {  	v5 =	vsel vm0, v5, v2;
	vm0 =	vlt.u32 v3, $0x1400;
	v2 =	vor.u32 $0x1400, v4  }
0x49: {  	v3 =	vsel vm0, v3, v2;
	v7 =	vsub.s32 v10, v0;
	v2 =	vand.u32 $0x7F, v10;
	v4 =	vld [tilespmem:s22+$0x5050]  }
0x4a: {  	vm0 =	vlt.u32 v7, $0x1400;
	v9 =	vor.u32 $0x1400, v2;
	v8 =	vsub.s32 v11, v0;
	v2 =	vld [tilespmem:s22+$0x5060]  }
0x4b: {  	s23 =	sadd.s32 $0x200, s23;
	v7 =	vsel vm0, v7, v9;
	vm0 =	vlt.u32 v8, $0x1400;
	v9 =	vand.u32 $0x7F, v11  }
0x4c: {  	v9 =	vor.u32 $0x1400, v9;
	v10 =	vsub.s32 v6, v0;
	v57 =	vand.u32 $0x7F, v6;
	v11 =	vld [tilespmem:s22+$0x5070]  }
0x4d: {  	[tilespmem:s22+$0x5000] =	vst v5;
	v58 =	vsel vm0, v8, v9;
	vm12 =	vlt.u32 v10, $0x1400;
	v6 =	vor.u32 $0x1400, v57  }
0x4e: {  	[tilespmem:s22+$0x5010] =	vst v3;
	v3 =	vsel vm12, v10, v6;
	v59 =	vsub.s32 v4, v0;
	v60 =	vand.u32 $0x7F, v4  }
0x4f: {  	[tilespmem:s22+$0x5020] =	vst v7;
	vm13 =	vlt.u32 v59, $0x1400;
	v4 =	vor.u32 $0x1400, v60;
	v61 =	vsub.s32 v2, v0  }
0x50: {  	[tilespmem:s22+$0x5030] =	vst v58;
	v2 =	vand.u32 $0x7F, v2;
	v4 =	vsel vm13, v59, v4;
	vm14 =	vlt.u32 v61, $0x1400  }
0x51: {  	[tilespmem:s22+$0x5040] =	vst v3;
	v2 =	vor.u32 $0x1400, v2;
	v3 =	vsub.s32 v11, v0;
	v62 =	vand.u32 $0x7F, v11  }
0x52: {  	[tilespmem:s22+$0x5050] =	vst v4;
	v2 =	vsel vm14, v61, v2;
	vm15 =	vlt.u32 v3, $0x1400;
	v63 =	vor.u32 $0x1400, v62  }
0x53: {  	[tilespmem:s22+$0x5060] =	vst v2;
	v2 =	vsel vm15, v3, v63  }
0x54: {  	[tilespmem:s22+$0x5070] =	vst v2  }
0x55: {  	s26 =	simm.s32 $0x0;
	[bflag:$0x0] =	sbarrier.arrive $0xFFFF  }
0x56: {  	[tilespmem:s12], [sflag:$0x1] =	stream.indirect.gather [hbm4b:s4+s15], $0x80, s26, s15, $0xb8;
	[tilespmem:$0x1C400] =	vst v63  }
0x57: {  	s28 =	simm.s32 $0x80  }
0x58: {  	[tilespmem:s16], [sflag:$0x2] =	stream.indirect.gather [hbm4b:s4+s15], $0x80, s28, s15, $0xb8;
	[tilespmem:$0x1C400] =	vst v63  }
0x59: {  	_ =	swait.ge [sflag:s17], $0x4000  }
0x5a: {  	[sflag:s17] =	ssyncset.done $0x0  }
0x5b: {  	s29 =	simm.s32 $0x5000;
	[sflag:s17] =	ssyncadd.s32 $0xFFFFC000  }
0x5c: {  	[spmem:s2] =	stream.indirect.scatter.add.f32 [tilespmem:s12], [sflag:$0x3], $0x80, s29, s15, $0xb8;
	[tilespmem:$0x1C400] =	vst v63  }
0x5d: {  	_ =	swait.ge [sflag:s13], $0x4000  }
0x5e: {  	[sflag:s13] =	ssyncset.done $0x0  }
0x5f: {  	s30 =	simm.s32 $0x100;
	[sflag:s13] =	ssyncadd.s32 $0xFFFFC000  }
0x60: {  	[tilespmem:s12], [sflag:$0x1] =	stream.indirect.gather [hbm4b:s4+s15], $0x80, s30, s15, $0xb8;
	[tilespmem:$0x1C400] =	vst v63  }
0x61: {  	_ =	swait.ge [sflag:s18], $0x4000  }
0x62: {  	[sflag:s18] =	ssyncset.done $0x0  }
0x63: {  	s31 =	simm.s32 $0x5080;
	[sflag:s18] =	ssyncadd.s32 $0xFFFFC000  }
0x64: {  	[spmem:s2] =	stream.indirect.scatter.add.f32 [tilespmem:s16], [sflag:$0x3], $0x80, s31, s15, $0xb8;
	[tilespmem:$0x1C400] =	vst v63  }
0x65: {  	_ =	swait.ge [sflag:s13], $0x4000  }
0x66: {  	s23 =	simm.s32 $0x800;
	s22 =	simm.s32 $0x100;
	[sflag:s13] =	ssyncset.done $0x0  }
.LBB2_6:
0x67: {  	s24 =	sadd.s32 $0x80, s22  }
0x68: {  	[sflag:s13] =	ssyncadd.s32 $0xFFFFC000;
	s25 =	smov.u32 s23;
	s26 =	sadd.s32 $0x400, s23  }
0x69: {  	[tilespmem:s16], [sflag:$0x2] =	stream.indirect.gather [hbm4b:s4+s15], $0x80, s24, s15, $0xb8;
	[tilespmem:$0x1C400] =	vst v63  }
0x6a: {  	p0 =	sne.s32 s23, $0x13400;
	_ =	swait.ge [sflag:s17], $0x4000  }
0x6b: {  	[sflag:s17] =	ssyncset.done $0x0  }
0x6c: {  	s23 =	sadd.s32 $0x5000, s22;
	[sflag:s17] =	ssyncadd.s32 $0xFFFFC000  }
0x6d: {  	[spmem:s2] =	stream.indirect.scatter.add.f32 [tilespmem:s12], [sflag:$0x3], $0x80, s23, s15, $0xb8;
	[tilespmem:$0x1C400] =	vst v63  }
0x6e: {  	_ =	swait.ge [sflag:s13], $0x4000  }
0x6f: {  	[sflag:s13] =	ssyncset.done $0x0  }
0x70: {  	s23 =	sadd.s32 $0x100, s22;
	[sflag:s13] =	ssyncadd.s32 $0xFFFFC000  }
0x71: {  	[tilespmem:s12], [sflag:$0x1] =	stream.indirect.gather [hbm4b:s4+s15], $0x80, s23, s15, $0xb8;
	[tilespmem:$0x1C400] =	vst v63  }
0x72: {  	_ =	swait.ge [sflag:s18], $0x4000  }
.Ltmp2:
0x73: {  	[sflag:s18] =	ssyncset.done $0x0;
	(pc) =	sbr.rel @p0 .LBB2_6-.Ltmp2, $4  }
0x74: {  	s22 =	sadd.s32 $0x5080, s22;
	[sflag:s18] =	ssyncadd.s32 $0xFFFFC000  }
0x75: {  	[spmem:s2] =	stream.indirect.scatter.add.f32 [tilespmem:s16], [sflag:$0x3], $0x80, s22, s15, $0xb8;
	[tilespmem:$0x1C400] =	vst v63  }
0x76: {  	_ =	swait.ge [sflag:s13], $0x4000  }
0x77: {  	s23 =	smov.u32 s26;
	s22 =	sshra.s32 s25, $0x2;
	[sflag:s13] =	ssyncset.done $0x0  }
0x78: {  	s23 =	sadd.s32 $0x80, s22;
	[sflag:s13] =	ssyncadd.s32 $0xFFFFC000  }
0x79: {  	[tilespmem:s16], [sflag:$0x2] =	stream.indirect.gather [hbm4b:s4+s15], $0x80, s23, s15, $0xb8;
	[tilespmem:$0x1C400] =	vst v63  }
0x7a: {  	_ =	swait.ge [sflag:s17], $0x4000  }
0x7b: {  	[sflag:s17] =	ssyncset.done $0x0  }
0x7c: {  	s26 =	sadd.s32 $0x5000, s22;
	[sflag:s17] =	ssyncadd.s32 $0xFFFFC000  }
0x7d: {  	[spmem:s2] =	stream.indirect.scatter.add.f32 [tilespmem:s12], [sflag:$0x3], $0x80, s26, s15, $0xb8;
	[tilespmem:$0x1C400] =	vst v63  }
0x7e: {  	_ =	swait.ge [sflag:s13], $0x4000  }
0x7f: {  	[sflag:s13] =	ssyncset.done $0x0  }
0x80: {  	s28 =	sadd.s32 $0x100, s22;
	[sflag:s13] =	ssyncadd.s32 $0xFFFFC000  }
0x81: {  	[tilespmem:s12], [sflag:$0x1] =	stream.indirect.gather [hbm4b:s4+s15], $0x80, s28, s15, $0xb8;
	[tilespmem:$0x1C400] =	vst v63  }
0x82: {  	_ =	swait.ge [sflag:s18], $0x4000  }
0x83: {  	[sflag:s18] =	ssyncset.done $0x0  }
0x84: {  	s29 =	sadd.s32 $0x5080, s22;
	[sflag:s18] =	ssyncadd.s32 $0xFFFFC000  }
0x85: {  	[spmem:s2] =	stream.indirect.scatter.add.f32 [tilespmem:s16], [sflag:$0x3], $0x80, s29, s15, $0xb8;
	[tilespmem:$0x1C400] =	vst v63  }
0x86: {  	_ =	swait.ge [sflag:s13], $0x4000  }
0x87: {  	[sflag:s13] =	ssyncset.done $0x0  }
0x88: {  	[sflag:s13] =	ssyncadd.s32 $0xFFFFC000  }
0x89: {  	[tilespmem:s16], [sflag:$0x2] =	stream.indirect.gather [hbm4b:s4+s15], $0x80, s19, s15, $0xb8;
	[tilespmem:$0x1C400] =	vst v63  }
0x8a: {  	_ =	swait.ge [sflag:s17], $0x4000  }
0x8b: {  	[sflag:s17] =	ssyncset.done $0x0  }
0x8c: {  	[sflag:s17] =	ssyncadd.s32 $0xFFFFC000  }
0x8d: {  	[spmem:s2] =	stream.indirect.scatter.add.f32 [tilespmem:s12], [sflag:$0x3], $0x80, s20, s15, $0xb8;
	[tilespmem:$0x1C400] =	vst v63  }
0x8e: {  	_ =	swait.ge [sflag:s13], $0x4000  }
0x8f: {  	[sflag:s13] =	ssyncset.done $0x0  }
0x90: {  	[sflag:s13] =	ssyncadd.s32 $0xFFFFC000  }
0x91: {  	_ =	swait.ge [sflag:s18], $0x4000  }
0x92: {  	[sflag:s18] =	ssyncset.done $0x0  }
0x93: {  	[sflag:s18] =	ssyncadd.s32 $0xFFFFC000  }
0x94: {  	[spmem:s2] =	stream.indirect.scatter.add.f32 [tilespmem:s16], [sflag:$0x3], $0x80, s21, s15, $0xb8;
	[tilespmem:$0x1C400] =	vst v63  }
0x95: {  	_ =	swait.ge [sflag:s13], $0x4000  }
0x96: {  	s30 =	sshll.u32 s0, $0x6;
	s3 =	sadd.s32 $0x1, s3;
	[sflag:s13] =	ssyncset.done $0x0  }
0x97: {  	s31 =	sshrl.u32 s5, $0x3;
	p0 =	sne.s32 s3, s11;
	[sflag:s13] =	ssyncadd.s32 $0xFFFFC000  }
.Ltmp3:
0x98: {  	s22 =	sor.u32 $0x1C03, s30;
	[bflag:$0x0] =	sbarrier.arrive $0xFFFF;
	(pc) =	sbr.rel @p0 .LBB2_1-.Ltmp3, $4  }
0x99: {  	[hbm:s10], [sflag:s22] =	dma.local [spmem:s31], $0x1480  }
0x9a: {  	_ =	swait.ge [sflag:s13], $0x1480  }
0x9b: {  	[sflag:s13] =	ssyncset.done $0x0  }
0x9c: {  	[sflag:s13] =	ssyncadd.s32 $0xFFFFEB80  }
0x9d: {  	_ =	sfence.sel $0x180000  }
0x9e: {  	[bflag:$0x0] =	sbarrier.arrive $0xFFFF  }
0x9f: {  	p0 =	sne.s32 s0, $0x0;
	_ =	strace $0x9000004A  }
0xa0: {  	s0 =	sadd.s32 @!p0 $0x100000, s1;
	[bflag:$0x2] =	sbarrier.arrive $0xFFFF  }
0xa1: {  	[sflag:s0] =	ssyncadd.tile.s32 @!p0 $0x1;
	_ =	shalt  }
.Lfunc_end2:
_tile_overlayer_lowered:
.L_overlay_start_2:
0xa2: {  	(tag) =	ssettag $0x2  }
0xa3: {  	s0 =	rddreg [dreg:$0x0];
	s2 =	stileid.u32  }
0xa4: {  	s1 =	rddreg [dreg:$0x1];
	p0 =	sne.s32 s2, $0x0  }
0xa5: {  	s3 =	rddreg [dreg:$0x2];
	[bflag:$0x3] =	sbarrier.arrive $0xFFFF;
	s2 =	simm.s32 @!p0 $0x1C03  }
0xa6: {  	[timem:s3], [sflag:s2] =	dma.local @!p0 [hbm:s0], s1  }
0xa7: {  	s0 =	simm.s32 @!p0 $0x3  }
0xa8: {  	_ =	swait.ge @!p0 [sflag:s0], s1  }
0xa9: {  	s1 =	ssub.s32 @!p0 $0x0, s1;
	[sflag:s0] =	ssyncset.done @!p0 $0x0  }
0xaa: {  	[sflag:s0] =	ssyncadd.s32 @!p0 s1  }
0xab: {  	[bflag:$0x3] =	sbarrier.arrive $0xFFFF  }
0xac: {  	_ =	shalt  }

// kernel: kernel.16.cloned.1.call-start
scs
__scs_entry_jumppad:
0x0: {  	(pc) =	sbr.rel $0x88, $3  }
0x1: {  	(tag) =	ssettag $0x0;
	lr =	simm.s32 $0x1  }
0x2: {  	[smem:$0x3F96] =	sst lr;
	_ =	strace $0xD0000000  }
0x3: {  	_ = 	snop  }
0x4: {  	_ = 	snop  }
0x5: {  	_ = 	snop  }
0x6: {  	_ = 	snop  }
0x7: {  	_ = 	snop  }
__scs_overlays_trampoline_lowered:
0x8: {  	[smem:$0x3FA5] =	sst s0  }
0x9: {  	[smem:$0x3FA6] =	sst s1  }
0xa: {  	[smem:$0x3FA7] =	sst s2  }
0xb: {  	[smem:$0x3FA8] =	sst s3  }
0xc: {  	[smem:$0x3FA9] =	sst s4  }
0xd: {  	[smem:$0x3FAA] =	sst s5  }
0xe: {  	[smem:$0x3FAB] =	sst s6  }
0xf: {  	[smem:$0x3FAC] =	sst s7  }
0x10: {  	[smem:$0x3FAD] =	sst s8  }
0x11: {  	[smem:$0x3FAE] =	sst s9;
	s0 =	simm.s32 @!p0 $0x0  }
0x12: {  	s1 =	sld [smem:$0x3F94];
	s0 =	simm.s32 @p0 $0x1  }
0x13: {  	[smem:$0x3FAF] =	sst s0;
	s0 =	simm.s32 @!p1 $0x0  }
0x14: {  	s2 =	sld [smem:$0x3F93];
	s0 =	simm.s32 @p1 $0x1  }
0x15: {  	[smem:$0x3FB0] =	sst s0;
	s0 =	simm.s32 @!p2 $0x0  }
0x16: {  	s3 =	sld [smem:$0x3FDB];
	s0 =	simm.s32 @p2 $0x1  }
0x17: {  	s4 =	simm.s32 $0x1BF5;
	[smem:$0x3FB2] =	sst s0  }
0x18: {  	s0 =	sld [smem:$0x3F95];
	_ =	swait.ge [sflag:s4], $0x0  }
0x19: {  	s7 =	sld [smem:$0x3F96]  }
0x1a: {  	s8 =	sadd.s32 $0xFFFFE003, lr  }
0x1b: {  	s9 =	sadd.s32 $0xFFFFFEF7, lr;
	s5 =	simm.s32 $0xFFFFFFFF;
	p2 =	slt.u32 s8, $0xFFFFF086  }
0x1c: {  	p1 =	slt.u32 s9, $0xF7A;
	s5 =	simm.s32 @!p2 $0x0  }
0x1d: {  	s5 =	simm.s32 @p1 $0x1;
	p0 =	seq.s32 s7, s2  }
0x1e: {  	s7 =	smul.u32 @!p0 $0xF7A, s2;
	p2 =	seq.s32 @!p0 s5, $0x0  }
0x1f: {  	s9 =	smul.u32 $0xF7A, s1;
	s8 =	simm.s32 @!p0 $0x1BF5;
	p2 =	por !p2, p0  }
0x20: {  	[sflag:s8] =	ssyncset.s32 @!p0 $0xFFFFF086;
	s6 =	sadd.s32 @!p0 s3, s7;
	s7 =	simm.s32 @!p0 $0x108  }
0x21: {  	s3 =	sadd.s32 s3, s9;
	s6 =	sadd.s32 @!p0 $0x88, s6;
	s7 =	simm.s32 @p2 $0x1082  }
0x22: {  	[simem:s7], [sflag:s8] =	dma.local @!p0 [hbm:s6], $0xF7A  }
0x23: {  	s9 =	sor.u32 $0xD0000000, s2;
	s6 =	simm.s32 $0x108;
	_ =	swait.ge @!p0 [sflag:s8], $0x0  }
0x24: {  	s3 =	sadd.s32 $0x88, s3;
	s6 =	simm.s32 @!p1 $0x1082;
	[sflag:s4] =	ssyncset.s32 $0xFFFFF086  }
0x25: {  	[simem:s6], [sflag:s4] =	dma.local [hbm:s3], $0xF7A  }
0x26: {  	[smem:$0x3F96] =	sst s1;
	(tag) =	ssettag s2;
	_ =	strace s9  }
0x27: {  	s1 =	sld [smem:$0x3FA6]  }
0x28: {  	s2 =	sld [smem:$0x3FA7]  }
0x29: {  	s4 =	sld [smem:$0x3FA9]  }
0x2a: {  	p0 =	seq.s32 s5, $0x0;
	s5 =	sld [smem:$0x3FAA]  }
0x2b: {  	s6 =	sld [smem:$0x3FAB]  }
0x2c: {  	s7 =	sld [smem:$0x3FAC]  }
0x2d: {  	s3 =	simm.s32 $0x108;
	s8 =	sld [smem:$0x3FAD]  }
0x2e: {  	s3 =	simm.s32 @!p0 $0x1082;
	s9 =	sld [smem:$0x3FAE]  }
0x2f: {  	lr =	sadd.s32 s0, s3;
	s0 =	sld [smem:$0x3FA5]  }
0x30: {  	s3 =	sld [smem:$0x3FA8]  }
0x31: {  	[smem:$0x3FB1] =	sst s10  }
0x32: {  	s10 =	sld [smem:$0x3FAF];
	_ =	sdelay $0x3  }
0x33: {  	p0 =	seq.s32 s10, $0x1;
	s10 =	sld [smem:$0x3FB1];
	_ =	sdelay $0x3  }
0x34: {  	[smem:$0x3FB1] =	sst s10  }
0x35: {  	s10 =	sld [smem:$0x3FB0];
	_ =	sdelay $0x3  }
0x36: {  	p1 =	seq.s32 s10, $0x1;
	s10 =	sld [smem:$0x3FB1];
	_ =	sdelay $0x3  }
0x37: {  	[smem:$0x3FB1] =	sst s10  }
0x38: {  	s10 =	sld [smem:$0x3FB2]  }
0x39: {  	_ = 	snop;
	(pc) =	sbr.ind lr, $3  }
0x3a: {  	_ = 	snop  }
0x3b: {  	_ = 	snop  }
0x3c: {  	p2 =	seq.s32 s10, $0x1;
	s10 =	sld [smem:$0x3FB1]  }
0x3d: {  	_ =	shalt  }
0x3e: {  	_ =	shalt  }
0x3f: {  	_ =	shalt  }
0x40: {  	_ =	shalt  }
0x41: {  	_ =	shalt  }
0x42: {  	_ =	shalt  }
0x43: {  	_ =	shalt  }
0x44: {  	_ =	shalt  }
0x45: {  	_ =	shalt  }
0x46: {  	_ =	shalt  }
0x47: {  	_ =	shalt  }
0x48: {  	_ =	shalt  }
0x49: {  	_ =	shalt  }
0x4a: {  	_ =	shalt  }
0x4b: {  	_ =	shalt  }
0x4c: {  	_ =	shalt  }
0x4d: {  	_ =	shalt  }
0x4e: {  	_ =	shalt  }
0x4f: {  	_ =	shalt  }
0x50: {  	_ =	shalt  }
0x51: {  	_ =	shalt  }
0x52: {  	_ =	shalt  }
0x53: {  	_ =	shalt  }
0x54: {  	_ =	shalt  }
0x55: {  	_ =	shalt  }
0x56: {  	_ =	shalt  }
0x57: {  	_ =	shalt  }
0x58: {  	_ =	shalt  }
0x59: {  	_ =	shalt  }
0x5a: {  	_ =	shalt  }
0x5b: {  	_ =	shalt  }
0x5c: {  	_ =	shalt  }
0x5d: {  	_ =	shalt  }
0x5e: {  	_ =	shalt  }
0x5f: {  	_ =	shalt  }
0x60: {  	_ =	shalt  }
0x61: {  	_ =	shalt  }
0x62: {  	_ =	shalt  }
0x63: {  	_ =	shalt  }
0x64: {  	_ =	shalt  }
0x65: {  	_ =	shalt  }
0x66: {  	_ =	shalt  }
0x67: {  	_ =	shalt  }
0x68: {  	_ =	shalt  }
0x69: {  	_ =	shalt  }
0x6a: {  	_ =	shalt  }
0x6b: {  	_ =	shalt  }
0x6c: {  	_ =	shalt  }
0x6d: {  	_ =	shalt  }
0x6e: {  	_ =	shalt  }
0x6f: {  	_ =	shalt  }
0x70: {  	_ =	shalt  }
0x71: {  	_ =	shalt  }
0x72: {  	_ =	shalt  }
0x73: {  	_ =	shalt  }
0x74: {  	_ =	shalt  }
0x75: {  	_ =	shalt  }
0x76: {  	_ =	shalt  }
0x77: {  	_ =	shalt  }
0x78: {  	_ =	shalt  }
0x79: {  	_ =	shalt  }
0x7a: {  	_ =	shalt  }
0x7b: {  	_ =	shalt  }
0x7c: {  	_ =	shalt  }
0x7d: {  	_ =	shalt  }
0x7e: {  	_ =	shalt  }
0x7f: {  	_ =	shalt  }
0x80: {  	_ =	shalt  }
0x81: {  	_ =	shalt  }
0x82: {  	_ =	shalt  }
0x83: {  	_ =	shalt  }
0x84: {  	_ =	shalt  }
0x85: {  	_ =	shalt  }
0x86: {  	_ =	shalt  }
0x87: {  	_ =	shalt  }
.Lfunc_end0:
.L_simem_size_0:
called_computation.2_lowered:
.L_overlay_start_0:
0x88: {  	s2 =	sld [smem:$0x3FD9]  }
0x89: {  	s3 =	sld [smem:$0x3FFE];
	_ =	sdelay $0x1  }
0x8a: {  	s1 =	srdreg.scid  }
0x8b: {  	s0 =	sand.u32 $0x1, s1  }
0x8c: {  	s16 =	sshll.u32 s0, $0xA;
	s2 =	sadd.s32 s3, s2  }
0x8d: {  	s2 =	sadd.s32 s2, s16  }
0x8e: {  	[smem:$0x3FBD] =	sst s2  }
0x8f: {  	_ = 	snop  }
0x90: {  	(tm) =	ssettm $0x1  }
0x91: {  	s17 =	sld [smem:$0x3FFB];
	_ =	sdelay $0x3  }
0x92: {  	_ =	strace s17  }
0x93: {  	s2 =	sld [smem:$0x3FFC];
	_ =	sdelay $0x3  }
0x94: {  	_ =	strace s2  }
0x95: {  	s2 =	sld [smem:$0x3FFD];
	_ =	sdelay $0x3  }
0x96: {  	_ =	strace s2  }
0x97: {  	_ =	strace $0x8FFFFFFF  }
0x98: {  	s18 =	sld [smem:$0x3FDB];
	_ =	sdelay $0x1  }
0x99: {  	s19 =	simm.s32 $_scs_section_size  }
0x9a: {  	s4 =	simm.s32 $_size__tile_overlayer_lowered;
	s5 =	simm.s32 $_tile_overlayer_lowered  }
0x9b: {  	s22 =	simm.s32 $0x1BFF;
	s21 =	sshll.u32 s5, $0x1;
	s2 =	sadd.s32 s19, s18  }
0x9c: {  	s6 =	simm.s32 $0x0;
	s20 =	sshll.u32 s4, $0x1;
	s4 =	sadd.s32 s21, s2  }
0x9d: {  	[timem:s6], [sflag:s22] =	dma.local [hbm:s4], s20  }
0x9e: {  	_ =	swait.ge [sflag:s22], s20  }
0x9f: {  	s3 =	ssub.s32 $0x0, s20;
	[sflag:s22] =	ssyncset.done $0x0  }
0xa0: {  	[sflag:s22] =	ssyncadd.s32 s3;
	_ =	sdelay $0x1  }
0xa1: {  	s23 =	simm.s32 $0x1B8B  }
0xa2: {  	_ =	swait.ge [sflag:s23], $0x1  }
0xa3: {  	[sflag:s23] =	ssyncset.done $0x0  }
0xa4: {  	s25 =	simm.s32 $0x1B8E;
	s24 =	sld [smem:$0x3FFE];
	[sflag:s23] =	ssyncadd.s32 $0xFFFFFFFF  }
0xa5: {  	s26 =	simm.s32 $execute0_lowered;
	[smem:$0x3FD2] =	sst s25  }
0xa6: {  	s4 =	sshll.u32 s26, $0x1;
	_ =	strace $0x8000004C;
	[dreg:$0x1] =	wrdreg $0xFFFFFFFF  }
0xa7: {  	s28 =	simm.s32 $_size_execute0_lowered;
	s2 =	sadd.s32 s2, s4;
	[dreg:$0x0] =	wrdreg $0x0  }
0xa8: {  	s4 =	sshll.u32 s28, $0x1;
	[dreg:$0x2] =	wrdreg s2  }
0xa9: {  	[dreg:$0x3] =	wrdreg s4  }
0xaa: {  	[dreg:$0x4] =	wrdreg $0xC0  }
0xab: {  	_ =	task [dreg:s6], $0x5FFFF  }
0xac: {  	[dreg:$0x1] =	wrdreg $0xFFFFFFFF  }
0xad: {  	[dreg:$0x0] =	wrdreg $0x60  }
0xae: {  	[dreg:$0x2] =	wrdreg s24  }
0xaf: {  	[dreg:$0x3] =	wrdreg $0x120000  }
0xb0: {  	[dreg:$0x4] =	wrdreg $0x9  }
0xb1: {  	_ =	task.clear_ibuf [dreg:s6], $0x5FFFF;
	_ =	strace $0x9000004C  }
0xb2: {  	s29 =	simm.s32 $0x9;
	_ =	strace $0x8000004E  }
0xb3: {  	_ =	swait.ge [sflag:s29], $0x1  }
0xb4: {  	[sflag:s29] =	ssyncadd.s32 $0xFFFFFFFF  }
0xb5: {  	_ =	strace $0x9000004E  }
0xb6: {  	_ =	sfence  }
0xb7: {  	s30 =	sld [smem:$0x0];
	_ =	sdelay $0x2  }
0xb8: {  	s31 =	sshll.u32 s1, $0xD;
	s1 =	sshrl.u32 s1, $0x2  }
0xb9: {  	s3 =	sand.u32 $0x4000, s31;
	s1 =	sadd.s32 s1, s30  }
0xba: {  	s0 =	sor.u32 s3, s0;
	s1 =	sshll.u32 s1, $0x11  }
0xbb: {  	s0 =	sor.u32 s1, s0  }
0xbc: {  	s0 =	sadd.s32 $0x8F2B, s0  }
0xbd: {  	[sflag:s0] =	ssyncadd.remote.s32 $0x1  }
0xbe: {  	_ =	sfence.sel $0xFFFF  }
0xbf: {  	[dreg:$0x0] =	wrdreg $0xFFFFFFFF;
	(pc) =	sbr.abs _section_cstart, $3  }
0xc0: {  	[dreg:$0x1] =	wrdreg $0xFFFFFFFF  }
0xc1: {  	_ =	task.clear_ibuf [dreg:s6], $0x2FFFF;
	_ =	strace $0x9FFFFFFF  }
0xc2: {  	(tm) =	ssettm $0x7FFFFFFF  }
0xc3: {  	_ =	shalt  }
tec
execute0_lowered:
.L_overlay_start_1:
0x0: {  	(tag) =	ssettag $0x1  }
0x1: {  	s5 =	rddreg [dreg:$0x0];
	s0 =	stileid.u32  }
0x2: {  	s1 =	srdreg.scid;
	s2 =	rddreg [dreg:$0x1]  }
0x3: {  	s3 =	simm.s32 $0x0;
	s14 =	simm.s32 $0x5000;
	s15 =	simm.s32 $0x80  }
0x4: {  	s16 =	simm.s32 $0xE000;
	s17 =	simm.s32 $0x1;
	s18 =	simm.s32 $0x2  }
0x5: {  	s20 =	simm.s32 $0x9E00;
	s21 =	simm.s32 $0x9E80;
	s6 =	smul.u32 $0xA00, s0  }
0x6: {  	s10 =	sand.u32 $0x1, s1;
	s1 =	rddreg [dreg:$0x2];
	s8 =	smul.u32 $0xA400, s0  }
0x7: {  	[smem:$0x7FF] =	sst s3;
	s9 =	smul.u32 $0x29000, s0;
	s4 =	sadd.s32 $0xDC00, s5  }
0x8: {  	s7 =	smul.u32 $0xA4000, s10;
	_ =	strace $0x8000004D;
	s29 =	ssub.s32 $0x2, s10  }
0x9: {  	s19 =	smul.u32 $0x1400, s10;
	s11 =	sadd.s32 s6, s5;
	s31 =	sshrl.u32 s29, $0x1  }
0xa: {  	s30 =	sshrl.u32 s9, $0x2;
	s28 =	sadd.s32 s8, s7;
	s13 =	ssub.s32 s29, s31  }
0xb: {  	s8 =	sadd.s32 $0x36C00, s11;
	s9 =	sadd.s32 $0x3C00, s11;
	s6 =	sshrl.u32 s28, $0x3  }
0xc: {  	v0 =	vmov s19;
	s19 =	simm.s32 $0x4E80;
	s12 =	sadd.s32 s6, s5;
	s5 =	sadd.s32 s30, s2  }
0xd: {  	s11 =	smax.u32 s13, $0x1;
	s13 =	simm.s32 $0x3;
	s6 =	sadd.s32 $0x4000, s5  }
0xe: {  	v1 =	vimm.f32 $0.0e+00;
	s7 =	sadd.s32 $0x8000, s5;
	s10 =	sadd.s32 $0x40C00, s12;
	s12 =	simm.s32 $0xA000  }
.LBB2_1:
0xf: {  	s22 =	simm.s32 $0x0;
	s23 =	simm.s32 $0x200  }
.LBB2_2:
0x10: {  	p0 =	sne.s32 s23, $0xFE00;
	[tilespmem:s22+$0xA070] =	vst v1  }
0x11: {  	[tilespmem:s22+$0xA000] =	vst v1  }
0x12: {  	[tilespmem:s22+$0xA010] =	vst v1  }
.Ltmp0:
0x13: {  	[tilespmem:s22+$0xA020] =	vst v1;
	(pc) =	sbr.rel @p0 .LBB2_2-.Ltmp0, $4  }
0x14: {  	[tilespmem:s22+$0xA030] =	vst v1  }
0x15: {  	[tilespmem:s22+$0xA040] =	vst v1  }
0x16: {  	[tilespmem:s22+$0xA050] =	vst v1  }
0x17: {  	[tilespmem:s22+$0xA060] =	vst v1;
	s22 =	sshra.s32 s23, $0x2;
	s23 =	sadd.s32 $0x200, s23  }
0x18: {  	[tilespmem:s22+$0xA070] =	vst v1  }
0x19: {  	[tilespmem:s22+$0xA000] =	vst v1  }
0x1a: {  	[tilespmem:s22+$0xA010] =	vst v1  }
0x1b: {  	[tilespmem:s22+$0xA020] =	vst v1  }
0x1c: {  	[tilespmem:s22+$0xA030] =	vst v1  }
0x1d: {  	[tilespmem:s22+$0xA040] =	vst v1  }
0x1e: {  	[tilespmem:s22+$0xA050] =	vst v1  }
0x1f: {  	[tilespmem:s22+$0xA060] =	vst v1  }
0x20: {  	[spmem:s5] =	stream.linear.scatter [tilespmem:s12], [sflag:$0x3], $0x4000, $0x38;
	[tilespmem:$0x1C400] =	vst v63  }
0x21: {  	_ =	swait.ge [sflag:s13], $0x4000  }
0x22: {  	[sflag:s13] =	ssyncset.done $0x0  }
0x23: {  	[sflag:s13] =	ssyncadd.s32 $0xFFFFC000  }
0x24: {  	[spmem:s6] =	stream.linear.scatter [tilespmem:s12], [sflag:$0x3], $0x4000, $0x38;
	[tilespmem:$0x1C400] =	vst v63  }
0x25: {  	_ =	swait.ge [sflag:s13], $0x4000  }
0x26: {  	[sflag:s13] =	ssyncset.done $0x0  }
0x27: {  	[sflag:s13] =	ssyncadd.s32 $0xFFFFC000  }
0x28: {  	[spmem:s7] =	stream.linear.scatter [tilespmem:s12], [sflag:$0x3], $0x2400, $0x38;
	[tilespmem:$0x1C400] =	vst v63  }
0x29: {  	_ =	swait.ge [sflag:s13], $0x2400  }
0x2a: {  	[sflag:s13] =	ssyncset.done $0x0  }
0x2b: {  	s31 =	simm.s32 $0x0;
	[sflag:s13] =	ssyncadd.s32 $0xFFFFDC00  }
0x2c: {  	[tilespmem:s31], [sflag:$0x3] =	stream.linear.gather [hbm4b:s8+s31], $0x4F00, $0x38;
	[tilespmem:$0x1C400] =	vst v63  }
0x2d: {  	_ =	swait.ge [sflag:s13], $0x4F00  }
0x2e: {  	[sflag:s13] =	ssyncset.done $0x0  }
0x2f: {  	[sflag:s13] =	ssyncadd.s32 $0xFFFFB100  }
0x30: {  	[tilespmem:s14], [sflag:$0x3] =	stream.linear.gather [hbm4b:s9+s31], $0x4F00, $0x38;
	[tilespmem:$0x1C400] =	vst v63  }
0x31: {  	_ =	swait.ge [sflag:s13], $0x4F00  }
0x32: {  	[sflag:s13] =	ssyncset.done $0x0  }
0x33: {  	s22 =	simm.s32 $0x0;
	[sflag:s13] =	ssyncadd.s32 $0xFFFFB100  }
0x34: {  	v2 =	vld [tilespmem:s22+$0x5000]  }
0x35: {  	v3 =	vld [tilespmem:s22+$0x5010];
	_ =	sdelay $0x2  }
0x36: {  	v4 =	vld [tilespmem:s22+$0x5020]  }
0x37: {  	v9 =	vld [tilespmem:s22+$0x5030]  }
0x38: {  	v5 =	vsub.s32 v2, v0;
	v2 =	vand.u32 $0x7F, v2;
	v7 =	vsub.s32 v3, v0  }
0x39: {  	v6 =	vld [tilespmem:s22+$0x5040];
	v3 =	vand.u32 $0x7F, v3;
	vm0 =	vlt.u32 v5, $0x1400;
	v2 =	vor.u32 $0x1400, v2  }
0x3a: {  	v5 =	vsel vm0, v5, v2;
	vm0 =	vlt.u32 v7, $0x1400;
	v2 =	vor.u32 $0x1400, v3  }
0x3b: {  	v3 =	vsel vm0, v7, v2;
	v7 =	vsub.s32 v4, v0;
	v2 =	vand.u32 $0x7F, v4;
	v4 =	vld [tilespmem:s22+$0x5050]  }
0x3c: {  	v8 =	vsub.s32 v9, v0;
	vm0 =	vlt.u32 v7, $0x1400;
	v10 =	vor.u32 $0x1400, v2;
	v2 =	vld [tilespmem:s22+$0x5060]  }
0x3d: {  	s23 =	simm.s32 $0x200;
	v9 =	vand.u32 $0x7F, v9;
	v7 =	vsel vm0, v7, v10;
	vm0 =	vlt.u32 v8, $0x1400  }
.LBB2_4:
0x3e: {  	p0 =	sne.s32 s23, $0x13A00;
	v9 =	vor.u32 $0x1400, v9;
	v10 =	vsub.s32 v6, v0;
	v6 =	vand.u32 $0x7F, v6;
	v11 =	vld [tilespmem:s22+$0x5070]  }
0x3f: {  	s24 =	sshra.s32 s23, $0x2;
	[tilespmem:s22+$0x5000] =	vst v5;
	v5 =	vsel vm0, v8, v9;
	vm0 =	vlt.u32 v10, $0x1400;
	v6 =	vor.u32 $0x1400, v6  }
0x40: {  	v8 =	vld [tilespmem:s24+$0x5000];
	[tilespmem:s22+$0x5010] =	vst v3;
	v3 =	vsel vm0, v10, v6;
	v6 =	vsub.s32 v4, v0;
	v4 =	vand.u32 $0x7F, v4  }
0x41: {  	[tilespmem:s22+$0x5020] =	vst v7;
	vm0 =	vlt.u32 v6, $0x1400;
	v4 =	vor.u32 $0x1400, v4;
	v7 =	vsub.s32 v2, v0  }
0x42: {  	v2 =	vand.u32 $0x7F, v2;
	v9 =	vld [tilespmem:s24+$0x5010];
	[tilespmem:s22+$0x5030] =	vst v5;
	v4 =	vsel vm0, v6, v4;
	vm0 =	vlt.u32 v7, $0x1400  }
0x43: {  	v2 =	vor.u32 $0x1400, v2;
	[tilespmem:s22+$0x5040] =	vst v3;
	v3 =	vsub.s32 v11, v0;
	v5 =	vand.u32 $0x7F, v11  }
0x44: {  	v2 =	vsel vm0, v7, v2;
	v10 =	vld [tilespmem:s24+$0x5020];
	[tilespmem:s22+$0x5050] =	vst v4;
	vm0 =	vlt.u32 v3, $0x1400;
	v4 =	vor.u32 $0x1400, v5  }
0x45: {  	v5 =	vsub.s32 v8, v0;
	v11 =	vld [tilespmem:s24+$0x5030];
	[tilespmem:s22+$0x5060] =	vst v2;
	v2 =	vsel vm0, v3, v4  }
0x46: {  	v3 =	vand.u32 $0x7F, v8;
	vm0 =	vlt.u32 v5, $0x1400;
	[tilespmem:s22+$0x5070] =	vst v2;
	s22 =	smov.u32 s24  }
.Ltmp1:
0x47: {  	v2 =	vor.u32 $0x1400, v3;
	v3 =	vsub.s32 v9, v0;
	v4 =	vand.u32 $0x7F, v9;
	v6 =	vld [tilespmem:s22+$0x5040];
	(pc) =	sbr.rel @p0 .LBB2_4-.Ltmp1, $4  }
0x48: {  	v5 =	vsel vm0, v5, v2;
	vm0 =	vlt.u32 v3, $0x1400;
	v2 =	vor.u32 $0x1400, v4  }
0x49: {  	v3 =	vsel vm0, v3, v2;
	v7 =	vsub.s32 v10, v0;
	v2 =	vand.u32 $0x7F, v10;
	v4 =	vld [tilespmem:s22+$0x5050]  }
0x4a: {  	vm0 =	vlt.u32 v7, $0x1400;
	v9 =	vor.u32 $0x1400, v2;
	v8 =	vsub.s32 v11, v0;
	v2 =	vld [tilespmem:s22+$0x5060]  }
0x4b: {  	s23 =	sadd.s32 $0x200, s23;
	v7 =	vsel vm0, v7, v9;
	vm0 =	vlt.u32 v8, $0x1400;
	v9 =	vand.u32 $0x7F, v11  }
0x4c: {  	v9 =	vor.u32 $0x1400, v9;
	v10 =	vsub.s32 v6, v0;
	v57 =	vand.u32 $0x7F, v6;
	v11 =	vld [tilespmem:s22+$0x5070]  }
0x4d: {  	[tilespmem:s22+$0x5000] =	vst v5;
	v58 =	vsel vm0, v8, v9;
	vm12 =	vlt.u32 v10, $0x1400;
	v6 =	vor.u32 $0x1400, v57  }
0x4e: {  	[tilespmem:s22+$0x5010] =	vst v3;
	v3 =	vsel vm12, v10, v6;
	v59 =	vsub.s32 v4, v0;
	v60 =	vand.u32 $0x7F, v4  }
0x4f: {  	[tilespmem:s22+$0x5020] =	vst v7;
	vm13 =	vlt.u32 v59, $0x1400;
	v4 =	vor.u32 $0x1400, v60;
	v61 =	vsub.s32 v2, v0  }
0x50: {  	[tilespmem:s22+$0x5030] =	vst v58;
	v2 =	vand.u32 $0x7F, v2;
	v4 =	vsel vm13, v59, v4;
	vm14 =	vlt.u32 v61, $0x1400  }
0x51: {  	[tilespmem:s22+$0x5040] =	vst v3;
	v2 =	vor.u32 $0x1400, v2;
	v3 =	vsub.s32 v11, v0;
	v62 =	vand.u32 $0x7F, v11  }
0x52: {  	[tilespmem:s22+$0x5050] =	vst v4;
	v2 =	vsel vm14, v61, v2;
	vm15 =	vlt.u32 v3, $0x1400;
	v63 =	vor.u32 $0x1400, v62  }
0x53: {  	[tilespmem:s22+$0x5060] =	vst v2;
	v2 =	vsel vm15, v3, v63  }
0x54: {  	[tilespmem:s22+$0x5070] =	vst v2  }
0x55: {  	s26 =	simm.s32 $0x0;
	[bflag:$0x0] =	sbarrier.arrive $0xFFFF  }
0x56: {  	[tilespmem:s12], [sflag:$0x1] =	stream.indirect.gather [hbm4b:s4+s15], $0x80, s26, s15, $0xb8;
	[tilespmem:$0x1C400] =	vst v63  }
0x57: {  	s28 =	simm.s32 $0x80  }
0x58: {  	[tilespmem:s16], [sflag:$0x2] =	stream.indirect.gather [hbm4b:s4+s15], $0x80, s28, s15, $0xb8;
	[tilespmem:$0x1C400] =	vst v63  }
0x59: {  	_ =	swait.ge [sflag:s17], $0x4000  }
0x5a: {  	[sflag:s17] =	ssyncset.done $0x0  }
0x5b: {  	s29 =	simm.s32 $0x5000;
	[sflag:s17] =	ssyncadd.s32 $0xFFFFC000  }
0x5c: {  	[spmem:s2] =	stream.indirect.scatter.add.f32 [tilespmem:s12], [sflag:$0x3], $0x80, s29, s15, $0xb8;
	[tilespmem:$0x1C400] =	vst v63  }
0x5d: {  	_ =	swait.ge [sflag:s13], $0x4000  }
0x5e: {  	[sflag:s13] =	ssyncset.done $0x0  }
0x5f: {  	s30 =	simm.s32 $0x100;
	[sflag:s13] =	ssyncadd.s32 $0xFFFFC000  }
0x60: {  	[tilespmem:s12], [sflag:$0x1] =	stream.indirect.gather [hbm4b:s4+s15], $0x80, s30, s15, $0xb8;
	[tilespmem:$0x1C400] =	vst v63  }
0x61: {  	_ =	swait.ge [sflag:s18], $0x4000  }
0x62: {  	[sflag:s18] =	ssyncset.done $0x0  }
0x63: {  	s31 =	simm.s32 $0x5080;
	[sflag:s18] =	ssyncadd.s32 $0xFFFFC000  }
0x64: {  	[spmem:s2] =	stream.indirect.scatter.add.f32 [tilespmem:s16], [sflag:$0x3], $0x80, s31, s15, $0xb8;
	[tilespmem:$0x1C400] =	vst v63  }
0x65: {  	_ =	swait.ge [sflag:s13], $0x4000  }
0x66: {  	s23 =	simm.s32 $0x800;
	s22 =	simm.s32 $0x100;
	[sflag:s13] =	ssyncset.done $0x0  }
.LBB2_6:
0x67: {  	s24 =	sadd.s32 $0x80, s22  }
0x68: {  	[sflag:s13] =	ssyncadd.s32 $0xFFFFC000;
	s25 =	smov.u32 s23;
	s26 =	sadd.s32 $0x400, s23  }
0x69: {  	[tilespmem:s16], [sflag:$0x2] =	stream.indirect.gather [hbm4b:s4+s15], $0x80, s24, s15, $0xb8;
	[tilespmem:$0x1C400] =	vst v63  }
0x6a: {  	p0 =	sne.s32 s23, $0x13400;
	_ =	swait.ge [sflag:s17], $0x4000  }
0x6b: {  	[sflag:s17] =	ssyncset.done $0x0  }
0x6c: {  	s23 =	sadd.s32 $0x5000, s22;
	[sflag:s17] =	ssyncadd.s32 $0xFFFFC000  }
0x6d: {  	[spmem:s2] =	stream.indirect.scatter.add.f32 [tilespmem:s12], [sflag:$0x3], $0x80, s23, s15, $0xb8;
	[tilespmem:$0x1C400] =	vst v63  }
0x6e: {  	_ =	swait.ge [sflag:s13], $0x4000  }
0x6f: {  	[sflag:s13] =	ssyncset.done $0x0  }
0x70: {  	s23 =	sadd.s32 $0x100, s22;
	[sflag:s13] =	ssyncadd.s32 $0xFFFFC000  }
0x71: {  	[tilespmem:s12], [sflag:$0x1] =	stream.indirect.gather [hbm4b:s4+s15], $0x80, s23, s15, $0xb8;
	[tilespmem:$0x1C400] =	vst v63  }
0x72: {  	_ =	swait.ge [sflag:s18], $0x4000  }
.Ltmp2:
0x73: {  	[sflag:s18] =	ssyncset.done $0x0;
	(pc) =	sbr.rel @p0 .LBB2_6-.Ltmp2, $4  }
0x74: {  	s22 =	sadd.s32 $0x5080, s22;
	[sflag:s18] =	ssyncadd.s32 $0xFFFFC000  }
0x75: {  	[spmem:s2] =	stream.indirect.scatter.add.f32 [tilespmem:s16], [sflag:$0x3], $0x80, s22, s15, $0xb8;
	[tilespmem:$0x1C400] =	vst v63  }
0x76: {  	_ =	swait.ge [sflag:s13], $0x4000  }
0x77: {  	s23 =	smov.u32 s26;
	s22 =	sshra.s32 s25, $0x2;
	[sflag:s13] =	ssyncset.done $0x0  }
0x78: {  	s23 =	sadd.s32 $0x80, s22;
	[sflag:s13] =	ssyncadd.s32 $0xFFFFC000  }
0x79: {  	[tilespmem:s16], [sflag:$0x2] =	stream.indirect.gather [hbm4b:s4+s15], $0x80, s23, s15, $0xb8;
	[tilespmem:$0x1C400] =	vst v63  }
0x7a: {  	_ =	swait.ge [sflag:s17], $0x4000  }
0x7b: {  	[sflag:s17] =	ssyncset.done $0x0  }
0x7c: {  	s26 =	sadd.s32 $0x5000, s22;
	[sflag:s17] =	ssyncadd.s32 $0xFFFFC000  }
0x7d: {  	[spmem:s2] =	stream.indirect.scatter.add.f32 [tilespmem:s12], [sflag:$0x3], $0x80, s26, s15, $0xb8;
	[tilespmem:$0x1C400] =	vst v63  }
0x7e: {  	_ =	swait.ge [sflag:s13], $0x4000  }
0x7f: {  	[sflag:s13] =	ssyncset.done $0x0  }
0x80: {  	s28 =	sadd.s32 $0x100, s22;
	[sflag:s13] =	ssyncadd.s32 $0xFFFFC000  }
0x81: {  	[tilespmem:s12], [sflag:$0x1] =	stream.indirect.gather [hbm4b:s4+s15], $0x80, s28, s15, $0xb8;
	[tilespmem:$0x1C400] =	vst v63  }
0x82: {  	_ =	swait.ge [sflag:s18], $0x4000  }
0x83: {  	[sflag:s18] =	ssyncset.done $0x0  }
0x84: {  	s29 =	sadd.s32 $0x5080, s22;
	[sflag:s18] =	ssyncadd.s32 $0xFFFFC000  }
0x85: {  	[spmem:s2] =	stream.indirect.scatter.add.f32 [tilespmem:s16], [sflag:$0x3], $0x80, s29, s15, $0xb8;
	[tilespmem:$0x1C400] =	vst v63  }
0x86: {  	_ =	swait.ge [sflag:s13], $0x4000  }
0x87: {  	[sflag:s13] =	ssyncset.done $0x0  }
0x88: {  	[sflag:s13] =	ssyncadd.s32 $0xFFFFC000  }
0x89: {  	[tilespmem:s16], [sflag:$0x2] =	stream.indirect.gather [hbm4b:s4+s15], $0x80, s19, s15, $0xb8;
	[tilespmem:$0x1C400] =	vst v63  }
0x8a: {  	_ =	swait.ge [sflag:s17], $0x4000  }
0x8b: {  	[sflag:s17] =	ssyncset.done $0x0  }
0x8c: {  	[sflag:s17] =	ssyncadd.s32 $0xFFFFC000  }
0x8d: {  	[spmem:s2] =	stream.indirect.scatter.add.f32 [tilespmem:s12], [sflag:$0x3], $0x80, s20, s15, $0xb8;
	[tilespmem:$0x1C400] =	vst v63  }
0x8e: {  	_ =	swait.ge [sflag:s13], $0x4000  }
0x8f: {  	[sflag:s13] =	ssyncset.done $0x0  }
0x90: {  	[sflag:s13] =	ssyncadd.s32 $0xFFFFC000  }
0x91: {  	_ =	swait.ge [sflag:s18], $0x4000  }
0x92: {  	[sflag:s18] =	ssyncset.done $0x0  }
0x93: {  	[sflag:s18] =	ssyncadd.s32 $0xFFFFC000  }
0x94: {  	[spmem:s2] =	stream.indirect.scatter.add.f32 [tilespmem:s16], [sflag:$0x3], $0x80, s21, s15, $0xb8;
	[tilespmem:$0x1C400] =	vst v63  }
0x95: {  	_ =	swait.ge [sflag:s13], $0x4000  }
0x96: {  	s30 =	sshll.u32 s0, $0x6;
	s3 =	sadd.s32 $0x1, s3;
	[sflag:s13] =	ssyncset.done $0x0  }
0x97: {  	s31 =	sshrl.u32 s5, $0x3;
	p0 =	sne.s32 s3, s11;
	[sflag:s13] =	ssyncadd.s32 $0xFFFFC000  }
.Ltmp3:
0x98: {  	s22 =	sor.u32 $0x1C03, s30;
	[bflag:$0x0] =	sbarrier.arrive $0xFFFF;
	(pc) =	sbr.rel @p0 .LBB2_1-.Ltmp3, $4  }
0x99: {  	[hbm:s10], [sflag:s22] =	dma.local [spmem:s31], $0x1480  }
0x9a: {  	_ =	swait.ge [sflag:s13], $0x1480  }
0x9b: {  	[sflag:s13] =	ssyncset.done $0x0  }
0x9c: {  	[sflag:s13] =	ssyncadd.s32 $0xFFFFEB80  }
0x9d: {  	_ =	sfence.sel $0x180000  }
0x9e: {  	[bflag:$0x0] =	sbarrier.arrive $0xFFFF  }
0x9f: {  	p0 =	sne.s32 s0, $0x0;
	_ =	strace $0x9000004D  }
0xa0: {  	s0 =	sadd.s32 @!p0 $0x100000, s1;
	[bflag:$0x2] =	sbarrier.arrive $0xFFFF  }
0xa1: {  	[sflag:s0] =	ssyncadd.tile.s32 @!p0 $0x1;
	_ =	shalt  }
.Lfunc_end2:
_tile_overlayer_lowered:
.L_overlay_start_2:
0xa2: {  	(tag) =	ssettag $0x2  }
0xa3: {  	s0 =	rddreg [dreg:$0x0];
	s2 =	stileid.u32  }
0xa4: {  	s1 =	rddreg [dreg:$0x1];
	p0 =	sne.s32 s2, $0x0  }
0xa5: {  	s3 =	rddreg [dreg:$0x2];
	[bflag:$0x3] =	sbarrier.arrive $0xFFFF;
	s2 =	simm.s32 @!p0 $0x1C03  }
0xa6: {  	[timem:s3], [sflag:s2] =	dma.local @!p0 [hbm:s0], s1  }
0xa7: {  	s0 =	simm.s32 @!p0 $0x3  }
0xa8: {  	_ =	swait.ge @!p0 [sflag:s0], s1  }
0xa9: {  	s1 =	ssub.s32 @!p0 $0x0, s1;
	[sflag:s0] =	ssyncset.done @!p0 $0x0  }
0xaa: {  	[sflag:s0] =	ssyncadd.s32 @!p0 s1  }
0xab: {  	[bflag:$0x3] =	sbarrier.arrive $0xFFFF  }
0xac: {  	_ =	shalt  }

// kernel: kernel.19.cloned.1.call-start
scs
__scs_entry_jumppad:
0x0: {  	(pc) =	sbr.rel $0x88, $3  }
0x1: {  	(tag) =	ssettag $0x0;
	lr =	simm.s32 $0x1  }
0x2: {  	[smem:$0x3F96] =	sst lr;
	_ =	strace $0xD0000000  }
0x3: {  	_ = 	snop  }
0x4: {  	_ = 	snop  }
0x5: {  	_ = 	snop  }
0x6: {  	_ = 	snop  }
0x7: {  	_ = 	snop  }
__scs_overlays_trampoline_lowered:
0x8: {  	[smem:$0x3FA5] =	sst s0  }
0x9: {  	[smem:$0x3FA6] =	sst s1  }
0xa: {  	[smem:$0x3FA7] =	sst s2  }
0xb: {  	[smem:$0x3FA8] =	sst s3  }
0xc: {  	[smem:$0x3FA9] =	sst s4  }
0xd: {  	[smem:$0x3FAA] =	sst s5  }
0xe: {  	[smem:$0x3FAB] =	sst s6  }
0xf: {  	[smem:$0x3FAC] =	sst s7  }
0x10: {  	[smem:$0x3FAD] =	sst s8  }
0x11: {  	[smem:$0x3FAE] =	sst s9;
	s0 =	simm.s32 @!p0 $0x0  }
0x12: {  	s1 =	sld [smem:$0x3F94];
	s0 =	simm.s32 @p0 $0x1  }
0x13: {  	[smem:$0x3FAF] =	sst s0;
	s0 =	simm.s32 @!p1 $0x0  }
0x14: {  	s2 =	sld [smem:$0x3F93];
	s0 =	simm.s32 @p1 $0x1  }
0x15: {  	[smem:$0x3FB0] =	sst s0;
	s0 =	simm.s32 @!p2 $0x0  }
0x16: {  	s3 =	sld [smem:$0x3FDB];
	s0 =	simm.s32 @p2 $0x1  }
0x17: {  	s4 =	simm.s32 $0x1BF5;
	[smem:$0x3FB2] =	sst s0  }
0x18: {  	s0 =	sld [smem:$0x3F95];
	_ =	swait.ge [sflag:s4], $0x0  }
0x19: {  	s7 =	sld [smem:$0x3F96]  }
0x1a: {  	s8 =	sadd.s32 $0xFFFFE003, lr  }
0x1b: {  	s9 =	sadd.s32 $0xFFFFFEF7, lr;
	s5 =	simm.s32 $0xFFFFFFFF;
	p2 =	slt.u32 s8, $0xFFFFF086  }
0x1c: {  	p1 =	slt.u32 s9, $0xF7A;
	s5 =	simm.s32 @!p2 $0x0  }
0x1d: {  	s5 =	simm.s32 @p1 $0x1;
	p0 =	seq.s32 s7, s2  }
0x1e: {  	s7 =	smul.u32 @!p0 $0xF7A, s2;
	p2 =	seq.s32 @!p0 s5, $0x0  }
0x1f: {  	s9 =	smul.u32 $0xF7A, s1;
	s8 =	simm.s32 @!p0 $0x1BF5;
	p2 =	por !p2, p0  }
0x20: {  	[sflag:s8] =	ssyncset.s32 @!p0 $0xFFFFF086;
	s6 =	sadd.s32 @!p0 s3, s7;
	s7 =	simm.s32 @!p0 $0x108  }
0x21: {  	s3 =	sadd.s32 s3, s9;
	s6 =	sadd.s32 @!p0 $0x88, s6;
	s7 =	simm.s32 @p2 $0x1082  }
0x22: {  	[simem:s7], [sflag:s8] =	dma.local @!p0 [hbm:s6], $0xF7A  }
0x23: {  	s9 =	sor.u32 $0xD0000000, s2;
	s6 =	simm.s32 $0x108;
	_ =	swait.ge @!p0 [sflag:s8], $0x0  }
0x24: {  	s3 =	sadd.s32 $0x88, s3;
	s6 =	simm.s32 @!p1 $0x1082;
	[sflag:s4] =	ssyncset.s32 $0xFFFFF086  }
0x25: {  	[simem:s6], [sflag:s4] =	dma.local [hbm:s3], $0xF7A  }
0x26: {  	[smem:$0x3F96] =	sst s1;
	(tag) =	ssettag s2;
	_ =	strace s9  }
0x27: {  	s1 =	sld [smem:$0x3FA6]  }
0x28: {  	s2 =	sld [smem:$0x3FA7]  }
0x29: {  	s4 =	sld [smem:$0x3FA9]  }
0x2a: {  	p0 =	seq.s32 s5, $0x0;
	s5 =	sld [smem:$0x3FAA]  }
0x2b: {  	s6 =	sld [smem:$0x3FAB]  }
0x2c: {  	s7 =	sld [smem:$0x3FAC]  }
0x2d: {  	s3 =	simm.s32 $0x108;
	s8 =	sld [smem:$0x3FAD]  }
0x2e: {  	s3 =	simm.s32 @!p0 $0x1082;
	s9 =	sld [smem:$0x3FAE]  }
0x2f: {  	lr =	sadd.s32 s0, s3;
	s0 =	sld [smem:$0x3FA5]  }
0x30: {  	s3 =	sld [smem:$0x3FA8]  }
0x31: {  	[smem:$0x3FB1] =	sst s10  }
0x32: {  	s10 =	sld [smem:$0x3FAF];
	_ =	sdelay $0x3  }
0x33: {  	p0 =	seq.s32 s10, $0x1;
	s10 =	sld [smem:$0x3FB1];
	_ =	sdelay $0x3  }
0x34: {  	[smem:$0x3FB1] =	sst s10  }
0x35: {  	s10 =	sld [smem:$0x3FB0];
	_ =	sdelay $0x3  }
0x36: {  	p1 =	seq.s32 s10, $0x1;
	s10 =	sld [smem:$0x3FB1];
	_ =	sdelay $0x3  }
0x37: {  	[smem:$0x3FB1] =	sst s10  }
0x38: {  	s10 =	sld [smem:$0x3FB2]  }
0x39: {  	_ = 	snop;
	(pc) =	sbr.ind lr, $3  }
0x3a: {  	_ = 	snop  }
0x3b: {  	_ = 	snop  }
0x3c: {  	p2 =	seq.s32 s10, $0x1;
	s10 =	sld [smem:$0x3FB1]  }
0x3d: {  	_ =	shalt  }
0x3e: {  	_ =	shalt  }
0x3f: {  	_ =	shalt  }
0x40: {  	_ =	shalt  }
0x41: {  	_ =	shalt  }
0x42: {  	_ =	shalt  }
0x43: {  	_ =	shalt  }
0x44: {  	_ =	shalt  }
0x45: {  	_ =	shalt  }
0x46: {  	_ =	shalt  }
0x47: {  	_ =	shalt  }
0x48: {  	_ =	shalt  }
0x49: {  	_ =	shalt  }
0x4a: {  	_ =	shalt  }
0x4b: {  	_ =	shalt  }
0x4c: {  	_ =	shalt  }
0x4d: {  	_ =	shalt  }
0x4e: {  	_ =	shalt  }
0x4f: {  	_ =	shalt  }
0x50: {  	_ =	shalt  }
0x51: {  	_ =	shalt  }
0x52: {  	_ =	shalt  }
0x53: {  	_ =	shalt  }
0x54: {  	_ =	shalt  }
0x55: {  	_ =	shalt  }
0x56: {  	_ =	shalt  }
0x57: {  	_ =	shalt  }
0x58: {  	_ =	shalt  }
0x59: {  	_ =	shalt  }
0x5a: {  	_ =	shalt  }
0x5b: {  	_ =	shalt  }
0x5c: {  	_ =	shalt  }
0x5d: {  	_ =	shalt  }
0x5e: {  	_ =	shalt  }
0x5f: {  	_ =	shalt  }
0x60: {  	_ =	shalt  }
0x61: {  	_ =	shalt  }
0x62: {  	_ =	shalt  }
0x63: {  	_ =	shalt  }
0x64: {  	_ =	shalt  }
0x65: {  	_ =	shalt  }
0x66: {  	_ =	shalt  }
0x67: {  	_ =	shalt  }
0x68: {  	_ =	shalt  }
0x69: {  	_ =	shalt  }
0x6a: {  	_ =	shalt  }
0x6b: {  	_ =	shalt  }
0x6c: {  	_ =	shalt  }
0x6d: {  	_ =	shalt  }
0x6e: {  	_ =	shalt  }
0x6f: {  	_ =	shalt  }
0x70: {  	_ =	shalt  }
0x71: {  	_ =	shalt  }
0x72: {  	_ =	shalt  }
0x73: {  	_ =	shalt  }
0x74: {  	_ =	shalt  }
0x75: {  	_ =	shalt  }
0x76: {  	_ =	shalt  }
0x77: {  	_ =	shalt  }
0x78: {  	_ =	shalt  }
0x79: {  	_ =	shalt  }
0x7a: {  	_ =	shalt  }
0x7b: {  	_ =	shalt  }
0x7c: {  	_ =	shalt  }
0x7d: {  	_ =	shalt  }
0x7e: {  	_ =	shalt  }
0x7f: {  	_ =	shalt  }
0x80: {  	_ =	shalt  }
0x81: {  	_ =	shalt  }
0x82: {  	_ =	shalt  }
0x83: {  	_ =	shalt  }
0x84: {  	_ =	shalt  }
0x85: {  	_ =	shalt  }
0x86: {  	_ =	shalt  }
0x87: {  	_ =	shalt  }
.Lfunc_end0:
.L_simem_size_0:
called_computation.3_lowered:
.L_overlay_start_0:
0x88: {  	s2 =	sld [smem:$0x3FD9]  }
0x89: {  	s3 =	sld [smem:$0x3FFE];
	_ =	sdelay $0x1  }
0x8a: {  	s1 =	srdreg.scid  }
0x8b: {  	s0 =	sand.u32 $0x1, s1  }
0x8c: {  	s17 =	sshll.u32 s0, $0xA;
	s2 =	sadd.s32 s3, s2  }
0x8d: {  	s2 =	sadd.s32 s2, s17  }
0x8e: {  	[smem:$0x3FBD] =	sst s2  }
0x8f: {  	_ = 	snop  }
0x90: {  	s2 =	sld [smem:$0x3FD0];
	(tm) =	ssettm $0x1  }
0x91: {  	s18 =	sld [smem:$0x3FFB];
	_ =	sdelay $0x3  }
0x92: {  	_ =	strace s18  }
0x93: {  	s3 =	sld [smem:$0x3FFC];
	_ =	sdelay $0x3  }
0x94: {  	_ =	strace s3  }
0x95: {  	s3 =	sld [smem:$0x3FFD];
	_ =	sdelay $0x3  }
0x96: {  	_ =	strace s3  }
0x97: {  	_ =	strace $0x8FFFFFFF  }
0x98: {  	s19 =	sld [smem:$0x3FDB];
	_ =	sdelay $0x1  }
0x99: {  	s4 =	simm.s32 $_scs_section_size  }
0x9a: {  	s5 =	simm.s32 $_size__tile_overlayer_lowered;
	s6 =	simm.s32 $_tile_overlayer_lowered  }
0x9b: {  	s22 =	simm.s32 $0x1BFF;
	s21 =	sshll.u32 s6, $0x1;
	s3 =	sadd.s32 s4, s19  }
0x9c: {  	s7 =	simm.s32 $0x0;
	s20 =	sshll.u32 s5, $0x1;
	s5 =	sadd.s32 s21, s3  }
0x9d: {  	[timem:s7], [sflag:s22] =	dma.local [hbm:s5], s20  }
0x9e: {  	_ =	swait.ge [sflag:s22], s20  }
0x9f: {  	s4 =	ssub.s32 $0x0, s20;
	[sflag:s22] =	ssyncset.done $0x0  }
0xa0: {  	[sflag:s22] =	ssyncadd.s32 s4;
	_ =	sdelay $0x1  }
0xa1: {  	s23 =	simm.s32 $0x1B8B  }
0xa2: {  	_ =	swait.ge [sflag:s23], $0x1  }
0xa3: {  	[sflag:s23] =	ssyncset.done $0x0  }
0xa4: {  	s25 =	simm.s32 $0x1B8E;
	s24 =	sld [smem:$0x3FFE];
	[sflag:s23] =	ssyncadd.s32 $0xFFFFFFFF  }
0xa5: {  	s26 =	simm.s32 $execute0_lowered;
	[smem:$0x3FD2] =	sst s25  }
0xa6: {  	s5 =	sshll.u32 s26, $0x1;
	_ =	strace $0x8000004F;
	[dreg:$0x1] =	wrdreg $0xFFFFFFFF  }
0xa7: {  	s28 =	simm.s32 $_size_execute0_lowered;
	s3 =	sadd.s32 s3, s5;
	[dreg:$0x0] =	wrdreg $0x0  }
0xa8: {  	s5 =	sshll.u32 s28, $0x1;
	[dreg:$0x2] =	wrdreg s3  }
0xa9: {  	[dreg:$0x3] =	wrdreg s5  }
0xaa: {  	[dreg:$0x4] =	wrdreg $0xC0  }
0xab: {  	_ =	task [dreg:s7], $0x5FFFF  }
0xac: {  	[dreg:$0x1] =	wrdreg $0xFFFFFFFF  }
0xad: {  	[dreg:$0x0] =	wrdreg $0x60  }
0xae: {  	[dreg:$0x2] =	wrdreg s24  }
0xaf: {  	[dreg:$0x3] =	wrdreg s2  }
0xb0: {  	[dreg:$0x4] =	wrdreg $0x9  }
0xb1: {  	_ =	task.clear_ibuf [dreg:s7], $0x5FFFF;
	_ =	strace $0x9000004F  }
0xb2: {  	s29 =	simm.s32 $0x9;
	_ =	strace $0x80000051  }
0xb3: {  	_ =	swait.ge [sflag:s29], $0x1  }
0xb4: {  	[sflag:s29] =	ssyncadd.s32 $0xFFFFFFFF  }
0xb5: {  	_ =	strace $0x90000051  }
0xb6: {  	_ =	sfence  }
0xb7: {  	s30 =	sld [smem:$0x0];
	_ =	sdelay $0x2  }
0xb8: {  	s31 =	sshll.u32 s1, $0xD;
	s1 =	sshrl.u32 s1, $0x2  }
0xb9: {  	s3 =	sand.u32 $0x4000, s31;
	s1 =	sadd.s32 s1, s30  }
0xba: {  	s0 =	sor.u32 s3, s0;
	s1 =	sshll.u32 s1, $0x11  }
0xbb: {  	s0 =	sor.u32 s1, s0  }
0xbc: {  	s0 =	sadd.s32 $0x8F2B, s0  }
0xbd: {  	[sflag:s0] =	ssyncadd.remote.s32 $0x1  }
0xbe: {  	_ =	sfence.sel $0xFFFF  }
0xbf: {  	[dreg:$0x0] =	wrdreg $0xFFFFFFFF;
	(pc) =	sbr.abs _section_cstart, $3  }
0xc0: {  	[dreg:$0x1] =	wrdreg $0xFFFFFFFF  }
0xc1: {  	_ =	task.clear_ibuf [dreg:s7], $0x2FFFF;
	_ =	strace $0x9FFFFFFF  }
0xc2: {  	(tm) =	ssettm $0x7FFFFFFF  }
0xc3: {  	_ =	shalt  }
tec
execute0_lowered:
.L_overlay_start_1:
0x0: {  	(tag) =	ssettag $0x1  }
0x1: {  	s1 =	srdreg.scid;
	s6 =	rddreg [dreg:$0x0]  }
0x2: {  	s0 =	stileid.u32;
	s2 =	rddreg [dreg:$0x1];
	s3 =	simm.s32 $0x0  }
0x3: {  	s11 =	simm.s32 $0x400;
	s12 =	simm.s32 $0x2;
	s13 =	simm.s32 $0x4300  }
0x4: {  	s14 =	simm.s32 $0x300;
	s15 =	simm.s32 $0x1;
	s16 =	simm.s32 $0x180  }
0x5: {  	s17 =	simm.s32 $0x40;
	s18 =	simm.s32 $0x100;
	s20 =	simm.s32 $0x0  }
0x6: {  	s5 =	sand.u32 $0x1, s1;
	s30 =	sshll.u32 s0, $0x1;
	s1 =	rddreg [dreg:$0x2]  }
0x7: {  	s31 =	sshrl.u32 s0, $0x2;
	[smem:$0x7FF] =	sst s3;
	s19 =	sor.u32 s5, s30  }
0x8: {  	s4 =	smul.u32 $0xC00, s31;
	_ =	strace $0x80000050;
	s8 =	ssub.s32 $0x2, s5  }
0x9: {  	s5 =	sadd.s32 $0x36200, s6;
	s7 =	sshll.u32 s19, $0x7;
	s9 =	sshll.u32 s19, $0x5  }
0xa: {  	s10 =	sshrl.u32 s8, $0x1;
	p0 =	sne.s32 s19, $0x0;
	s7 =	sand.u32 $0x380, s7  }
0xb: {  	s19 =	simm.s32 $0x6B00;
	s9 =	sadd.s32 s9, s6;
	s4 =	sor.u32 s4, s7  }
0xc: {  	s10 =	ssub.s32 s8, s10;
	s8 =	sadd.s32 $0x2BC00, s9;
	s7 =	sshrl.u32 s4, $0x3  }
0xd: {  	s9 =	smax.u32 s10, $0x1;
	s10 =	simm.s32 $0x80;
	s7 =	sadd.s32 s7, s6  }
0xe: {  	s4 =	sadd.s32 $0x3C00, s6;
	s6 =	sadd.s32 $0x2C000, s6;
	s7 =	sadd.s32 $0x35C00, s7  }
.LBB2_1:
0xf: {  	[tilespmem:s3], [sflag:$0x2] =	stream.strided.gather [hbm4b:s7+s10], $0x180, s11, s10, $0x38;
	[tilespmem:$0x7480] =	vst v63  }
0x10: {  	_ =	swait.ge [sflag:s12], $0x180  }
0x11: {  	[sflag:s12] =	ssyncset.done $0x0  }
0x12: {  	[sflag:s12] =	ssyncadd.s32 $0xFFFFFE80  }
0x13: {  	[tilespmem:s13], [sflag:$0x2] =	stream.linear.gather [hbm4b:s5+s3], $0x2800, $0x38;
	[tilespmem:$0x7480] =	vst v63  }
0x14: {  	_ =	swait.ge [sflag:s12], $0x2800  }
0x15: {  	[sflag:s12] =	ssyncset.done $0x0  }
0x16: {  	[sflag:s12] =	ssyncadd.s32 $0xFFFFD800  }
0x17: {  	v0 =	vld [tilespmem:$0x0];
	_ =	sdelay $0x5  }
0x18: {  	v1 =	vld [tilespmem:$0x10];
	_ =	sdelay $0x1  }
0x19: {  	v0 =	vld.idx.msk [tilespmem:v0+s13+$0x0], $0xffff;
	_ =	sdelay $0x3  }
0x1a: {  	v2 =	vld [tilespmem:$0x20]  }
0x1b: {  	[tilespmem:$0x180] =	vst v0  }
0x1c: {  	v0 =	vld.idx.msk [tilespmem:v1+s13+$0x0], $0xffff;
	_ =	sdelay $0x3  }
0x1d: {  	v1 =	vld [tilespmem:$0x30]  }
0x1e: {  	[tilespmem:$0x190] =	vst v0  }
0x1f: {  	v0 =	vld.idx.msk [tilespmem:v2+s13+$0x0], $0xffff;
	_ =	sdelay $0x3  }
0x20: {  	v2 =	vld [tilespmem:$0x40]  }
0x21: {  	[tilespmem:$0x1A0] =	vst v0  }
0x22: {  	v0 =	vld.idx.msk [tilespmem:v1+s13+$0x0], $0xffff;
	_ =	sdelay $0x3  }
0x23: {  	v1 =	vld [tilespmem:$0x50]  }
0x24: {  	[tilespmem:$0x1B0] =	vst v0  }
0x25: {  	v0 =	vld.idx.msk [tilespmem:v2+s13+$0x0], $0xffff;
	_ =	sdelay $0x3  }
0x26: {  	v2 =	vld [tilespmem:$0x60]  }
0x27: {  	[tilespmem:$0x1C0] =	vst v0  }
0x28: {  	v0 =	vld.idx.msk [tilespmem:v1+s13+$0x0], $0xffff;
	_ =	sdelay $0x3  }
0x29: {  	v1 =	vld [tilespmem:$0x70]  }
0x2a: {  	[tilespmem:$0x1D0] =	vst v0  }
0x2b: {  	v0 =	vld.idx.msk [tilespmem:v2+s13+$0x0], $0xffff;
	_ =	sdelay $0x3  }
0x2c: {  	v2 =	vld [tilespmem:$0x80]  }
0x2d: {  	[tilespmem:$0x1E0] =	vst v0  }
0x2e: {  	v0 =	vld.idx.msk [tilespmem:v1+s13+$0x0], $0xffff;
	_ =	sdelay $0x3  }
0x2f: {  	v1 =	vld [tilespmem:$0x90]  }
0x30: {  	[tilespmem:$0x1F0] =	vst v0  }
0x31: {  	v0 =	vld.idx.msk [tilespmem:v2+s13+$0x0], $0xffff;
	_ =	sdelay $0x3  }
0x32: {  	v2 =	vld [tilespmem:$0xA0]  }
0x33: {  	[tilespmem:$0x200] =	vst v0  }
0x34: {  	v0 =	vld.idx.msk [tilespmem:v1+s13+$0x0], $0xffff;
	_ =	sdelay $0x3  }
0x35: {  	v1 =	vld [tilespmem:$0xB0]  }
0x36: {  	[tilespmem:$0x210] =	vst v0  }
0x37: {  	v0 =	vld.idx.msk [tilespmem:v2+s13+$0x0], $0xffff;
	_ =	sdelay $0x3  }
0x38: {  	v2 =	vld [tilespmem:$0xC0]  }
0x39: {  	[tilespmem:$0x220] =	vst v0  }
0x3a: {  	v0 =	vld.idx.msk [tilespmem:v1+s13+$0x0], $0xffff;
	_ =	sdelay $0x3  }
0x3b: {  	v1 =	vld [tilespmem:$0xD0]  }
0x3c: {  	[tilespmem:$0x230] =	vst v0  }
0x3d: {  	v0 =	vld.idx.msk [tilespmem:v2+s13+$0x0], $0xffff;
	_ =	sdelay $0x3  }
0x3e: {  	v2 =	vld [tilespmem:$0xE0]  }
0x3f: {  	[tilespmem:$0x240] =	vst v0  }
0x40: {  	v0 =	vld.idx.msk [tilespmem:v1+s13+$0x0], $0xffff;
	_ =	sdelay $0x3  }
0x41: {  	v1 =	vld [tilespmem:$0xF0]  }
0x42: {  	[tilespmem:$0x250] =	vst v0  }
0x43: {  	v0 =	vld.idx.msk [tilespmem:v2+s13+$0x0], $0xffff;
	_ =	sdelay $0x3  }
0x44: {  	v2 =	vld [tilespmem:$0x100]  }
0x45: {  	[tilespmem:$0x260] =	vst v0  }
0x46: {  	v0 =	vld.idx.msk [tilespmem:v1+s13+$0x0], $0xffff;
	_ =	sdelay $0x3  }
0x47: {  	v1 =	vld [tilespmem:$0x110]  }
0x48: {  	[tilespmem:$0x270] =	vst v0  }
0x49: {  	v0 =	vld.idx.msk [tilespmem:v2+s13+$0x0], $0xffff;
	_ =	sdelay $0x3  }
0x4a: {  	v2 =	vld [tilespmem:$0x120]  }
0x4b: {  	[tilespmem:$0x280] =	vst v0  }
0x4c: {  	v0 =	vld.idx.msk [tilespmem:v1+s13+$0x0], $0xffff;
	_ =	sdelay $0x3  }
0x4d: {  	v1 =	vld [tilespmem:$0x130]  }
0x4e: {  	[tilespmem:$0x290] =	vst v0  }
0x4f: {  	v0 =	vld.idx.msk [tilespmem:v2+s13+$0x0], $0xffff;
	_ =	sdelay $0x4  }
0x50: {  	[tilespmem:$0x2A0] =	vst v0  }
0x51: {  	v0 =	vld.idx.msk [tilespmem:v1+s13+$0x0], $0xffff;
	_ =	sdelay $0x4  }
0x52: {  	[tilespmem:$0x2B0] =	vst v0;
	v0 =	vmov s3  }
0x53: {  	[tilespmem:s14], [sflag:$0x1] =	stream.indirect.gather [hbm4b:s4+s10], $0x80, s3, s10, $0xb8;
	[tilespmem:$0x7480] =	vst v63  }
0x54: {  	_ =	swait.ge [sflag:s15], $0x4000  }
0x55: {  	[sflag:s15] =	ssyncset.done $0x0  }
0x56: {  	[sflag:s15] =	ssyncadd.s32 $0xFFFFC000  }
0x57: {  	s21 =	simm.s32 $0x340;
	v16 =	vld.idx.msk [tilespmem:v0+s16+$0x0], $0xffff  }
0x58: {  	v0 =	vld [tilespmem:s21+$0x30]  }
0x59: {  	v1 =	vld [tilespmem:s21+$0xFFFFFFC0]  }
0x5a: {  	v2 =	vld [tilespmem:s21+$0xFFFFFFD0]  }
0x5b: {  	v5 =	vld [tilespmem:s21+$0xFFFFFFE0]  }
0x5c: {  	v11 =	vld [tilespmem:s21+$0x0]  }
0x5d: {  	s22 =	simm.s32 $0x1;
	v17 =	vld [tilespmem:s21+$0x10]  }
0x5e: {  	v12 =	vimm.f32 $0.0e+00;
	s31 =	simm.s32 $0x2;
	v6 =	vmov s22;
	v15 =	vld [tilespmem:s21+$0x20]  }
0x5f: {  	v22 =	vmov s31;
	v9 =	vld [tilespmem:s21+$0xFFFFFFF0];
	v3 =	vmul.f32 v0, v16;
	v7 =	vadd.f32 v0, v12  }
0x60: {  	v0 =	vmul.f32 v1, v16;
	v1 =	vadd.f32 v1, v12;
	v8 =	vmul.f32 v2, v16  }
0x61: {  	s21 =	simm.s32 $0x3C0;
	v2 =	vadd.f32 v2, v12;
	v10 =	vmul.f32 v5, v16;
	v5 =	vadd.f32 v5, v12  }
0x62: {  	v18 =	vld [tilespmem:s21+$0x30];
	v20 =	vmul.f32 v11, v16;
	v13 =	vadd.f32 v11, v12;
	v23 =	vmul.f32 v17, v16  }
0x63: {  	v24 =	vmul.f32 v15, v16;
	v3 =	vadd.f32 v3, v12;
	v4 =	vadd.f32 v0, v12;
	v0 =	vld.idx.msk [tilespmem:v6+s16+$0x0], $0xffff  }
0x64: {  	v19 =	vld [tilespmem:s21+$0xFFFFFFC0];
	v8 =	vadd.f32 v8, v12;
	v6 =	vmul.f32 v9, v16;
	v9 =	vadd.f32 v9, v12  }
0x65: {  	v21 =	vld [tilespmem:s21+$0xFFFFFFD0];
	v10 =	vadd.f32 v10, v12;
	v11 =	vadd.f32 v20, v12;
	v16 =	vimm.f32 $0.0e+00  }
0x66: {  	s22 =	simm.s32 $0x3;
	v20 =	vld [tilespmem:s21+$0xFFFFFFE0];
	v14 =	vadd.f32 v6, v12;
	v6 =	vadd.f32 v17, v12;
	v17 =	vimm.f32 $0.0e+00  }
.LBB2_2:
0x67: {  	p1 =	sne.s32 s22, $0x7F;
	v25 =	vld [tilespmem:s21+$0xFFFFFFF0];
	v12 =	vadd.f32 v23, v12;
	v17 =	vadd.f32 v15, v17  }
0x68: {  	v23 =	vld [tilespmem:s21+$0x0];
	v26 =	vmul.f32 v18, v0;
	v7 =	vadd.f32 v18, v7;
	v16 =	vadd.f32 v24, v16;
	v24 =	vmovc v0  }
0x69: {  	v18 =	vmul.f32 v19, v24;
	v1 =	vadd.f32 v19, v1;
	v27 =	vld [tilespmem:s21+$0x10]  }
0x6a: {  	v19 =	vmul.f32 v21, v24;
	v2 =	vadd.f32 v21, v2;
	v15 =	vld [tilespmem:s21+$0x20];
	v3 =	vadd.f32 v26, v3  }
.Ltmp0:
0x6b: {  	s21 =	sadd.s32 $0x80, s21;
	v0 =	vld.idx.msk [tilespmem:v22+s16+$0x0], $0xffff;
	v4 =	vadd.f32 v18, v4;
	v21 =	vmul.f32 v20, v24;
	v5 =	vadd.f32 v20, v5;
	(pc) =	sbr.rel @p1 .LBB2_2-.Ltmp0, $4  }
0x6c: {  	v18 =	vld [tilespmem:s21+$0x30];
	v8 =	vadd.f32 v19, v8;
	v20 =	vmul.f32 v25, v24;
	v9 =	vadd.f32 v25, v9  }
0x6d: {  	v19 =	vld [tilespmem:s21+$0xFFFFFFC0];
	v10 =	vadd.f32 v21, v10;
	v25 =	vmul.f32 v23, v24;
	v13 =	vadd.f32 v23, v13  }
0x6e: {  	v21 =	vld [tilespmem:s21+$0xFFFFFFD0];
	v14 =	vadd.f32 v20, v14;
	v23 =	vmul.f32 v27, v24;
	v6 =	vadd.f32 v27, v6  }
0x6f: {  	v22 =	vmov s22;
	s22 =	sadd.s32 $0x1, s22;
	v20 =	vld [tilespmem:s21+$0xFFFFFFE0];
	v11 =	vadd.f32 v25, v11;
	v24 =	vmul.f32 v15, v24  }
0x70: {  	v25 =	vld [tilespmem:s21+$0xFFFFFFF0]  }
0x71: {  	v26 =	vld [tilespmem:s21+$0x0]  }
0x72: {  	v27 =	vld [tilespmem:s21+$0x10]  }
0x73: {  	v28 =	vld [tilespmem:s21+$0x20]  }
0x74: {  	v22 =	vld.idx.msk [tilespmem:v22+s16+$0x0], $0xffff;
	s28 =	sadd.s32 $0x80, s21  }
0x75: {  	v29 =	vld [tilespmem:s28+$0x30]  }
0x76: {  	v30 =	vld [tilespmem:s28+$0xFFFFFFC0]  }
0x77: {  	v31 =	vld [tilespmem:s28+$0xFFFFFFD0]  }
0x78: {  	v12 =	vadd.f32 v23, v12;
	v32 =	vld [tilespmem:s28+$0xFFFFFFE0]  }
0x79: {  	v15 =	vadd.f32 v15, v17;
	v33 =	vld [tilespmem:s28+$0xFFFFFFF0];
	v17 =	vmul.f32 v18, v0;
	v7 =	vadd.f32 v18, v7  }
0x7a: {  	v23 =	vld [tilespmem:s28+$0x0];
	v16 =	vadd.f32 v24, v16;
	v18 =	vmul.f32 v19, v0;
	v1 =	vadd.f32 v19, v1  }
0x7b: {  	v24 =	vld [tilespmem:s28+$0x10];
	v19 =	vmul.f32 v21, v0;
	v2 =	vadd.f32 v21, v2;
	v3 =	vadd.f32 v17, v3  }
0x7c: {  	v21 =	vld [tilespmem:s28+$0x20];
	[tilespmem:s14], [sflag:$0x1] =	stream.indirect.gather [hbm4b:s4+s10], $0x80, s10, s10, $0xb8;
	v4 =	vadd.f32 v18, v4;
	v5 =	vadd.f32 v20, v5  }
0x7d: {  	v17 =	vmul.f32 v20, v0;
	_ =	swait.ge [sflag:s15], $0x4000;
	v8 =	vadd.f32 v19, v8;
	v9 =	vadd.f32 v25, v9  }
0x7e: {  	v18 =	vmul.f32 v25, v0;
	[sflag:s15] =	ssyncset.done $0x0;
	v13 =	vadd.f32 v26, v13;
	v6 =	vadd.f32 v27, v6  }
0x7f: {  	s22 =	simm.s32 $0x340;
	v15 =	vadd.f32 v28, v15;
	v10 =	vadd.f32 v17, v10;
	v17 =	vmul.f32 v26, v0;
	[sflag:s15] =	ssyncadd.s32 $0xFFFFC000  }
0x80: {  	v7 =	vadd.f32 v29, v7;
	v25 =	vadd.f32 v30, v1;
	v1 =	vmul.f32 v31, v22;
	v19 =	vld [tilespmem:s22+$0x10]  }
0x81: {  	s29 =	simm.s32 $0x0;
	v14 =	vadd.f32 v18, v14;
	v18 =	vmul.f32 v27, v0;
	v0 =	vmul.f32 v28, v0;
	v35 =	vld [tilespmem:s22+$0xFFFFFFD0]  }
0x82: {  	v28 =	vld [tilespmem:s22+$0xFFFFFFF0];
	v11 =	vadd.f32 v17, v11;
	v17 =	vmov s29;
	v1 =	vadd.f32 v1, v8  }
0x83: {  	v20 =	vld [tilespmem:s22+$0xFFFFFFC0];
	v8 =	vmul.f32 v23, v22;
	v23 =	vadd.f32 v23, v13;
	v13 =	vmul.f32 v21, v22  }
0x84: {  	v26 =	vld [tilespmem:s22+$0x20];
	v17 =	vadd.s32 $0x80, v17;
	v16 =	vadd.f32 v0, v16;
	v0 =	vmul.f32 v30, v22  }
0x85: {  	v27 =	vld [tilespmem:s22+$0xFFFFFFE0];
	v12 =	vadd.f32 v18, v12;
	v18 =	vmul.f32 v29, v22;
	v17 =	vbroadcast v17, $0x0  }
0x86: {  	v15 =	vadd.f32 v21, v15;
	v21 =	vld [tilespmem:s22+$0x0];
	v29 =	vadd.f32 v0, v4;
	v0 =	vmul.f32 v32, v22  }
0x87: {  	s23 =	simm.s32 $0x3C0;
	v2 =	vadd.f32 v31, v2;
	v30 =	vld [tilespmem:s22+$0x30];
	v18 =	vadd.f32 v18, v3;
	v3 =	vmul.f32 v33, v22  }
0x88: {  	v4 =	vadd.f32 v32, v5;
	v5 =	vadd.f32 v0, v10;
	v0 =	vld [tilespmem:s23+$0x10];
	v10 =	vmul.f32 v24, v22  }
0x89: {  	s30 =	simm.s32 $0x1;
	v9 =	vadd.f32 v33, v9;
	v62 =	vadd.f32 v3, v14;
	v3 =	vld [tilespmem:s23+$0xFFFFFFD0]  }
0x8a: {  	v6 =	vadd.f32 v24, v6;
	v14 =	vmov s30;
	v10 =	vadd.f32 v10, v12;
	v12 =	vld [tilespmem:s23+$0x30]  }
0x8b: {  	v16 =	vadd.f32 v13, v16;
	v63 =	vld.idx.msk [tilespmem:v17+s16+$0x0], $0xffff;
	v17 =	vadd.f32 v8, v11;
	v11 =	vadd.s32 $0x80, v14  }
0x8c: {  	v13 =	vld [tilespmem:s23+$0x20];
	v6 =	vadd.f32 v19, v6;
	v2 =	vadd.f32 v35, v2;
	v11 =	vbroadcast v11, $0x0  }
0x8d: {  	s21 =	simm.s32 $0x440;
	v36 =	vadd.f32 v20, v25;
	v38 =	vadd.f32 v28, v9;
	v22 =	vld [tilespmem:s23+$0xFFFFFFC0]  }
0x8e: {  	s31 =	simm.s32 $0x2;
	v34 =	vadd.f32 v27, v4;
	v4 =	vld [tilespmem:s21+$0x10];
	v31 =	vadd.f32 v30, v7  }
0x8f: {  	v15 =	vadd.f32 v26, v15;
	v7 =	vmov s31;
	v14 =	vld [tilespmem:s23+$0xFFFFFFE0];
	v6 =	vadd.f32 v0, v6  }
0x90: {  	v8 =	vld [tilespmem:s23+$0xFFFFFFF0];
	v37 =	vadd.f32 v3, v2;
	v25 =	vadd.f32 v12, v31;
	v9 =	vmul.f32 v21, v63  }
0x91: {  	v2 =	vmul.f32 v20, v63;
	v24 =	vmul.f32 v27, v63;
	v20 =	vadd.s32 $0x80, v7;
	v7 =	vld [tilespmem:s21+$0xFFFFFFD0]  }
0x92: {  	v27 =	vadd.f32 v21, v23;
	v21 =	vmul.f32 v26, v63;
	v11 =	vld.idx.msk [tilespmem:v11+s16+$0x0], $0xffff;
	v23 =	vadd.f32 v9, v17  }
0x93: {  	v31 =	vld [tilespmem:s23+$0x0];
	v17 =	vmul.f32 v30, v63;
	v30 =	vbroadcast v20, $0x0;
	v26 =	vadd.f32 v2, v29  }
0x94: {  	v9 =	vld [tilespmem:s21+$0xFFFFFFF0];
	v20 =	vadd.f32 v14, v34;
	v29 =	vmul.f32 v28, v63;
	v2 =	vadd.f32 v4, v6  }
0x95: {  	v33 =	vmul.f32 v35, v63;
	v28 =	vld [tilespmem:s21+$0xFFFFFFC0];
	v17 =	vadd.f32 v17, v18;
	v18 =	vadd.f32 v21, v16  }
0x96: {  	v34 =	vmul.f32 v19, v63;
	v19 =	vld [tilespmem:s21+$0x20];
	v21 =	vadd.f32 v22, v36;
	v16 =	vadd.f32 v29, v62  }
0x97: {  	s22 =	simm.s32 $0x3;
	s23 =	simm.s32 $0x4C0;
	v29 =	vld [tilespmem:s21+$0x30];
	v6 =	vadd.f32 v7, v37;
	v32 =	vmul.f32 v22, v11;
	v22 =	vadd.f32 v8, v38  }
.LBB2_4:
0x98: {  	p1 =	sne.s32 s22, $0x7F;
	v40 =	vmul.f32 v14, v11;
	v14 =	vld [tilespmem:s21+$0xFFFFFFE0];
	v15 =	vadd.f32 v13, v15;
	v10 =	vadd.f32 v34, v10;
	v36 =	vmovc v3;
	s24 =	smov.u32 s22;
	s22 =	sadd.s32 $0x1, s22  }
0x99: {  	v5 =	vadd.f32 v24, v5;
	v3 =	vmovc v7;
	v37 =	vld [tilespmem:s23+$0x10];
	v34 =	vmul.f32 v31, v11;
	v27 =	vadd.f32 v31, v27  }
0x9a: {  	v39 =	vmul.f32 v13, v11;
	v1 =	vadd.f32 v33, v1;
	v33 =	vmovc v9;
	v7 =	vmov s24;
	v38 =	vld.idx.msk [tilespmem:v30+s16+$0x0], $0xffff;
	v24 =	vmovc v40  }
0x9b: {  	v9 =	vadd.s32 $0x80, v7;
	v35 =	vmovc v28;
	v7 =	vld [tilespmem:s23+$0xFFFFFFD0];
	v23 =	vadd.f32 v34, v23;
	v34 =	vmul.f32 v12, v11;
	v13 =	vmovc v19  }
.Ltmp1:
0x9c: {  	v26 =	vadd.f32 v32, v26;
	v30 =	vbroadcast v9, $0x0;
	v9 =	vld [tilespmem:s23+$0xFFFFFFF0];
	v25 =	vadd.f32 v29, v25;
	v12 =	vmovc v29;
	(pc) =	sbr.rel @p1 .LBB2_4-.Ltmp1, $4  }
0x9d: {  	v29 =	vmul.f32 v8, v11;
	v8 =	vmovc v33;
	v20 =	vadd.f32 v14, v20;
	v31 =	vld [tilespmem:s21+$0x0];
	v17 =	vadd.f32 v34, v17;
	s21 =	smov.u32 s23  }
0x9e: {  	v18 =	vadd.f32 v39, v18;
	v34 =	vmul.f32 v0, v11;
	v0 =	vmovc v4;
	v28 =	vld [tilespmem:s23+$0xFFFFFFC0];
	v2 =	vadd.f32 v37, v2  }
0x9f: {  	v21 =	vadd.f32 v35, v21;
	v33 =	vmul.f32 v36, v11;
	v16 =	vadd.f32 v29, v16;
	v4 =	vmovc v37;
	v19 =	vld [tilespmem:s23+$0x20]  }
0xa0: {  	v22 =	vadd.f32 v8, v22;
	s23 =	sadd.s32 $0x80, s23;
	v32 =	vmul.f32 v35, v38;
	v11 =	vmovc v38;
	v6 =	vadd.f32 v7, v6;
	v29 =	vld [tilespmem:s21+$0x30]  }
0xa1: {  	_ =	sdelay $0x2  }
0xa2: {  	v35 =	vld [tilespmem:s21+$0xFFFFFFE0]  }
0xa3: {  	v30 =	vld.idx.msk [tilespmem:v30+s16+$0x0], $0xffff;
	v10 =	vadd.f32 v34, v10;
	v14 =	vmul.f32 v14, v11;
	v15 =	vadd.f32 v13, v15  }
0xa4: {  	v36 =	vld [tilespmem:s21+$0x0];
	[tilespmem:s14], [sflag:$0x1] =	stream.indirect.gather [hbm4b:s4+s17], $0x80, s18, s17, $0xb8;
	v5 =	vadd.f32 v24, v5;
	v13 =	vmul.f32 v13, v11;
	v12 =	vmul.f32 v12, v11  }
0xa5: {  	v1 =	vadd.f32 v33, v1;
	v8 =	vmul.f32 v8, v11;
	v27 =	vadd.f32 v31, v27;
	_ =	swait.ge [sflag:s15], $0x2000  }
0xa6: {  	v0 =	vmul.f32 v0, v11;
	v22 =	vadd.f32 v9, v22;
	[sflag:s15] =	ssyncset.done $0x0;
	v12 =	vadd.f32 v12, v17  }
0xa7: {  	s22 =	simm.s32 $0x340;
	v3 =	vmul.f32 v3, v11;
	v13 =	vadd.f32 v13, v18;
	v18 =	vadd.f32 v28, v21;
	[sflag:s15] =	ssyncadd.s32 $0xFFFFE000  }
0xa8: {  	v31 =	vmul.f32 v31, v11;
	v8 =	vadd.f32 v8, v16;
	v10 =	vadd.f32 v0, v10;
	v59 =	vld [tilespmem:s22+$0x10]  }
0xa9: {  	v5 =	vadd.f32 v14, v5;
	v1 =	vadd.f32 v3, v1;
	v60 =	vld [tilespmem:s22+$0xFFFFFFD0]  }
0xaa: {  	s29 =	simm.s32 $0x0;
	v23 =	vadd.f32 v31, v23;
	v15 =	vadd.f32 v19, v15;
	v21 =	vld [tilespmem:s22+$0xFFFFFFF0]  }
0xab: {  	v24 =	vadd.f32 v29, v25;
	v25 =	vadd.f32 v32, v26;
	v26 =	vmov s29;
	v16 =	vld [tilespmem:s22+$0xFFFFFFC0]  }
0xac: {  	v31 =	vld [tilespmem:s22+$0x30];
	v17 =	vadd.s32 $0x100, v26;
	v11 =	vmul.f32 v28, v30;
	v26 =	vmul.f32 v35, v30  }
0xad: {  	v20 =	vadd.f32 v35, v20;
	v28 =	vld [tilespmem:s22+$0x20];
	v0 =	vmul.f32 v36, v30;
	v17 =	vbroadcast v17, $0x0  }
0xae: {  	s23 =	simm.s32 $0x3C0;
	v27 =	vadd.f32 v36, v27;
	v3 =	vmul.f32 v29, v30;
	v29 =	vld [tilespmem:s22+$0xFFFFFFE0];
	v14 =	vmul.f32 v19, v30  }
0xaf: {  	v9 =	vmul.f32 v9, v30;
	v19 =	vadd.f32 v0, v23;
	v25 =	vadd.f32 v11, v25;
	v0 =	vld [tilespmem:s23+$0x10]  }
0xb0: {  	s30 =	simm.s32 $0x1;
	v61 =	vadd.f32 v3, v12;
	v3 =	vmul.f32 v4, v30;
	v63 =	vadd.f32 v14, v13;
	v13 =	vld [tilespmem:s23+$0xFFFFFFD0]  }
0xb1: {  	v12 =	vmul.f32 v7, v30;
	v7 =	vmov s30;
	v37 =	vadd.f32 v9, v8;
	v9 =	vld [tilespmem:s22+$0x0]  }
0xb2: {  	v11 =	vadd.f32 v26, v5;
	v4 =	vadd.f32 v3, v10;
	v3 =	vadd.s32 $0x100, v7;
	v7 =	vld [tilespmem:s23+$0xFFFFFFF0]  }
0xb3: {  	v14 =	vadd.f32 v12, v1;
	v2 =	vadd.f32 v59, v2;
	v62 =	vld.idx.msk [tilespmem:v17+s16+$0x0], $0xffff  }
0xb4: {  	v6 =	vadd.f32 v60, v6;
	v3 =	vbroadcast v3, $0x0;
	v30 =	vadd.f32 v29, v20;
	v20 =	vld [tilespmem:s23+$0xFFFFFFE0]  }
0xb5: {  	v38 =	vld [tilespmem:s23+$0xFFFFFFC0];
	v24 =	vadd.f32 v31, v24;
	v40 =	vadd.f32 v16, v18  }
0xb6: {  	s21 =	simm.s32 $0x440;
	v5 =	vld [tilespmem:s23+$0x30];
	v22 =	vadd.f32 v21, v22;
	v39 =	vadd.f32 v0, v2  }
0xb7: {  	v8 =	vld [tilespmem:s21+$0x10];
	v41 =	vadd.f32 v13, v6;
	v2 =	vadd.f32 v28, v15  }
0xb8: {  	v26 =	vld [tilespmem:s21+$0xFFFFFFD0];
	v10 =	vadd.f32 v9, v27;
	v22 =	vadd.f32 v7, v22;
	v6 =	vmul.f32 v16, v62  }
0xb9: {  	s31 =	simm.s32 $0x2;
	v1 =	vld [tilespmem:s23+$0x20];
	v18 =	vadd.f32 v20, v30;
	v23 =	vmul.f32 v29, v62;
	v15 =	vmul.f32 v9, v62  }
0xba: {  	v12 =	vld.idx.msk [tilespmem:v3+s16+$0x0], $0xffff;
	v9 =	vmov s31;
	v29 =	vmul.f32 v28, v62;
	v21 =	vmul.f32 v21, v62  }
0xbb: {  	v17 =	vld [tilespmem:s21+$0xFFFFFFF0];
	v3 =	vadd.s32 $0x100, v9;
	v9 =	vmul.f32 v31, v62;
	v16 =	vadd.f32 v15, v19  }
0xbc: {  	v27 =	vld [tilespmem:s23+$0x0];
	v31 =	vbroadcast v3, $0x0;
	v3 =	vadd.f32 v5, v24;
	v28 =	vadd.f32 v6, v25  }
0xbd: {  	v30 =	vld [tilespmem:s21+$0xFFFFFFC0];
	v32 =	vmul.f32 v59, v62;
	v6 =	vadd.f32 v8, v39;
	v15 =	vadd.f32 v29, v63  }
0xbe: {  	v34 =	vmul.f32 v60, v62;
	v19 =	vld [tilespmem:s21+$0x20];
	v29 =	vadd.f32 v38, v40;
	v25 =	vadd.f32 v21, v37  }
0xbf: {  	s22 =	simm.s32 $0x3;
	s23 =	simm.s32 $0x4C0;
	v24 =	vadd.f32 v26, v41;
	v21 =	vld [tilespmem:s21+$0x30];
	v9 =	vadd.f32 v9, v61;
	v33 =	vmul.f32 v38, v12  }
.LBB2_6:
0xc0: {  	p1 =	sne.s32 s22, $0x3F;
	v40 =	vmul.f32 v20, v12;
	v20 =	vld [tilespmem:s21+$0xFFFFFFE0];
	v2 =	vadd.f32 v1, v2;
	v4 =	vadd.f32 v32, v4;
	v36 =	vmovc v13;
	s24 =	smov.u32 s22;
	s22 =	sadd.s32 $0x1, s22  }
0xc1: {  	v11 =	vadd.f32 v23, v11;
	v13 =	vmovc v26;
	v37 =	vld [tilespmem:s23+$0x10];
	v32 =	vmul.f32 v27, v12;
	v10 =	vadd.f32 v27, v10  }
0xc2: {  	v39 =	vmul.f32 v1, v12;
	v14 =	vadd.f32 v34, v14;
	v34 =	vmovc v17;
	v26 =	vmov s24;
	v38 =	vld.idx.msk [tilespmem:v31+s16+$0x0], $0xffff;
	v23 =	vmovc v40  }
0xc3: {  	v17 =	vadd.s32 $0x100, v26;
	v35 =	vmovc v30;
	v26 =	vld [tilespmem:s23+$0xFFFFFFD0];
	v16 =	vadd.f32 v32, v16;
	v32 =	vmul.f32 v5, v12;
	v1 =	vmovc v19  }
.Ltmp2:
0xc4: {  	v28 =	vadd.f32 v33, v28;
	v31 =	vbroadcast v17, $0x0;
	v17 =	vld [tilespmem:s23+$0xFFFFFFF0];
	v3 =	vadd.f32 v21, v3;
	v5 =	vmovc v21;
	(pc) =	sbr.rel @p1 .LBB2_6-.Ltmp2, $4  }
0xc5: {  	v21 =	vmul.f32 v7, v12;
	v7 =	vmovc v34;
	v18 =	vadd.f32 v20, v18;
	v27 =	vld [tilespmem:s21+$0x0];
	v9 =	vadd.f32 v32, v9;
	s21 =	smov.u32 s23  }
0xc6: {  	v15 =	vadd.f32 v39, v15;
	v32 =	vmul.f32 v0, v12;
	v0 =	vmovc v8;
	v30 =	vld [tilespmem:s23+$0xFFFFFFC0];
	v6 =	vadd.f32 v37, v6  }
0xc7: {  	v29 =	vadd.f32 v35, v29;
	v34 =	vmul.f32 v36, v12;
	v25 =	vadd.f32 v21, v25;
	v8 =	vmovc v37;
	v19 =	vld [tilespmem:s23+$0x20]  }
0xc8: {  	v22 =	vadd.f32 v7, v22;
	s23 =	sadd.s32 $0x80, s23;
	v33 =	vmul.f32 v35, v38;
	v12 =	vmovc v38;
	v24 =	vadd.f32 v26, v24;
	v21 =	vld [tilespmem:s21+$0x30]  }
0xc9: {  	_ =	sdelay $0x3  }
0xca: {  	v31 =	vld.idx.msk [tilespmem:v31+s16+$0x0], $0xffff;
	v14 =	vadd.f32 v34, v14  }
0xcb: {  	v35 =	vld [tilespmem:s21+$0xFFFFFFE0];
	v13 =	vmul.f32 v13, v12;
	v20 =	vmul.f32 v20, v12;
	v11 =	vadd.f32 v23, v11  }
0xcc: {  	v43 =	vld [tilespmem:s21+$0x0];
	v7 =	vmul.f32 v7, v12;
	v57 =	vadd.f32 v1, v2;
	[tilespmem:$0x6BD0] =	vst v6;
	v52 =	vadd.f32 v17, v22  }
0xcd: {  	v4 =	vadd.f32 v32, v4;
	v0 =	vmul.f32 v0, v12;
	[tilespmem:$0x6B90] =	vst v24;
	v44 =	vadd.f32 v30, v29  }
0xce: {  	v51 =	vmul.f32 v1, v12;
	v28 =	vadd.f32 v33, v28;
	[tilespmem:$0x6BB0] =	vst v52;
	v61 =	vadd.f32 v19, v57  }
0xcf: {  	v5 =	vmul.f32 v5, v12;
	v10 =	vadd.f32 v27, v10;
	[tilespmem:$0x6B80] =	vst v44;
	v63 =	vadd.f32 v21, v3  }
0xd0: {  	v46 =	vmul.f32 v27, v12;
	v40 =	vmul.f32 v30, v31;
	v49 =	vadd.f32 v35, v18;
	[tilespmem:$0x6BE0] =	vst v61  }
0xd1: {  	v13 =	vadd.f32 v13, v14;
	v42 =	vmul.f32 v26, v31;
	v54 =	vadd.f32 v43, v10;
	[tilespmem:$0x6BF0] =	vst v63  }
0xd2: {  	v11 =	vadd.f32 v20, v11;
	v45 =	vmul.f32 v35, v31;
	v41 =	vadd.f32 v40, v28;
	[tilespmem:$0x6BA0] =	vst v49  }
0xd3: {  	v7 =	vadd.f32 v7, v25;
	v47 =	vmul.f32 v17, v31;
	v13 =	vadd.f32 v42, v13;
	[tilespmem:$0x6BC0] =	vst v54  }
0xd4: {  	v48 =	vadd.f32 v46, v16;
	v50 =	vmul.f32 v43, v31;
	v11 =	vadd.f32 v45, v11;
	[tilespmem:$0x6B00] =	vst v41  }
0xd5: {  	v0 =	vadd.f32 v0, v4;
	v8 =	vmul.f32 v8, v31;
	v7 =	vadd.f32 v47, v7;
	[tilespmem:$0x6B10] =	vst v13  }
0xd6: {  	v55 =	vadd.f32 v51, v15;
	v56 =	vmul.f32 v19, v31;
	v53 =	vadd.f32 v50, v48;
	[tilespmem:$0x6B20] =	vst v11  }
0xd7: {  	v58 =	vadd.f32 v5, v9;
	v59 =	vmul.f32 v21, v31;
	v0 =	vadd.f32 v8, v0;
	[tilespmem:$0x6B30] =	vst v7  }
0xd8: {  	v60 =	vadd.f32 v56, v55;
	[tilespmem:$0x6B40] =	vst v53  }
0xd9: {  	v62 =	vadd.f32 v59, v58;
	[tilespmem:$0x6B50] =	vst v0  }
0xda: {  	[tilespmem:$0x6B60] =	vst v60  }
0xdb: {  	[tilespmem:$0x6B70] =	vst v62  }
0xdc: {  	[hbm4b:s8+s3] =	stream.linear.scatter [tilespmem:s19], [sflag:$0x2], $0x100, $0x38;
	[tilespmem:$0x7480] =	vst v63  }
0xdd: {  	_ =	swait.ge [sflag:s12], $0x100  }
0xde: {  	s21 =	simm.s32 @!p0 $0x0;
	[sflag:s12] =	ssyncset.done $0x0  }
0xdf: {  	s22 =	simm.s32 @!p0 $0x6C00;
	s23 =	simm.s32 @!p0 $0x2;
	[sflag:s12] =	ssyncadd.s32 $0xFFFFFF00  }
0xe0: {  	[tilespmem:s22], [sflag:$0x2] =	stream.linear.gather @!p0 [hbm4b:s2+s21], $0x80, $0x38;
	[tilespmem:$0x7480] =	vst v63  }
0xe1: {  	_ =	swait.ge @!p0 [sflag:s23], $0x80  }
0xe2: {  	[sflag:s23] =	ssyncset.done @!p0 $0x0  }
0xe3: {  	s24 =	simm.s32 @!p0 $0x10;
	s25 =	simm.s32 @!p0 $0x6C80;
	[sflag:s23] =	ssyncadd.s32 @!p0 $0xFFFFFF80  }
0xe4: {  	[tilespmem:s25], [sflag:$0x1] =	stream.indirect.gather @!p0 [hbm4b:s4+s24], $0x80, s22, s24, $0xb8;
	[tilespmem:$0x7480] =	vst v63  }
0xe5: {  	s22 =	simm.s32 @!p0 $0x1  }
0xe6: {  	s20 =	sadd.s32 $0x1, s20;
	_ =	swait.ge @!p0 [sflag:s22], $0x800  }
0xe7: {  	p1 =	sne.s32 s20, s9;
	[sflag:s22] =	ssyncset.done @!p0 $0x0  }
.Ltmp3:
0xe8: {  	[sflag:s22] =	ssyncadd.s32 @!p0 $0xFFFFF800;
	(pc) =	sbr.rel @p1 .LBB2_1-.Ltmp3, $4  }
0xe9: {  	[hbm4b:s6+s21] =	stream.linear.scatter @!p0 [tilespmem:s25], [sflag:$0x2], $0x80, $0x38;
	[tilespmem:$0x7480] =	vst v63  }
0xea: {  	_ =	swait.ge @!p0 [sflag:s23], $0x80  }
0xeb: {  	[sflag:s23] =	ssyncset.done @!p0 $0x0  }
0xec: {  	[sflag:s23] =	ssyncadd.s32 @!p0 $0xFFFFFF80  }
0xed: {  	_ =	sfence.sel $0x180000  }
0xee: {  	[bflag:$0x0] =	sbarrier.arrive $0xFFFF  }
0xef: {  	p0 =	sne.s32 s0, $0x0;
	_ =	strace $0x90000050  }
0xf0: {  	s0 =	sadd.s32 @!p0 $0x100000, s1;
	[bflag:$0x2] =	sbarrier.arrive $0xFFFF  }
0xf1: {  	[sflag:s0] =	ssyncadd.tile.s32 @!p0 $0x1;
	_ =	shalt  }
.Lfunc_end2:
_tile_overlayer_lowered:
.L_overlay_start_2:
0xf2: {  	(tag) =	ssettag $0x2  }
0xf3: {  	s0 =	rddreg [dreg:$0x0];
	s2 =	stileid.u32  }
0xf4: {  	s1 =	rddreg [dreg:$0x1];
	p0 =	sne.s32 s2, $0x0  }
0xf5: {  	s3 =	rddreg [dreg:$0x2];
	[bflag:$0x3] =	sbarrier.arrive $0xFFFF;
	s2 =	simm.s32 @!p0 $0x1C02  }
0xf6: {  	[timem:s3], [sflag:s2] =	dma.local @!p0 [hbm:s0], s1  }
0xf7: {  	s0 =	simm.s32 @!p0 $0x2  }
0xf8: {  	_ =	swait.ge @!p0 [sflag:s0], s1  }
0xf9: {  	s1 =	ssub.s32 @!p0 $0x0, s1;
	[sflag:s0] =	ssyncset.done @!p0 $0x0  }
0xfa: {  	[sflag:s0] =	ssyncadd.s32 @!p0 s1  }
0xfb: {  	[bflag:$0x3] =	sbarrier.arrive $0xFFFF  }
0xfc: {  	_ =	shalt  }

</sc_bundles>
